<compile_context>
chip_gen: v7x
topology: tpu7x:2x2x1
jax: 0.10.2.dev20260603
libtpu: 0.0.44.dev20260713+nightly
codegen_flags: <defaults>
</compile_context>

<pallas_src>
import functools

import jax
import jax.numpy as jnp
from jax import lax
from jax.experimental import pallas as pl
from jax.experimental.pallas import tpu as pltpu
from jax.experimental.pallas import tpu_sc as plsc

_BE = 2000
_RC = 512
_NBLK = 1024
_BIG = 1e30


def _mlp(h, params):
    for i, (W, b) in enumerate(params):
        h = jnp.dot(h, W, preferred_element_type=jnp.float32) + b
        if i < len(params) - 1:
            h = jnp.maximum(h, 0.0)
    return h


def _node_kernel(x_ref, en_ref, tW_ref, pW_ref, pb_ref, *pe_refs):
    src_ref = pe_refs[-1]
    pe = [(pe_refs[2 * i][...], pe_refs[2 * i + 1][...]) for i in range(4)]
    x = x_ref[...]
    en = en_ref[...]
    tx = jnp.dot(x, tW_ref[...], preferred_element_type=jnp.float32)
    px = jnp.dot(x, pW_ref[...], preferred_element_type=jnp.float32) + pb_ref[...]
    pen = _mlp(en, pe)
    z = jnp.zeros((x.shape[0], 88), jnp.float32)
    src_ref[...] = jnp.concatenate([tx, px, pen, en, z], axis=1)


def _sc_gather(table, idx):
    ep = idx.shape[0]
    d = table.shape[1]
    info = plsc.get_sparse_core_info()
    nw = info.num_cores * info.num_subcores
    b_per_w = ep // nw
    ch = 1000
    nch = b_per_w // ch
    mesh = plsc.VectorSubcoreMesh(core_axis_name="c", subcore_axis_name="s")

    @functools.partial(
        pl.kernel, mesh=mesh,
        out_type=jax.ShapeDtypeStruct((ep, d), jnp.float32),
        scratch_types=[
            pltpu.VMEM((ch,), jnp.int32),
            pltpu.VMEM((ch, d), jnp.float32),
            pltpu.SemaphoreType.DMA,
        ],
    )
    def k(table_hbm, idx_hbm, out_hbm, idx_v, rows_v, sem):
        wid = lax.axis_index("s") * info.num_cores + lax.axis_index("c")
        base = wid * b_per_w
        for c in range(nch):
            off = base + c * ch
            pltpu.sync_copy(idx_hbm.at[pl.ds(off, ch)], idx_v)
            pltpu.async_copy(table_hbm.at[idx_v], rows_v, sem).wait()
            pltpu.sync_copy(rows_v, out_hbm.at[pl.ds(off, ch)])

    return k(table, idx)


def _edge_kernel(nchunks, gs_ref, gd_ref, den_ref, dc_ref, dr_ref, tb_ref,
                 *w_refs):
    omax_ref, osum_ref = w_refs[-2], w_refs[-1]
    te = [(w_refs[2 * i][...], w_refs[2 * i + 1][...]) for i in range(4)]
    wp = [(w_refs[8 + 2 * i][...], w_refs[8 + 2 * i + 1][...]) for i in range(4)]

    i = pl.program_id(0)

    @pl.when(i == 0)
    def _init():
        omax_ref[...] = jnp.full(omax_ref.shape, -_BIG, jnp.float32)
        osum_ref[...] = jnp.zeros(osum_ref.shape, jnp.float32)

    gs = gs_ref[...]
    gd = gd_ref[...]
    tx_s, px_s = gs[:, 0:16], gs[:, 16:32]
    pen_s, en_s = gs[:, 32:36], gs[:, 36:40]
    tx_d, en_d = gd[:, 0:16], gd[:, 36:40]

    theta_x = tx_d - tx_s + tb_ref[...]
    phi_x = px_s
    theta_en = _mlp(en_d - en_s, te)
    phi_en = pen_s
    si = jnp.concatenate(
        [theta_x, phi_x, theta_en, phi_en, den_ref[...][:, 0:3]], axis=1)
    score = jax.nn.sigmoid(_mlp(si, wp))
    edge_x = theta_x + phi_x
    edge_en = phi_en + theta_en

    dc = dc_ref[...]
    be = dc.shape[0]
    val = edge_x
    s = 1
    while s < be:
        pv = jnp.concatenate(
            [jnp.full((s, 16), -_BIG, jnp.float32), val[:-s]], axis=0)
        pd = jnp.concatenate(
            [jnp.full((s, 1), -1, jnp.int32), dc[:-s]], axis=0)
        val = jnp.where(pd == dc, jnp.maximum(val, pv), val)
        s *= 2
    nxt = jnp.concatenate([dc[1:], jnp.full((1, 1), -1, jnp.int32)], axis=0)
    fin = (dc != nxt).astype(jnp.float32)

    ones = jnp.ones((be, 1), jnp.float32)
    zero = jnp.zeros((be, 1), jnp.float32)
    vals = jnp.concatenate(
        [val * fin, edge_en, score, ones, fin, zero], axis=1)

    dmin = dc[0, 0]
    dmax = dc[be - 1, 0]
    dr = dr_ref[...][0]

    for c in range(nchunks):
        lo = c * _RC

        @pl.when((dmax >= lo) & (dmin < lo + _RC))
        def _scatter(lo=lo):
            rowid = lax.broadcasted_iota(jnp.int32, (_RC, be), 0) + lo
            oh = (rowid == dr).astype(jnp.float32)
            contrib = jnp.dot(oh, vals, preferred_element_type=jnp.float32)
            osum_ref[lo:lo + _RC, :] = (
                osum_ref[lo:lo + _RC, :] + contrib[:, 16:24])
            ind = contrib[:, 22:23]
            cur = jnp.where(ind > 0.0, contrib[:, 0:16], -_BIG)
            omax_ref[lo:lo + _RC, :] = jnp.maximum(
                omax_ref[lo:lo + _RC, :], cur)


def _impl(x, en, edge_index, D_en, theta_W, theta_b, phi_W, phi_b,
          theta_en_params, phi_en_params, W_params):
    n = x.shape[0]
    e = edge_index.shape[1]
    np_ = ((n + _NBLK - 1) // _NBLK) * _NBLK
    ep = ((e + 32000 - 1) // 32000) * 32000
    nchunks = np_ // _RC

    x_p = jnp.pad(x, ((0, np_ - n), (0, 0)))
    en_p = jnp.pad(en, ((0, np_ - n), (0, 0)))
    pb2 = phi_b.reshape(1, -1)
    tb2 = theta_b.reshape(1, -1)
    pe_flat = [a for (W, b) in phi_en_params for a in (W, b.reshape(1, -1))]
    te_flat = [a for (W, b) in theta_en_params for a in (W, b.reshape(1, -1))]
    wp_flat = [a for (W, b) in W_params for a in (W, b.reshape(1, -1))]

    nb_n = np_ // _NBLK
    full = lambda shape: pl.BlockSpec(shape, lambda i: tuple(0 for _ in shape))
    node_t = pl.pallas_call(
        _node_kernel,
        grid=(nb_n,),
        in_specs=[
            pl.BlockSpec((_NBLK, x.shape[1]), lambda i: (i, 0)),
            pl.BlockSpec((_NBLK, en.shape[1]), lambda i: (i, 0)),
            full(theta_W.shape), full(phi_W.shape), full(pb2.shape),
        ] + [full(a.shape) for a in pe_flat],
        out_specs=pl.BlockSpec((_NBLK, 128), lambda i: (i, 0)),
        out_shape=jax.ShapeDtypeStruct((np_, 128), jnp.float32),
    )(x_p, en_p, theta_W, phi_W, pb2, *pe_flat)

    src = jnp.pad(edge_index[0], (0, ep - e))
    dst = jnp.pad(edge_index[1], (0, ep - e), constant_values=np_ - 1)
    den = jnp.pad(D_en, ((0, ep - e), (0, 5)))
    order = jnp.argsort(dst)
    src_s = src[order]
    dst_s = dst[order]
    den_s = den[order]

    g_src = _sc_gather(node_t, src_s)
    g_dst = _sc_gather(node_t, dst_s)

    nb = ep // _BE
    dc = dst_s.reshape(ep, 1)
    dr = dst_s.reshape(nb, 1, _BE)

    ws = [tb2] + te_flat + wp_flat
    out_max, out_sum = pl.pallas_call(
        functools.partial(_edge_kernel, nchunks),
        grid=(nb,),
        in_specs=[
            pl.BlockSpec((_BE, 128), lambda i: (i, 0)),
            pl.BlockSpec((_BE, 128), lambda i: (i, 0)),
            pl.BlockSpec((_BE, 8), lambda i: (i, 0)),
            pl.BlockSpec((_BE, 1), lambda i: (i, 0)),
            pl.BlockSpec((1, 1, _BE), lambda i: (i, 0, 0)),
        ] + [full(a.shape) for a in ws],
        out_specs=[
            pl.BlockSpec((np_, 16), lambda i: (0, 0)),
            pl.BlockSpec((np_, 8), lambda i: (0, 0)),
        ],
        out_shape=[
            jax.ShapeDtypeStruct((np_, 16), jnp.float32),
            jax.ShapeDtypeStruct((np_, 8), jnp.float32),
        ],
    )(g_src, g_dst, den_s, dc, dr, *ws)

    sums = out_sum[:n]
    cnt = sums[:, 5:6]
    denom = jnp.maximum(cnt, 1.0)
    x_out = jnp.where(cnt > 0, out_max[:n], 0.0)
    en_out = sums[:, 0:4] / denom
    score_n = sums[:, 4:5] / denom
    return x_out, en_out, score_n


_impl_jit = jax.jit(_impl)


def kernel(x, en, edge_index, D_en, theta_W, theta_b, phi_W, phi_b,
           theta_en_params, phi_en_params, W_params):
    return _impl_jit(x, en, edge_index, D_en, theta_W, theta_b, phi_W, phi_b,
                     theta_en_params, phi_en_params, W_params)

# --- scband reference (transcript-rebuilt; emitter-appended) ---
"""Pipeline reference for scband-edge-conv-39419209842979 (READ-ONLY COPY).

The authoritative reference and input builder live on the scoring server;
editing this copy changes nothing except your own understanding.
"""

import jax, jax.numpy as jnp
import numpy as np

N = 10000
E = 320000
D_X_IN = 128
D_X_OUT = 16
D_EN = 4

def _mk_linear(key, fan_in, fan_out):
    k1, k2 = jax.random.split(key)
    W = jax.random.normal(k1, (fan_in, fan_out), dtype=jnp.float32) / np.sqrt(fan_in)
    b = jax.random.normal(k2, (fan_out,), dtype=jnp.float32) * 0.01
    return W, b

def _mk_mlp(key, sizes):
    params = []
    for i in range(len(sizes) - 1):
        key, sub = jax.random.split(key)
        params.append(_mk_linear(sub, sizes[i], sizes[i + 1]))
    return params

def _mlp_apply(params, h):
    for i, (W, b) in enumerate(params):
        h = h @ W + b
        if i < len(params) - 1:
            h = jax.nn.relu(h)
    return h

def setup_inputs(seed: int = 0):
    key = jax.random.key(seed)
    ks = jax.random.split(key, 9)
    x = jax.random.normal(ks[0], (N, D_X_IN), dtype=jnp.float32)
    en = jax.random.normal(ks[1], (N, D_EN), dtype=jnp.float32)
    edge_index = jax.random.randint(ks[2], (2, E), 0, N, dtype=jnp.int32)
    D_en = jax.random.normal(ks[3], (E, 3), dtype=jnp.float32)
    theta_W, theta_b = _mk_linear(ks[4], D_X_IN, D_X_OUT)
    phi_W, phi_b = _mk_linear(ks[5], D_X_IN, D_X_OUT)
    theta_en_params = _mk_mlp(ks[6], [D_EN, 4, 5, 4, D_EN])
    phi_en_params = _mk_mlp(ks[7], [D_EN, 4, 5, 4, D_EN])
    W_params = _mk_mlp(ks[8], [2 * D_X_OUT + 2 * D_EN + 3, 4, 5, 4, 1])
    return {"x": x, "en": en, "edge_index": edge_index, "D_en": D_en,
            "theta_W": theta_W, "theta_b": theta_b, "phi_W": phi_W, "phi_b": phi_b,
            "theta_en_params": theta_en_params, "phi_en_params": phi_en_params,
            "W_params": W_params}

def reference(x, en, edge_index, D_en, theta_W, theta_b, phi_W, phi_b,
              theta_en_params, phi_en_params, W_params):
    src = edge_index[0]
    dst = edge_index[1]
    x_src = x[src]
    x_dst = x[dst]
    en_src = en[src]
    en_dst = en[dst]
    theta_x = (x_dst - x_src) @ theta_W + theta_b
    phi_x = x_src @ phi_W + phi_b
    theta_en = _mlp_apply(theta_en_params, en_dst - en_src)
    phi_en = _mlp_apply(phi_en_params, en_src)
    score_input = jnp.concatenate([theta_x, phi_x, theta_en, phi_en, D_en], axis=1)
    score = jax.nn.sigmoid(_mlp_apply(W_params, score_input))
    edge_x = theta_x + phi_x
    edge_en = phi_en + theta_en
    counts = jax.ops.segment_sum(jnp.ones((E,), jnp.float32), dst, num_segments=N)
    denom = jnp.maximum(counts, 1.0)[:, None]
    x_out = jax.ops.segment_max(edge_x, dst, num_segments=N)
    x_out = jnp.where(counts[:, None] > 0, x_out, 0.0)
    en_out = jax.ops.segment_sum(edge_en, dst, num_segments=N) / denom
    score_n = jax.ops.segment_sum(score, dst, num_segments=N) / denom
    return x_out, en_out, score_n

if __name__ == "__main__":
    import jax
    _d = setup_inputs()
    print(jax.jit(kernel)(*tuple(_d.values())))

</pallas_src>

<mosaic_0001>
#map = affine_map<(d0, d1) -> (0, 0)>
#map1 = affine_map<(d0, d1) -> (0)>
module attributes {stable_mosaic.version = 14 : i64} {
  func.func @k(%arg0: i32, %arg1: i32, %arg2: memref<10240x128xf32, #tpu.memory_space<hbm>>, %arg3: memref<320000xi32, #tpu.memory_space<hbm>>, %arg4: memref<320000x128xf32, #tpu.memory_space<hbm>>, %arg5: memref<1000xi32, #tpu.memory_space<vmem>>, %arg6: memref<1000x128xf32, #tpu.memory_space<vmem>>, %arg7: memref<!tpu.dma_semaphore, #tpu.memory_space<semaphore_mem>>) attributes {dimension_semantics = [#tpu.dimension_semantics<core_parallel>, #tpu.dimension_semantics<subcore_parallel>], iteration_bounds = array<i64: 2, 16>, scalar_prefetch = 0 : i64, scratch_operands = 3 : i64, tpu.core_type = #tpu.core_type<sc_vector_subcore>, window_params = [{transform_indices = #map}, {transform_indices = #map1}, {transform_indices = #map}]} {
    %mul3A = arith.constant 2 : i32
    %mul3A_0 = arith.muli %arg1, %mul3A : i32
    %add3A = arith.addi %mul3A_0, %arg0 : i32
    %mul3A_1 = arith.constant 10000 : i32
    %mul3A_2 = arith.muli %add3A, %mul3A_1 : i32
    %add3A_3 = arith.constant 0 : i32
    %add3A_4 = arith.addi %mul3A_2, %add3A_3 : i32
    "tpu.region"() ({
      %run_scoped3A = tpu.sem_alloc : memref<!tpu.dma_semaphore, #tpu.memory_space<semaphore_mem>>
      %dma_start3A_81 = tpu.memref_slice %arg3[%add3A_4] : memref<320000xi32, #tpu.memory_space<hbm>> -> memref<1000xi32, #tpu.memory_space<hbm>>
      %dma_start3A_82 = tpu.memref_slice %arg3[%add3A_4] : memref<320000xi32, #tpu.memory_space<hbm>> -> memref<1000xi32, #tpu.memory_space<hbm>>
      tpu.enqueue_dma source(%dma_start3A_82 : memref<1000xi32, #tpu.memory_space<hbm>>) target(%arg5 : memref<1000xi32, #tpu.memory_space<vmem>>) target_semaphore(%run_scoped3A : memref<!tpu.dma_semaphore, #tpu.memory_space<semaphore_mem>>)
      %dma_wait3A_83 = tpu.memref_slice %arg3[%add3A_4] : memref<320000xi32, #tpu.memory_space<hbm>> -> memref<1000xi32, #tpu.memory_space<hbm>>
      %dma_wait3A_84 = tpu.memref_slice %arg3[%add3A_4] : memref<320000xi32, #tpu.memory_space<hbm>> -> memref<1000xi32, #tpu.memory_space<hbm>>
      tpu.wait_dma2 semaphore(%run_scoped3A : memref<!tpu.dma_semaphore, #tpu.memory_space<semaphore_mem>>) src(%dma_wait3A_84 : memref<1000xi32, #tpu.memory_space<hbm>>) dst(%arg5 : memref<1000xi32, #tpu.memory_space<vmem>>)
      tpu.yield
    }) : () -> ()
    %dma_start3A = arith.constant 0 : i32
    %dma_start3A_5 = arith.constant 0 : i32
    %dma_start3A_6 = tpu.memref_slice %arg2[%dma_start3A, %dma_start3A_5] : memref<10240x128xf32, #tpu.memory_space<hbm>> -> memref<10240x128xf32, #tpu.memory_space<hbm>>
    tpu.enqueue_indirect_dma source(%dma_start3A_6 : memref<10240x128xf32, #tpu.memory_space<hbm>>) target(%arg6 : memref<1000x128xf32, #tpu.memory_space<vmem>>) offsets(%arg5 : memref<1000xi32, #tpu.memory_space<vmem>>) semaphore(%arg7 : memref<!tpu.dma_semaphore, #tpu.memory_space<semaphore_mem>>)
    %dma_wait3A = arith.constant 0 : i32
    %dma_wait3A_7 = arith.constant 0 : i32
    %dma_wait3A_8 = tpu.memref_slice %arg2[%dma_wait3A, %dma_wait3A_7] : memref<10240x128xf32, #tpu.memory_space<hbm>> -> memref<10240x128xf32, #tpu.memory_space<hbm>>
    tpu.wait_indirect_dma semaphore(%arg7 : memref<!tpu.dma_semaphore, #tpu.memory_space<semaphore_mem>>) src(%dma_wait3A_8 : memref<10240x128xf32, #tpu.memory_space<hbm>>) dst(%arg6 : memref<1000x128xf32, #tpu.memory_space<vmem>>)
    "tpu.region"() ({
      %run_scoped3A = tpu.sem_alloc : memref<!tpu.dma_semaphore, #tpu.memory_space<semaphore_mem>>
      %dma_start3A_81 = arith.constant 0 : i32
      %dma_start3A_82 = tpu.memref_slice %arg4[%add3A_4, %dma_start3A_81] : memref<320000x128xf32, #tpu.memory_space<hbm>> -> memref<1000x128xf32, #tpu.memory_space<hbm>>
      %dma_start3A_83 = arith.constant 0 : i32
      %dma_start3A_84 = tpu.memref_slice %arg4[%add3A_4, %dma_start3A_83] : memref<320000x128xf32, #tpu.memory_space<hbm>> -> memref<1000x128xf32, #tpu.memory_space<hbm>>
      tpu.enqueue_dma source(%arg6 : memref<1000x128xf32, #tpu.memory_space<vmem>>) target(%dma_start3A_84 : memref<1000x128xf32, #tpu.memory_space<hbm>>) target_semaphore(%run_scoped3A : memref<!tpu.dma_semaphore, #tpu.memory_space<semaphore_mem>>)
      %dma_wait3A_85 = arith.constant 0 : i32
      %dma_wait3A_86 = tpu.memref_slice %arg4[%add3A_4, %dma_wait3A_85] : memref<320000x128xf32, #tpu.memory_space<hbm>> -> memref<1000x128xf32, #tpu.memory_space<hbm>>
      %dma_wait3A_87 = arith.constant 0 : i32
      %dma_wait3A_88 = tpu.memref_slice %arg4[%add3A_4, %dma_wait3A_87] : memref<320000x128xf32, #tpu.memory_space<hbm>> -> memref<1000x128xf32, #tpu.memory_space<hbm>>
      tpu.wait_dma2 semaphore(%run_scoped3A : memref<!tpu.dma_semaphore, #tpu.memory_space<semaphore_mem>>) src(%arg6 : memref<1000x128xf32, #tpu.memory_space<vmem>>) dst(%dma_wait3A_88 : memref<1000x128xf32, #tpu.memory_space<hbm>>)
      tpu.yield
    }) : () -> ()
    %add3A_9 = arith.constant 1000 : i32
    %add3A_10 = arith.addi %mul3A_2, %add3A_9 : i32
    "tpu.region"() ({
      %run_scoped3A = tpu.sem_alloc : memref<!tpu.dma_semaphore, #tpu.memory_space<semaphore_mem>>
      %dma_start3A_81 = tpu.memref_slice %arg3[%add3A_10] : memref<320000xi32, #tpu.memory_space<hbm>> -> memref<1000xi32, #tpu.memory_space<hbm>>
      %dma_start3A_82 = tpu.memref_slice %arg3[%add3A_10] : memref<320000xi32, #tpu.memory_space<hbm>> -> memref<1000xi32, #tpu.memory_space<hbm>>
      tpu.enqueue_dma source(%dma_start3A_82 : memref<1000xi32, #tpu.memory_space<hbm>>) target(%arg5 : memref<1000xi32, #tpu.memory_space<vmem>>) target_semaphore(%run_scoped3A : memref<!tpu.dma_semaphore, #tpu.memory_space<semaphore_mem>>)
      %dma_wait3A_83 = tpu.memref_slice %arg3[%add3A_10] : memref<320000xi32, #tpu.memory_space<hbm>> -> memref<1000xi32, #tpu.memory_space<hbm>>
      %dma_wait3A_84 = tpu.memref_slice %arg3[%add3A_10] : memref<320000xi32, #tpu.memory_space<hbm>> -> memref<1000xi32, #tpu.memory_space<hbm>>
      tpu.wait_dma2 semaphore(%run_scoped3A : memref<!tpu.dma_semaphore, #tpu.memory_space<semaphore_mem>>) src(%dma_wait3A_84 : memref<1000xi32, #tpu.memory_space<hbm>>) dst(%arg5 : memref<1000xi32, #tpu.memory_space<vmem>>)
      tpu.yield
    }) : () -> ()
    %dma_start3A_11 = arith.constant 0 : i32
    %dma_start3A_12 = arith.constant 0 : i32
    %dma_start3A_13 = tpu.memref_slice %arg2[%dma_start3A_11, %dma_start3A_12] : memref<10240x128xf32, #tpu.memory_space<hbm>> -> memref<10240x128xf32, #tpu.memory_space<hbm>>
    tpu.enqueue_indirect_dma source(%dma_start3A_13 : memref<10240x128xf32, #tpu.memory_space<hbm>>) target(%arg6 : memref<1000x128xf32, #tpu.memory_space<vmem>>) offsets(%arg5 : memref<1000xi32, #tpu.memory_space<vmem>>) semaphore(%arg7 : memref<!tpu.dma_semaphore, #tpu.memory_space<semaphore_mem>>)
    %dma_wait3A_14 = arith.constant 0 : i32
    %dma_wait3A_15 = arith.constant 0 : i32
    %dma_wait3A_16 = tpu.memref_slice %arg2[%dma_wait3A_14, %dma_wait3A_15] : memref<10240x128xf32, #tpu.memory_space<hbm>> -> memref<10240x128xf32, #tpu.memory_space<hbm>>
    tpu.wait_indirect_dma semaphore(%arg7 : memref<!tpu.dma_semaphore, #tpu.memory_space<semaphore_mem>>) src(%dma_wait3A_16 : memref<10240x128xf32, #tpu.memory_space<hbm>>) dst(%arg6 : memref<1000x128xf32, #tpu.memory_space<vmem>>)
    "tpu.region"() ({
      %run_scoped3A = tpu.sem_alloc : memref<!tpu.dma_semaphore, #tpu.memory_space<semaphore_mem>>
      %dma_start3A_81 = arith.constant 0 : i32
      %dma_start3A_82 = tpu.memref_slice %arg4[%add3A_10, %dma_start3A_81] : memref<320000x128xf32, #tpu.memory_space<hbm>> -> memref<1000x128xf32, #tpu.memory_space<hbm>>
      %dma_start3A_83 = arith.constant 0 : i32
      %dma_start3A_84 = tpu.memref_slice %arg4[%add3A_10, %dma_start3A_83] : memref<320000x128xf32, #tpu.memory_space<hbm>> -> memref<1000x128xf32, #tpu.memory_space<hbm>>
      tpu.enqueue_dma source(%arg6 : memref<1000x128xf32, #tpu.memory_space<vmem>>) target(%dma_start3A_84 : memref<1000x128xf32, #tpu.memory_space<hbm>>) target_semaphore(%run_scoped3A : memref<!tpu.dma_semaphore, #tpu.memory_space<semaphore_mem>>)
      %dma_wait3A_85 = arith.constant 0 : i32
      %dma_wait3A_86 = tpu.memref_slice %arg4[%add3A_10, %dma_wait3A_85] : memref<320000x128xf32, #tpu.memory_space<hbm>> -> memref<1000x128xf32, #tpu.memory_space<hbm>>
      %dma_wait3A_87 = arith.constant 0 : i32
      %dma_wait3A_88 = tpu.memref_slice %arg4[%add3A_10, %dma_wait3A_87] : memref<320000x128xf32, #tpu.memory_space<hbm>> -> memref<1000x128xf32, #tpu.memory_space<hbm>>
      tpu.wait_dma2 semaphore(%run_scoped3A : memref<!tpu.dma_semaphore, #tpu.memory_space<semaphore_mem>>) src(%arg6 : memref<1000x128xf32, #tpu.memory_space<vmem>>) dst(%dma_wait3A_88 : memref<1000x128xf32, #tpu.memory_space<hbm>>)
      tpu.yield
    }) : () -> ()
    %add3A_17 = arith.constant 2000 : i32
    %add3A_18 = arith.addi %mul3A_2, %add3A_17 : i32
    "tpu.region"() ({
      %run_scoped3A = tpu.sem_alloc : memref<!tpu.dma_semaphore, #tpu.memory_space<semaphore_mem>>
      %dma_start3A_81 = tpu.memref_slice %arg3[%add3A_18] : memref<320000xi32, #tpu.memory_space<hbm>> -> memref<1000xi32, #tpu.memory_space<hbm>>
      %dma_start3A_82 = tpu.memref_slice %arg3[%add3A_18] : memref<320000xi32, #tpu.memory_space<hbm>> -> memref<1000xi32, #tpu.memory_space<hbm>>
      tpu.enqueue_dma source(%dma_start3A_82 : memref<1000xi32, #tpu.memory_space<hbm>>) target(%arg5 : memref<1000xi32, #tpu.memory_space<vmem>>) target_semaphore(%run_scoped3A : memref<!tpu.dma_semaphore, #tpu.memory_space<semaphore_mem>>)
      %dma_wait3A_83 = tpu.memref_slice %arg3[%add3A_18] : memref<320000xi32, #tpu.memory_space<hbm>> -> memref<1000xi32, #tpu.memory_space<hbm>>
      %dma_wait3A_84 = tpu.memref_slice %arg3[%add3A_18] : memref<320000xi32, #tpu.memory_space<hbm>> -> memref<1000xi32, #tpu.memory_space<hbm>>
      tpu.wait_dma2 semaphore(%run_scoped3A : memref<!tpu.dma_semaphore, #tpu.memory_space<semaphore_mem>>) src(%dma_wait3A_84 : memref<1000xi32, #tpu.memory_space<hbm>>) dst(%arg5 : memref<1000xi32, #tpu.memory_space<vmem>>)
      tpu.yield
    }) : () -> ()
    %dma_start3A_19 = arith.constant 0 : i32
    %dma_start3A_20 = arith.constant 0 : i32
    %dma_start3A_21 = tpu.memref_slice %arg2[%dma_start3A_19, %dma_start3A_20] : memref<10240x128xf32, #tpu.memory_space<hbm>> -> memref<10240x128xf32, #tpu.memory_space<hbm>>
    tpu.enqueue_indirect_dma source(%dma_start3A_21 : memref<10240x128xf32, #tpu.memory_space<hbm>>) target(%arg6 : memref<1000x128xf32, #tpu.memory_space<vmem>>) offsets(%arg5 : memref<1000xi32, #tpu.memory_space<vmem>>) semaphore(%arg7 : memref<!tpu.dma_semaphore, #tpu.memory_space<semaphore_mem>>)
    %dma_wait3A_22 = arith.constant 0 : i32
    %dma_wait3A_23 = arith.constant 0 : i32
    %dma_wait3A_24 = tpu.memref_slice %arg2[%dma_wait3A_22, %dma_wait3A_23] : memref<10240x128xf32, #tpu.memory_space<hbm>> -> memref<10240x128xf32, #tpu.memory_space<hbm>>
    tpu.wait_indirect_dma semaphore(%arg7 : memref<!tpu.dma_semaphore, #tpu.memory_space<semaphore_mem>>) src(%dma_wait3A_24 : memref<10240x128xf32, #tpu.memory_space<hbm>>) dst(%arg6 : memref<1000x128xf32, #tpu.memory_space<vmem>>)
    "tpu.region"() ({
      %run_scoped3A = tpu.sem_alloc : memref<!tpu.dma_semaphore, #tpu.memory_space<semaphore_mem>>
      %dma_start3A_81 = arith.constant 0 : i32
      %dma_start3A_82 = tpu.memref_slice %arg4[%add3A_18, %dma_start3A_81] : memref<320000x128xf32, #tpu.memory_space<hbm>> -> memref<1000x128xf32, #tpu.memory_space<hbm>>
      %dma_start3A_83 = arith.constant 0 : i32
      %dma_start3A_84 = tpu.memref_slice %arg4[%add3A_18, %dma_start3A_83] : memref<320000x128xf32, #tpu.memory_space<hbm>> -> memref<1000x128xf32, #tpu.memory_space<hbm>>
      tpu.enqueue_dma source(%arg6 : memref<1000x128xf32, #tpu.memory_space<vmem>>) target(%dma_start3A_84 : memref<1000x128xf32, #tpu.memory_space<hbm>>) target_semaphore(%run_scoped3A : memref<!tpu.dma_semaphore, #tpu.memory_space<semaphore_mem>>)
      %dma_wait3A_85 = arith.constant 0 : i32
      %dma_wait3A_86 = tpu.memref_slice %arg4[%add3A_18, %dma_wait3A_85] : memref<320000x128xf32, #tpu.memory_space<hbm>> -> memref<1000x128xf32, #tpu.memory_space<hbm>>
      %dma_wait3A_87 = arith.constant 0 : i32
      %dma_wait3A_88 = tpu.memref_slice %arg4[%add3A_18, %dma_wait3A_87] : memref<320000x128xf32, #tpu.memory_space<hbm>> -> memref<1000x128xf32, #tpu.memory_space<hbm>>
      tpu.wait_dma2 semaphore(%run_scoped3A : memref<!tpu.dma_semaphore, #tpu.memory_space<semaphore_mem>>) src(%arg6 : memref<1000x128xf32, #tpu.memory_space<vmem>>) dst(%dma_wait3A_88 : memref<1000x128xf32, #tpu.memory_space<hbm>>)
      tpu.yield
    }) : () -> ()
    %add3A_25 = arith.constant 3000 : i32
    %add3A_26 = arith.addi %mul3A_2, %add3A_25 : i32
    "tpu.region"() ({
      %run_scoped3A = tpu.sem_alloc : memref<!tpu.dma_semaphore, #tpu.memory_space<semaphore_mem>>
      %dma_start3A_81 = tpu.memref_slice %arg3[%add3A_26] : memref<320000xi32, #tpu.memory_space<hbm>> -> memref<1000xi32, #tpu.memory_space<hbm>>
      %dma_start3A_82 = tpu.memref_slice %arg3[%add3A_26] : memref<320000xi32, #tpu.memory_space<hbm>> -> memref<1000xi32, #tpu.memory_space<hbm>>
      tpu.enqueue_dma source(%dma_start3A_82 : memref<1000xi32, #tpu.memory_space<hbm>>) target(%arg5 : memref<1000xi32, #tpu.memory_space<vmem>>) target_semaphore(%run_scoped3A : memref<!tpu.dma_semaphore, #tpu.memory_space<semaphore_mem>>)
      %dma_wait3A_83 = tpu.memref_slice %arg3[%add3A_26] : memref<320000xi32, #tpu.memory_space<hbm>> -> memref<1000xi32, #tpu.memory_space<hbm>>
      %dma_wait3A_84 = tpu.memref_slice %arg3[%add3A_26] : memref<320000xi32, #tpu.memory_space<hbm>> -> memref<1000xi32, #tpu.memory_space<hbm>>
      tpu.wait_dma2 semaphore(%run_scoped3A : memref<!tpu.dma_semaphore, #tpu.memory_space<semaphore_mem>>) src(%dma_wait3A_84 : memref<1000xi32, #tpu.memory_space<hbm>>) dst(%arg5 : memref<1000xi32, #tpu.memory_space<vmem>>)
      tpu.yield
    }) : () -> ()
    %dma_start3A_27 = arith.constant 0 : i32
    %dma_start3A_28 = arith.constant 0 : i32
    %dma_start3A_29 = tpu.memref_slice %arg2[%dma_start3A_27, %dma_start3A_28] : memref<10240x128xf32, #tpu.memory_space<hbm>> -> memref<10240x128xf32, #tpu.memory_space<hbm>>
    tpu.enqueue_indirect_dma source(%dma_start3A_29 : memref<10240x128xf32, #tpu.memory_space<hbm>>) target(%arg6 : memref<1000x128xf32, #tpu.memory_space<vmem>>) offsets(%arg5 : memref<1000xi32, #tpu.memory_space<vmem>>) semaphore(%arg7 : memref<!tpu.dma_semaphore, #tpu.memory_space<semaphore_mem>>)
    %dma_wait3A_30 = arith.constant 0 : i32
    %dma_wait3A_31 = arith.constant 0 : i32
    %dma_wait3A_32 = tpu.memref_slice %arg2[%dma_wait3A_30, %dma_wait3A_31] : memref<10240x128xf32, #tpu.memory_space<hbm>> -> memref<10240x128xf32, #tpu.memory_space<hbm>>
    tpu.wait_indirect_dma semaphore(%arg7 : memref<!tpu.dma_semaphore, #tpu.memory_space<semaphore_mem>>) src(%dma_wait3A_32 : memref<10240x128xf32, #tpu.memory_space<hbm>>) dst(%arg6 : memref<1000x128xf32, #tpu.memory_space<vmem>>)
    "tpu.region"() ({
      %run_scoped3A = tpu.sem_alloc : memref<!tpu.dma_semaphore, #tpu.memory_space<semaphore_mem>>
      %dma_start3A_81 = arith.constant 0 : i32
      %dma_start3A_82 = tpu.memref_slice %arg4[%add3A_26, %dma_start3A_81] : memref<320000x128xf32, #tpu.memory_space<hbm>> -> memref<1000x128xf32, #tpu.memory_space<hbm>>
      %dma_start3A_83 = arith.constant 0 : i32
      %dma_start3A_84 = tpu.memref_slice %arg4[%add3A_26, %dma_start3A_83] : memref<320000x128xf32, #tpu.memory_space<hbm>> -> memref<1000x128xf32, #tpu.memory_space<hbm>>
      tpu.enqueue_dma source(%arg6 : memref<1000x128xf32, #tpu.memory_space<vmem>>) target(%dma_start3A_84 : memref<1000x128xf32, #tpu.memory_space<hbm>>) target_semaphore(%run_scoped3A : memref<!tpu.dma_semaphore, #tpu.memory_space<semaphore_mem>>)
      %dma_wait3A_85 = arith.constant 0 : i32
      %dma_wait3A_86 = tpu.memref_slice %arg4[%add3A_26, %dma_wait3A_85] : memref<320000x128xf32, #tpu.memory_space<hbm>> -> memref<1000x128xf32, #tpu.memory_space<hbm>>
      %dma_wait3A_87 = arith.constant 0 : i32
      %dma_wait3A_88 = tpu.memref_slice %arg4[%add3A_26, %dma_wait3A_87] : memref<320000x128xf32, #tpu.memory_space<hbm>> -> memref<1000x128xf32, #tpu.memory_space<hbm>>
      tpu.wait_dma2 semaphore(%run_scoped3A : memref<!tpu.dma_semaphore, #tpu.memory_space<semaphore_mem>>) src(%arg6 : memref<1000x128xf32, #tpu.memory_space<vmem>>) dst(%dma_wait3A_88 : memref<1000x128xf32, #tpu.memory_space<hbm>>)
      tpu.yield
    }) : () -> ()
    %add3A_33 = arith.constant 4000 : i32
    %add3A_34 = arith.addi %mul3A_2, %add3A_33 : i32
    "tpu.region"() ({
      %run_scoped3A = tpu.sem_alloc : memref<!tpu.dma_semaphore, #tpu.memory_space<semaphore_mem>>
      %dma_start3A_81 = tpu.memref_slice %arg3[%add3A_34] : memref<320000xi32, #tpu.memory_space<hbm>> -> memref<1000xi32, #tpu.memory_space<hbm>>
      %dma_start3A_82 = tpu.memref_slice %arg3[%add3A_34] : memref<320000xi32, #tpu.memory_space<hbm>> -> memref<1000xi32, #tpu.memory_space<hbm>>
      tpu.enqueue_dma source(%dma_start3A_82 : memref<1000xi32, #tpu.memory_space<hbm>>) target(%arg5 : memref<1000xi32, #tpu.memory_space<vmem>>) target_semaphore(%run_scoped3A : memref<!tpu.dma_semaphore, #tpu.memory_space<semaphore_mem>>)
      %dma_wait3A_83 = tpu.memref_slice %arg3[%add3A_34] : memref<320000xi32, #tpu.memory_space<hbm>> -> memref<1000xi32, #tpu.memory_space<hbm>>
      %dma_wait3A_84 = tpu.memref_slice %arg3[%add3A_34] : memref<320000xi32, #tpu.memory_space<hbm>> -> memref<1000xi32, #tpu.memory_space<hbm>>
      tpu.wait_dma2 semaphore(%run_scoped3A : memref<!tpu.dma_semaphore, #tpu.memory_space<semaphore_mem>>) src(%dma_wait3A_84 : memref<1000xi32, #tpu.memory_space<hbm>>) dst(%arg5 : memref<1000xi32, #tpu.memory_space<vmem>>)
      tpu.yield
    }) : () -> ()
    %dma_start3A_35 = arith.constant 0 : i32
    %dma_start3A_36 = arith.constant 0 : i32
    %dma_start3A_37 = tpu.memref_slice %arg2[%dma_start3A_35, %dma_start3A_36] : memref<10240x128xf32, #tpu.memory_space<hbm>> -> memref<10240x128xf32, #tpu.memory_space<hbm>>
    tpu.enqueue_indirect_dma source(%dma_start3A_37 : memref<10240x128xf32, #tpu.memory_space<hbm>>) target(%arg6 : memref<1000x128xf32, #tpu.memory_space<vmem>>) offsets(%arg5 : memref<1000xi32, #tpu.memory_space<vmem>>) semaphore(%arg7 : memref<!tpu.dma_semaphore, #tpu.memory_space<semaphore_mem>>)
    %dma_wait3A_38 = arith.constant 0 : i32
    %dma_wait3A_39 = arith.constant 0 : i32
    %dma_wait3A_40 = tpu.memref_slice %arg2[%dma_wait3A_38, %dma_wait3A_39] : memref<10240x128xf32, #tpu.memory_space<hbm>> -> memref<10240x128xf32, #tpu.memory_space<hbm>>
    tpu.wait_indirect_dma semaphore(%arg7 : memref<!tpu.dma_semaphore, #tpu.memory_space<semaphore_mem>>) src(%dma_wait3A_40 : memref<10240x128xf32, #tpu.memory_space<hbm>>) dst(%arg6 : memref<1000x128xf32, #tpu.memory_space<vmem>>)
    "tpu.region"() ({
      %run_scoped3A = tpu.sem_alloc : memref<!tpu.dma_semaphore, #tpu.memory_space<semaphore_mem>>
      %dma_start3A_81 = arith.constant 0 : i32
      %dma_start3A_82 = tpu.memref_slice %arg4[%add3A_34, %dma_start3A_81] : memref<320000x128xf32, #tpu.memory_space<hbm>> -> memref<1000x128xf32, #tpu.memory_space<hbm>>
      %dma_start3A_83 = arith.constant 0 : i32
      %dma_start3A_84 = tpu.memref_slice %arg4[%add3A_34, %dma_start3A_83] : memref<320000x128xf32, #tpu.memory_space<hbm>> -> memref<1000x128xf32, #tpu.memory_space<hbm>>
      tpu.enqueue_dma source(%arg6 : memref<1000x128xf32, #tpu.memory_space<vmem>>) target(%dma_start3A_84 : memref<1000x128xf32, #tpu.memory_space<hbm>>) target_semaphore(%run_scoped3A : memref<!tpu.dma_semaphore, #tpu.memory_space<semaphore_mem>>)
      %dma_wait3A_85 = arith.constant 0 : i32
      %dma_wait3A_86 = tpu.memref_slice %arg4[%add3A_34, %dma_wait3A_85] : memref<320000x128xf32, #tpu.memory_space<hbm>> -> memref<1000x128xf32, #tpu.memory_space<hbm>>
      %dma_wait3A_87 = arith.constant 0 : i32
      %dma_wait3A_88 = tpu.memref_slice %arg4[%add3A_34, %dma_wait3A_87] : memref<320000x128xf32, #tpu.memory_space<hbm>> -> memref<1000x128xf32, #tpu.memory_space<hbm>>
      tpu.wait_dma2 semaphore(%run_scoped3A : memref<!tpu.dma_semaphore, #tpu.memory_space<semaphore_mem>>) src(%arg6 : memref<1000x128xf32, #tpu.memory_space<vmem>>) dst(%dma_wait3A_88 : memref<1000x128xf32, #tpu.memory_space<hbm>>)
      tpu.yield
    }) : () -> ()
    %add3A_41 = arith.constant 5000 : i32
    %add3A_42 = arith.addi %mul3A_2, %add3A_41 : i32
    "tpu.region"() ({
      %run_scoped3A = tpu.sem_alloc : memref<!tpu.dma_semaphore, #tpu.memory_space<semaphore_mem>>
      %dma_start3A_81 = tpu.memref_slice %arg3[%add3A_42] : memref<320000xi32, #tpu.memory_space<hbm>> -> memref<1000xi32, #tpu.memory_space<hbm>>
      %dma_start3A_82 = tpu.memref_slice %arg3[%add3A_42] : memref<320000xi32, #tpu.memory_space<hbm>> -> memref<1000xi32, #tpu.memory_space<hbm>>
      tpu.enqueue_dma source(%dma_start3A_82 : memref<1000xi32, #tpu.memory_space<hbm>>) target(%arg5 : memref<1000xi32, #tpu.memory_space<vmem>>) target_semaphore(%run_scoped3A : memref<!tpu.dma_semaphore, #tpu.memory_space<semaphore_mem>>)
      %dma_wait3A_83 = tpu.memref_slice %arg3[%add3A_42] : memref<320000xi32, #tpu.memory_space<hbm>> -> memref<1000xi32, #tpu.memory_space<hbm>>
      %dma_wait3A_84 = tpu.memref_slice %arg3[%add3A_42] : memref<320000xi32, #tpu.memory_space<hbm>> -> memref<1000xi32, #tpu.memory_space<hbm>>
      tpu.wait_dma2 semaphore(%run_scoped3A : memref<!tpu.dma_semaphore, #tpu.memory_space<semaphore_mem>>) src(%dma_wait3A_84 : memref<1000xi32, #tpu.memory_space<hbm>>) dst(%arg5 : memref<1000xi32, #tpu.memory_space<vmem>>)
      tpu.yield
    }) : () -> ()
    %dma_start3A_43 = arith.constant 0 : i32
    %dma_start3A_44 = arith.constant 0 : i32
    %dma_start3A_45 = tpu.memref_slice %arg2[%dma_start3A_43, %dma_start3A_44] : memref<10240x128xf32, #tpu.memory_space<hbm>> -> memref<10240x128xf32, #tpu.memory_space<hbm>>
    tpu.enqueue_indirect_dma source(%dma_start3A_45 : memref<10240x128xf32, #tpu.memory_space<hbm>>) target(%arg6 : memref<1000x128xf32, #tpu.memory_space<vmem>>) offsets(%arg5 : memref<1000xi32, #tpu.memory_space<vmem>>) semaphore(%arg7 : memref<!tpu.dma_semaphore, #tpu.memory_space<semaphore_mem>>)
    %dma_wait3A_46 = arith.constant 0 : i32
    %dma_wait3A_47 = arith.constant 0 : i32
    %dma_wait3A_48 = tpu.memref_slice %arg2[%dma_wait3A_46, %dma_wait3A_47] : memref<10240x128xf32, #tpu.memory_space<hbm>> -> memref<10240x128xf32, #tpu.memory_space<hbm>>
    tpu.wait_indirect_dma semaphore(%arg7 : memref<!tpu.dma_semaphore, #tpu.memory_space<semaphore_mem>>) src(%dma_wait3A_48 : memref<10240x128xf32, #tpu.memory_space<hbm>>) dst(%arg6 : memref<1000x128xf32, #tpu.memory_space<vmem>>)
    "tpu.region"() ({
      %run_scoped3A = tpu.sem_alloc : memref<!tpu.dma_semaphore, #tpu.memory_space<semaphore_mem>>
      %dma_start3A_81 = arith.constant 0 : i32
      %dma_start3A_82 = tpu.memref_slice %arg4[%add3A_42, %dma_start3A_81] : memref<320000x128xf32, #tpu.memory_space<hbm>> -> memref<1000x128xf32, #tpu.memory_space<hbm>>
      %dma_start3A_83 = arith.constant 0 : i32
      %dma_start3A_84 = tpu.memref_slice %arg4[%add3A_42, %dma_start3A_83] : memref<320000x128xf32, #tpu.memory_space<hbm>> -> memref<1000x128xf32, #tpu.memory_space<hbm>>
      tpu.enqueue_dma source(%arg6 : memref<1000x128xf32, #tpu.memory_space<vmem>>) target(%dma_start3A_84 : memref<1000x128xf32, #tpu.memory_space<hbm>>) target_semaphore(%run_scoped3A : memref<!tpu.dma_semaphore, #tpu.memory_space<semaphore_mem>>)
      %dma_wait3A_85 = arith.constant 0 : i32
      %dma_wait3A_86 = tpu.memref_slice %arg4[%add3A_42, %dma_wait3A_85] : memref<320000x128xf32, #tpu.memory_space<hbm>> -> memref<1000x128xf32, #tpu.memory_space<hbm>>
      %dma_wait3A_87 = arith.constant 0 : i32
      %dma_wait3A_88 = tpu.memref_slice %arg4[%add3A_42, %dma_wait3A_87] : memref<320000x128xf32, #tpu.memory_space<hbm>> -> memref<1000x128xf32, #tpu.memory_space<hbm>>
      tpu.wait_dma2 semaphore(%run_scoped3A : memref<!tpu.dma_semaphore, #tpu.memory_space<semaphore_mem>>) src(%arg6 : memref<1000x128xf32, #tpu.memory_space<vmem>>) dst(%dma_wait3A_88 : memref<1000x128xf32, #tpu.memory_space<hbm>>)
      tpu.yield
    }) : () -> ()
    %add3A_49 = arith.constant 6000 : i32
    %add3A_50 = arith.addi %mul3A_2, %add3A_49 : i32
    "tpu.region"() ({
      %run_scoped3A = tpu.sem_alloc : memref<!tpu.dma_semaphore, #tpu.memory_space<semaphore_mem>>
      %dma_start3A_81 = tpu.memref_slice %arg3[%add3A_50] : memref<320000xi32, #tpu.memory_space<hbm>> -> memref<1000xi32, #tpu.memory_space<hbm>>
      %dma_start3A_82 = tpu.memref_slice %arg3[%add3A_50] : memref<320000xi32, #tpu.memory_space<hbm>> -> memref<1000xi32, #tpu.memory_space<hbm>>
      tpu.enqueue_dma source(%dma_start3A_82 : memref<1000xi32, #tpu.memory_space<hbm>>) target(%arg5 : memref<1000xi32, #tpu.memory_space<vmem>>) target_semaphore(%run_scoped3A : memref<!tpu.dma_semaphore, #tpu.memory_space<semaphore_mem>>)
      %dma_wait3A_83 = tpu.memref_slice %arg3[%add3A_50] : memref<320000xi32, #tpu.memory_space<hbm>> -> memref<1000xi32, #tpu.memory_space<hbm>>
      %dma_wait3A_84 = tpu.memref_slice %arg3[%add3A_50] : memref<320000xi32, #tpu.memory_space<hbm>> -> memref<1000xi32, #tpu.memory_space<hbm>>
      tpu.wait_dma2 semaphore(%run_scoped3A : memref<!tpu.dma_semaphore, #tpu.memory_space<semaphore_mem>>) src(%dma_wait3A_84 : memref<1000xi32, #tpu.memory_space<hbm>>) dst(%arg5 : memref<1000xi32, #tpu.memory_space<vmem>>)
      tpu.yield
    }) : () -> ()
    %dma_start3A_51 = arith.constant 0 : i32
    %dma_start3A_52 = arith.constant 0 : i32
    %dma_start3A_53 = tpu.memref_slice %arg2[%dma_start3A_51, %dma_start3A_52] : memref<10240x128xf32, #tpu.memory_space<hbm>> -> memref<10240x128xf32, #tpu.memory_space<hbm>>
    tpu.enqueue_indirect_dma source(%dma_start3A_53 : memref<10240x128xf32, #tpu.memory_space<hbm>>) target(%arg6 : memref<1000x128xf32, #tpu.memory_space<vmem>>) offsets(%arg5 : memref<1000xi32, #tpu.memory_space<vmem>>) semaphore(%arg7 : memref<!tpu.dma_semaphore, #tpu.memory_space<semaphore_mem>>)
    %dma_wait3A_54 = arith.constant 0 : i32
    %dma_wait3A_55 = arith.constant 0 : i32
    %dma_wait3A_56 = tpu.memref_slice %arg2[%dma_wait3A_54, %dma_wait3A_55] : memref<10240x128xf32, #tpu.memory_space<hbm>> -> memref<10240x128xf32, #tpu.memory_space<hbm>>
    tpu.wait_indirect_dma semaphore(%arg7 : memref<!tpu.dma_semaphore, #tpu.memory_space<semaphore_mem>>) src(%dma_wait3A_56 : memref<10240x128xf32, #tpu.memory_space<hbm>>) dst(%arg6 : memref<1000x128xf32, #tpu.memory_space<vmem>>)
    "tpu.region"() ({
      %run_scoped3A = tpu.sem_alloc : memref<!tpu.dma_semaphore, #tpu.memory_space<semaphore_mem>>
      %dma_start3A_81 = arith.constant 0 : i32
      %dma_start3A_82 = tpu.memref_slice %arg4[%add3A_50, %dma_start3A_81] : memref<320000x128xf32, #tpu.memory_space<hbm>> -> memref<1000x128xf32, #tpu.memory_space<hbm>>
      %dma_start3A_83 = arith.constant 0 : i32
      %dma_start3A_84 = tpu.memref_slice %arg4[%add3A_50, %dma_start3A_83] : memref<320000x128xf32, #tpu.memory_space<hbm>> -> memref<1000x128xf32, #tpu.memory_space<hbm>>
      tpu.enqueue_dma source(%arg6 : memref<1000x128xf32, #tpu.memory_space<vmem>>) target(%dma_start3A_84 : memref<1000x128xf32, #tpu.memory_space<hbm>>) target_semaphore(%run_scoped3A : memref<!tpu.dma_semaphore, #tpu.memory_space<semaphore_mem>>)
      %dma_wait3A_85 = arith.constant 0 : i32
      %dma_wait3A_86 = tpu.memref_slice %arg4[%add3A_50, %dma_wait3A_85] : memref<320000x128xf32, #tpu.memory_space<hbm>> -> memref<1000x128xf32, #tpu.memory_space<hbm>>
      %dma_wait3A_87 = arith.constant 0 : i32
      %dma_wait3A_88 = tpu.memref_slice %arg4[%add3A_50, %dma_wait3A_87] : memref<320000x128xf32, #tpu.memory_space<hbm>> -> memref<1000x128xf32, #tpu.memory_space<hbm>>
      tpu.wait_dma2 semaphore(%run_scoped3A : memref<!tpu.dma_semaphore, #tpu.memory_space<semaphore_mem>>) src(%arg6 : memref<1000x128xf32, #tpu.memory_space<vmem>>) dst(%dma_wait3A_88 : memref<1000x128xf32, #tpu.memory_space<hbm>>)
      tpu.yield
    }) : () -> ()
    %add3A_57 = arith.constant 7000 : i32
    %add3A_58 = arith.addi %mul3A_2, %add3A_57 : i32
    "tpu.region"() ({
      %run_scoped3A = tpu.sem_alloc : memref<!tpu.dma_semaphore, #tpu.memory_space<semaphore_mem>>
      %dma_start3A_81 = tpu.memref_slice %arg3[%add3A_58] : memref<320000xi32, #tpu.memory_space<hbm>> -> memref<1000xi32, #tpu.memory_space<hbm>>
      %dma_start3A_82 = tpu.memref_slice %arg3[%add3A_58] : memref<320000xi32, #tpu.memory_space<hbm>> -> memref<1000xi32, #tpu.memory_space<hbm>>
      tpu.enqueue_dma source(%dma_start3A_82 : memref<1000xi32, #tpu.memory_space<hbm>>) target(%arg5 : memref<1000xi32, #tpu.memory_space<vmem>>) target_semaphore(%run_scoped3A : memref<!tpu.dma_semaphore, #tpu.memory_space<semaphore_mem>>)
      %dma_wait3A_83 = tpu.memref_slice %arg3[%add3A_58] : memref<320000xi32, #tpu.memory_space<hbm>> -> memref<1000xi32, #tpu.memory_space<hbm>>
      %dma_wait3A_84 = tpu.memref_slice %arg3[%add3A_58] : memref<320000xi32, #tpu.memory_space<hbm>> -> memref<1000xi32, #tpu.memory_space<hbm>>
      tpu.wait_dma2 semaphore(%run_scoped3A : memref<!tpu.dma_semaphore, #tpu.memory_space<semaphore_mem>>) src(%dma_wait3A_84 : memref<1000xi32, #tpu.memory_space<hbm>>) dst(%arg5 : memref<1000xi32, #tpu.memory_space<vmem>>)
      tpu.yield
    }) : () -> ()
    %dma_start3A_59 = arith.constant 0 : i32
    %dma_start3A_60 = arith.constant 0 : i32
    %dma_start3A_61 = tpu.memref_slice %arg2[%dma_start3A_59, %dma_start3A_60] : memref<10240x128xf32, #tpu.memory_space<hbm>> -> memref<10240x128xf32, #tpu.memory_space<hbm>>
    tpu.enqueue_indirect_dma source(%dma_start3A_61 : memref<10240x128xf32, #tpu.memory_space<hbm>>) target(%arg6 : memref<1000x128xf32, #tpu.memory_space<vmem>>) offsets(%arg5 : memref<1000xi32, #tpu.memory_space<vmem>>) semaphore(%arg7 : memref<!tpu.dma_semaphore, #tpu.memory_space<semaphore_mem>>)
    %dma_wait3A_62 = arith.constant 0 : i32
    %dma_wait3A_63 = arith.constant 0 : i32
    %dma_wait3A_64 = tpu.memref_slice %arg2[%dma_wait3A_62, %dma_wait3A_63] : memref<10240x128xf32, #tpu.memory_space<hbm>> -> memref<10240x128xf32, #tpu.memory_space<hbm>>
    tpu.wait_indirect_dma semaphore(%arg7 : memref<!tpu.dma_semaphore, #tpu.memory_space<semaphore_mem>>) src(%dma_wait3A_64 : memref<10240x128xf32, #tpu.memory_space<hbm>>) dst(%arg6 : memref<1000x128xf32, #tpu.memory_space<vmem>>)
    "tpu.region"() ({
      %run_scoped3A = tpu.sem_alloc : memref<!tpu.dma_semaphore, #tpu.memory_space<semaphore_mem>>
      %dma_start3A_81 = arith.constant 0 : i32
      %dma_start3A_82 = tpu.memref_slice %arg4[%add3A_58, %dma_start3A_81] : memref<320000x128xf32, #tpu.memory_space<hbm>> -> memref<1000x128xf32, #tpu.memory_space<hbm>>
      %dma_start3A_83 = arith.constant 0 : i32
      %dma_start3A_84 = tpu.memref_slice %arg4[%add3A_58, %dma_start3A_83] : memref<320000x128xf32, #tpu.memory_space<hbm>> -> memref<1000x128xf32, #tpu.memory_space<hbm>>
      tpu.enqueue_dma source(%arg6 : memref<1000x128xf32, #tpu.memory_space<vmem>>) target(%dma_start3A_84 : memref<1000x128xf32, #tpu.memory_space<hbm>>) target_semaphore(%run_scoped3A : memref<!tpu.dma_semaphore, #tpu.memory_space<semaphore_mem>>)
      %dma_wait3A_85 = arith.constant 0 : i32
      %dma_wait3A_86 = tpu.memref_slice %arg4[%add3A_58, %dma_wait3A_85] : memref<320000x128xf32, #tpu.memory_space<hbm>> -> memref<1000x128xf32, #tpu.memory_space<hbm>>
      %dma_wait3A_87 = arith.constant 0 : i32
      %dma_wait3A_88 = tpu.memref_slice %arg4[%add3A_58, %dma_wait3A_87] : memref<320000x128xf32, #tpu.memory_space<hbm>> -> memref<1000x128xf32, #tpu.memory_space<hbm>>
      tpu.wait_dma2 semaphore(%run_scoped3A : memref<!tpu.dma_semaphore, #tpu.memory_space<semaphore_mem>>) src(%arg6 : memref<1000x128xf32, #tpu.memory_space<vmem>>) dst(%dma_wait3A_88 : memref<1000x128xf32, #tpu.memory_space<hbm>>)
      tpu.yield
    }) : () -> ()
    %add3A_65 = arith.constant 8000 : i32
    %add3A_66 = arith.addi %mul3A_2, %add3A_65 : i32
    "tpu.region"() ({
      %run_scoped3A = tpu.sem_alloc : memref<!tpu.dma_semaphore, #tpu.memory_space<semaphore_mem>>
      %dma_start3A_81 = tpu.memref_slice %arg3[%add3A_66] : memref<320000xi32, #tpu.memory_space<hbm>> -> memref<1000xi32, #tpu.memory_space<hbm>>
      %dma_start3A_82 = tpu.memref_slice %arg3[%add3A_66] : memref<320000xi32, #tpu.memory_space<hbm>> -> memref<1000xi32, #tpu.memory_space<hbm>>
      tpu.enqueue_dma source(%dma_start3A_82 : memref<1000xi32, #tpu.memory_space<hbm>>) target(%arg5 : memref<1000xi32, #tpu.memory_space<vmem>>) target_semaphore(%run_scoped3A : memref<!tpu.dma_semaphore, #tpu.memory_space<semaphore_mem>>)
      %dma_wait3A_83 = tpu.memref_slice %arg3[%add3A_66] : memref<320000xi32, #tpu.memory_space<hbm>> -> memref<1000xi32, #tpu.memory_space<hbm>>
      %dma_wait3A_84 = tpu.memref_slice %arg3[%add3A_66] : memref<320000xi32, #tpu.memory_space<hbm>> -> memref<1000xi32, #tpu.memory_space<hbm>>
      tpu.wait_dma2 semaphore(%run_scoped3A : memref<!tpu.dma_semaphore, #tpu.memory_space<semaphore_mem>>) src(%dma_wait3A_84 : memref<1000xi32, #tpu.memory_space<hbm>>) dst(%arg5 : memref<1000xi32, #tpu.memory_space<vmem>>)
      tpu.yield
    }) : () -> ()
    %dma_start3A_67 = arith.constant 0 : i32
    %dma_start3A_68 = arith.constant 0 : i32
    %dma_start3A_69 = tpu.memref_slice %arg2[%dma_start3A_67, %dma_start3A_68] : memref<10240x128xf32, #tpu.memory_space<hbm>> -> memref<10240x128xf32, #tpu.memory_space<hbm>>
    tpu.enqueue_indirect_dma source(%dma_start3A_69 : memref<10240x128xf32, #tpu.memory_space<hbm>>) target(%arg6 : memref<1000x128xf32, #tpu.memory_space<vmem>>) offsets(%arg5 : memref<1000xi32, #tpu.memory_space<vmem>>) semaphore(%arg7 : memref<!tpu.dma_semaphore, #tpu.memory_space<semaphore_mem>>)
    %dma_wait3A_70 = arith.constant 0 : i32
    %dma_wait3A_71 = arith.constant 0 : i32
    %dma_wait3A_72 = tpu.memref_slice %arg2[%dma_wait3A_70, %dma_wait3A_71] : memref<10240x128xf32, #tpu.memory_space<hbm>> -> memref<10240x128xf32, #tpu.memory_space<hbm>>
    tpu.wait_indirect_dma semaphore(%arg7 : memref<!tpu.dma_semaphore, #tpu.memory_space<semaphore_mem>>) src(%dma_wait3A_72 : memref<10240x128xf32, #tpu.memory_space<hbm>>) dst(%arg6 : memref<1000x128xf32, #tpu.memory_space<vmem>>)
    "tpu.region"() ({
      %run_scoped3A = tpu.sem_alloc : memref<!tpu.dma_semaphore, #tpu.memory_space<semaphore_mem>>
      %dma_start3A_81 = arith.constant 0 : i32
      %dma_start3A_82 = tpu.memref_slice %arg4[%add3A_66, %dma_start3A_81] : memref<320000x128xf32, #tpu.memory_space<hbm>> -> memref<1000x128xf32, #tpu.memory_space<hbm>>
      %dma_start3A_83 = arith.constant 0 : i32
      %dma_start3A_84 = tpu.memref_slice %arg4[%add3A_66, %dma_start3A_83] : memref<320000x128xf32, #tpu.memory_space<hbm>> -> memref<1000x128xf32, #tpu.memory_space<hbm>>
      tpu.enqueue_dma source(%arg6 : memref<1000x128xf32, #tpu.memory_space<vmem>>) target(%dma_start3A_84 : memref<1000x128xf32, #tpu.memory_space<hbm>>) target_semaphore(%run_scoped3A : memref<!tpu.dma_semaphore, #tpu.memory_space<semaphore_mem>>)
      %dma_wait3A_85 = arith.constant 0 : i32
      %dma_wait3A_86 = tpu.memref_slice %arg4[%add3A_66, %dma_wait3A_85] : memref<320000x128xf32, #tpu.memory_space<hbm>> -> memref<1000x128xf32, #tpu.memory_space<hbm>>
      %dma_wait3A_87 = arith.constant 0 : i32
      %dma_wait3A_88 = tpu.memref_slice %arg4[%add3A_66, %dma_wait3A_87] : memref<320000x128xf32, #tpu.memory_space<hbm>> -> memref<1000x128xf32, #tpu.memory_space<hbm>>
      tpu.wait_dma2 semaphore(%run_scoped3A : memref<!tpu.dma_semaphore, #tpu.memory_space<semaphore_mem>>) src(%arg6 : memref<1000x128xf32, #tpu.memory_space<vmem>>) dst(%dma_wait3A_88 : memref<1000x128xf32, #tpu.memory_space<hbm>>)
      tpu.yield
    }) : () -> ()
    %add3A_73 = arith.constant 9000 : i32
    %add3A_74 = arith.addi %mul3A_2, %add3A_73 : i32
    "tpu.region"() ({
      %run_scoped3A = tpu.sem_alloc : memref<!tpu.dma_semaphore, #tpu.memory_space<semaphore_mem>>
      %dma_start3A_81 = tpu.memref_slice %arg3[%add3A_74] : memref<320000xi32, #tpu.memory_space<hbm>> -> memref<1000xi32, #tpu.memory_space<hbm>>
      %dma_start3A_82 = tpu.memref_slice %arg3[%add3A_74] : memref<320000xi32, #tpu.memory_space<hbm>> -> memref<1000xi32, #tpu.memory_space<hbm>>
      tpu.enqueue_dma source(%dma_start3A_82 : memref<1000xi32, #tpu.memory_space<hbm>>) target(%arg5 : memref<1000xi32, #tpu.memory_space<vmem>>) target_semaphore(%run_scoped3A : memref<!tpu.dma_semaphore, #tpu.memory_space<semaphore_mem>>)
      %dma_wait3A_83 = tpu.memref_slice %arg3[%add3A_74] : memref<320000xi32, #tpu.memory_space<hbm>> -> memref<1000xi32, #tpu.memory_space<hbm>>
      %dma_wait3A_84 = tpu.memref_slice %arg3[%add3A_74] : memref<320000xi32, #tpu.memory_space<hbm>> -> memref<1000xi32, #tpu.memory_space<hbm>>
      tpu.wait_dma2 semaphore(%run_scoped3A : memref<!tpu.dma_semaphore, #tpu.memory_space<semaphore_mem>>) src(%dma_wait3A_84 : memref<1000xi32, #tpu.memory_space<hbm>>) dst(%arg5 : memref<1000xi32, #tpu.memory_space<vmem>>)
      tpu.yield
    }) : () -> ()
    %dma_start3A_75 = arith.constant 0 : i32
    %dma_start3A_76 = arith.constant 0 : i32
    %dma_start3A_77 = tpu.memref_slice %arg2[%dma_start3A_75, %dma_start3A_76] : memref<10240x128xf32, #tpu.memory_space<hbm>> -> memref<10240x128xf32, #tpu.memory_space<hbm>>
    tpu.enqueue_indirect_dma source(%dma_start3A_77 : memref<10240x128xf32, #tpu.memory_space<hbm>>) target(%arg6 : memref<1000x128xf32, #tpu.memory_space<vmem>>) offsets(%arg5 : memref<1000xi32, #tpu.memory_space<vmem>>) semaphore(%arg7 : memref<!tpu.dma_semaphore, #tpu.memory_space<semaphore_mem>>)
    %dma_wait3A_78 = arith.constant 0 : i32
    %dma_wait3A_79 = arith.constant 0 : i32
    %dma_wait3A_80 = tpu.memref_slice %arg2[%dma_wait3A_78, %dma_wait3A_79] : memref<10240x128xf32, #tpu.memory_space<hbm>> -> memref<10240x128xf32, #tpu.memory_space<hbm>>
    tpu.wait_indirect_dma semaphore(%arg7 : memref<!tpu.dma_semaphore, #tpu.memory_space<semaphore_mem>>) src(%dma_wait3A_80 : memref<10240x128xf32, #tpu.memory_space<hbm>>) dst(%arg6 : memref<1000x128xf32, #tpu.memory_space<vmem>>)
    "tpu.region"() ({
      %run_scoped3A = tpu.sem_alloc : memref<!tpu.dma_semaphore, #tpu.memory_space<semaphore_mem>>
      %dma_start3A_81 = arith.constant 0 : i32
      %dma_start3A_82 = tpu.memref_slice %arg4[%add3A_74, %dma_start3A_81] : memref<320000x128xf32, #tpu.memory_space<hbm>> -> memref<1000x128xf32, #tpu.memory_space<hbm>>
      %dma_start3A_83 = arith.constant 0 : i32
      %dma_start3A_84 = tpu.memref_slice %arg4[%add3A_74, %dma_start3A_83] : memref<320000x128xf32, #tpu.memory_space<hbm>> -> memref<1000x128xf32, #tpu.memory_space<hbm>>
      tpu.enqueue_dma source(%arg6 : memref<1000x128xf32, #tpu.memory_space<vmem>>) target(%dma_start3A_84 : memref<1000x128xf32, #tpu.memory_space<hbm>>) target_semaphore(%run_scoped3A : memref<!tpu.dma_semaphore, #tpu.memory_space<semaphore_mem>>)
      %dma_wait3A_85 = arith.constant 0 : i32
      %dma_wait3A_86 = tpu.memref_slice %arg4[%add3A_74, %dma_wait3A_85] : memref<320000x128xf32, #tpu.memory_space<hbm>> -> memref<1000x128xf32, #tpu.memory_space<hbm>>
      %dma_wait3A_87 = arith.constant 0 : i32
      %dma_wait3A_88 = tpu.memref_slice %arg4[%add3A_74, %dma_wait3A_87] : memref<320000x128xf32, #tpu.memory_space<hbm>> -> memref<1000x128xf32, #tpu.memory_space<hbm>>
      tpu.wait_dma2 semaphore(%run_scoped3A : memref<!tpu.dma_semaphore, #tpu.memory_space<semaphore_mem>>) src(%arg6 : memref<1000x128xf32, #tpu.memory_space<vmem>>) dst(%dma_wait3A_88 : memref<1000x128xf32, #tpu.memory_space<hbm>>)
      tpu.yield
    }) : () -> ()
    return
  }
}

#map = affine_map<(d0, d1) -> (0, 0)>
#map1 = affine_map<(d0, d1) -> (0)>
module attributes {stable_mosaic.version = 14 : i64} {
  func.func @k(%arg0: i32, %arg1: i32, %arg2: memref<10240x128xf32, #tpu.memory_space<hbm>>, %arg3: memref<320000xi32, #tpu.memory_space<hbm>>, %arg4: memref<320000x128xf32, #tpu.memory_space<hbm>>, %arg5: memref<1000xi32, #tpu.memory_space<vmem>>, %arg6: memref<1000x128xf32, #tpu.memory_space<vmem>>, %arg7: memref<!tpu.dma_semaphore, #tpu.memory_space<semaphore_mem>>) attributes {dimension_semantics = [#tpu.dimension_semantics<core_parallel>, #tpu.dimension_semantics<subcore_parallel>], iteration_bounds = array<i64: 2, 16>, scalar_prefetch = 0 : i64, scratch_operands = 3 : i64, tpu.core_type = #tpu.core_type<sc_vector_subcore>, window_params = [{transform_indices = #map}, {transform_indices = #map1}, {transform_indices = #map}]} {
    %mul3A = arith.constant 2 : i32
    %mul3A_0 = arith.muli %arg1, %mul3A : i32
    %add3A = arith.addi %mul3A_0, %arg0 : i32
    %mul3A_1 = arith.constant 10000 : i32
    %mul3A_2 = arith.muli %add3A, %mul3A_1 : i32
    %add3A_3 = arith.constant 0 : i32
    %add3A_4 = arith.addi %mul3A_2, %add3A_3 : i32
    "tpu.region"() ({
      %run_scoped3A = tpu.sem_alloc : memref<!tpu.dma_semaphore, #tpu.memory_space<semaphore_mem>>
      %dma_start3A_81 = tpu.memref_slice %arg3[%add3A_4] : memref<320000xi32, #tpu.memory_space<hbm>> -> memref<1000xi32, #tpu.memory_space<hbm>>
      %dma_start3A_82 = tpu.memref_slice %arg3[%add3A_4] : memref<320000xi32, #tpu.memory_space<hbm>> -> memref<1000xi32, #tpu.memory_space<hbm>>
      tpu.enqueue_dma source(%dma_start3A_82 : memref<1000xi32, #tpu.memory_space<hbm>>) target(%arg5 : memref<1000xi32, #tpu.memory_space<vmem>>) target_semaphore(%run_scoped3A : memref<!tpu.dma_semaphore, #tpu.memory_space<semaphore_mem>>)
      %dma_wait3A_83 = tpu.memref_slice %arg3[%add3A_4] : memref<320000xi32, #tpu.memory_space<hbm>> -> memref<1000xi32, #tpu.memory_space<hbm>>
      %dma_wait3A_84 = tpu.memref_slice %arg3[%add3A_4] : memref<320000xi32, #tpu.memory_space<hbm>> -> memref<1000xi32, #tpu.memory_space<hbm>>
      tpu.wait_dma2 semaphore(%run_scoped3A : memref<!tpu.dma_semaphore, #tpu.memory_space<semaphore_mem>>) src(%dma_wait3A_84 : memref<1000xi32, #tpu.memory_space<hbm>>) dst(%arg5 : memref<1000xi32, #tpu.memory_space<vmem>>)
      tpu.yield
    }) : () -> ()
    %dma_start3A = arith.constant 0 : i32
    %dma_start3A_5 = arith.constant 0 : i32
    %dma_start3A_6 = tpu.memref_slice %arg2[%dma_start3A, %dma_start3A_5] : memref<10240x128xf32, #tpu.memory_space<hbm>> -> memref<10240x128xf32, #tpu.memory_space<hbm>>
    tpu.enqueue_indirect_dma source(%dma_start3A_6 : memref<10240x128xf32, #tpu.memory_space<hbm>>) target(%arg6 : memref<1000x128xf32, #tpu.memory_space<vmem>>) offsets(%arg5 : memref<1000xi32, #tpu.memory_space<vmem>>) semaphore(%arg7 : memref<!tpu.dma_semaphore, #tpu.memory_space<semaphore_mem>>)
    %dma_wait3A = arith.constant 0 : i32
    %dma_wait3A_7 = arith.constant 0 : i32
    %dma_wait3A_8 = tpu.memref_slice %arg2[%dma_wait3A, %dma_wait3A_7] : memref<10240x128xf32, #tpu.memory_space<hbm>> -> memref<10240x128xf32, #tpu.memory_space<hbm>>
    tpu.wait_indirect_dma semaphore(%arg7 : memref<!tpu.dma_semaphore, #tpu.memory_space<semaphore_mem>>) src(%dma_wait3A_8 : memref<10240x128xf32, #tpu.memory_space<hbm>>) dst(%arg6 : memref<1000x128xf32, #tpu.memory_space<vmem>>)
    "tpu.region"() ({
      %run_scoped3A = tpu.sem_alloc : memref<!tpu.dma_semaphore, #tpu.memory_space<semaphore_mem>>
      %dma_start3A_81 = arith.constant 0 : i32
      %dma_start3A_82 = tpu.memref_slice %arg4[%add3A_4, %dma_start3A_81] : memref<320000x128xf32, #tpu.memory_space<hbm>> -> memref<1000x128xf32, #tpu.memory_space<hbm>>
      %dma_start3A_83 = arith.constant 0 : i32
      %dma_start3A_84 = tpu.memref_slice %arg4[%add3A_4, %dma_start3A_83] : memref<320000x128xf32, #tpu.memory_space<hbm>> -> memref<1000x128xf32, #tpu.memory_space<hbm>>
      tpu.enqueue_dma source(%arg6 : memref<1000x128xf32, #tpu.memory_space<vmem>>) target(%dma_start3A_84 : memref<1000x128xf32, #tpu.memory_space<hbm>>) target_semaphore(%run_scoped3A : memref<!tpu.dma_semaphore, #tpu.memory_space<semaphore_mem>>)
      %dma_wait3A_85 = arith.constant 0 : i32
      %dma_wait3A_86 = tpu.memref_slice %arg4[%add3A_4, %dma_wait3A_85] : memref<320000x128xf32, #tpu.memory_space<hbm>> -> memref<1000x128xf32, #tpu.memory_space<hbm>>
      %dma_wait3A_87 = arith.constant 0 : i32
      %dma_wait3A_88 = tpu.memref_slice %arg4[%add3A_4, %dma_wait3A_87] : memref<320000x128xf32, #tpu.memory_space<hbm>> -> memref<1000x128xf32, #tpu.memory_space<hbm>>
      tpu.wait_dma2 semaphore(%run_scoped3A : memref<!tpu.dma_semaphore, #tpu.memory_space<semaphore_mem>>) src(%arg6 : memref<1000x128xf32, #tpu.memory_space<vmem>>) dst(%dma_wait3A_88 : memref<1000x128xf32, #tpu.memory_space<hbm>>)
      tpu.yield
    }) : () -> ()
    %add3A_9 = arith.constant 1000 : i32
    %add3A_10 = arith.addi %mul3A_2, %add3A_9 : i32
    "tpu.region"() ({
      %run_scoped3A = tpu.sem_alloc : memref<!tpu.dma_semaphore, #tpu.memory_space<semaphore_mem>>
      %dma_start3A_81 = tpu.memref_slice %arg3[%add3A_10] : memref<320000xi32, #tpu.memory_space<hbm>> -> memref<1000xi32, #tpu.memory_space<hbm>>
      %dma_start3A_82 = tpu.memref_slice %arg3[%add3A_10] : memref<320000xi32, #tpu.memory_space<hbm>> -> memref<1000xi32, #tpu.memory_space<hbm>>
      tpu.enqueue_dma source(%dma_start3A_82 : memref<1000xi32, #tpu.memory_space<hbm>>) target(%arg5 : memref<1000xi32, #tpu.memory_space<vmem>>) target_semaphore(%run_scoped3A : memref<!tpu.dma_semaphore, #tpu.memory_space<semaphore_mem>>)
      %dma_wait3A_83 = tpu.memref_slice %arg3[%add3A_10] : memref<320000xi32, #tpu.memory_space<hbm>> -> memref<1000xi32, #tpu.memory_space<hbm>>
      %dma_wait3A_84 = tpu.memref_slice %arg3[%add3A_10] : memref<320000xi32, #tpu.memory_space<hbm>> -> memref<1000xi32, #tpu.memory_space<hbm>>
      tpu.wait_dma2 semaphore(%run_scoped3A : memref<!tpu.dma_semaphore, #tpu.memory_space<semaphore_mem>>) src(%dma_wait3A_84 : memref<1000xi32, #tpu.memory_space<hbm>>) dst(%arg5 : memref<1000xi32, #tpu.memory_space<vmem>>)
      tpu.yield
    }) : () -> ()
    %dma_start3A_11 = arith.constant 0 : i32
    %dma_start3A_12 = arith.constant 0 : i32
    %dma_start3A_13 = tpu.memref_slice %arg2[%dma_start3A_11, %dma_start3A_12] : memref<10240x128xf32, #tpu.memory_space<hbm>> -> memref<10240x128xf32, #tpu.memory_space<hbm>>
    tpu.enqueue_indirect_dma source(%dma_start3A_13 : memref<10240x128xf32, #tpu.memory_space<hbm>>) target(%arg6 : memref<1000x128xf32, #tpu.memory_space<vmem>>) offsets(%arg5 : memref<1000xi32, #tpu.memory_space<vmem>>) semaphore(%arg7 : memref<!tpu.dma_semaphore, #tpu.memory_space<semaphore_mem>>)
    %dma_wait3A_14 = arith.constant 0 : i32
    %dma_wait3A_15 = arith.constant 0 : i32
    %dma_wait3A_16 = tpu.memref_slice %arg2[%dma_wait3A_14, %dma_wait3A_15] : memref<10240x128xf32, #tpu.memory_space<hbm>> -> memref<10240x128xf32, #tpu.memory_space<hbm>>
    tpu.wait_indirect_dma semaphore(%arg7 : memref<!tpu.dma_semaphore, #tpu.memory_space<semaphore_mem>>) src(%dma_wait3A_16 : memref<10240x128xf32, #tpu.memory_space<hbm>>) dst(%arg6 : memref<1000x128xf32, #tpu.memory_space<vmem>>)
    "tpu.region"() ({
      %run_scoped3A = tpu.sem_alloc : memref<!tpu.dma_semaphore, #tpu.memory_space<semaphore_mem>>
      %dma_start3A_81 = arith.constant 0 : i32
      %dma_start3A_82 = tpu.memref_slice %arg4[%add3A_10, %dma_start3A_81] : memref<320000x128xf32, #tpu.memory_space<hbm>> -> memref<1000x128xf32, #tpu.memory_space<hbm>>
      %dma_start3A_83 = arith.constant 0 : i32
      %dma_start3A_84 = tpu.memref_slice %arg4[%add3A_10, %dma_start3A_83] : memref<320000x128xf32, #tpu.memory_space<hbm>> -> memref<1000x128xf32, #tpu.memory_space<hbm>>
      tpu.enqueue_dma source(%arg6 : memref<1000x128xf32, #tpu.memory_space<vmem>>) target(%dma_start3A_84 : memref<1000x128xf32, #tpu.memory_space<hbm>>) target_semaphore(%run_scoped3A : memref<!tpu.dma_semaphore, #tpu.memory_space<semaphore_mem>>)
      %dma_wait3A_85 = arith.constant 0 : i32
      %dma_wait3A_86 = tpu.memref_slice %arg4[%add3A_10, %dma_wait3A_85] : memref<320000x128xf32, #tpu.memory_space<hbm>> -> memref<1000x128xf32, #tpu.memory_space<hbm>>
      %dma_wait3A_87 = arith.constant 0 : i32
      %dma_wait3A_88 = tpu.memref_slice %arg4[%add3A_10, %dma_wait3A_87] : memref<320000x128xf32, #tpu.memory_space<hbm>> -> memref<1000x128xf32, #tpu.memory_space<hbm>>
      tpu.wait_dma2 semaphore(%run_scoped3A : memref<!tpu.dma_semaphore, #tpu.memory_space<semaphore_mem>>) src(%arg6 : memref<1000x128xf32, #tpu.memory_space<vmem>>) dst(%dma_wait3A_88 : memref<1000x128xf32, #tpu.memory_space<hbm>>)
      tpu.yield
    }) : () -> ()
    %add3A_17 = arith.constant 2000 : i32
    %add3A_18 = arith.addi %mul3A_2, %add3A_17 : i32
    "tpu.region"() ({
      %run_scoped3A = tpu.sem_alloc : memref<!tpu.dma_semaphore, #tpu.memory_space<semaphore_mem>>
      %dma_start3A_81 = tpu.memref_slice %arg3[%add3A_18] : memref<320000xi32, #tpu.memory_space<hbm>> -> memref<1000xi32, #tpu.memory_space<hbm>>
      %dma_start3A_82 = tpu.memref_slice %arg3[%add3A_18] : memref<320000xi32, #tpu.memory_space<hbm>> -> memref<1000xi32, #tpu.memory_space<hbm>>
      tpu.enqueue_dma source(%dma_start3A_82 : memref<1000xi32, #tpu.memory_space<hbm>>) target(%arg5 : memref<1000xi32, #tpu.memory_space<vmem>>) target_semaphore(%run_scoped3A : memref<!tpu.dma_semaphore, #tpu.memory_space<semaphore_mem>>)
      %dma_wait3A_83 = tpu.memref_slice %arg3[%add3A_18] : memref<320000xi32, #tpu.memory_space<hbm>> -> memref<1000xi32, #tpu.memory_space<hbm>>
      %dma_wait3A_84 = tpu.memref_slice %arg3[%add3A_18] : memref<320000xi32, #tpu.memory_space<hbm>> -> memref<1000xi32, #tpu.memory_space<hbm>>
      tpu.wait_dma2 semaphore(%run_scoped3A : memref<!tpu.dma_semaphore, #tpu.memory_space<semaphore_mem>>) src(%dma_wait3A_84 : memref<1000xi32, #tpu.memory_space<hbm>>) dst(%arg5 : memref<1000xi32, #tpu.memory_space<vmem>>)
      tpu.yield
    }) : () -> ()
    %dma_start3A_19 = arith.constant 0 : i32
    %dma_start3A_20 = arith.constant 0 : i32
    %dma_start3A_21 = tpu.memref_slice %arg2[%dma_start3A_19, %dma_start3A_20] : memref<10240x128xf32, #tpu.memory_space<hbm>> -> memref<10240x128xf32, #tpu.memory_space<hbm>>
    tpu.enqueue_indirect_dma source(%dma_start3A_21 : memref<10240x128xf32, #tpu.memory_space<hbm>>) target(%arg6 : memref<1000x128xf32, #tpu.memory_space<vmem>>) offsets(%arg5 : memref<1000xi32, #tpu.memory_space<vmem>>) semaphore(%arg7 : memref<!tpu.dma_semaphore, #tpu.memory_space<semaphore_mem>>)
    %dma_wait3A_22 = arith.constant 0 : i32
    %dma_wait3A_23 = arith.constant 0 : i32
    %dma_wait3A_24 = tpu.memref_slice %arg2[%dma_wait3A_22, %dma_wait3A_23] : memref<10240x128xf32, #tpu.memory_space<hbm>> -> memref<10240x128xf32, #tpu.memory_space<hbm>>
    tpu.wait_indirect_dma semaphore(%arg7 : memref<!tpu.dma_semaphore, #tpu.memory_space<semaphore_mem>>) src(%dma_wait3A_24 : memref<10240x128xf32, #tpu.memory_space<hbm>>) dst(%arg6 : memref<1000x128xf32, #tpu.memory_space<vmem>>)
    "tpu.region"() ({
      %run_scoped3A = tpu.sem_alloc : memref<!tpu.dma_semaphore, #tpu.memory_space<semaphore_mem>>
      %dma_start3A_81 = arith.constant 0 : i32
      %dma_start3A_82 = tpu.memref_slice %arg4[%add3A_18, %dma_start3A_81] : memref<320000x128xf32, #tpu.memory_space<hbm>> -> memref<1000x128xf32, #tpu.memory_space<hbm>>
      %dma_start3A_83 = arith.constant 0 : i32
      %dma_start3A_84 = tpu.memref_slice %arg4[%add3A_18, %dma_start3A_83] : memref<320000x128xf32, #tpu.memory_space<hbm>> -> memref<1000x128xf32, #tpu.memory_space<hbm>>
      tpu.enqueue_dma source(%arg6 : memref<1000x128xf32, #tpu.memory_space<vmem>>) target(%dma_start3A_84 : memref<1000x128xf32, #tpu.memory_space<hbm>>) target_semaphore(%run_scoped3A : memref<!tpu.dma_semaphore, #tpu.memory_space<semaphore_mem>>)
      %dma_wait3A_85 = arith.constant 0 : i32
      %dma_wait3A_86 = tpu.memref_slice %arg4[%add3A_18, %dma_wait3A_85] : memref<320000x128xf32, #tpu.memory_space<hbm>> -> memref<1000x128xf32, #tpu.memory_space<hbm>>
      %dma_wait3A_87 = arith.constant 0 : i32
      %dma_wait3A_88 = tpu.memref_slice %arg4[%add3A_18, %dma_wait3A_87] : memref<320000x128xf32, #tpu.memory_space<hbm>> -> memref<1000x128xf32, #tpu.memory_space<hbm>>
      tpu.wait_dma2 semaphore(%run_scoped3A : memref<!tpu.dma_semaphore, #tpu.memory_space<semaphore_mem>>) src(%arg6 : memref<1000x128xf32, #tpu.memory_space<vmem>>) dst(%dma_wait3A_88 : memref<1000x128xf32, #tpu.memory_space<hbm>>)
      tpu.yield
    }) : () -> ()
    %add3A_25 = arith.constant 3000 : i32
    %add3A_26 = arith.addi %mul3A_2, %add3A_25 : i32
    "tpu.region"() ({
      %run_scoped3A = tpu.sem_alloc : memref<!tpu.dma_semaphore, #tpu.memory_space<semaphore_mem>>
      %dma_start3A_81 = tpu.memref_slice %arg3[%add3A_26] : memref<320000xi32, #tpu.memory_space<hbm>> -> memref<1000xi32, #tpu.memory_space<hbm>>
      %dma_start3A_82 = tpu.memref_slice %arg3[%add3A_26] : memref<320000xi32, #tpu.memory_space<hbm>> -> memref<1000xi32, #tpu.memory_space<hbm>>
      tpu.enqueue_dma source(%dma_start3A_82 : memref<1000xi32, #tpu.memory_space<hbm>>) target(%arg5 : memref<1000xi32, #tpu.memory_space<vmem>>) target_semaphore(%run_scoped3A : memref<!tpu.dma_semaphore, #tpu.memory_space<semaphore_mem>>)
      %dma_wait3A_83 = tpu.memref_slice %arg3[%add3A_26] : memref<320000xi32, #tpu.memory_space<hbm>> -> memref<1000xi32, #tpu.memory_space<hbm>>
      %dma_wait3A_84 = tpu.memref_slice %arg3[%add3A_26] : memref<320000xi32, #tpu.memory_space<hbm>> -> memref<1000xi32, #tpu.memory_space<hbm>>
      tpu.wait_dma2 semaphore(%run_scoped3A : memref<!tpu.dma_semaphore, #tpu.memory_space<semaphore_mem>>) src(%dma_wait3A_84 : memref<1000xi32, #tpu.memory_space<hbm>>) dst(%arg5 : memref<1000xi32, #tpu.memory_space<vmem>>)
      tpu.yield
    }) : () -> ()
    %dma_start3A_27 = arith.constant 0 : i32
    %dma_start3A_28 = arith.constant 0 : i32
    %dma_start3A_29 = tpu.memref_slice %arg2[%dma_start3A_27, %dma_start3A_28] : memref<10240x128xf32, #tpu.memory_space<hbm>> -> memref<10240x128xf32, #tpu.memory_space<hbm>>
    tpu.enqueue_indirect_dma source(%dma_start3A_29 : memref<10240x128xf32, #tpu.memory_space<hbm>>) target(%arg6 : memref<1000x128xf32, #tpu.memory_space<vmem>>) offsets(%arg5 : memref<1000xi32, #tpu.memory_space<vmem>>) semaphore(%arg7 : memref<!tpu.dma_semaphore, #tpu.memory_space<semaphore_mem>>)
    %dma_wait3A_30 = arith.constant 0 : i32
    %dma_wait3A_31 = arith.constant 0 : i32
    %dma_wait3A_32 = tpu.memref_slice %arg2[%dma_wait3A_30, %dma_wait3A_31] : memref<10240x128xf32, #tpu.memory_space<hbm>> -> memref<10240x128xf32, #tpu.memory_space<hbm>>
    tpu.wait_indirect_dma semaphore(%arg7 : memref<!tpu.dma_semaphore, #tpu.memory_space<semaphore_mem>>) src(%dma_wait3A_32 : memref<10240x128xf32, #tpu.memory_space<hbm>>) dst(%arg6 : memref<1000x128xf32, #tpu.memory_space<vmem>>)
    "tpu.region"() ({
      %run_scoped3A = tpu.sem_alloc : memref<!tpu.dma_semaphore, #tpu.memory_space<semaphore_mem>>
      %dma_start3A_81 = arith.constant 0 : i32
      %dma_start3A_82 = tpu.memref_slice %arg4[%add3A_26, %dma_start3A_81] : memref<320000x128xf32, #tpu.memory_space<hbm>> -> memref<1000x128xf32, #tpu.memory_space<hbm>>
      %dma_start3A_83 = arith.constant 0 : i32
      %dma_start3A_84 = tpu.memref_slice %arg4[%add3A_26, %dma_start3A_83] : memref<320000x128xf32, #tpu.memory_space<hbm>> -> memref<1000x128xf32, #tpu.memory_space<hbm>>
      tpu.enqueue_dma source(%arg6 : memref<1000x128xf32, #tpu.memory_space<vmem>>) target(%dma_start3A_84 : memref<1000x128xf32, #tpu.memory_space<hbm>>) target_semaphore(%run_scoped3A : memref<!tpu.dma_semaphore, #tpu.memory_space<semaphore_mem>>)
      %dma_wait3A_85 = arith.constant 0 : i32
      %dma_wait3A_86 = tpu.memref_slice %arg4[%add3A_26, %dma_wait3A_85] : memref<320000x128xf32, #tpu.memory_space<hbm>> -> memref<1000x128xf32, #tpu.memory_space<hbm>>
      %dma_wait3A_87 = arith.constant 0 : i32
      %dma_wait3A_88 = tpu.memref_slice %arg4[%add3A_26, %dma_wait3A_87] : memref<320000x128xf32, #tpu.memory_space<hbm>> -> memref<1000x128xf32, #tpu.memory_space<hbm>>
      tpu.wait_dma2 semaphore(%run_scoped3A : memref<!tpu.dma_semaphore, #tpu.memory_space<semaphore_mem>>) src(%arg6 : memref<1000x128xf32, #tpu.memory_space<vmem>>) dst(%dma_wait3A_88 : memref<1000x128xf32, #tpu.memory_space<hbm>>)
      tpu.yield
    }) : () -> ()
    %add3A_33 = arith.constant 4000 : i32
    %add3A_34 = arith.addi %mul3A_2, %add3A_33 : i32
    "tpu.region"() ({
      %run_scoped3A = tpu.sem_alloc : memref<!tpu.dma_semaphore, #tpu.memory_space<semaphore_mem>>
      %dma_start3A_81 = tpu.memref_slice %arg3[%add3A_34] : memref<320000xi32, #tpu.memory_space<hbm>> -> memref<1000xi32, #tpu.memory_space<hbm>>
      %dma_start3A_82 = tpu.memref_slice %arg3[%add3A_34] : memref<320000xi32, #tpu.memory_space<hbm>> -> memref<1000xi32, #tpu.memory_space<hbm>>
      tpu.enqueue_dma source(%dma_start3A_82 : memref<1000xi32, #tpu.memory_space<hbm>>) target(%arg5 : memref<1000xi32, #tpu.memory_space<vmem>>) target_semaphore(%run_scoped3A : memref<!tpu.dma_semaphore, #tpu.memory_space<semaphore_mem>>)
      %dma_wait3A_83 = tpu.memref_slice %arg3[%add3A_34] : memref<320000xi32, #tpu.memory_space<hbm>> -> memref<1000xi32, #tpu.memory_space<hbm>>
      %dma_wait3A_84 = tpu.memref_slice %arg3[%add3A_34] : memref<320000xi32, #tpu.memory_space<hbm>> -> memref<1000xi32, #tpu.memory_space<hbm>>
      tpu.wait_dma2 semaphore(%run_scoped3A : memref<!tpu.dma_semaphore, #tpu.memory_space<semaphore_mem>>) src(%dma_wait3A_84 : memref<1000xi32, #tpu.memory_space<hbm>>) dst(%arg5 : memref<1000xi32, #tpu.memory_space<vmem>>)
      tpu.yield
    }) : () -> ()
    %dma_start3A_35 = arith.constant 0 : i32
    %dma_start3A_36 = arith.constant 0 : i32
    %dma_start3A_37 = tpu.memref_slice %arg2[%dma_start3A_35, %dma_start3A_36] : memref<10240x128xf32, #tpu.memory_space<hbm>> -> memref<10240x128xf32, #tpu.memory_space<hbm>>
    tpu.enqueue_indirect_dma source(%dma_start3A_37 : memref<10240x128xf32, #tpu.memory_space<hbm>>) target(%arg6 : memref<1000x128xf32, #tpu.memory_space<vmem>>) offsets(%arg5 : memref<1000xi32, #tpu.memory_space<vmem>>) semaphore(%arg7 : memref<!tpu.dma_semaphore, #tpu.memory_space<semaphore_mem>>)
    %dma_wait3A_38 = arith.constant 0 : i32
    %dma_wait3A_39 = arith.constant 0 : i32
    %dma_wait3A_40 = tpu.memref_slice %arg2[%dma_wait3A_38, %dma_wait3A_39] : memref<10240x128xf32, #tpu.memory_space<hbm>> -> memref<10240x128xf32, #tpu.memory_space<hbm>>
    tpu.wait_indirect_dma semaphore(%arg7 : memref<!tpu.dma_semaphore, #tpu.memory_space<semaphore_mem>>) src(%dma_wait3A_40 : memref<10240x128xf32, #tpu.memory_space<hbm>>) dst(%arg6 : memref<1000x128xf32, #tpu.memory_space<vmem>>)
    "tpu.region"() ({
      %run_scoped3A = tpu.sem_alloc : memref<!tpu.dma_semaphore, #tpu.memory_space<semaphore_mem>>
      %dma_start3A_81 = arith.constant 0 : i32
      %dma_start3A_82 = tpu.memref_slice %arg4[%add3A_34, %dma_start3A_81] : memref<320000x128xf32, #tpu.memory_space<hbm>> -> memref<1000x128xf32, #tpu.memory_space<hbm>>
      %dma_start3A_83 = arith.constant 0 : i32
      %dma_start3A_84 = tpu.memref_slice %arg4[%add3A_34, %dma_start3A_83] : memref<320000x128xf32, #tpu.memory_space<hbm>> -> memref<1000x128xf32, #tpu.memory_space<hbm>>
      tpu.enqueue_dma source(%arg6 : memref<1000x128xf32, #tpu.memory_space<vmem>>) target(%dma_start3A_84 : memref<1000x128xf32, #tpu.memory_space<hbm>>) target_semaphore(%run_scoped3A : memref<!tpu.dma_semaphore, #tpu.memory_space<semaphore_mem>>)
      %dma_wait3A_85 = arith.constant 0 : i32
      %dma_wait3A_86 = tpu.memref_slice %arg4[%add3A_34, %dma_wait3A_85] : memref<320000x128xf32, #tpu.memory_space<hbm>> -> memref<1000x128xf32, #tpu.memory_space<hbm>>
      %dma_wait3A_87 = arith.constant 0 : i32
      %dma_wait3A_88 = tpu.memref_slice %arg4[%add3A_34, %dma_wait3A_87] : memref<320000x128xf32, #tpu.memory_space<hbm>> -> memref<1000x128xf32, #tpu.memory_space<hbm>>
      tpu.wait_dma2 semaphore(%run_scoped3A : memref<!tpu.dma_semaphore, #tpu.memory_space<semaphore_mem>>) src(%arg6 : memref<1000x128xf32, #tpu.memory_space<vmem>>) dst(%dma_wait3A_88 : memref<1000x128xf32, #tpu.memory_space<hbm>>)
      tpu.yield
    }) : () -> ()
    %add3A_41 = arith.constant 5000 : i32
    %add3A_42 = arith.addi %mul3A_2, %add3A_41 : i32
    "tpu.region"() ({
      %run_scoped3A = tpu.sem_alloc : memref<!tpu.dma_semaphore, #tpu.memory_space<semaphore_mem>>
      %dma_start3A_81 = tpu.memref_slice %arg3[%add3A_42] : memref<320000xi32, #tpu.memory_space<hbm>> -> memref<1000xi32, #tpu.memory_space<hbm>>
      %dma_start3A_82 = tpu.memref_slice %arg3[%add3A_42] : memref<320000xi32, #tpu.memory_space<hbm>> -> memref<1000xi32, #tpu.memory_space<hbm>>
      tpu.enqueue_dma source(%dma_start3A_82 : memref<1000xi32, #tpu.memory_space<hbm>>) target(%arg5 : memref<1000xi32, #tpu.memory_space<vmem>>) target_semaphore(%run_scoped3A : memref<!tpu.dma_semaphore, #tpu.memory_space<semaphore_mem>>)
      %dma_wait3A_83 = tpu.memref_slice %arg3[%add3A_42] : memref<320000xi32, #tpu.memory_space<hbm>> -> memref<1000xi32, #tpu.memory_space<hbm>>
      %dma_wait3A_84 = tpu.memref_slice %arg3[%add3A_42] : memref<320000xi32, #tpu.memory_space<hbm>> -> memref<1000xi32, #tpu.memory_space<hbm>>
      tpu.wait_dma2 semaphore(%run_scoped3A : memref<!tpu.dma_semaphore, #tpu.memory_space<semaphore_mem>>) src(%dma_wait3A_84 : memref<1000xi32, #tpu.memory_space<hbm>>) dst(%arg5 : memref<1000xi32, #tpu.memory_space<vmem>>)
      tpu.yield
    }) : () -> ()
    %dma_start3A_43 = arith.constant 0 : i32
    %dma_start3A_44 = arith.constant 0 : i32
    %dma_start3A_45 = tpu.memref_slice %arg2[%dma_start3A_43, %dma_start3A_44] : memref<10240x128xf32, #tpu.memory_space<hbm>> -> memref<10240x128xf32, #tpu.memory_space<hbm>>
    tpu.enqueue_indirect_dma source(%dma_start3A_45 : memref<10240x128xf32, #tpu.memory_space<hbm>>) target(%arg6 : memref<1000x128xf32, #tpu.memory_space<vmem>>) offsets(%arg5 : memref<1000xi32, #tpu.memory_space<vmem>>) semaphore(%arg7 : memref<!tpu.dma_semaphore, #tpu.memory_space<semaphore_mem>>)
    %dma_wait3A_46 = arith.constant 0 : i32
    %dma_wait3A_47 = arith.constant 0 : i32
    %dma_wait3A_48 = tpu.memref_slice %arg2[%dma_wait3A_46, %dma_wait3A_47] : memref<10240x128xf32, #tpu.memory_space<hbm>> -> memref<10240x128xf32, #tpu.memory_space<hbm>>
    tpu.wait_indirect_dma semaphore(%arg7 : memref<!tpu.dma_semaphore, #tpu.memory_space<semaphore_mem>>) src(%dma_wait3A_48 : memref<10240x128xf32, #tpu.memory_space<hbm>>) dst(%arg6 : memref<1000x128xf32, #tpu.memory_space<vmem>>)
    "tpu.region"() ({
      %run_scoped3A = tpu.sem_alloc : memref<!tpu.dma_semaphore, #tpu.memory_space<semaphore_mem>>
      %dma_start3A_81 = arith.constant 0 : i32
      %dma_start3A_82 = tpu.memref_slice %arg4[%add3A_42, %dma_start3A_81] : memref<320000x128xf32, #tpu.memory_space<hbm>> -> memref<1000x128xf32, #tpu.memory_space<hbm>>
      %dma_start3A_83 = arith.constant 0 : i32
      %dma_start3A_84 = tpu.memref_slice %arg4[%add3A_42, %dma_start3A_83] : memref<320000x128xf32, #tpu.memory_space<hbm>> -> memref<1000x128xf32, #tpu.memory_space<hbm>>
      tpu.enqueue_dma source(%arg6 : memref<1000x128xf32, #tpu.memory_space<vmem>>) target(%dma_start3A_84 : memref<1000x128xf32, #tpu.memory_space<hbm>>) target_semaphore(%run_scoped3A : memref<!tpu.dma_semaphore, #tpu.memory_space<semaphore_mem>>)
      %dma_wait3A_85 = arith.constant 0 : i32
      %dma_wait3A_86 = tpu.memref_slice %arg4[%add3A_42, %dma_wait3A_85] : memref<320000x128xf32, #tpu.memory_space<hbm>> -> memref<1000x128xf32, #tpu.memory_space<hbm>>
      %dma_wait3A_87 = arith.constant 0 : i32
      %dma_wait3A_88 = tpu.memref_slice %arg4[%add3A_42, %dma_wait3A_87] : memref<320000x128xf32, #tpu.memory_space<hbm>> -> memref<1000x128xf32, #tpu.memory_space<hbm>>
      tpu.wait_dma2 semaphore(%run_scoped3A : memref<!tpu.dma_semaphore, #tpu.memory_space<semaphore_mem>>) src(%arg6 : memref<1000x128xf32, #tpu.memory_space<vmem>>) dst(%dma_wait3A_88 : memref<1000x128xf32, #tpu.memory_space<hbm>>)
      tpu.yield
    }) : () -> ()
    %add3A_49 = arith.constant 6000 : i32
    %add3A_50 = arith.addi %mul3A_2, %add3A_49 : i32
    "tpu.region"() ({
      %run_scoped3A = tpu.sem_alloc : memref<!tpu.dma_semaphore, #tpu.memory_space<semaphore_mem>>
      %dma_start3A_81 = tpu.memref_slice %arg3[%add3A_50] : memref<320000xi32, #tpu.memory_space<hbm>> -> memref<1000xi32, #tpu.memory_space<hbm>>
      %dma_start3A_82 = tpu.memref_slice %arg3[%add3A_50] : memref<320000xi32, #tpu.memory_space<hbm>> -> memref<1000xi32, #tpu.memory_space<hbm>>
      tpu.enqueue_dma source(%dma_start3A_82 : memref<1000xi32, #tpu.memory_space<hbm>>) target(%arg5 : memref<1000xi32, #tpu.memory_space<vmem>>) target_semaphore(%run_scoped3A : memref<!tpu.dma_semaphore, #tpu.memory_space<semaphore_mem>>)
      %dma_wait3A_83 = tpu.memref_slice %arg3[%add3A_50] : memref<320000xi32, #tpu.memory_space<hbm>> -> memref<1000xi32, #tpu.memory_space<hbm>>
      %dma_wait3A_84 = tpu.memref_slice %arg3[%add3A_50] : memref<320000xi32, #tpu.memory_space<hbm>> -> memref<1000xi32, #tpu.memory_space<hbm>>
      tpu.wait_dma2 semaphore(%run_scoped3A : memref<!tpu.dma_semaphore, #tpu.memory_space<semaphore_mem>>) src(%dma_wait3A_84 : memref<1000xi32, #tpu.memory_space<hbm>>) dst(%arg5 : memref<1000xi32, #tpu.memory_space<vmem>>)
      tpu.yield
    }) : () -> ()
    %dma_start3A_51 = arith.constant 0 : i32
    %dma_start3A_52 = arith.constant 0 : i32
    %dma_start3A_53 = tpu.memref_slice %arg2[%dma_start3A_51, %dma_start3A_52] : memref<10240x128xf32, #tpu.memory_space<hbm>> -> memref<10240x128xf32, #tpu.memory_space<hbm>>
    tpu.enqueue_indirect_dma source(%dma_start3A_53 : memref<10240x128xf32, #tpu.memory_space<hbm>>) target(%arg6 : memref<1000x128xf32, #tpu.memory_space<vmem>>) offsets(%arg5 : memref<1000xi32, #tpu.memory_space<vmem>>) semaphore(%arg7 : memref<!tpu.dma_semaphore, #tpu.memory_space<semaphore_mem>>)
    %dma_wait3A_54 = arith.constant 0 : i32
    %dma_wait3A_55 = arith.constant 0 : i32
    %dma_wait3A_56 = tpu.memref_slice %arg2[%dma_wait3A_54, %dma_wait3A_55] : memref<10240x128xf32, #tpu.memory_space<hbm>> -> memref<10240x128xf32, #tpu.memory_space<hbm>>
    tpu.wait_indirect_dma semaphore(%arg7 : memref<!tpu.dma_semaphore, #tpu.memory_space<semaphore_mem>>) src(%dma_wait3A_56 : memref<10240x128xf32, #tpu.memory_space<hbm>>) dst(%arg6 : memref<1000x128xf32, #tpu.memory_space<vmem>>)
    "tpu.region"() ({
      %run_scoped3A = tpu.sem_alloc : memref<!tpu.dma_semaphore, #tpu.memory_space<semaphore_mem>>
      %dma_start3A_81 = arith.constant 0 : i32
      %dma_start3A_82 = tpu.memref_slice %arg4[%add3A_50, %dma_start3A_81] : memref<320000x128xf32, #tpu.memory_space<hbm>> -> memref<1000x128xf32, #tpu.memory_space<hbm>>
      %dma_start3A_83 = arith.constant 0 : i32
      %dma_start3A_84 = tpu.memref_slice %arg4[%add3A_50, %dma_start3A_83] : memref<320000x128xf32, #tpu.memory_space<hbm>> -> memref<1000x128xf32, #tpu.memory_space<hbm>>
      tpu.enqueue_dma source(%arg6 : memref<1000x128xf32, #tpu.memory_space<vmem>>) target(%dma_start3A_84 : memref<1000x128xf32, #tpu.memory_space<hbm>>) target_semaphore(%run_scoped3A : memref<!tpu.dma_semaphore, #tpu.memory_space<semaphore_mem>>)
      %dma_wait3A_85 = arith.constant 0 : i32
      %dma_wait3A_86 = tpu.memref_slice %arg4[%add3A_50, %dma_wait3A_85] : memref<320000x128xf32, #tpu.memory_space<hbm>> -> memref<1000x128xf32, #tpu.memory_space<hbm>>
      %dma_wait3A_87 = arith.constant 0 : i32
      %dma_wait3A_88 = tpu.memref_slice %arg4[%add3A_50, %dma_wait3A_87] : memref<320000x128xf32, #tpu.memory_space<hbm>> -> memref<1000x128xf32, #tpu.memory_space<hbm>>
      tpu.wait_dma2 semaphore(%run_scoped3A : memref<!tpu.dma_semaphore, #tpu.memory_space<semaphore_mem>>) src(%arg6 : memref<1000x128xf32, #tpu.memory_space<vmem>>) dst(%dma_wait3A_88 : memref<1000x128xf32, #tpu.memory_space<hbm>>)
      tpu.yield
    }) : () -> ()
    %add3A_57 = arith.constant 7000 : i32
    %add3A_58 = arith.addi %mul3A_2, %add3A_57 : i32
    "tpu.region"() ({
      %run_scoped3A = tpu.sem_alloc : memref<!tpu.dma_semaphore, #tpu.memory_space<semaphore_mem>>
      %dma_start3A_81 = tpu.memref_slice %arg3[%add3A_58] : memref<320000xi32, #tpu.memory_space<hbm>> -> memref<1000xi32, #tpu.memory_space<hbm>>
      %dma_start3A_82 = tpu.memref_slice %arg3[%add3A_58] : memref<320000xi32, #tpu.memory_space<hbm>> -> memref<1000xi32, #tpu.memory_space<hbm>>
      tpu.enqueue_dma source(%dma_start3A_82 : memref<1000xi32, #tpu.memory_space<hbm>>) target(%arg5 : memref<1000xi32, #tpu.memory_space<vmem>>) target_semaphore(%run_scoped3A : memref<!tpu.dma_semaphore, #tpu.memory_space<semaphore_mem>>)
      %dma_wait3A_83 = tpu.memref_slice %arg3[%add3A_58] : memref<320000xi32, #tpu.memory_space<hbm>> -> memref<1000xi32, #tpu.memory_space<hbm>>
      %dma_wait3A_84 = tpu.memref_slice %arg3[%add3A_58] : memref<320000xi32, #tpu.memory_space<hbm>> -> memref<1000xi32, #tpu.memory_space<hbm>>
      tpu.wait_dma2 semaphore(%run_scoped3A : memref<!tpu.dma_semaphore, #tpu.memory_space<semaphore_mem>>) src(%dma_wait3A_84 : memref<1000xi32, #tpu.memory_space<hbm>>) dst(%arg5 : memref<1000xi32, #tpu.memory_space<vmem>>)
      tpu.yield
    }) : () -> ()
    %dma_start3A_59 = arith.constant 0 : i32
    %dma_start3A_60 = arith.constant 0 : i32
    %dma_start3A_61 = tpu.memref_slice %arg2[%dma_start3A_59, %dma_start3A_60] : memref<10240x128xf32, #tpu.memory_space<hbm>> -> memref<10240x128xf32, #tpu.memory_space<hbm>>
    tpu.enqueue_indirect_dma source(%dma_start3A_61 : memref<10240x128xf32, #tpu.memory_space<hbm>>) target(%arg6 : memref<1000x128xf32, #tpu.memory_space<vmem>>) offsets(%arg5 : memref<1000xi32, #tpu.memory_space<vmem>>) semaphore(%arg7 : memref<!tpu.dma_semaphore, #tpu.memory_space<semaphore_mem>>)
    %dma_wait3A_62 = arith.constant 0 : i32
    %dma_wait3A_63 = arith.constant 0 : i32
    %dma_wait3A_64 = tpu.memref_slice %arg2[%dma_wait3A_62, %dma_wait3A_63] : memref<10240x128xf32, #tpu.memory_space<hbm>> -> memref<10240x128xf32, #tpu.memory_space<hbm>>
    tpu.wait_indirect_dma semaphore(%arg7 : memref<!tpu.dma_semaphore, #tpu.memory_space<semaphore_mem>>) src(%dma_wait3A_64 : memref<10240x128xf32, #tpu.memory_space<hbm>>) dst(%arg6 : memref<1000x128xf32, #tpu.memory_space<vmem>>)
    "tpu.region"() ({
      %run_scoped3A = tpu.sem_alloc : memref<!tpu.dma_semaphore, #tpu.memory_space<semaphore_mem>>
      %dma_start3A_81 = arith.constant 0 : i32
      %dma_start3A_82 = tpu.memref_slice %arg4[%add3A_58, %dma_start3A_81] : memref<320000x128xf32, #tpu.memory_space<hbm>> -> memref<1000x128xf32, #tpu.memory_space<hbm>>
      %dma_start3A_83 = arith.constant 0 : i32
      %dma_start3A_84 = tpu.memref_slice %arg4[%add3A_58, %dma_start3A_83] : memref<320000x128xf32, #tpu.memory_space<hbm>> -> memref<1000x128xf32, #tpu.memory_space<hbm>>
      tpu.enqueue_dma source(%arg6 : memref<1000x128xf32, #tpu.memory_space<vmem>>) target(%dma_start3A_84 : memref<1000x128xf32, #tpu.memory_space<hbm>>) target_semaphore(%run_scoped3A : memref<!tpu.dma_semaphore, #tpu.memory_space<semaphore_mem>>)
      %dma_wait3A_85 = arith.constant 0 : i32
      %dma_wait3A_86 = tpu.memref_slice %arg4[%add3A_58, %dma_wait3A_85] : memref<320000x128xf32, #tpu.memory_space<hbm>> -> memref<1000x128xf32, #tpu.memory_space<hbm>>
      %dma_wait3A_87 = arith.constant 0 : i32
      %dma_wait3A_88 = tpu.memref_slice %arg4[%add3A_58, %dma_wait3A_87] : memref<320000x128xf32, #tpu.memory_space<hbm>> -> memref<1000x128xf32, #tpu.memory_space<hbm>>
      tpu.wait_dma2 semaphore(%run_scoped3A : memref<!tpu.dma_semaphore, #tpu.memory_space<semaphore_mem>>) src(%arg6 : memref<1000x128xf32, #tpu.memory_space<vmem>>) dst(%dma_wait3A_88 : memref<1000x128xf32, #tpu.memory_space<hbm>>)
      tpu.yield
    }) : () -> ()
    %add3A_65 = arith.constant 8000 : i32
    %add3A_66 = arith.addi %mul3A_2, %add3A_65 : i32
    "tpu.region"() ({
      %run_scoped3A = tpu.sem_alloc : memref<!tpu.dma_semaphore, #tpu.memory_space<semaphore_mem>>
      %dma_start3A_81 = tpu.memref_slice %arg3[%add3A_66] : memref<320000xi32, #tpu.memory_space<hbm>> -> memref<1000xi32, #tpu.memory_space<hbm>>
      %dma_start3A_82 = tpu.memref_slice %arg3[%add3A_66] : memref<320000xi32, #tpu.memory_space<hbm>> -> memref<1000xi32, #tpu.memory_space<hbm>>
      tpu.enqueue_dma source(%dma_start3A_82 : memref<1000xi32, #tpu.memory_space<hbm>>) target(%arg5 : memref<1000xi32, #tpu.memory_space<vmem>>) target_semaphore(%run_scoped3A : memref<!tpu.dma_semaphore, #tpu.memory_space<semaphore_mem>>)
      %dma_wait3A_83 = tpu.memref_slice %arg3[%add3A_66] : memref<320000xi32, #tpu.memory_space<hbm>> -> memref<1000xi32, #tpu.memory_space<hbm>>
      %dma_wait3A_84 = tpu.memref_slice %arg3[%add3A_66] : memref<320000xi32, #tpu.memory_space<hbm>> -> memref<1000xi32, #tpu.memory_space<hbm>>
      tpu.wait_dma2 semaphore(%run_scoped3A : memref<!tpu.dma_semaphore, #tpu.memory_space<semaphore_mem>>) src(%dma_wait3A_84 : memref<1000xi32, #tpu.memory_space<hbm>>) dst(%arg5 : memref<1000xi32, #tpu.memory_space<vmem>>)
      tpu.yield
    }) : () -> ()
    %dma_start3A_67 = arith.constant 0 : i32
    %dma_start3A_68 = arith.constant 0 : i32
    %dma_start3A_69 = tpu.memref_slice %arg2[%dma_start3A_67, %dma_start3A_68] : memref<10240x128xf32, #tpu.memory_space<hbm>> -> memref<10240x128xf32, #tpu.memory_space<hbm>>
    tpu.enqueue_indirect_dma source(%dma_start3A_69 : memref<10240x128xf32, #tpu.memory_space<hbm>>) target(%arg6 : memref<1000x128xf32, #tpu.memory_space<vmem>>) offsets(%arg5 : memref<1000xi32, #tpu.memory_space<vmem>>) semaphore(%arg7 : memref<!tpu.dma_semaphore, #tpu.memory_space<semaphore_mem>>)
    %dma_wait3A_70 = arith.constant 0 : i32
    %dma_wait3A_71 = arith.constant 0 : i32
    %dma_wait3A_72 = tpu.memref_slice %arg2[%dma_wait3A_70, %dma_wait3A_71] : memref<10240x128xf32, #tpu.memory_space<hbm>> -> memref<10240x128xf32, #tpu.memory_space<hbm>>
    tpu.wait_indirect_dma semaphore(%arg7 : memref<!tpu.dma_semaphore, #tpu.memory_space<semaphore_mem>>) src(%dma_wait3A_72 : memref<10240x128xf32, #tpu.memory_space<hbm>>) dst(%arg6 : memref<1000x128xf32, #tpu.memory_space<vmem>>)
    "tpu.region"() ({
      %run_scoped3A = tpu.sem_alloc : memref<!tpu.dma_semaphore, #tpu.memory_space<semaphore_mem>>
      %dma_start3A_81 = arith.constant 0 : i32
      %dma_start3A_82 = tpu.memref_slice %arg4[%add3A_66, %dma_start3A_81] : memref<320000x128xf32, #tpu.memory_space<hbm>> -> memref<1000x128xf32, #tpu.memory_space<hbm>>
      %dma_start3A_83 = arith.constant 0 : i32
      %dma_start3A_84 = tpu.memref_slice %arg4[%add3A_66, %dma_start3A_83] : memref<320000x128xf32, #tpu.memory_space<hbm>> -> memref<1000x128xf32, #tpu.memory_space<hbm>>
      tpu.enqueue_dma source(%arg6 : memref<1000x128xf32, #tpu.memory_space<vmem>>) target(%dma_start3A_84 : memref<1000x128xf32, #tpu.memory_space<hbm>>) target_semaphore(%run_scoped3A : memref<!tpu.dma_semaphore, #tpu.memory_space<semaphore_mem>>)
      %dma_wait3A_85 = arith.constant 0 : i32
      %dma_wait3A_86 = tpu.memref_slice %arg4[%add3A_66, %dma_wait3A_85] : memref<320000x128xf32, #tpu.memory_space<hbm>> -> memref<1000x128xf32, #tpu.memory_space<hbm>>
      %dma_wait3A_87 = arith.constant 0 : i32
      %dma_wait3A_88 = tpu.memref_slice %arg4[%add3A_66, %dma_wait3A_87] : memref<320000x128xf32, #tpu.memory_space<hbm>> -> memref<1000x128xf32, #tpu.memory_space<hbm>>
      tpu.wait_dma2 semaphore(%run_scoped3A : memref<!tpu.dma_semaphore, #tpu.memory_space<semaphore_mem>>) src(%arg6 : memref<1000x128xf32, #tpu.memory_space<vmem>>) dst(%dma_wait3A_88 : memref<1000x128xf32, #tpu.memory_space<hbm>>)
      tpu.yield
    }) : () -> ()
    %add3A_73 = arith.constant 9000 : i32
    %add3A_74 = arith.addi %mul3A_2, %add3A_73 : i32
    "tpu.region"() ({
      %run_scoped3A = tpu.sem_alloc : memref<!tpu.dma_semaphore, #tpu.memory_space<semaphore_mem>>
      %dma_start3A_81 = tpu.memref_slice %arg3[%add3A_74] : memref<320000xi32, #tpu.memory_space<hbm>> -> memref<1000xi32, #tpu.memory_space<hbm>>
      %dma_start3A_82 = tpu.memref_slice %arg3[%add3A_74] : memref<320000xi32, #tpu.memory_space<hbm>> -> memref<1000xi32, #tpu.memory_space<hbm>>
      tpu.enqueue_dma source(%dma_start3A_82 : memref<1000xi32, #tpu.memory_space<hbm>>) target(%arg5 : memref<1000xi32, #tpu.memory_space<vmem>>) target_semaphore(%run_scoped3A : memref<!tpu.dma_semaphore, #tpu.memory_space<semaphore_mem>>)
      %dma_wait3A_83 = tpu.memref_slice %arg3[%add3A_74] : memref<320000xi32, #tpu.memory_space<hbm>> -> memref<1000xi32, #tpu.memory_space<hbm>>
      %dma_wait3A_84 = tpu.memref_slice %arg3[%add3A_74] : memref<320000xi32, #tpu.memory_space<hbm>> -> memref<1000xi32, #tpu.memory_space<hbm>>
      tpu.wait_dma2 semaphore(%run_scoped3A : memref<!tpu.dma_semaphore, #tpu.memory_space<semaphore_mem>>) src(%dma_wait3A_84 : memref<1000xi32, #tpu.memory_space<hbm>>) dst(%arg5 : memref<1000xi32, #tpu.memory_space<vmem>>)
      tpu.yield
    }) : () -> ()
    %dma_start3A_75 = arith.constant 0 : i32
    %dma_start3A_76 = arith.constant 0 : i32
    %dma_start3A_77 = tpu.memref_slice %arg2[%dma_start3A_75, %dma_start3A_76] : memref<10240x128xf32, #tpu.memory_space<hbm>> -> memref<10240x128xf32, #tpu.memory_space<hbm>>
    tpu.enqueue_indirect_dma source(%dma_start3A_77 : memref<10240x128xf32, #tpu.memory_space<hbm>>) target(%arg6 : memref<1000x128xf32, #tpu.memory_space<vmem>>) offsets(%arg5 : memref<1000xi32, #tpu.memory_space<vmem>>) semaphore(%arg7 : memref<!tpu.dma_semaphore, #tpu.memory_space<semaphore_mem>>)
    %dma_wait3A_78 = arith.constant 0 : i32
    %dma_wait3A_79 = arith.constant 0 : i32
    %dma_wait3A_80 = tpu.memref_slice %arg2[%dma_wait3A_78, %dma_wait3A_79] : memref<10240x128xf32, #tpu.memory_space<hbm>> -> memref<10240x128xf32, #tpu.memory_space<hbm>>
    tpu.wait_indirect_dma semaphore(%arg7 : memref<!tpu.dma_semaphore, #tpu.memory_space<semaphore_mem>>) src(%dma_wait3A_80 : memref<10240x128xf32, #tpu.memory_space<hbm>>) dst(%arg6 : memref<1000x128xf32, #tpu.memory_space<vmem>>)
    "tpu.region"() ({
      %run_scoped3A = tpu.sem_alloc : memref<!tpu.dma_semaphore, #tpu.memory_space<semaphore_mem>>
      %dma_start3A_81 = arith.constant 0 : i32
      %dma_start3A_82 = tpu.memref_slice %arg4[%add3A_74, %dma_start3A_81] : memref<320000x128xf32, #tpu.memory_space<hbm>> -> memref<1000x128xf32, #tpu.memory_space<hbm>>
      %dma_start3A_83 = arith.constant 0 : i32
      %dma_start3A_84 = tpu.memref_slice %arg4[%add3A_74, %dma_start3A_83] : memref<320000x128xf32, #tpu.memory_space<hbm>> -> memref<1000x128xf32, #tpu.memory_space<hbm>>
      tpu.enqueue_dma source(%arg6 : memref<1000x128xf32, #tpu.memory_space<vmem>>) target(%dma_start3A_84 : memref<1000x128xf32, #tpu.memory_space<hbm>>) target_semaphore(%run_scoped3A : memref<!tpu.dma_semaphore, #tpu.memory_space<semaphore_mem>>)
      %dma_wait3A_85 = arith.constant 0 : i32
      %dma_wait3A_86 = tpu.memref_slice %arg4[%add3A_74, %dma_wait3A_85] : memref<320000x128xf32, #tpu.memory_space<hbm>> -> memref<1000x128xf32, #tpu.memory_space<hbm>>
      %dma_wait3A_87 = arith.constant 0 : i32
      %dma_wait3A_88 = tpu.memref_slice %arg4[%add3A_74, %dma_wait3A_87] : memref<320000x128xf32, #tpu.memory_space<hbm>> -> memref<1000x128xf32, #tpu.memory_space<hbm>>
      tpu.wait_dma2 semaphore(%run_scoped3A : memref<!tpu.dma_semaphore, #tpu.memory_space<semaphore_mem>>) src(%arg6 : memref<1000x128xf32, #tpu.memory_space<vmem>>) dst(%dma_wait3A_88 : memref<1000x128xf32, #tpu.memory_space<hbm>>)
      tpu.yield
    }) : () -> ()
    return
  }
}

module attributes {stable_mosaic.version = 14 : i64} {
  func.func @_node_kernel(%arg0: i32, %arg1: memref<1024x128xf32, #tpu.memory_space<vmem>>, %arg2: memref<1024x4xf32, #tpu.memory_space<vmem>>, %arg3: memref<128x16xf32, #tpu.memory_space<vmem>>, %arg4: memref<128x16xf32, #tpu.memory_space<vmem>>, %arg5: memref<1x16xf32, #tpu.memory_space<vmem>>, %arg6: memref<4x4xf32, #tpu.memory_space<vmem>>, %arg7: memref<1x4xf32, #tpu.memory_space<vmem>>, %arg8: memref<4x5xf32, #tpu.memory_space<vmem>>, %arg9: memref<1x5xf32, #tpu.memory_space<vmem>>, %arg10: memref<5x4xf32, #tpu.memory_space<vmem>>, %arg11: memref<1x4xf32, #tpu.memory_space<vmem>>, %arg12: memref<4x4xf32, #tpu.memory_space<vmem>>, %arg13: memref<1x4xf32, #tpu.memory_space<vmem>>, %arg14: memref<1024x128xf32, #tpu.memory_space<vmem>>) attributes {dimension_semantics = [#tpu.dimension_semantics<arbitrary>], iteration_bounds = array<i64: 10>, scalar_prefetch = 0 : i64, scratch_operands = 0 : i64, tpu.core_type = #tpu.core_type<tc>, window_params = [{transform_indices = @transform_0, window_bounds = array<i64: 1024, 128>}, {transform_indices = @transform_1, window_bounds = array<i64: 1024, 4>}, {pipeline_mode = #tpu.pipeline_mode<synchronous>, transform_indices = @transform_2, window_bounds = array<i64: 128, 16>}, {pipeline_mode = #tpu.pipeline_mode<synchronous>, transform_indices = @transform_3, window_bounds = array<i64: 128, 16>}, {pipeline_mode = #tpu.pipeline_mode<synchronous>, transform_indices = @transform_4, window_bounds = array<i64: 1, 16>}, {pipeline_mode = #tpu.pipeline_mode<synchronous>, transform_indices = @transform_5, window_bounds = array<i64: 4, 4>}, {pipeline_mode = #tpu.pipeline_mode<synchronous>, transform_indices = @transform_6, window_bounds = array<i64: 1, 4>}, {pipeline_mode = #tpu.pipeline_mode<synchronous>, transform_indices = @transform_7, window_bounds = array<i64: 4, 5>}, {pipeline_mode = #tpu.pipeline_mode<synchronous>, transform_indices = @transform_8, window_bounds = array<i64: 1, 5>}, {pipeline_mode = #tpu.pipeline_mode<synchronous>, transform_indices = @transform_9, window_bounds = array<i64: 5, 4>}, {pipeline_mode = #tpu.pipeline_mode<synchronous>, transform_indices = @transform_10, window_bounds = array<i64: 1, 4>}, {pipeline_mode = #tpu.pipeline_mode<synchronous>, transform_indices = @transform_11, window_bounds = array<i64: 4, 4>}, {pipeline_mode = #tpu.pipeline_mode<synchronous>, transform_indices = @transform_12, window_bounds = array<i64: 1, 4>}, {transform_indices = @transform_13, window_bounds = array<i64: 1024, 128>}]} {
    %get3A = arith.constant 0 : index
    %get3A_0 = arith.constant 0 : index
    %get3A_1 = vector.load %arg6[%get3A, %get3A_0] : memref<4x4xf32, #tpu.memory_space<vmem>>, vector<4x4xf32>
    %get3A_2 = arith.constant 0 : index
    %get3A_3 = arith.constant 0 : index
    %get3A_4 = vector.load %arg7[%get3A_2, %get3A_3] : memref<1x4xf32, #tpu.memory_space<vmem>>, vector<1x4xf32>
    %get3A_5 = arith.constant 0 : index
    %get3A_6 = arith.constant 0 : index
    %get3A_7 = vector.load %arg8[%get3A_5, %get3A_6] : memref<4x5xf32, #tpu.memory_space<vmem>>, vector<4x5xf32>
    %get3A_8 = arith.constant 0 : index
    %get3A_9 = arith.constant 0 : index
    %get3A_10 = vector.load %arg9[%get3A_8, %get3A_9] : memref<1x5xf32, #tpu.memory_space<vmem>>, vector<1x5xf32>
    %get3A_11 = arith.constant 0 : index
    %get3A_12 = arith.constant 0 : index
    %get3A_13 = vector.load %arg10[%get3A_11, %get3A_12] : memref<5x4xf32, #tpu.memory_space<vmem>>, vector<5x4xf32>
    %get3A_14 = arith.constant 0 : index
    %get3A_15 = arith.constant 0 : index
    %get3A_16 = vector.load %arg11[%get3A_14, %get3A_15] : memref<1x4xf32, #tpu.memory_space<vmem>>, vector<1x4xf32>
    %get3A_17 = arith.constant 0 : index
    %get3A_18 = arith.constant 0 : index
    %get3A_19 = vector.load %arg12[%get3A_17, %get3A_18] : memref<4x4xf32, #tpu.memory_space<vmem>>, vector<4x4xf32>
    %get3A_20 = arith.constant 0 : index
    %get3A_21 = arith.constant 0 : index
    %get3A_22 = vector.load %arg13[%get3A_20, %get3A_21] : memref<1x4xf32, #tpu.memory_space<vmem>>, vector<1x4xf32>
    %get3A_23 = arith.constant 0 : index
    %get3A_24 = arith.constant 0 : index
    %get3A_25 = vector.load %arg1[%get3A_23, %get3A_24] : memref<1024x128xf32, #tpu.memory_space<vmem>>, vector<1024x128xf32>
    %get3A_26 = arith.constant 0 : index
    %get3A_27 = arith.constant 0 : index
    %get3A_28 = vector.load %arg2[%get3A_26, %get3A_27] : memref<1024x4xf32, #tpu.memory_space<vmem>>, vector<1024x4xf32>
    %get3A_29 = arith.constant 0 : index
    %get3A_30 = arith.constant 0 : index
    %get3A_31 = vector.load %arg3[%get3A_29, %get3A_30] : memref<128x16xf32, #tpu.memory_space<vmem>>, vector<128x16xf32>
    %dot_general3A = arith.constant dense<0.000000e+00> : vector<1024x16xf32>
    %dot_general3A_32 = tpu.matmul %get3A_25, %get3A_31, %dot_general3A {dimension_numbers = #tpu.dot_dimension_numbers<[1], [0], [0], [1], [0, 0, 1, 1], [], []>, transpose_lhs_hint = false} : vector<1024x128xf32>, vector<128x16xf32>, vector<1024x16xf32> -> vector<1024x16xf32>
    %get3A_33 = arith.constant 0 : index
    %get3A_34 = arith.constant 0 : index
    %get3A_35 = vector.load %arg4[%get3A_33, %get3A_34] : memref<128x16xf32, #tpu.memory_space<vmem>>, vector<128x16xf32>
    %dot_general3A_36 = arith.constant dense<0.000000e+00> : vector<1024x16xf32>
    %dot_general3A_37 = tpu.matmul %get3A_25, %get3A_35, %dot_general3A_36 {dimension_numbers = #tpu.dot_dimension_numbers<[1], [0], [0], [1], [0, 0, 1, 1], [], []>, transpose_lhs_hint = false} : vector<1024x128xf32>, vector<128x16xf32>, vector<1024x16xf32> -> vector<1024x16xf32>
    %get3A_38 = arith.constant 0 : index
    %get3A_39 = arith.constant 0 : index
    %get3A_40 = vector.load %arg5[%get3A_38, %get3A_39] : memref<1x16xf32, #tpu.memory_space<vmem>>, vector<1x16xf32>
    %add3A = vector.broadcast %get3A_40 : vector<1x16xf32> to vector<1024x16xf32>
    %add3A_41 = arith.addf %dot_general3A_37, %add3A : vector<1024x16xf32>
    %dot_general3A_42 = arith.constant dense<0.000000e+00> : vector<1024x4xf32>
    %dot_general3A_43 = tpu.matmul %get3A_28, %get3A_1, %dot_general3A_42 {dimension_numbers = #tpu.dot_dimension_numbers<[1], [0], [0], [1], [0, 0, 1, 1], [], []>, transpose_lhs_hint = false} : vector<1024x4xf32>, vector<4x4xf32>, vector<1024x4xf32> -> vector<1024x4xf32>
    %add3A_44 = vector.broadcast %get3A_4 : vector<1x4xf32> to vector<1024x4xf32>
    %add3A_45 = arith.addf %dot_general3A_43, %add3A_44 : vector<1024x4xf32>
    %max3A = arith.constant 0.000000e+00 : f32
    %max3A_46 = vector.broadcast %max3A : f32 to vector<1024x4xf32>
    %max3A_47 = arith.maximumf %add3A_45, %max3A_46 : vector<1024x4xf32>
    %dot_general3A_48 = arith.constant dense<0.000000e+00> : vector<1024x5xf32>
    %dot_general3A_49 = tpu.matmul %max3A_47, %get3A_7, %dot_general3A_48 {dimension_numbers = #tpu.dot_dimension_numbers<[1], [0], [0], [1], [0, 0, 1, 1], [], []>, transpose_lhs_hint = false} : vector<1024x4xf32>, vector<4x5xf32>, vector<1024x5xf32> -> vector<1024x5xf32>
    %add3A_50 = vector.broadcast %get3A_10 : vector<1x5xf32> to vector<1024x5xf32>
    %add3A_51 = arith.addf %dot_general3A_49, %add3A_50 : vector<1024x5xf32>
    %max3A_52 = arith.constant 0.000000e+00 : f32
    %max3A_53 = vector.broadcast %max3A_52 : f32 to vector<1024x5xf32>
    %max3A_54 = arith.maximumf %add3A_51, %max3A_53 : vector<1024x5xf32>
    %dot_general3A_55 = arith.constant dense<0.000000e+00> : vector<1024x4xf32>
    %dot_general3A_56 = tpu.matmul %max3A_54, %get3A_13, %dot_general3A_55 {dimension_numbers = #tpu.dot_dimension_numbers<[1], [0], [0], [1], [0, 0, 1, 1], [], []>, transpose_lhs_hint = false} : vector<1024x5xf32>, vector<5x4xf32>, vector<1024x4xf32> -> vector<1024x4xf32>
    %add3A_57 = vector.broadcast %get3A_16 : vector<1x4xf32> to vector<1024x4xf32>
    %add3A_58 = arith.addf %dot_general3A_56, %add3A_57 : vector<1024x4xf32>
    %max3A_59 = arith.constant 0.000000e+00 : f32
    %max3A_60 = vector.broadcast %max3A_59 : f32 to vector<1024x4xf32>
    %max3A_61 = arith.maximumf %add3A_58, %max3A_60 : vector<1024x4xf32>
    %dot_general3A_62 = arith.constant dense<0.000000e+00> : vector<1024x4xf32>
    %dot_general3A_63 = tpu.matmul %max3A_61, %get3A_19, %dot_general3A_62 {dimension_numbers = #tpu.dot_dimension_numbers<[1], [0], [0], [1], [0, 0, 1, 1], [], []>, transpose_lhs_hint = false} : vector<1024x4xf32>, vector<4x4xf32>, vector<1024x4xf32> -> vector<1024x4xf32>
    %add3A_64 = vector.broadcast %get3A_22 : vector<1x4xf32> to vector<1024x4xf32>
    %add3A_65 = arith.addf %dot_general3A_63, %add3A_64 : vector<1024x4xf32>
    %broadcast_in_dim3A = arith.constant 0.000000e+00 : f32
    %broadcast_in_dim3A_66 = vector.broadcast %broadcast_in_dim3A : f32 to vector<1024x88xf32>
    %concatenate3A = tpu.concatenate %dot_general3A_32, %add3A_41, %add3A_65, %get3A_28, %broadcast_in_dim3A_66 in 1 : vector<1024x16xf32>, vector<1024x16xf32>, vector<1024x4xf32>, vector<1024x4xf32>, vector<1024x88xf32> -> vector<1024x128xf32>
    %swap3A = arith.constant 0 : index
    %swap3A_67 = arith.constant 0 : index
    %swap3A_68 = vector.load %arg14[%swap3A, %swap3A_67] : memref<1024x128xf32, #tpu.memory_space<vmem>>, vector<1024x128xf32>
    tpu.vector_store %arg14[%swap3A, %swap3A_67], %concatenate3A {strides = array<i32>} : memref<1024x128xf32, #tpu.memory_space<vmem>>, vector<1024x128xf32>,
    return
  }
  func.func @transform_0(%arg0: i32) -> (i32, i32) {
    %c0_i32 = arith.constant 0 : i32
    %c0_i32_0 = arith.constant 0 : i32
    return %arg0, %c0_i32 : i32, i32
  }
  func.func @transform_1(%arg0: i32) -> (i32, i32) {
    %c0_i32 = arith.constant 0 : i32
    %c0_i32_0 = arith.constant 0 : i32
    return %arg0, %c0_i32 : i32, i32
  }
  func.func @transform_2(%arg0: i32) -> (i32, i32) {
    %c0_i32 = arith.constant 0 : i32
    %c0_i32_0 = arith.constant 0 : i32
    %c0_i32_1 = arith.constant 0 : i32
    return %c0_i32, %c0_i32_0 : i32, i32
  }
  func.func @transform_3(%arg0: i32) -> (i32, i32) {
    %c0_i32 = arith.constant 0 : i32
    %c0_i32_0 = arith.constant 0 : i32
    %c0_i32_1 = arith.constant 0 : i32
    return %c0_i32, %c0_i32_0 : i32, i32
  }
  func.func @transform_4(%arg0: i32) -> (i32, i32) {
    %c0_i32 = arith.constant 0 : i32
    %c0_i32_0 = arith.constant 0 : i32
    %c0_i32_1 = arith.constant 0 : i32
    return %c0_i32, %c0_i32_0 : i32, i32
  }
  func.func @transform_5(%arg0: i32) -> (i32, i32) {
    %c0_i32 = arith.constant 0 : i32
    %c0_i32_0 = arith.constant 0 : i32
    %c0_i32_1 = arith.constant 0 : i32
    return %c0_i32, %c0_i32_0 : i32, i32
  }
  func.func @transform_6(%arg0: i32) -> (i32, i32) {
    %c0_i32 = arith.constant 0 : i32
    %c0_i32_0 = arith.constant 0 : i32
    %c0_i32_1 = arith.constant 0 : i32
    return %c0_i32, %c0_i32_0 : i32, i32
  }
  func.func @transform_7(%arg0: i32) -> (i32, i32) {
    %c0_i32 = arith.constant 0 : i32
    %c0_i32_0 = arith.constant 0 : i32
    %c0_i32_1 = arith.constant 0 : i32
    return %c0_i32, %c0_i32_0 : i32, i32
  }
  func.func @transform_8(%arg0: i32) -> (i32, i32) {
    %c0_i32 = arith.constant 0 : i32
    %c0_i32_0 = arith.constant 0 : i32
    %c0_i32_1 = arith.constant 0 : i32
    return %c0_i32, %c0_i32_0 : i32, i32
  }
  func.func @transform_9(%arg0: i32) -> (i32, i32) {
    %c0_i32 = arith.constant 0 : i32
    %c0_i32_0 = arith.constant 0 : i32
    %c0_i32_1 = arith.constant 0 : i32
    return %c0_i32, %c0_i32_0 : i32, i32
  }
  func.func @transform_10(%arg0: i32) -> (i32, i32) {
    %c0_i32 = arith.constant 0 : i32
    %c0_i32_0 = arith.constant 0 : i32
    %c0_i32_1 = arith.constant 0 : i32
    return %c0_i32, %c0_i32_0 : i32, i32
  }
  func.func @transform_11(%arg0: i32) -> (i32, i32) {
    %c0_i32 = arith.constant 0 : i32
    %c0_i32_0 = arith.constant 0 : i32
    %c0_i32_1 = arith.constant 0 : i32
    return %c0_i32, %c0_i32_0 : i32, i32
  }
  func.func @transform_12(%arg0: i32) -> (i32, i32) {
    %c0_i32 = arith.constant 0 : i32
    %c0_i32_0 = arith.constant 0 : i32
    %c0_i32_1 = arith.constant 0 : i32
    return %c0_i32, %c0_i32_0 : i32, i32
  }
  func.func @transform_13(%arg0: i32) -> (i32, i32) {
    %c0_i32 = arith.constant 0 : i32
    %c0_i32_0 = arith.constant 0 : i32
    return %arg0, %c0_i32 : i32, i32
  }
}

module attributes {stable_mosaic.version = 14 : i64} {
  func.func @_edge_kernel(%arg0: i32, %arg1: memref<2000x128xf32, #tpu.memory_space<vmem>>, %arg2: memref<2000x128xf32, #tpu.memory_space<vmem>>, %arg3: memref<2000x8xf32, #tpu.memory_space<vmem>>, %arg4: memref<2000x1xi32, #tpu.memory_space<vmem>>, %arg5: memref<1x1x2000xi32, #tpu.memory_space<vmem>>, %arg6: memref<1x16xf32, #tpu.memory_space<vmem>>, %arg7: memref<4x4xf32, #tpu.memory_space<vmem>>, %arg8: memref<1x4xf32, #tpu.memory_space<vmem>>, %arg9: memref<4x5xf32, #tpu.memory_space<vmem>>, %arg10: memref<1x5xf32, #tpu.memory_space<vmem>>, %arg11: memref<5x4xf32, #tpu.memory_space<vmem>>, %arg12: memref<1x4xf32, #tpu.memory_space<vmem>>, %arg13: memref<4x4xf32, #tpu.memory_space<vmem>>, %arg14: memref<1x4xf32, #tpu.memory_space<vmem>>, %arg15: memref<43x4xf32, #tpu.memory_space<vmem>>, %arg16: memref<1x4xf32, #tpu.memory_space<vmem>>, %arg17: memref<4x5xf32, #tpu.memory_space<vmem>>, %arg18: memref<1x5xf32, #tpu.memory_space<vmem>>, %arg19: memref<5x4xf32, #tpu.memory_space<vmem>>, %arg20: memref<1x4xf32, #tpu.memory_space<vmem>>, %arg21: memref<4x1xf32, #tpu.memory_space<vmem>>, %arg22: memref<1x1xf32, #tpu.memory_space<vmem>>, %arg23: memref<10240x16xf32, #tpu.memory_space<vmem>>, %arg24: memref<10240x8xf32, #tpu.memory_space<vmem>>) attributes {dimension_semantics = [#tpu.dimension_semantics<arbitrary>], iteration_bounds = array<i64: 160>, scalar_prefetch = 0 : i64, scratch_operands = 0 : i64, tpu.core_type = #tpu.core_type<tc>, window_params = [{transform_indices = @transform_0, window_bounds = array<i64: 2000, 128>}, {transform_indices = @transform_1, window_bounds = array<i64: 2000, 128>}, {transform_indices = @transform_2, window_bounds = array<i64: 2000, 8>}, {transform_indices = @transform_3, window_bounds = array<i64: 2000, 1>}, {transform_indices = @transform_4, window_bounds = array<i64: 1, 1, 2000>}, {pipeline_mode = #tpu.pipeline_mode<synchronous>, transform_indices = @transform_5, window_bounds = array<i64: 1, 16>}, {pipeline_mode = #tpu.pipeline_mode<synchronous>, transform_indices = @transform_6, window_bounds = array<i64: 4, 4>}, {pipeline_mode = #tpu.pipeline_mode<synchronous>, transform_indices = @transform_7, window_bounds = array<i64: 1, 4>}, {pipeline_mode = #tpu.pipeline_mode<synchronous>, transform_indices = @transform_8, window_bounds = array<i64: 4, 5>}, {pipeline_mode = #tpu.pipeline_mode<synchronous>, transform_indices = @transform_9, window_bounds = array<i64: 1, 5>}, {pipeline_mode = #tpu.pipeline_mode<synchronous>, transform_indices = @transform_10, window_bounds = array<i64: 5, 4>}, {pipeline_mode = #tpu.pipeline_mode<synchronous>, transform_indices = @transform_11, window_bounds = array<i64: 1, 4>}, {pipeline_mode = #tpu.pipeline_mode<synchronous>, transform_indices = @transform_12, window_bounds = array<i64: 4, 4>}, {pipeline_mode = #tpu.pipeline_mode<synchronous>, transform_indices = @transform_13, window_bounds = array<i64: 1, 4>}, {pipeline_mode = #tpu.pipeline_mode<synchronous>, transform_indices = @transform_14, window_bounds = array<i64: 43, 4>}, {pipeline_mode = #tpu.pipeline_mode<synchronous>, transform_indices = @transform_15, window_bounds = array<i64: 1, 4>}, {pipeline_mode = #tpu.pipeline_mode<synchronous>, transform_indices = @transform_16, window_bounds = array<i64: 4, 5>}, {pipeline_mode = #tpu.pipeline_mode<synchronous>, transform_indices = @transform_17, window_bounds = array<i64: 1, 5>}, {pipeline_mode = #tpu.pipeline_mode<synchronous>, transform_indices = @transform_18, window_bounds = array<i64: 5, 4>}, {pipeline_mode = #tpu.pipeline_mode<synchronous>, transform_indices = @transform_19, window_bounds = array<i64: 1, 4>}, {pipeline_mode = #tpu.pipeline_mode<synchronous>, transform_indices = @transform_20, window_bounds = array<i64: 4, 1>}, {pipeline_mode = #tpu.pipeline_mode<synchronous>, transform_indices = @transform_21, window_bounds = array<i64: 1, 1>}, {pipeline_mode = #tpu.pipeline_mode<synchronous>, transform_indices = @transform_22, window_bounds = array<i64: 10240, 16>}, {pipeline_mode = #tpu.pipeline_mode<synchronous>, transform_indices = @transform_23, window_bounds = array<i64: 10240, 8>}]} {
    %get3A = arith.constant 0 : index
    %get3A_0 = arith.constant 0 : index
    %get3A_1 = vector.load %arg7[%get3A, %get3A_0] : memref<4x4xf32, #tpu.memory_space<vmem>>, vector<4x4xf32>
    %get3A_2 = arith.constant 0 : index
    %get3A_3 = arith.constant 0 : index
    %get3A_4 = vector.load %arg8[%get3A_2, %get3A_3] : memref<1x4xf32, #tpu.memory_space<vmem>>, vector<1x4xf32>
    %get3A_5 = arith.constant 0 : index
    %get3A_6 = arith.constant 0 : index
    %get3A_7 = vector.load %arg9[%get3A_5, %get3A_6] : memref<4x5xf32, #tpu.memory_space<vmem>>, vector<4x5xf32>
    %get3A_8 = arith.constant 0 : index
    %get3A_9 = arith.constant 0 : index
    %get3A_10 = vector.load %arg10[%get3A_8, %get3A_9] : memref<1x5xf32, #tpu.memory_space<vmem>>, vector<1x5xf32>
    %get3A_11 = arith.constant 0 : index
    %get3A_12 = arith.constant 0 : index
    %get3A_13 = vector.load %arg11[%get3A_11, %get3A_12] : memref<5x4xf32, #tpu.memory_space<vmem>>, vector<5x4xf32>
    %get3A_14 = arith.constant 0 : index
    %get3A_15 = arith.constant 0 : index
    %get3A_16 = vector.load %arg12[%get3A_14, %get3A_15] : memref<1x4xf32, #tpu.memory_space<vmem>>, vector<1x4xf32>
    %get3A_17 = arith.constant 0 : index
    %get3A_18 = arith.constant 0 : index
    %get3A_19 = vector.load %arg13[%get3A_17, %get3A_18] : memref<4x4xf32, #tpu.memory_space<vmem>>, vector<4x4xf32>
    %get3A_20 = arith.constant 0 : index
    %get3A_21 = arith.constant 0 : index
    %get3A_22 = vector.load %arg14[%get3A_20, %get3A_21] : memref<1x4xf32, #tpu.memory_space<vmem>>, vector<1x4xf32>
    %get3A_23 = arith.constant 0 : index
    %get3A_24 = arith.constant 0 : index
    %get3A_25 = vector.load %arg15[%get3A_23, %get3A_24] : memref<43x4xf32, #tpu.memory_space<vmem>>, vector<43x4xf32>
    %get3A_26 = arith.constant 0 : index
    %get3A_27 = arith.constant 0 : index
    %get3A_28 = vector.load %arg16[%get3A_26, %get3A_27] : memref<1x4xf32, #tpu.memory_space<vmem>>, vector<1x4xf32>
    %get3A_29 = arith.constant 0 : index
    %get3A_30 = arith.constant 0 : index
    %get3A_31 = vector.load %arg17[%get3A_29, %get3A_30] : memref<4x5xf32, #tpu.memory_space<vmem>>, vector<4x5xf32>
    %get3A_32 = arith.constant 0 : index
    %get3A_33 = arith.constant 0 : index
    %get3A_34 = vector.load %arg18[%get3A_32, %get3A_33] : memref<1x5xf32, #tpu.memory_space<vmem>>, vector<1x5xf32>
    %get3A_35 = arith.constant 0 : index
    %get3A_36 = arith.constant 0 : index
    %get3A_37 = vector.load %arg19[%get3A_35, %get3A_36] : memref<5x4xf32, #tpu.memory_space<vmem>>, vector<5x4xf32>
    %get3A_38 = arith.constant 0 : index
    %get3A_39 = arith.constant 0 : index
    %get3A_40 = vector.load %arg20[%get3A_38, %get3A_39] : memref<1x4xf32, #tpu.memory_space<vmem>>, vector<1x4xf32>
    %get3A_41 = arith.constant 0 : index
    %get3A_42 = arith.constant 0 : index
    %get3A_43 = vector.load %arg21[%get3A_41, %get3A_42] : memref<4x1xf32, #tpu.memory_space<vmem>>, vector<4x1xf32>
    %get3A_44 = arith.constant 0 : index
    %get3A_45 = arith.constant 0 : index
    %get3A_46 = vector.load %arg22[%get3A_44, %get3A_45] : memref<1x1xf32, #tpu.memory_space<vmem>>, vector<1x1xf32>
    %eq3A = arith.constant 0 : i32
    %eq3A_47 = arith.cmpi eq, %arg0, %eq3A : i32
    %convert_element_type3A = arith.extui %eq3A_47 : i1 to i32
    %cond3A = arith.constant 0 : i32
    %cond3A_48 = arith.cmpi ne, %convert_element_type3A, %cond3A : i32
    scf.if %cond3A_48 {
      %broadcast_in_dim3A_445 = arith.constant -1.000000e+30 : f32
      %broadcast_in_dim3A_446 = vector.broadcast %broadcast_in_dim3A_445 : f32 to vector<10240x16xf32>
      %swap3A = arith.constant 0 : index
      %swap3A_447 = arith.constant 0 : index
      %swap3A_448 = vector.load %arg23[%swap3A, %swap3A_447] : memref<10240x16xf32, #tpu.memory_space<vmem>>, vector<10240x16xf32>
      tpu.vector_store %arg23[%swap3A, %swap3A_447], %broadcast_in_dim3A_446 {strides = array<i32>} : memref<10240x16xf32, #tpu.memory_space<vmem>>, vector<10240x16xf32>,
      %broadcast_in_dim3A_449 = arith.constant 0.000000e+00 : f32
      %broadcast_in_dim3A_450 = vector.broadcast %broadcast_in_dim3A_449 : f32 to vector<10240x8xf32>
      %swap3A_451 = arith.constant 0 : index
      %swap3A_452 = arith.constant 0 : index
      %swap3A_453 = vector.load %arg24[%swap3A_451, %swap3A_452] : memref<10240x8xf32, #tpu.memory_space<vmem>>, vector<10240x8xf32>
      tpu.vector_store %arg24[%swap3A_451, %swap3A_452], %broadcast_in_dim3A_450 {strides = array<i32>} : memref<10240x8xf32, #tpu.memory_space<vmem>>, vector<10240x8xf32>,
    } else {
    }
    %get3A_49 = arith.constant 0 : index
    %get3A_50 = arith.constant 0 : index
    %get3A_51 = vector.load %arg1[%get3A_49, %get3A_50] : memref<2000x128xf32, #tpu.memory_space<vmem>>, vector<2000x128xf32>
    %get3A_52 = arith.constant 0 : index
    %get3A_53 = arith.constant 0 : index
    %get3A_54 = vector.load %arg2[%get3A_52, %get3A_53] : memref<2000x128xf32, #tpu.memory_space<vmem>>, vector<2000x128xf32>
    %slice3A = vector.extract_strided_slice %get3A_51 {offsets = [0, 0], sizes = [2000, 16], strides = [1, 1]} : vector<2000x128xf32> to vector<2000x16xf32>
    %slice3A_55 = vector.extract_strided_slice %get3A_51 {offsets = [0, 16], sizes = [2000, 16], strides = [1, 1]} : vector<2000x128xf32> to vector<2000x16xf32>
    %slice3A_56 = vector.extract_strided_slice %get3A_51 {offsets = [0, 32], sizes = [2000, 4], strides = [1, 1]} : vector<2000x128xf32> to vector<2000x4xf32>
    %slice3A_57 = vector.extract_strided_slice %get3A_51 {offsets = [0, 36], sizes = [2000, 4], strides = [1, 1]} : vector<2000x128xf32> to vector<2000x4xf32>
    %slice3A_58 = vector.extract_strided_slice %get3A_54 {offsets = [0, 0], sizes = [2000, 16], strides = [1, 1]} : vector<2000x128xf32> to vector<2000x16xf32>
    %slice3A_59 = vector.extract_strided_slice %get3A_54 {offsets = [0, 36], sizes = [2000, 4], strides = [1, 1]} : vector<2000x128xf32> to vector<2000x4xf32>
    %sub3A = arith.subf %slice3A_58, %slice3A : vector<2000x16xf32>
    %get3A_60 = arith.constant 0 : index
    %get3A_61 = arith.constant 0 : index
    %get3A_62 = vector.load %arg6[%get3A_60, %get3A_61] : memref<1x16xf32, #tpu.memory_space<vmem>>, vector<1x16xf32>
    %add3A = vector.broadcast %get3A_62 : vector<1x16xf32> to vector<2000x16xf32>
    %add3A_63 = arith.addf %sub3A, %add3A : vector<2000x16xf32>
    %sub3A_64 = arith.subf %slice3A_59, %slice3A_57 : vector<2000x4xf32>
    %dot_general3A = arith.constant dense<0.000000e+00> : vector<2000x4xf32>
    %dot_general3A_65 = tpu.matmul %sub3A_64, %get3A_1, %dot_general3A {dimension_numbers = #tpu.dot_dimension_numbers<[1], [0], [0], [1], [0, 0, 1, 1], [], []>, transpose_lhs_hint = false} : vector<2000x4xf32>, vector<4x4xf32>, vector<2000x4xf32> -> vector<2000x4xf32>
    %add3A_66 = vector.broadcast %get3A_4 : vector<1x4xf32> to vector<2000x4xf32>
    %add3A_67 = arith.addf %dot_general3A_65, %add3A_66 : vector<2000x4xf32>
    %max3A = arith.constant 0.000000e+00 : f32
    %max3A_68 = vector.broadcast %max3A : f32 to vector<2000x4xf32>
    %max3A_69 = arith.maximumf %add3A_67, %max3A_68 : vector<2000x4xf32>
    %dot_general3A_70 = arith.constant dense<0.000000e+00> : vector<2000x5xf32>
    %dot_general3A_71 = tpu.matmul %max3A_69, %get3A_7, %dot_general3A_70 {dimension_numbers = #tpu.dot_dimension_numbers<[1], [0], [0], [1], [0, 0, 1, 1], [], []>, transpose_lhs_hint = false} : vector<2000x4xf32>, vector<4x5xf32>, vector<2000x5xf32> -> vector<2000x5xf32>
    %add3A_72 = vector.broadcast %get3A_10 : vector<1x5xf32> to vector<2000x5xf32>
    %add3A_73 = arith.addf %dot_general3A_71, %add3A_72 : vector<2000x5xf32>
    %max3A_74 = arith.constant 0.000000e+00 : f32
    %max3A_75 = vector.broadcast %max3A_74 : f32 to vector<2000x5xf32>
    %max3A_76 = arith.maximumf %add3A_73, %max3A_75 : vector<2000x5xf32>
    %dot_general3A_77 = arith.constant dense<0.000000e+00> : vector<2000x4xf32>
    %dot_general3A_78 = tpu.matmul %max3A_76, %get3A_13, %dot_general3A_77 {dimension_numbers = #tpu.dot_dimension_numbers<[1], [0], [0], [1], [0, 0, 1, 1], [], []>, transpose_lhs_hint = false} : vector<2000x5xf32>, vector<5x4xf32>, vector<2000x4xf32> -> vector<2000x4xf32>
    %add3A_79 = vector.broadcast %get3A_16 : vector<1x4xf32> to vector<2000x4xf32>
    %add3A_80 = arith.addf %dot_general3A_78, %add3A_79 : vector<2000x4xf32>
    %max3A_81 = arith.constant 0.000000e+00 : f32
    %max3A_82 = vector.broadcast %max3A_81 : f32 to vector<2000x4xf32>
    %max3A_83 = arith.maximumf %add3A_80, %max3A_82 : vector<2000x4xf32>
    %dot_general3A_84 = arith.constant dense<0.000000e+00> : vector<2000x4xf32>
    %dot_general3A_85 = tpu.matmul %max3A_83, %get3A_19, %dot_general3A_84 {dimension_numbers = #tpu.dot_dimension_numbers<[1], [0], [0], [1], [0, 0, 1, 1], [], []>, transpose_lhs_hint = false} : vector<2000x4xf32>, vector<4x4xf32>, vector<2000x4xf32> -> vector<2000x4xf32>
    %add3A_86 = vector.broadcast %get3A_22 : vector<1x4xf32> to vector<2000x4xf32>
    %add3A_87 = arith.addf %dot_general3A_85, %add3A_86 : vector<2000x4xf32>
    %get3A_88 = arith.constant 0 : index
    %get3A_89 = arith.constant 0 : index
    %get3A_90 = vector.load %arg3[%get3A_88, %get3A_89] : memref<2000x8xf32, #tpu.memory_space<vmem>>, vector<2000x8xf32>
    %slice3A_91 = vector.extract_strided_slice %get3A_90 {offsets = [0, 0], sizes = [2000, 3], strides = [1, 1]} : vector<2000x8xf32> to vector<2000x3xf32>
    %concatenate3A = tpu.concatenate %add3A_63, %slice3A_55, %add3A_87, %slice3A_56, %slice3A_91 in 1 : vector<2000x16xf32>, vector<2000x16xf32>, vector<2000x4xf32>, vector<2000x4xf32>, vector<2000x3xf32> -> vector<2000x43xf32>
    %dot_general3A_92 = arith.constant dense<0.000000e+00> : vector<2000x4xf32>
    %dot_general3A_93 = tpu.matmul %concatenate3A, %get3A_25, %dot_general3A_92 {dimension_numbers = #tpu.dot_dimension_numbers<[1], [0], [0], [1], [0, 0, 1, 1], [], []>, transpose_lhs_hint = false} : vector<2000x43xf32>, vector<43x4xf32>, vector<2000x4xf32> -> vector<2000x4xf32>
    %add3A_94 = vector.broadcast %get3A_28 : vector<1x4xf32> to vector<2000x4xf32>
    %add3A_95 = arith.addf %dot_general3A_93, %add3A_94 : vector<2000x4xf32>
    %max3A_96 = arith.constant 0.000000e+00 : f32
    %max3A_97 = vector.broadcast %max3A_96 : f32 to vector<2000x4xf32>
    %max3A_98 = arith.maximumf %add3A_95, %max3A_97 : vector<2000x4xf32>
    %dot_general3A_99 = arith.constant dense<0.000000e+00> : vector<2000x5xf32>
    %dot_general3A_100 = tpu.matmul %max3A_98, %get3A_31, %dot_general3A_99 {dimension_numbers = #tpu.dot_dimension_numbers<[1], [0], [0], [1], [0, 0, 1, 1], [], []>, transpose_lhs_hint = false} : vector<2000x4xf32>, vector<4x5xf32>, vector<2000x5xf32> -> vector<2000x5xf32>
    %add3A_101 = vector.broadcast %get3A_34 : vector<1x5xf32> to vector<2000x5xf32>
    %add3A_102 = arith.addf %dot_general3A_100, %add3A_101 : vector<2000x5xf32>
    %max3A_103 = arith.constant 0.000000e+00 : f32
    %max3A_104 = vector.broadcast %max3A_103 : f32 to vector<2000x5xf32>
    %max3A_105 = arith.maximumf %add3A_102, %max3A_104 : vector<2000x5xf32>
    %dot_general3A_106 = arith.constant dense<0.000000e+00> : vector<2000x4xf32>
    %dot_general3A_107 = tpu.matmul %max3A_105, %get3A_37, %dot_general3A_106 {dimension_numbers = #tpu.dot_dimension_numbers<[1], [0], [0], [1], [0, 0, 1, 1], [], []>, transpose_lhs_hint = false} : vector<2000x5xf32>, vector<5x4xf32>, vector<2000x4xf32> -> vector<2000x4xf32>
    %add3A_108 = vector.broadcast %get3A_40 : vector<1x4xf32> to vector<2000x4xf32>
    %add3A_109 = arith.addf %dot_general3A_107, %add3A_108 : vector<2000x4xf32>
    %max3A_110 = arith.constant 0.000000e+00 : f32
    %max3A_111 = vector.broadcast %max3A_110 : f32 to vector<2000x4xf32>
    %max3A_112 = arith.maximumf %add3A_109, %max3A_111 : vector<2000x4xf32>
    %dot_general3A_113 = arith.constant dense<0.000000e+00> : vector<2000x1xf32>
    %dot_general3A_114 = tpu.matmul %max3A_112, %get3A_43, %dot_general3A_113 {dimension_numbers = #tpu.dot_dimension_numbers<[1], [0], [0], [1], [0, 0, 1, 1], [], []>, transpose_lhs_hint = false} : vector<2000x4xf32>, vector<4x1xf32>, vector<2000x1xf32> -> vector<2000x1xf32>
    %add3A_115 = vector.broadcast %get3A_46 : vector<1x1xf32> to vector<2000x1xf32>
    %add3A_116 = arith.addf %dot_general3A_114, %add3A_115 : vector<2000x1xf32>
    %logistic3A = arith.negf %add3A_116 : vector<2000x1xf32>
    %logistic3A_117 = math.exp %logistic3A : vector<2000x1xf32>
    %logistic3A_118 = arith.constant 1.000000e+00 : f32
    %logistic3A_119 = vector.broadcast %logistic3A_118 : f32 to vector<2000x1xf32>
    %logistic3A_120 = arith.addf %logistic3A_119, %logistic3A_117 : vector<2000x1xf32>
    %logistic3A_121 = arith.divf %logistic3A_119, %logistic3A_120 : vector<2000x1xf32>
    %add3A_122 = arith.addf %add3A_63, %slice3A_55 : vector<2000x16xf32>
    %add3A_123 = arith.addf %slice3A_56, %add3A_87 : vector<2000x4xf32>
    %get3A_124 = arith.constant 0 : index
    %get3A_125 = arith.constant 0 : index
    %get3A_126 = vector.load %arg4[%get3A_124, %get3A_125] : memref<2000x1xi32, #tpu.memory_space<vmem>>, vector<2000x1xi32>
    %broadcast_in_dim3A = arith.constant -1.000000e+30 : f32
    %broadcast_in_dim3A_127 = vector.broadcast %broadcast_in_dim3A : f32 to vector<1x16xf32>
    %slice3A_128 = vector.extract_strided_slice %add3A_122 {offsets = [0, 0], sizes = [1999, 16], strides = [1, 1]} : vector<2000x16xf32> to vector<1999x16xf32>
    %concatenate3A_129 = tpu.concatenate %broadcast_in_dim3A_127, %slice3A_128 in 0 : vector<1x16xf32>, vector<1999x16xf32> -> vector<2000x16xf32>
    %broadcast_in_dim3A_130 = arith.constant -1 : i32
    %broadcast_in_dim3A_131 = vector.broadcast %broadcast_in_dim3A_130 : i32 to vector<1x1xi32>
    %slice3A_132 = vector.extract_strided_slice %get3A_126 {offsets = [0, 0], sizes = [1999, 1], strides = [1, 1]} : vector<2000x1xi32> to vector<1999x1xi32>
    %concatenate3A_133 = tpu.concatenate %broadcast_in_dim3A_131, %slice3A_132 in 0 : vector<1x1xi32>, vector<1999x1xi32> -> vector<2000x1xi32>
    %eq3A_134 = arith.cmpi eq, %concatenate3A_133, %get3A_126 : vector<2000x1xi32>
    %max3A_135 = arith.maximumf %add3A_122, %concatenate3A_129 : vector<2000x16xf32>
    %broadcast_in_dim3A_136 = vector.shape_cast %eq3A_134 : vector<2000x1xi1> to vector<2000x1xi1>
    %broadcast_in_dim3A_137 = vector.broadcast %broadcast_in_dim3A_136 : vector<2000x1xi1> to vector<2000x16xi1>
    %select_n3A = arith.select %broadcast_in_dim3A_137, %max3A_135, %add3A_122 : vector<2000x16xi1>, vector<2000x16xf32>
    %broadcast_in_dim3A_138 = arith.constant -1.000000e+30 : f32
    %broadcast_in_dim3A_139 = vector.broadcast %broadcast_in_dim3A_138 : f32 to vector<2x16xf32>
    %slice3A_140 = vector.extract_strided_slice %select_n3A {offsets = [0, 0], sizes = [1998, 16], strides = [1, 1]} : vector<2000x16xf32> to vector<1998x16xf32>
    %concatenate3A_141 = tpu.concatenate %broadcast_in_dim3A_139, %slice3A_140 in 0 : vector<2x16xf32>, vector<1998x16xf32> -> vector<2000x16xf32>
    %broadcast_in_dim3A_142 = arith.constant -1 : i32
    %broadcast_in_dim3A_143 = vector.broadcast %broadcast_in_dim3A_142 : i32 to vector<2x1xi32>
    %slice3A_144 = vector.extract_strided_slice %get3A_126 {offsets = [0, 0], sizes = [1998, 1], strides = [1, 1]} : vector<2000x1xi32> to vector<1998x1xi32>
    %concatenate3A_145 = tpu.concatenate %broadcast_in_dim3A_143, %slice3A_144 in 0 : vector<2x1xi32>, vector<1998x1xi32> -> vector<2000x1xi32>
    %eq3A_146 = arith.cmpi eq, %concatenate3A_145, %get3A_126 : vector<2000x1xi32>
    %max3A_147 = arith.maximumf %select_n3A, %concatenate3A_141 : vector<2000x16xf32>
    %broadcast_in_dim3A_148 = vector.shape_cast %eq3A_146 : vector<2000x1xi1> to vector<2000x1xi1>
    %broadcast_in_dim3A_149 = vector.broadcast %broadcast_in_dim3A_148 : vector<2000x1xi1> to vector<2000x16xi1>
    %select_n3A_150 = arith.select %broadcast_in_dim3A_149, %max3A_147, %select_n3A : vector<2000x16xi1>, vector<2000x16xf32>
    %broadcast_in_dim3A_151 = arith.constant -1.000000e+30 : f32
    %broadcast_in_dim3A_152 = vector.broadcast %broadcast_in_dim3A_151 : f32 to vector<4x16xf32>
    %slice3A_153 = vector.extract_strided_slice %select_n3A_150 {offsets = [0, 0], sizes = [1996, 16], strides = [1, 1]} : vector<2000x16xf32> to vector<1996x16xf32>
    %concatenate3A_154 = tpu.concatenate %broadcast_in_dim3A_152, %slice3A_153 in 0 : vector<4x16xf32>, vector<1996x16xf32> -> vector<2000x16xf32>
    %broadcast_in_dim3A_155 = arith.constant -1 : i32
    %broadcast_in_dim3A_156 = vector.broadcast %broadcast_in_dim3A_155 : i32 to vector<4x1xi32>
    %slice3A_157 = vector.extract_strided_slice %get3A_126 {offsets = [0, 0], sizes = [1996, 1], strides = [1, 1]} : vector<2000x1xi32> to vector<1996x1xi32>
    %concatenate3A_158 = tpu.concatenate %broadcast_in_dim3A_156, %slice3A_157 in 0 : vector<4x1xi32>, vector<1996x1xi32> -> vector<2000x1xi32>
    %eq3A_159 = arith.cmpi eq, %concatenate3A_158, %get3A_126 : vector<2000x1xi32>
    %max3A_160 = arith.maximumf %select_n3A_150, %concatenate3A_154 : vector<2000x16xf32>
    %broadcast_in_dim3A_161 = vector.shape_cast %eq3A_159 : vector<2000x1xi1> to vector<2000x1xi1>
    %broadcast_in_dim3A_162 = vector.broadcast %broadcast_in_dim3A_161 : vector<2000x1xi1> to vector<2000x16xi1>
    %select_n3A_163 = arith.select %broadcast_in_dim3A_162, %max3A_160, %select_n3A_150 : vector<2000x16xi1>, vector<2000x16xf32>
    %broadcast_in_dim3A_164 = arith.constant -1.000000e+30 : f32
    %broadcast_in_dim3A_165 = vector.broadcast %broadcast_in_dim3A_164 : f32 to vector<8x16xf32>
    %slice3A_166 = vector.extract_strided_slice %select_n3A_163 {offsets = [0, 0], sizes = [1992, 16], strides = [1, 1]} : vector<2000x16xf32> to vector<1992x16xf32>
    %concatenate3A_167 = tpu.concatenate %broadcast_in_dim3A_165, %slice3A_166 in 0 : vector<8x16xf32>, vector<1992x16xf32> -> vector<2000x16xf32>
    %broadcast_in_dim3A_168 = arith.constant -1 : i32
    %broadcast_in_dim3A_169 = vector.broadcast %broadcast_in_dim3A_168 : i32 to vector<8x1xi32>
    %slice3A_170 = vector.extract_strided_slice %get3A_126 {offsets = [0, 0], sizes = [1992, 1], strides = [1, 1]} : vector<2000x1xi32> to vector<1992x1xi32>
    %concatenate3A_171 = tpu.concatenate %broadcast_in_dim3A_169, %slice3A_170 in 0 : vector<8x1xi32>, vector<1992x1xi32> -> vector<2000x1xi32>
    %eq3A_172 = arith.cmpi eq, %concatenate3A_171, %get3A_126 : vector<2000x1xi32>
    %max3A_173 = arith.maximumf %select_n3A_163, %concatenate3A_167 : vector<2000x16xf32>
    %broadcast_in_dim3A_174 = vector.shape_cast %eq3A_172 : vector<2000x1xi1> to vector<2000x1xi1>
    %broadcast_in_dim3A_175 = vector.broadcast %broadcast_in_dim3A_174 : vector<2000x1xi1> to vector<2000x16xi1>
    %select_n3A_176 = arith.select %broadcast_in_dim3A_175, %max3A_173, %select_n3A_163 : vector<2000x16xi1>, vector<2000x16xf32>
    %broadcast_in_dim3A_177 = arith.constant -1.000000e+30 : f32
    %broadcast_in_dim3A_178 = vector.broadcast %broadcast_in_dim3A_177 : f32 to vector<16x16xf32>
    %slice3A_179 = vector.extract_strided_slice %select_n3A_176 {offsets = [0, 0], sizes = [1984, 16], strides = [1, 1]} : vector<2000x16xf32> to vector<1984x16xf32>
    %concatenate3A_180 = tpu.concatenate %broadcast_in_dim3A_178, %slice3A_179 in 0 : vector<16x16xf32>, vector<1984x16xf32> -> vector<2000x16xf32>
    %broadcast_in_dim3A_181 = arith.constant -1 : i32
    %broadcast_in_dim3A_182 = vector.broadcast %broadcast_in_dim3A_181 : i32 to vector<16x1xi32>
    %slice3A_183 = vector.extract_strided_slice %get3A_126 {offsets = [0, 0], sizes = [1984, 1], strides = [1, 1]} : vector<2000x1xi32> to vector<1984x1xi32>
    %concatenate3A_184 = tpu.concatenate %broadcast_in_dim3A_182, %slice3A_183 in 0 : vector<16x1xi32>, vector<1984x1xi32> -> vector<2000x1xi32>
    %eq3A_185 = arith.cmpi eq, %concatenate3A_184, %get3A_126 : vector<2000x1xi32>
    %max3A_186 = arith.maximumf %select_n3A_176, %concatenate3A_180 : vector<2000x16xf32>
    %broadcast_in_dim3A_187 = vector.shape_cast %eq3A_185 : vector<2000x1xi1> to vector<2000x1xi1>
    %broadcast_in_dim3A_188 = vector.broadcast %broadcast_in_dim3A_187 : vector<2000x1xi1> to vector<2000x16xi1>
    %select_n3A_189 = arith.select %broadcast_in_dim3A_188, %max3A_186, %select_n3A_176 : vector<2000x16xi1>, vector<2000x16xf32>
    %broadcast_in_dim3A_190 = arith.constant -1.000000e+30 : f32
    %broadcast_in_dim3A_191 = vector.broadcast %broadcast_in_dim3A_190 : f32 to vector<32x16xf32>
    %slice3A_192 = vector.extract_strided_slice %select_n3A_189 {offsets = [0, 0], sizes = [1968, 16], strides = [1, 1]} : vector<2000x16xf32> to vector<1968x16xf32>
    %concatenate3A_193 = tpu.concatenate %broadcast_in_dim3A_191, %slice3A_192 in 0 : vector<32x16xf32>, vector<1968x16xf32> -> vector<2000x16xf32>
    %broadcast_in_dim3A_194 = arith.constant -1 : i32
    %broadcast_in_dim3A_195 = vector.broadcast %broadcast_in_dim3A_194 : i32 to vector<32x1xi32>
    %slice3A_196 = vector.extract_strided_slice %get3A_126 {offsets = [0, 0], sizes = [1968, 1], strides = [1, 1]} : vector<2000x1xi32> to vector<1968x1xi32>
    %concatenate3A_197 = tpu.concatenate %broadcast_in_dim3A_195, %slice3A_196 in 0 : vector<32x1xi32>, vector<1968x1xi32> -> vector<2000x1xi32>
    %eq3A_198 = arith.cmpi eq, %concatenate3A_197, %get3A_126 : vector<2000x1xi32>
    %max3A_199 = arith.maximumf %select_n3A_189, %concatenate3A_193 : vector<2000x16xf32>
    %broadcast_in_dim3A_200 = vector.shape_cast %eq3A_198 : vector<2000x1xi1> to vector<2000x1xi1>
    %broadcast_in_dim3A_201 = vector.broadcast %broadcast_in_dim3A_200 : vector<2000x1xi1> to vector<2000x16xi1>
    %select_n3A_202 = arith.select %broadcast_in_dim3A_201, %max3A_199, %select_n3A_189 : vector<2000x16xi1>, vector<2000x16xf32>
    %broadcast_in_dim3A_203 = arith.constant -1.000000e+30 : f32
    %broadcast_in_dim3A_204 = vector.broadcast %broadcast_in_dim3A_203 : f32 to vector<64x16xf32>
    %slice3A_205 = vector.extract_strided_slice %select_n3A_202 {offsets = [0, 0], sizes = [1936, 16], strides = [1, 1]} : vector<2000x16xf32> to vector<1936x16xf32>
    %concatenate3A_206 = tpu.concatenate %broadcast_in_dim3A_204, %slice3A_205 in 0 : vector<64x16xf32>, vector<1936x16xf32> -> vector<2000x16xf32>
    %broadcast_in_dim3A_207 = arith.constant -1 : i32
    %broadcast_in_dim3A_208 = vector.broadcast %broadcast_in_dim3A_207 : i32 to vector<64x1xi32>
    %slice3A_209 = vector.extract_strided_slice %get3A_126 {offsets = [0, 0], sizes = [1936, 1], strides = [1, 1]} : vector<2000x1xi32> to vector<1936x1xi32>
    %concatenate3A_210 = tpu.concatenate %broadcast_in_dim3A_208, %slice3A_209 in 0 : vector<64x1xi32>, vector<1936x1xi32> -> vector<2000x1xi32>
    %eq3A_211 = arith.cmpi eq, %concatenate3A_210, %get3A_126 : vector<2000x1xi32>
    %max3A_212 = arith.maximumf %select_n3A_202, %concatenate3A_206 : vector<2000x16xf32>
    %broadcast_in_dim3A_213 = vector.shape_cast %eq3A_211 : vector<2000x1xi1> to vector<2000x1xi1>
    %broadcast_in_dim3A_214 = vector.broadcast %broadcast_in_dim3A_213 : vector<2000x1xi1> to vector<2000x16xi1>
    %select_n3A_215 = arith.select %broadcast_in_dim3A_214, %max3A_212, %select_n3A_202 : vector<2000x16xi1>, vector<2000x16xf32>
    %broadcast_in_dim3A_216 = arith.constant -1.000000e+30 : f32
    %broadcast_in_dim3A_217 = vector.broadcast %broadcast_in_dim3A_216 : f32 to vector<128x16xf32>
    %slice3A_218 = vector.extract_strided_slice %select_n3A_215 {offsets = [0, 0], sizes = [1872, 16], strides = [1, 1]} : vector<2000x16xf32> to vector<1872x16xf32>
    %concatenate3A_219 = tpu.concatenate %broadcast_in_dim3A_217, %slice3A_218 in 0 : vector<128x16xf32>, vector<1872x16xf32> -> vector<2000x16xf32>
    %broadcast_in_dim3A_220 = arith.constant -1 : i32
    %broadcast_in_dim3A_221 = vector.broadcast %broadcast_in_dim3A_220 : i32 to vector<128x1xi32>
    %slice3A_222 = vector.extract_strided_slice %get3A_126 {offsets = [0, 0], sizes = [1872, 1], strides = [1, 1]} : vector<2000x1xi32> to vector<1872x1xi32>
    %concatenate3A_223 = tpu.concatenate %broadcast_in_dim3A_221, %slice3A_222 in 0 : vector<128x1xi32>, vector<1872x1xi32> -> vector<2000x1xi32>
    %eq3A_224 = arith.cmpi eq, %concatenate3A_223, %get3A_126 : vector<2000x1xi32>
    %max3A_225 = arith.maximumf %select_n3A_215, %concatenate3A_219 : vector<2000x16xf32>
    %broadcast_in_dim3A_226 = vector.shape_cast %eq3A_224 : vector<2000x1xi1> to vector<2000x1xi1>
    %broadcast_in_dim3A_227 = vector.broadcast %broadcast_in_dim3A_226 : vector<2000x1xi1> to vector<2000x16xi1>
    %select_n3A_228 = arith.select %broadcast_in_dim3A_227, %max3A_225, %select_n3A_215 : vector<2000x16xi1>, vector<2000x16xf32>
    %broadcast_in_dim3A_229 = arith.constant -1.000000e+30 : f32
    %broadcast_in_dim3A_230 = vector.broadcast %broadcast_in_dim3A_229 : f32 to vector<256x16xf32>
    %slice3A_231 = vector.extract_strided_slice %select_n3A_228 {offsets = [0, 0], sizes = [1744, 16], strides = [1, 1]} : vector<2000x16xf32> to vector<1744x16xf32>
    %concatenate3A_232 = tpu.concatenate %broadcast_in_dim3A_230, %slice3A_231 in 0 : vector<256x16xf32>, vector<1744x16xf32> -> vector<2000x16xf32>
    %broadcast_in_dim3A_233 = arith.constant -1 : i32
    %broadcast_in_dim3A_234 = vector.broadcast %broadcast_in_dim3A_233 : i32 to vector<256x1xi32>
    %slice3A_235 = vector.extract_strided_slice %get3A_126 {offsets = [0, 0], sizes = [1744, 1], strides = [1, 1]} : vector<2000x1xi32> to vector<1744x1xi32>
    %concatenate3A_236 = tpu.concatenate %broadcast_in_dim3A_234, %slice3A_235 in 0 : vector<256x1xi32>, vector<1744x1xi32> -> vector<2000x1xi32>
    %eq3A_237 = arith.cmpi eq, %concatenate3A_236, %get3A_126 : vector<2000x1xi32>
    %max3A_238 = arith.maximumf %select_n3A_228, %concatenate3A_232 : vector<2000x16xf32>
    %broadcast_in_dim3A_239 = vector.shape_cast %eq3A_237 : vector<2000x1xi1> to vector<2000x1xi1>
    %broadcast_in_dim3A_240 = vector.broadcast %broadcast_in_dim3A_239 : vector<2000x1xi1> to vector<2000x16xi1>
    %select_n3A_241 = arith.select %broadcast_in_dim3A_240, %max3A_238, %select_n3A_228 : vector<2000x16xi1>, vector<2000x16xf32>
    %broadcast_in_dim3A_242 = arith.constant -1.000000e+30 : f32
    %broadcast_in_dim3A_243 = vector.broadcast %broadcast_in_dim3A_242 : f32 to vector<512x16xf32>
    %slice3A_244 = vector.extract_strided_slice %select_n3A_241 {offsets = [0, 0], sizes = [1488, 16], strides = [1, 1]} : vector<2000x16xf32> to vector<1488x16xf32>
    %concatenate3A_245 = tpu.concatenate %broadcast_in_dim3A_243, %slice3A_244 in 0 : vector<512x16xf32>, vector<1488x16xf32> -> vector<2000x16xf32>
    %broadcast_in_dim3A_246 = arith.constant -1 : i32
    %broadcast_in_dim3A_247 = vector.broadcast %broadcast_in_dim3A_246 : i32 to vector<512x1xi32>
    %slice3A_248 = vector.extract_strided_slice %get3A_126 {offsets = [0, 0], sizes = [1488, 1], strides = [1, 1]} : vector<2000x1xi32> to vector<1488x1xi32>
    %concatenate3A_249 = tpu.concatenate %broadcast_in_dim3A_247, %slice3A_248 in 0 : vector<512x1xi32>, vector<1488x1xi32> -> vector<2000x1xi32>
    %eq3A_250 = arith.cmpi eq, %concatenate3A_249, %get3A_126 : vector<2000x1xi32>
    %max3A_251 = arith.maximumf %select_n3A_241, %concatenate3A_245 : vector<2000x16xf32>
    %broadcast_in_dim3A_252 = vector.shape_cast %eq3A_250 : vector<2000x1xi1> to vector<2000x1xi1>
    %broadcast_in_dim3A_253 = vector.broadcast %broadcast_in_dim3A_252 : vector<2000x1xi1> to vector<2000x16xi1>
    %select_n3A_254 = arith.select %broadcast_in_dim3A_253, %max3A_251, %select_n3A_241 : vector<2000x16xi1>, vector<2000x16xf32>
    %broadcast_in_dim3A_255 = arith.constant -1.000000e+30 : f32
    %broadcast_in_dim3A_256 = vector.broadcast %broadcast_in_dim3A_255 : f32 to vector<1024x16xf32>
    %slice3A_257 = vector.extract_strided_slice %select_n3A_254 {offsets = [0, 0], sizes = [976, 16], strides = [1, 1]} : vector<2000x16xf32> to vector<976x16xf32>
    %concatenate3A_258 = tpu.concatenate %broadcast_in_dim3A_256, %slice3A_257 in 0 : vector<1024x16xf32>, vector<976x16xf32> -> vector<2000x16xf32>
    %broadcast_in_dim3A_259 = arith.constant -1 : i32
    %broadcast_in_dim3A_260 = vector.broadcast %broadcast_in_dim3A_259 : i32 to vector<1024x1xi32>
    %slice3A_261 = vector.extract_strided_slice %get3A_126 {offsets = [0, 0], sizes = [976, 1], strides = [1, 1]} : vector<2000x1xi32> to vector<976x1xi32>
    %concatenate3A_262 = tpu.concatenate %broadcast_in_dim3A_260, %slice3A_261 in 0 : vector<1024x1xi32>, vector<976x1xi32> -> vector<2000x1xi32>
    %eq3A_263 = arith.cmpi eq, %concatenate3A_262, %get3A_126 : vector<2000x1xi32>
    %max3A_264 = arith.maximumf %select_n3A_254, %concatenate3A_258 : vector<2000x16xf32>
    %broadcast_in_dim3A_265 = vector.shape_cast %eq3A_263 : vector<2000x1xi1> to vector<2000x1xi1>
    %broadcast_in_dim3A_266 = vector.broadcast %broadcast_in_dim3A_265 : vector<2000x1xi1> to vector<2000x16xi1>
    %select_n3A_267 = arith.select %broadcast_in_dim3A_266, %max3A_264, %select_n3A_254 : vector<2000x16xi1>, vector<2000x16xf32>
    %slice3A_268 = vector.extract_strided_slice %get3A_126 {offsets = [1, 0], sizes = [1999, 1], strides = [1, 1]} : vector<2000x1xi32> to vector<1999x1xi32>
    %broadcast_in_dim3A_269 = arith.constant -1 : i32
    %broadcast_in_dim3A_270 = vector.broadcast %broadcast_in_dim3A_269 : i32 to vector<1x1xi32>
    %concatenate3A_271 = tpu.concatenate %slice3A_268, %broadcast_in_dim3A_270 in 0 : vector<1999x1xi32>, vector<1x1xi32> -> vector<2000x1xi32>
    %ne3A = arith.cmpi ne, %get3A_126, %concatenate3A_271 : vector<2000x1xi32>
    %convert_element_type3A_272 = arith.extui %ne3A : vector<2000x1xi1> to vector<2000x1xi32>
    %convert_element_type3A_273 = arith.sitofp %convert_element_type3A_272 : vector<2000x1xi32> to vector<2000x1xf32>
    %broadcast_in_dim3A_274 = arith.constant 1.000000e+00 : f32
    %broadcast_in_dim3A_275 = vector.broadcast %broadcast_in_dim3A_274 : f32 to vector<2000x1xf32>
    %broadcast_in_dim3A_276 = arith.constant 0.000000e+00 : f32
    %broadcast_in_dim3A_277 = vector.broadcast %broadcast_in_dim3A_276 : f32 to vector<2000x1xf32>
    %mul3A = vector.broadcast %convert_element_type3A_273 : vector<2000x1xf32> to vector<2000x16xf32>
    %mul3A_278 = arith.mulf %select_n3A_267, %mul3A : vector<2000x16xf32>
    %concatenate3A_279 = tpu.concatenate %mul3A_278, %add3A_123, %logistic3A_121, %broadcast_in_dim3A_275, %convert_element_type3A_273, %broadcast_in_dim3A_277 in 1 : vector<2000x16xf32>, vector<2000x4xf32>, vector<2000x1xf32>, vector<2000x1xf32>, vector<2000x1xf32>, vector<2000x1xf32> -> vector<2000x24xf32>
    %slice3A_280 = vector.extract_strided_slice %get3A_126 {offsets = [0, 0], sizes = [1, 1], strides = [1, 1]} : vector<2000x1xi32> to vector<1x1xi32>
    %squeeze3A = vector.extract %slice3A_280[0, 0] : i32 from vector<1x1xi32>
    %slice3A_281 = vector.extract_strided_slice %get3A_126 {offsets = [1999, 0], sizes = [1, 1], strides = [1, 1]} : vector<2000x1xi32> to vector<1x1xi32>
    %squeeze3A_282 = vector.extract %slice3A_281[0, 0] : i32 from vector<1x1xi32>
    %get3A_283 = arith.constant 0 : index
    %get3A_284 = arith.constant 0 : index
    %get3A_285 = arith.constant 0 : index
    %get3A_286 = vector.load %arg5[%get3A_283, %get3A_284, %get3A_285] : memref<1x1x2000xi32, #tpu.memory_space<vmem>>, vector<1x1x2000xi32>
    %squeeze3A_287 = vector.shape_cast %get3A_286 : vector<1x1x2000xi32> to vector<1x2000xi32>
    %ge3A = arith.constant 0 : i32
    %ge3A_288 = arith.cmpi sge, %squeeze3A_282, %ge3A : i32
    %lt3A = arith.constant 512 : i32
    %lt3A_289 = arith.cmpi slt, %squeeze3A, %lt3A : i32
    %and3A = arith.andi %ge3A_288, %lt3A_289 : i1
    %convert_element_type3A_290 = arith.extui %and3A : i1 to i32
    %cond3A_291 = arith.constant 0 : i32
    %cond3A_292 = arith.cmpi ne, %convert_element_type3A_290, %cond3A_291 : i32
    scf.if %cond3A_292 {
      %iota3A = tpu.iota {dimensions = array<i32: 0>} : vector<512x2000xi32>
      %add3A_445 = arith.constant 0 : i32
      %add3A_446 = vector.broadcast %add3A_445 : i32 to vector<512x2000xi32>
      %add3A_447 = arith.addi %iota3A, %add3A_446 : vector<512x2000xi32>
      %eq3A_448 = vector.broadcast %squeeze3A_287 : vector<1x2000xi32> to vector<512x2000xi32>
      %eq3A_449 = arith.cmpi eq, %add3A_447, %eq3A_448 : vector<512x2000xi32>
      %convert_element_type3A_450 = arith.extui %eq3A_449 : vector<512x2000xi1> to vector<512x2000xi32>
      %convert_element_type3A_451 = arith.sitofp %convert_element_type3A_450 : vector<512x2000xi32> to vector<512x2000xf32>
      %dot_general3A_452 = arith.constant dense<0.000000e+00> : vector<512x24xf32>
      %dot_general3A_453 = tpu.matmul %convert_element_type3A_451, %concatenate3A_279, %dot_general3A_452 {dimension_numbers = #tpu.dot_dimension_numbers<[1], [0], [0], [1], [0, 0, 1, 1], [], []>, transpose_lhs_hint = false} : vector<512x2000xf32>, vector<2000x24xf32>, vector<512x24xf32> -> vector<512x24xf32>
      %get3A_454 = arith.constant 0 : index
      %get3A_455 = arith.constant 0 : index
      %get3A_456 = vector.load %arg24[%get3A_454, %get3A_455] : memref<10240x8xf32, #tpu.memory_space<vmem>>, vector<512x8xf32>
      %slice3A_457 = vector.extract_strided_slice %dot_general3A_453 {offsets = [0, 16], sizes = [512, 8], strides = [1, 1]} : vector<512x24xf32> to vector<512x8xf32>
      %add3A_458 = arith.addf %get3A_456, %slice3A_457 : vector<512x8xf32>
      %swap3A = arith.constant 0 : index
      %swap3A_459 = arith.constant 0 : index
      %swap3A_460 = vector.load %arg24[%swap3A, %swap3A_459] : memref<10240x8xf32, #tpu.memory_space<vmem>>, vector<512x8xf32>
      tpu.vector_store %arg24[%swap3A, %swap3A_459], %add3A_458 {strides = array<i32>} : memref<10240x8xf32, #tpu.memory_space<vmem>>, vector<512x8xf32>,
      %slice3A_461 = vector.extract_strided_slice %dot_general3A_453 {offsets = [0, 22], sizes = [512, 1], strides = [1, 1]} : vector<512x24xf32> to vector<512x1xf32>
      %gt3A = arith.constant 0.000000e+00 : f32
      %gt3A_462 = vector.broadcast %gt3A : f32 to vector<512x1xf32>
      %gt3A_463 = arith.cmpf ogt, %slice3A_461, %gt3A_462 : vector<512x1xf32>
      %slice3A_464 = vector.extract_strided_slice %dot_general3A_453 {offsets = [0, 0], sizes = [512, 16], strides = [1, 1]} : vector<512x24xf32> to vector<512x16xf32>
      %jit3A = arith.constant -1.000000e+30 : f32
      %broadcast_in_dim3A_465 = vector.shape_cast %gt3A_463 : vector<512x1xi1> to vector<512x1xi1>
      %broadcast_in_dim3A_466 = vector.broadcast %broadcast_in_dim3A_465 : vector<512x1xi1> to vector<512x16xi1>
      %broadcast_in_dim3A_467 = vector.broadcast %jit3A : f32 to vector<512x16xf32>
      %select_n3A_468 = arith.select %broadcast_in_dim3A_466, %slice3A_464, %broadcast_in_dim3A_467 : vector<512x16xi1>, vector<512x16xf32>
      %get3A_469 = arith.constant 0 : index
      %get3A_470 = arith.constant 0 : index
      %get3A_471 = vector.load %arg23[%get3A_469, %get3A_470] : memref<10240x16xf32, #tpu.memory_space<vmem>>, vector<512x16xf32>
      %max3A_472 = arith.maximumf %get3A_471, %select_n3A_468 : vector<512x16xf32>
      %swap3A_473 = arith.constant 0 : index
      %swap3A_474 = arith.constant 0 : index
      %swap3A_475 = vector.load %arg23[%swap3A_473, %swap3A_474] : memref<10240x16xf32, #tpu.memory_space<vmem>>, vector<512x16xf32>
      tpu.vector_store %arg23[%swap3A_473, %swap3A_474], %max3A_472 {strides = array<i32>} : memref<10240x16xf32, #tpu.memory_space<vmem>>, vector<512x16xf32>,
    } else {
    }
    %ge3A_293 = arith.constant 512 : i32
    %ge3A_294 = arith.cmpi sge, %squeeze3A_282, %ge3A_293 : i32
    %lt3A_295 = arith.constant 1024 : i32
    %lt3A_296 = arith.cmpi slt, %squeeze3A, %lt3A_295 : i32
    %and3A_297 = arith.andi %ge3A_294, %lt3A_296 : i1
    %convert_element_type3A_298 = arith.extui %and3A_297 : i1 to i32
    %cond3A_299 = arith.constant 0 : i32
    %cond3A_300 = arith.cmpi ne, %convert_element_type3A_298, %cond3A_299 : i32
    scf.if %cond3A_300 {
      %iota3A = tpu.iota {dimensions = array<i32: 0>} : vector<512x2000xi32>
      %add3A_445 = arith.constant 512 : i32
      %add3A_446 = vector.broadcast %add3A_445 : i32 to vector<512x2000xi32>
      %add3A_447 = arith.addi %iota3A, %add3A_446 : vector<512x2000xi32>
      %eq3A_448 = vector.broadcast %squeeze3A_287 : vector<1x2000xi32> to vector<512x2000xi32>
      %eq3A_449 = arith.cmpi eq, %add3A_447, %eq3A_448 : vector<512x2000xi32>
      %convert_element_type3A_450 = arith.extui %eq3A_449 : vector<512x2000xi1> to vector<512x2000xi32>
      %convert_element_type3A_451 = arith.sitofp %convert_element_type3A_450 : vector<512x2000xi32> to vector<512x2000xf32>
      %dot_general3A_452 = arith.constant dense<0.000000e+00> : vector<512x24xf32>
      %dot_general3A_453 = tpu.matmul %convert_element_type3A_451, %concatenate3A_279, %dot_general3A_452 {dimension_numbers = #tpu.dot_dimension_numbers<[1], [0], [0], [1], [0, 0, 1, 1], [], []>, transpose_lhs_hint = false} : vector<512x2000xf32>, vector<2000x24xf32>, vector<512x24xf32> -> vector<512x24xf32>
      %get3A_454 = arith.constant 512 : index
      %get3A_455 = arith.constant 0 : index
      %get3A_456 = vector.load %arg24[%get3A_454, %get3A_455] : memref<10240x8xf32, #tpu.memory_space<vmem>>, vector<512x8xf32>
      %slice3A_457 = vector.extract_strided_slice %dot_general3A_453 {offsets = [0, 16], sizes = [512, 8], strides = [1, 1]} : vector<512x24xf32> to vector<512x8xf32>
      %add3A_458 = arith.addf %get3A_456, %slice3A_457 : vector<512x8xf32>
      %swap3A = arith.constant 512 : index
      %swap3A_459 = arith.constant 0 : index
      %swap3A_460 = vector.load %arg24[%swap3A, %swap3A_459] : memref<10240x8xf32, #tpu.memory_space<vmem>>, vector<512x8xf32>
      tpu.vector_store %arg24[%swap3A, %swap3A_459], %add3A_458 {strides = array<i32>} : memref<10240x8xf32, #tpu.memory_space<vmem>>, vector<512x8xf32>,
      %slice3A_461 = vector.extract_strided_slice %dot_general3A_453 {offsets = [0, 22], sizes = [512, 1], strides = [1, 1]} : vector<512x24xf32> to vector<512x1xf32>
      %gt3A = arith.constant 0.000000e+00 : f32
      %gt3A_462 = vector.broadcast %gt3A : f32 to vector<512x1xf32>
      %gt3A_463 = arith.cmpf ogt, %slice3A_461, %gt3A_462 : vector<512x1xf32>
      %slice3A_464 = vector.extract_strided_slice %dot_general3A_453 {offsets = [0, 0], sizes = [512, 16], strides = [1, 1]} : vector<512x24xf32> to vector<512x16xf32>
      %jit3A = arith.constant -1.000000e+30 : f32
      %broadcast_in_dim3A_465 = vector.shape_cast %gt3A_463 : vector<512x1xi1> to vector<512x1xi1>
      %broadcast_in_dim3A_466 = vector.broadcast %broadcast_in_dim3A_465 : vector<512x1xi1> to vector<512x16xi1>
      %broadcast_in_dim3A_467 = vector.broadcast %jit3A : f32 to vector<512x16xf32>
      %select_n3A_468 = arith.select %broadcast_in_dim3A_466, %slice3A_464, %broadcast_in_dim3A_467 : vector<512x16xi1>, vector<512x16xf32>
      %get3A_469 = arith.constant 512 : index
      %get3A_470 = arith.constant 0 : index
      %get3A_471 = vector.load %arg23[%get3A_469, %get3A_470] : memref<10240x16xf32, #tpu.memory_space<vmem>>, vector<512x16xf32>
      %max3A_472 = arith.maximumf %get3A_471, %select_n3A_468 : vector<512x16xf32>
      %swap3A_473 = arith.constant 512 : index
      %swap3A_474 = arith.constant 0 : index
      %swap3A_475 = vector.load %arg23[%swap3A_473, %swap3A_474] : memref<10240x16xf32, #tpu.memory_space<vmem>>, vector<512x16xf32>
      tpu.vector_store %arg23[%swap3A_473, %swap3A_474], %max3A_472 {strides = array<i32>} : memref<10240x16xf32, #tpu.memory_space<vmem>>, vector<512x16xf32>,
    } else {
    }
    %ge3A_301 = arith.constant 1024 : i32
    %ge3A_302 = arith.cmpi sge, %squeeze3A_282, %ge3A_301 : i32
    %lt3A_303 = arith.constant 1536 : i32
    %lt3A_304 = arith.cmpi slt, %squeeze3A, %lt3A_303 : i32
    %and3A_305 = arith.andi %ge3A_302, %lt3A_304 : i1
    %convert_element_type3A_306 = arith.extui %and3A_305 : i1 to i32
    %cond3A_307 = arith.constant 0 : i32
    %cond3A_308 = arith.cmpi ne, %convert_element_type3A_306, %cond3A_307 : i32
    scf.if %cond3A_308 {
      %iota3A = tpu.iota {dimensions = array<i32: 0>} : vector<512x2000xi32>
      %add3A_445 = arith.constant 1024 : i32
      %add3A_446 = vector.broadcast %add3A_445 : i32 to vector<512x2000xi32>
      %add3A_447 = arith.addi %iota3A, %add3A_446 : vector<512x2000xi32>
      %eq3A_448 = vector.broadcast %squeeze3A_287 : vector<1x2000xi32> to vector<512x2000xi32>
      %eq3A_449 = arith.cmpi eq, %add3A_447, %eq3A_448 : vector<512x2000xi32>
      %convert_element_type3A_450 = arith.extui %eq3A_449 : vector<512x2000xi1> to vector<512x2000xi32>
      %convert_element_type3A_451 = arith.sitofp %convert_element_type3A_450 : vector<512x2000xi32> to vector<512x2000xf32>
      %dot_general3A_452 = arith.constant dense<0.000000e+00> : vector<512x24xf32>
      %dot_general3A_453 = tpu.matmul %convert_element_type3A_451, %concatenate3A_279, %dot_general3A_452 {dimension_numbers = #tpu.dot_dimension_numbers<[1], [0], [0], [1], [0, 0, 1, 1], [], []>, transpose_lhs_hint = false} : vector<512x2000xf32>, vector<2000x24xf32>, vector<512x24xf32> -> vector<512x24xf32>
      %get3A_454 = arith.constant 1024 : index
      %get3A_455 = arith.constant 0 : index
      %get3A_456 = vector.load %arg24[%get3A_454, %get3A_455] : memref<10240x8xf32, #tpu.memory_space<vmem>>, vector<512x8xf32>
      %slice3A_457 = vector.extract_strided_slice %dot_general3A_453 {offsets = [0, 16], sizes = [512, 8], strides = [1, 1]} : vector<512x24xf32> to vector<512x8xf32>
      %add3A_458 = arith.addf %get3A_456, %slice3A_457 : vector<512x8xf32>
      %swap3A = arith.constant 1024 : index
      %swap3A_459 = arith.constant 0 : index
      %swap3A_460 = vector.load %arg24[%swap3A, %swap3A_459] : memref<10240x8xf32, #tpu.memory_space<vmem>>, vector<512x8xf32>
      tpu.vector_store %arg24[%swap3A, %swap3A_459], %add3A_458 {strides = array<i32>} : memref<10240x8xf32, #tpu.memory_space<vmem>>, vector<512x8xf32>,
      %slice3A_461 = vector.extract_strided_slice %dot_general3A_453 {offsets = [0, 22], sizes = [512, 1], strides = [1, 1]} : vector<512x24xf32> to vector<512x1xf32>
      %gt3A = arith.constant 0.000000e+00 : f32
      %gt3A_462 = vector.broadcast %gt3A : f32 to vector<512x1xf32>
      %gt3A_463 = arith.cmpf ogt, %slice3A_461, %gt3A_462 : vector<512x1xf32>
      %slice3A_464 = vector.extract_strided_slice %dot_general3A_453 {offsets = [0, 0], sizes = [512, 16], strides = [1, 1]} : vector<512x24xf32> to vector<512x16xf32>
      %jit3A = arith.constant -1.000000e+30 : f32
      %broadcast_in_dim3A_465 = vector.shape_cast %gt3A_463 : vector<512x1xi1> to vector<512x1xi1>
      %broadcast_in_dim3A_466 = vector.broadcast %broadcast_in_dim3A_465 : vector<512x1xi1> to vector<512x16xi1>
      %broadcast_in_dim3A_467 = vector.broadcast %jit3A : f32 to vector<512x16xf32>
      %select_n3A_468 = arith.select %broadcast_in_dim3A_466, %slice3A_464, %broadcast_in_dim3A_467 : vector<512x16xi1>, vector<512x16xf32>
      %get3A_469 = arith.constant 1024 : index
      %get3A_470 = arith.constant 0 : index
      %get3A_471 = vector.load %arg23[%get3A_469, %get3A_470] : memref<10240x16xf32, #tpu.memory_space<vmem>>, vector<512x16xf32>
      %max3A_472 = arith.maximumf %get3A_471, %select_n3A_468 : vector<512x16xf32>
      %swap3A_473 = arith.constant 1024 : index
      %swap3A_474 = arith.constant 0 : index
      %swap3A_475 = vector.load %arg23[%swap3A_473, %swap3A_474] : memref<10240x16xf32, #tpu.memory_space<vmem>>, vector<512x16xf32>
      tpu.vector_store %arg23[%swap3A_473, %swap3A_474], %max3A_472 {strides = array<i32>} : memref<10240x16xf32, #tpu.memory_space<vmem>>, vector<512x16xf32>,
    } else {
    }
    %ge3A_309 = arith.constant 1536 : i32
    %ge3A_310 = arith.cmpi sge, %squeeze3A_282, %ge3A_309 : i32
    %lt3A_311 = arith.constant 2048 : i32
    %lt3A_312 = arith.cmpi slt, %squeeze3A, %lt3A_311 : i32
    %and3A_313 = arith.andi %ge3A_310, %lt3A_312 : i1
    %convert_element_type3A_314 = arith.extui %and3A_313 : i1 to i32
    %cond3A_315 = arith.constant 0 : i32
    %cond3A_316 = arith.cmpi ne, %convert_element_type3A_314, %cond3A_315 : i32
    scf.if %cond3A_316 {
      %iota3A = tpu.iota {dimensions = array<i32: 0>} : vector<512x2000xi32>
      %add3A_445 = arith.constant 1536 : i32
      %add3A_446 = vector.broadcast %add3A_445 : i32 to vector<512x2000xi32>
      %add3A_447 = arith.addi %iota3A, %add3A_446 : vector<512x2000xi32>
      %eq3A_448 = vector.broadcast %squeeze3A_287 : vector<1x2000xi32> to vector<512x2000xi32>
      %eq3A_449 = arith.cmpi eq, %add3A_447, %eq3A_448 : vector<512x2000xi32>
      %convert_element_type3A_450 = arith.extui %eq3A_449 : vector<512x2000xi1> to vector<512x2000xi32>
      %convert_element_type3A_451 = arith.sitofp %convert_element_type3A_450 : vector<512x2000xi32> to vector<512x2000xf32>
      %dot_general3A_452 = arith.constant dense<0.000000e+00> : vector<512x24xf32>
      %dot_general3A_453 = tpu.matmul %convert_element_type3A_451, %concatenate3A_279, %dot_general3A_452 {dimension_numbers = #tpu.dot_dimension_numbers<[1], [0], [0], [1], [0, 0, 1, 1], [], []>, transpose_lhs_hint = false} : vector<512x2000xf32>, vector<2000x24xf32>, vector<512x24xf32> -> vector<512x24xf32>
      %get3A_454 = arith.constant 1536 : index
      %get3A_455 = arith.constant 0 : index
      %get3A_456 = vector.load %arg24[%get3A_454, %get3A_455] : memref<10240x8xf32, #tpu.memory_space<vmem>>, vector<512x8xf32>
      %slice3A_457 = vector.extract_strided_slice %dot_general3A_453 {offsets = [0, 16], sizes = [512, 8], strides = [1, 1]} : vector<512x24xf32> to vector<512x8xf32>
      %add3A_458 = arith.addf %get3A_456, %slice3A_457 : vector<512x8xf32>
      %swap3A = arith.constant 1536 : index
      %swap3A_459 = arith.constant 0 : index
      %swap3A_460 = vector.load %arg24[%swap3A, %swap3A_459] : memref<10240x8xf32, #tpu.memory_space<vmem>>, vector<512x8xf32>
      tpu.vector_store %arg24[%swap3A, %swap3A_459], %add3A_458 {strides = array<i32>} : memref<10240x8xf32, #tpu.memory_space<vmem>>, vector<512x8xf32>,
      %slice3A_461 = vector.extract_strided_slice %dot_general3A_453 {offsets = [0, 22], sizes = [512, 1], strides = [1, 1]} : vector<512x24xf32> to vector<512x1xf32>
      %gt3A = arith.constant 0.000000e+00 : f32
      %gt3A_462 = vector.broadcast %gt3A : f32 to vector<512x1xf32>
      %gt3A_463 = arith.cmpf ogt, %slice3A_461, %gt3A_462 : vector<512x1xf32>
      %slice3A_464 = vector.extract_strided_slice %dot_general3A_453 {offsets = [0, 0], sizes = [512, 16], strides = [1, 1]} : vector<512x24xf32> to vector<512x16xf32>
      %jit3A = arith.constant -1.000000e+30 : f32
      %broadcast_in_dim3A_465 = vector.shape_cast %gt3A_463 : vector<512x1xi1> to vector<512x1xi1>
      %broadcast_in_dim3A_466 = vector.broadcast %broadcast_in_dim3A_465 : vector<512x1xi1> to vector<512x16xi1>
      %broadcast_in_dim3A_467 = vector.broadcast %jit3A : f32 to vector<512x16xf32>
      %select_n3A_468 = arith.select %broadcast_in_dim3A_466, %slice3A_464, %broadcast_in_dim3A_467 : vector<512x16xi1>, vector<512x16xf32>
      %get3A_469 = arith.constant 1536 : index
      %get3A_470 = arith.constant 0 : index
      %get3A_471 = vector.load %arg23[%get3A_469, %get3A_470] : memref<10240x16xf32, #tpu.memory_space<vmem>>, vector<512x16xf32>
      %max3A_472 = arith.maximumf %get3A_471, %select_n3A_468 : vector<512x16xf32>
      %swap3A_473 = arith.constant 1536 : index
      %swap3A_474 = arith.constant 0 : index
      %swap3A_475 = vector.load %arg23[%swap3A_473, %swap3A_474] : memref<10240x16xf32, #tpu.memory_space<vmem>>, vector<512x16xf32>
      tpu.vector_store %arg23[%swap3A_473, %swap3A_474], %max3A_472 {strides = array<i32>} : memref<10240x16xf32, #tpu.memory_space<vmem>>, vector<512x16xf32>,
    } else {
    }
    %ge3A_317 = arith.constant 2048 : i32
    %ge3A_318 = arith.cmpi sge, %squeeze3A_282, %ge3A_317 : i32
    %lt3A_319 = arith.constant 2560 : i32
    %lt3A_320 = arith.cmpi slt, %squeeze3A, %lt3A_319 : i32
    %and3A_321 = arith.andi %ge3A_318, %lt3A_320 : i1
    %convert_element_type3A_322 = arith.extui %and3A_321 : i1 to i32
    %cond3A_323 = arith.constant 0 : i32
    %cond3A_324 = arith.cmpi ne, %convert_element_type3A_322, %cond3A_323 : i32
    scf.if %cond3A_324 {
      %iota3A = tpu.iota {dimensions = array<i32: 0>} : vector<512x2000xi32>
      %add3A_445 = arith.constant 2048 : i32
      %add3A_446 = vector.broadcast %add3A_445 : i32 to vector<512x2000xi32>
      %add3A_447 = arith.addi %iota3A, %add3A_446 : vector<512x2000xi32>
      %eq3A_448 = vector.broadcast %squeeze3A_287 : vector<1x2000xi32> to vector<512x2000xi32>
      %eq3A_449 = arith.cmpi eq, %add3A_447, %eq3A_448 : vector<512x2000xi32>
      %convert_element_type3A_450 = arith.extui %eq3A_449 : vector<512x2000xi1> to vector<512x2000xi32>
      %convert_element_type3A_451 = arith.sitofp %convert_element_type3A_450 : vector<512x2000xi32> to vector<512x2000xf32>
      %dot_general3A_452 = arith.constant dense<0.000000e+00> : vector<512x24xf32>
      %dot_general3A_453 = tpu.matmul %convert_element_type3A_451, %concatenate3A_279, %dot_general3A_452 {dimension_numbers = #tpu.dot_dimension_numbers<[1], [0], [0], [1], [0, 0, 1, 1], [], []>, transpose_lhs_hint = false} : vector<512x2000xf32>, vector<2000x24xf32>, vector<512x24xf32> -> vector<512x24xf32>
      %get3A_454 = arith.constant 2048 : index
      %get3A_455 = arith.constant 0 : index
      %get3A_456 = vector.load %arg24[%get3A_454, %get3A_455] : memref<10240x8xf32, #tpu.memory_space<vmem>>, vector<512x8xf32>
      %slice3A_457 = vector.extract_strided_slice %dot_general3A_453 {offsets = [0, 16], sizes = [512, 8], strides = [1, 1]} : vector<512x24xf32> to vector<512x8xf32>
      %add3A_458 = arith.addf %get3A_456, %slice3A_457 : vector<512x8xf32>
      %swap3A = arith.constant 2048 : index
      %swap3A_459 = arith.constant 0 : index
      %swap3A_460 = vector.load %arg24[%swap3A, %swap3A_459] : memref<10240x8xf32, #tpu.memory_space<vmem>>, vector<512x8xf32>
      tpu.vector_store %arg24[%swap3A, %swap3A_459], %add3A_458 {strides = array<i32>} : memref<10240x8xf32, #tpu.memory_space<vmem>>, vector<512x8xf32>,
      %slice3A_461 = vector.extract_strided_slice %dot_general3A_453 {offsets = [0, 22], sizes = [512, 1], strides = [1, 1]} : vector<512x24xf32> to vector<512x1xf32>
      %gt3A = arith.constant 0.000000e+00 : f32
      %gt3A_462 = vector.broadcast %gt3A : f32 to vector<512x1xf32>
      %gt3A_463 = arith.cmpf ogt, %slice3A_461, %gt3A_462 : vector<512x1xf32>
      %slice3A_464 = vector.extract_strided_slice %dot_general3A_453 {offsets = [0, 0], sizes = [512, 16], strides = [1, 1]} : vector<512x24xf32> to vector<512x16xf32>
      %jit3A = arith.constant -1.000000e+30 : f32
      %broadcast_in_dim3A_465 = vector.shape_cast %gt3A_463 : vector<512x1xi1> to vector<512x1xi1>
      %broadcast_in_dim3A_466 = vector.broadcast %broadcast_in_dim3A_465 : vector<512x1xi1> to vector<512x16xi1>
      %broadcast_in_dim3A_467 = vector.broadcast %jit3A : f32 to vector<512x16xf32>
      %select_n3A_468 = arith.select %broadcast_in_dim3A_466, %slice3A_464, %broadcast_in_dim3A_467 : vector<512x16xi1>, vector<512x16xf32>
      %get3A_469 = arith.constant 2048 : index
      %get3A_470 = arith.constant 0 : index
      %get3A_471 = vector.load %arg23[%get3A_469, %get3A_470] : memref<10240x16xf32, #tpu.memory_space<vmem>>, vector<512x16xf32>
      %max3A_472 = arith.maximumf %get3A_471, %select_n3A_468 : vector<512x16xf32>
      %swap3A_473 = arith.constant 2048 : index
      %swap3A_474 = arith.constant 0 : index
      %swap3A_475 = vector.load %arg23[%swap3A_473, %swap3A_474] : memref<10240x16xf32, #tpu.memory_space<vmem>>, vector<512x16xf32>
      tpu.vector_store %arg23[%swap3A_473, %swap3A_474], %max3A_472 {strides = array<i32>} : memref<10240x16xf32, #tpu.memory_space<vmem>>, vector<512x16xf32>,
    } else {
    }
    %ge3A_325 = arith.constant 2560 : i32
    %ge3A_326 = arith.cmpi sge, %squeeze3A_282, %ge3A_325 : i32
    %lt3A_327 = arith.constant 3072 : i32
    %lt3A_328 = arith.cmpi slt, %squeeze3A, %lt3A_327 : i32
    %and3A_329 = arith.andi %ge3A_326, %lt3A_328 : i1
    %convert_element_type3A_330 = arith.extui %and3A_329 : i1 to i32
    %cond3A_331 = arith.constant 0 : i32
    %cond3A_332 = arith.cmpi ne, %convert_element_type3A_330, %cond3A_331 : i32
    scf.if %cond3A_332 {
      %iota3A = tpu.iota {dimensions = array<i32: 0>} : vector<512x2000xi32>
      %add3A_445 = arith.constant 2560 : i32
      %add3A_446 = vector.broadcast %add3A_445 : i32 to vector<512x2000xi32>
      %add3A_447 = arith.addi %iota3A, %add3A_446 : vector<512x2000xi32>
      %eq3A_448 = vector.broadcast %squeeze3A_287 : vector<1x2000xi32> to vector<512x2000xi32>
      %eq3A_449 = arith.cmpi eq, %add3A_447, %eq3A_448 : vector<512x2000xi32>
      %convert_element_type3A_450 = arith.extui %eq3A_449 : vector<512x2000xi1> to vector<512x2000xi32>
      %convert_element_type3A_451 = arith.sitofp %convert_element_type3A_450 : vector<512x2000xi32> to vector<512x2000xf32>
      %dot_general3A_452 = arith.constant dense<0.000000e+00> : vector<512x24xf32>
      %dot_general3A_453 = tpu.matmul %convert_element_type3A_451, %concatenate3A_279, %dot_general3A_452 {dimension_numbers = #tpu.dot_dimension_numbers<[1], [0], [0], [1], [0, 0, 1, 1], [], []>, transpose_lhs_hint = false} : vector<512x2000xf32>, vector<2000x24xf32>, vector<512x24xf32> -> vector<512x24xf32>
      %get3A_454 = arith.constant 2560 : index
      %get3A_455 = arith.constant 0 : index
      %get3A_456 = vector.load %arg24[%get3A_454, %get3A_455] : memref<10240x8xf32, #tpu.memory_space<vmem>>, vector<512x8xf32>
      %slice3A_457 = vector.extract_strided_slice %dot_general3A_453 {offsets = [0, 16], sizes = [512, 8], strides = [1, 1]} : vector<512x24xf32> to vector<512x8xf32>
      %add3A_458 = arith.addf %get3A_456, %slice3A_457 : vector<512x8xf32>
      %swap3A = arith.constant 2560 : index
      %swap3A_459 = arith.constant 0 : index
      %swap3A_460 = vector.load %arg24[%swap3A, %swap3A_459] : memref<10240x8xf32, #tpu.memory_space<vmem>>, vector<512x8xf32>
      tpu.vector_store %arg24[%swap3A, %swap3A_459], %add3A_458 {strides = array<i32>} : memref<10240x8xf32, #tpu.memory_space<vmem>>, vector<512x8xf32>,
      %slice3A_461 = vector.extract_strided_slice %dot_general3A_453 {offsets = [0, 22], sizes = [512, 1], strides = [1, 1]} : vector<512x24xf32> to vector<512x1xf32>
      %gt3A = arith.constant 0.000000e+00 : f32
      %gt3A_462 = vector.broadcast %gt3A : f32 to vector<512x1xf32>
      %gt3A_463 = arith.cmpf ogt, %slice3A_461, %gt3A_462 : vector<512x1xf32>
      %slice3A_464 = vector.extract_strided_slice %dot_general3A_453 {offsets = [0, 0], sizes = [512, 16], strides = [1, 1]} : vector<512x24xf32> to vector<512x16xf32>
      %jit3A = arith.constant -1.000000e+30 : f32
      %broadcast_in_dim3A_465 = vector.shape_cast %gt3A_463 : vector<512x1xi1> to vector<512x1xi1>
      %broadcast_in_dim3A_466 = vector.broadcast %broadcast_in_dim3A_465 : vector<512x1xi1> to vector<512x16xi1>
      %broadcast_in_dim3A_467 = vector.broadcast %jit3A : f32 to vector<512x16xf32>
      %select_n3A_468 = arith.select %broadcast_in_dim3A_466, %slice3A_464, %broadcast_in_dim3A_467 : vector<512x16xi1>, vector<512x16xf32>
      %get3A_469 = arith.constant 2560 : index
      %get3A_470 = arith.constant 0 : index
      %get3A_471 = vector.load %arg23[%get3A_469, %get3A_470] : memref<10240x16xf32, #tpu.memory_space<vmem>>, vector<512x16xf32>
      %max3A_472 = arith.maximumf %get3A_471, %select_n3A_468 : vector<512x16xf32>
      %swap3A_473 = arith.constant 2560 : index
      %swap3A_474 = arith.constant 0 : index
      %swap3A_475 = vector.load %arg23[%swap3A_473, %swap3A_474] : memref<10240x16xf32, #tpu.memory_space<vmem>>, vector<512x16xf32>
      tpu.vector_store %arg23[%swap3A_473, %swap3A_474], %max3A_472 {strides = array<i32>} : memref<10240x16xf32, #tpu.memory_space<vmem>>, vector<512x16xf32>,
    } else {
    }
    %ge3A_333 = arith.constant 3072 : i32
    %ge3A_334 = arith.cmpi sge, %squeeze3A_282, %ge3A_333 : i32
    %lt3A_335 = arith.constant 3584 : i32
    %lt3A_336 = arith.cmpi slt, %squeeze3A, %lt3A_335 : i32
    %and3A_337 = arith.andi %ge3A_334, %lt3A_336 : i1
    %convert_element_type3A_338 = arith.extui %and3A_337 : i1 to i32
    %cond3A_339 = arith.constant 0 : i32
    %cond3A_340 = arith.cmpi ne, %convert_element_type3A_338, %cond3A_339 : i32
    scf.if %cond3A_340 {
      %iota3A = tpu.iota {dimensions = array<i32: 0>} : vector<512x2000xi32>
      %add3A_445 = arith.constant 3072 : i32
      %add3A_446 = vector.broadcast %add3A_445 : i32 to vector<512x2000xi32>
      %add3A_447 = arith.addi %iota3A, %add3A_446 : vector<512x2000xi32>
      %eq3A_448 = vector.broadcast %squeeze3A_287 : vector<1x2000xi32> to vector<512x2000xi32>
      %eq3A_449 = arith.cmpi eq, %add3A_447, %eq3A_448 : vector<512x2000xi32>
      %convert_element_type3A_450 = arith.extui %eq3A_449 : vector<512x2000xi1> to vector<512x2000xi32>
      %convert_element_type3A_451 = arith.sitofp %convert_element_type3A_450 : vector<512x2000xi32> to vector<512x2000xf32>
      %dot_general3A_452 = arith.constant dense<0.000000e+00> : vector<512x24xf32>
      %dot_general3A_453 = tpu.matmul %convert_element_type3A_451, %concatenate3A_279, %dot_general3A_452 {dimension_numbers = #tpu.dot_dimension_numbers<[1], [0], [0], [1], [0, 0, 1, 1], [], []>, transpose_lhs_hint = false} : vector<512x2000xf32>, vector<2000x24xf32>, vector<512x24xf32> -> vector<512x24xf32>
      %get3A_454 = arith.constant 3072 : index
      %get3A_455 = arith.constant 0 : index
      %get3A_456 = vector.load %arg24[%get3A_454, %get3A_455] : memref<10240x8xf32, #tpu.memory_space<vmem>>, vector<512x8xf32>
      %slice3A_457 = vector.extract_strided_slice %dot_general3A_453 {offsets = [0, 16], sizes = [512, 8], strides = [1, 1]} : vector<512x24xf32> to vector<512x8xf32>
      %add3A_458 = arith.addf %get3A_456, %slice3A_457 : vector<512x8xf32>
      %swap3A = arith.constant 3072 : index
      %swap3A_459 = arith.constant 0 : index
      %swap3A_460 = vector.load %arg24[%swap3A, %swap3A_459] : memref<10240x8xf32, #tpu.memory_space<vmem>>, vector<512x8xf32>
      tpu.vector_store %arg24[%swap3A, %swap3A_459], %add3A_458 {strides = array<i32>} : memref<10240x8xf32, #tpu.memory_space<vmem>>, vector<512x8xf32>,
      %slice3A_461 = vector.extract_strided_slice %dot_general3A_453 {offsets = [0, 22], sizes = [512, 1], strides = [1, 1]} : vector<512x24xf32> to vector<512x1xf32>
      %gt3A = arith.constant 0.000000e+00 : f32
      %gt3A_462 = vector.broadcast %gt3A : f32 to vector<512x1xf32>
      %gt3A_463 = arith.cmpf ogt, %slice3A_461, %gt3A_462 : vector<512x1xf32>
      %slice3A_464 = vector.extract_strided_slice %dot_general3A_453 {offsets = [0, 0], sizes = [512, 16], strides = [1, 1]} : vector<512x24xf32> to vector<512x16xf32>
      %jit3A = arith.constant -1.000000e+30 : f32
      %broadcast_in_dim3A_465 = vector.shape_cast %gt3A_463 : vector<512x1xi1> to vector<512x1xi1>
      %broadcast_in_dim3A_466 = vector.broadcast %broadcast_in_dim3A_465 : vector<512x1xi1> to vector<512x16xi1>
      %broadcast_in_dim3A_467 = vector.broadcast %jit3A : f32 to vector<512x16xf32>
      %select_n3A_468 = arith.select %broadcast_in_dim3A_466, %slice3A_464, %broadcast_in_dim3A_467 : vector<512x16xi1>, vector<512x16xf32>
      %get3A_469 = arith.constant 3072 : index
      %get3A_470 = arith.constant 0 : index
      %get3A_471 = vector.load %arg23[%get3A_469, %get3A_470] : memref<10240x16xf32, #tpu.memory_space<vmem>>, vector<512x16xf32>
      %max3A_472 = arith.maximumf %get3A_471, %select_n3A_468 : vector<512x16xf32>
      %swap3A_473 = arith.constant 3072 : index
      %swap3A_474 = arith.constant 0 : index
      %swap3A_475 = vector.load %arg23[%swap3A_473, %swap3A_474] : memref<10240x16xf32, #tpu.memory_space<vmem>>, vector<512x16xf32>
      tpu.vector_store %arg23[%swap3A_473, %swap3A_474], %max3A_472 {strides = array<i32>} : memref<10240x16xf32, #tpu.memory_space<vmem>>, vector<512x16xf32>,
    } else {
    }
    %ge3A_341 = arith.constant 3584 : i32
    %ge3A_342 = arith.cmpi sge, %squeeze3A_282, %ge3A_341 : i32
    %lt3A_343 = arith.constant 4096 : i32
    %lt3A_344 = arith.cmpi slt, %squeeze3A, %lt3A_343 : i32
    %and3A_345 = arith.andi %ge3A_342, %lt3A_344 : i1
    %convert_element_type3A_346 = arith.extui %and3A_345 : i1 to i32
    %cond3A_347 = arith.constant 0 : i32
    %cond3A_348 = arith.cmpi ne, %convert_element_type3A_346, %cond3A_347 : i32
    scf.if %cond3A_348 {
      %iota3A = tpu.iota {dimensions = array<i32: 0>} : vector<512x2000xi32>
      %add3A_445 = arith.constant 3584 : i32
      %add3A_446 = vector.broadcast %add3A_445 : i32 to vector<512x2000xi32>
      %add3A_447 = arith.addi %iota3A, %add3A_446 : vector<512x2000xi32>
      %eq3A_448 = vector.broadcast %squeeze3A_287 : vector<1x2000xi32> to vector<512x2000xi32>
      %eq3A_449 = arith.cmpi eq, %add3A_447, %eq3A_448 : vector<512x2000xi32>
      %convert_element_type3A_450 = arith.extui %eq3A_449 : vector<512x2000xi1> to vector<512x2000xi32>
      %convert_element_type3A_451 = arith.sitofp %convert_element_type3A_450 : vector<512x2000xi32> to vector<512x2000xf32>
      %dot_general3A_452 = arith.constant dense<0.000000e+00> : vector<512x24xf32>
      %dot_general3A_453 = tpu.matmul %convert_element_type3A_451, %concatenate3A_279, %dot_general3A_452 {dimension_numbers = #tpu.dot_dimension_numbers<[1], [0], [0], [1], [0, 0, 1, 1], [], []>, transpose_lhs_hint = false} : vector<512x2000xf32>, vector<2000x24xf32>, vector<512x24xf32> -> vector<512x24xf32>
      %get3A_454 = arith.constant 3584 : index
      %get3A_455 = arith.constant 0 : index
      %get3A_456 = vector.load %arg24[%get3A_454, %get3A_455] : memref<10240x8xf32, #tpu.memory_space<vmem>>, vector<512x8xf32>
      %slice3A_457 = vector.extract_strided_slice %dot_general3A_453 {offsets = [0, 16], sizes = [512, 8], strides = [1, 1]} : vector<512x24xf32> to vector<512x8xf32>
      %add3A_458 = arith.addf %get3A_456, %slice3A_457 : vector<512x8xf32>
      %swap3A = arith.constant 3584 : index
      %swap3A_459 = arith.constant 0 : index
      %swap3A_460 = vector.load %arg24[%swap3A, %swap3A_459] : memref<10240x8xf32, #tpu.memory_space<vmem>>, vector<512x8xf32>
      tpu.vector_store %arg24[%swap3A, %swap3A_459], %add3A_458 {strides = array<i32>} : memref<10240x8xf32, #tpu.memory_space<vmem>>, vector<512x8xf32>,
      %slice3A_461 = vector.extract_strided_slice %dot_general3A_453 {offsets = [0, 22], sizes = [512, 1], strides = [1, 1]} : vector<512x24xf32> to vector<512x1xf32>
      %gt3A = arith.constant 0.000000e+00 : f32
      %gt3A_462 = vector.broadcast %gt3A : f32 to vector<512x1xf32>
      %gt3A_463 = arith.cmpf ogt, %slice3A_461, %gt3A_462 : vector<512x1xf32>
      %slice3A_464 = vector.extract_strided_slice %dot_general3A_453 {offsets = [0, 0], sizes = [512, 16], strides = [1, 1]} : vector<512x24xf32> to vector<512x16xf32>
      %jit3A = arith.constant -1.000000e+30 : f32
      %broadcast_in_dim3A_465 = vector.shape_cast %gt3A_463 : vector<512x1xi1> to vector<512x1xi1>
      %broadcast_in_dim3A_466 = vector.broadcast %broadcast_in_dim3A_465 : vector<512x1xi1> to vector<512x16xi1>
      %broadcast_in_dim3A_467 = vector.broadcast %jit3A : f32 to vector<512x16xf32>
      %select_n3A_468 = arith.select %broadcast_in_dim3A_466, %slice3A_464, %broadcast_in_dim3A_467 : vector<512x16xi1>, vector<512x16xf32>
      %get3A_469 = arith.constant 3584 : index
      %get3A_470 = arith.constant 0 : index
      %get3A_471 = vector.load %arg23[%get3A_469, %get3A_470] : memref<10240x16xf32, #tpu.memory_space<vmem>>, vector<512x16xf32>
      %max3A_472 = arith.maximumf %get3A_471, %select_n3A_468 : vector<512x16xf32>
      %swap3A_473 = arith.constant 3584 : index
      %swap3A_474 = arith.constant 0 : index
      %swap3A_475 = vector.load %arg23[%swap3A_473, %swap3A_474] : memref<10240x16xf32, #tpu.memory_space<vmem>>, vector<512x16xf32>
      tpu.vector_store %arg23[%swap3A_473, %swap3A_474], %max3A_472 {strides = array<i32>} : memref<10240x16xf32, #tpu.memory_space<vmem>>, vector<512x16xf32>,
    } else {
    }
    %ge3A_349 = arith.constant 4096 : i32
    %ge3A_350 = arith.cmpi sge, %squeeze3A_282, %ge3A_349 : i32
    %lt3A_351 = arith.constant 4608 : i32
    %lt3A_352 = arith.cmpi slt, %squeeze3A, %lt3A_351 : i32
    %and3A_353 = arith.andi %ge3A_350, %lt3A_352 : i1
    %convert_element_type3A_354 = arith.extui %and3A_353 : i1 to i32
    %cond3A_355 = arith.constant 0 : i32
    %cond3A_356 = arith.cmpi ne, %convert_element_type3A_354, %cond3A_355 : i32
    scf.if %cond3A_356 {
      %iota3A = tpu.iota {dimensions = array<i32: 0>} : vector<512x2000xi32>
      %add3A_445 = arith.constant 4096 : i32
      %add3A_446 = vector.broadcast %add3A_445 : i32 to vector<512x2000xi32>
      %add3A_447 = arith.addi %iota3A, %add3A_446 : vector<512x2000xi32>
      %eq3A_448 = vector.broadcast %squeeze3A_287 : vector<1x2000xi32> to vector<512x2000xi32>
      %eq3A_449 = arith.cmpi eq, %add3A_447, %eq3A_448 : vector<512x2000xi32>
      %convert_element_type3A_450 = arith.extui %eq3A_449 : vector<512x2000xi1> to vector<512x2000xi32>
      %convert_element_type3A_451 = arith.sitofp %convert_element_type3A_450 : vector<512x2000xi32> to vector<512x2000xf32>
      %dot_general3A_452 = arith.constant dense<0.000000e+00> : vector<512x24xf32>
      %dot_general3A_453 = tpu.matmul %convert_element_type3A_451, %concatenate3A_279, %dot_general3A_452 {dimension_numbers = #tpu.dot_dimension_numbers<[1], [0], [0], [1], [0, 0, 1, 1], [], []>, transpose_lhs_hint = false} : vector<512x2000xf32>, vector<2000x24xf32>, vector<512x24xf32> -> vector<512x24xf32>
      %get3A_454 = arith.constant 4096 : index
      %get3A_455 = arith.constant 0 : index
      %get3A_456 = vector.load %arg24[%get3A_454, %get3A_455] : memref<10240x8xf32, #tpu.memory_space<vmem>>, vector<512x8xf32>
      %slice3A_457 = vector.extract_strided_slice %dot_general3A_453 {offsets = [0, 16], sizes = [512, 8], strides = [1, 1]} : vector<512x24xf32> to vector<512x8xf32>
      %add3A_458 = arith.addf %get3A_456, %slice3A_457 : vector<512x8xf32>
      %swap3A = arith.constant 4096 : index
      %swap3A_459 = arith.constant 0 : index
      %swap3A_460 = vector.load %arg24[%swap3A, %swap3A_459] : memref<10240x8xf32, #tpu.memory_space<vmem>>, vector<512x8xf32>
      tpu.vector_store %arg24[%swap3A, %swap3A_459], %add3A_458 {strides = array<i32>} : memref<10240x8xf32, #tpu.memory_space<vmem>>, vector<512x8xf32>,
      %slice3A_461 = vector.extract_strided_slice %dot_general3A_453 {offsets = [0, 22], sizes = [512, 1], strides = [1, 1]} : vector<512x24xf32> to vector<512x1xf32>
      %gt3A = arith.constant 0.000000e+00 : f32
      %gt3A_462 = vector.broadcast %gt3A : f32 to vector<512x1xf32>
      %gt3A_463 = arith.cmpf ogt, %slice3A_461, %gt3A_462 : vector<512x1xf32>
      %slice3A_464 = vector.extract_strided_slice %dot_general3A_453 {offsets = [0, 0], sizes = [512, 16], strides = [1, 1]} : vector<512x24xf32> to vector<512x16xf32>
      %jit3A = arith.constant -1.000000e+30 : f32
      %broadcast_in_dim3A_465 = vector.shape_cast %gt3A_463 : vector<512x1xi1> to vector<512x1xi1>
      %broadcast_in_dim3A_466 = vector.broadcast %broadcast_in_dim3A_465 : vector<512x1xi1> to vector<512x16xi1>
      %broadcast_in_dim3A_467 = vector.broadcast %jit3A : f32 to vector<512x16xf32>
      %select_n3A_468 = arith.select %broadcast_in_dim3A_466, %slice3A_464, %broadcast_in_dim3A_467 : vector<512x16xi1>, vector<512x16xf32>
      %get3A_469 = arith.constant 4096 : index
      %get3A_470 = arith.constant 0 : index
      %get3A_471 = vector.load %arg23[%get3A_469, %get3A_470] : memref<10240x16xf32, #tpu.memory_space<vmem>>, vector<512x16xf32>
      %max3A_472 = arith.maximumf %get3A_471, %select_n3A_468 : vector<512x16xf32>
      %swap3A_473 = arith.constant 4096 : index
      %swap3A_474 = arith.constant 0 : index
      %swap3A_475 = vector.load %arg23[%swap3A_473, %swap3A_474] : memref<10240x16xf32, #tpu.memory_space<vmem>>, vector<512x16xf32>
      tpu.vector_store %arg23[%swap3A_473, %swap3A_474], %max3A_472 {strides = array<i32>} : memref<10240x16xf32, #tpu.memory_space<vmem>>, vector<512x16xf32>,
    } else {
    }
    %ge3A_357 = arith.constant 4608 : i32
    %ge3A_358 = arith.cmpi sge, %squeeze3A_282, %ge3A_357 : i32
    %lt3A_359 = arith.constant 5120 : i32
    %lt3A_360 = arith.cmpi slt, %squeeze3A, %lt3A_359 : i32
    %and3A_361 = arith.andi %ge3A_358, %lt3A_360 : i1
    %convert_element_type3A_362 = arith.extui %and3A_361 : i1 to i32
    %cond3A_363 = arith.constant 0 : i32
    %cond3A_364 = arith.cmpi ne, %convert_element_type3A_362, %cond3A_363 : i32
    scf.if %cond3A_364 {
      %iota3A = tpu.iota {dimensions = array<i32: 0>} : vector<512x2000xi32>
      %add3A_445 = arith.constant 4608 : i32
      %add3A_446 = vector.broadcast %add3A_445 : i32 to vector<512x2000xi32>
      %add3A_447 = arith.addi %iota3A, %add3A_446 : vector<512x2000xi32>
      %eq3A_448 = vector.broadcast %squeeze3A_287 : vector<1x2000xi32> to vector<512x2000xi32>
      %eq3A_449 = arith.cmpi eq, %add3A_447, %eq3A_448 : vector<512x2000xi32>
      %convert_element_type3A_450 = arith.extui %eq3A_449 : vector<512x2000xi1> to vector<512x2000xi32>
      %convert_element_type3A_451 = arith.sitofp %convert_element_type3A_450 : vector<512x2000xi32> to vector<512x2000xf32>
      %dot_general3A_452 = arith.constant dense<0.000000e+00> : vector<512x24xf32>
      %dot_general3A_453 = tpu.matmul %convert_element_type3A_451, %concatenate3A_279, %dot_general3A_452 {dimension_numbers = #tpu.dot_dimension_numbers<[1], [0], [0], [1], [0, 0, 1, 1], [], []>, transpose_lhs_hint = false} : vector<512x2000xf32>, vector<2000x24xf32>, vector<512x24xf32> -> vector<512x24xf32>
      %get3A_454 = arith.constant 4608 : index
      %get3A_455 = arith.constant 0 : index
      %get3A_456 = vector.load %arg24[%get3A_454, %get3A_455] : memref<10240x8xf32, #tpu.memory_space<vmem>>, vector<512x8xf32>
      %slice3A_457 = vector.extract_strided_slice %dot_general3A_453 {offsets = [0, 16], sizes = [512, 8], strides = [1, 1]} : vector<512x24xf32> to vector<512x8xf32>
      %add3A_458 = arith.addf %get3A_456, %slice3A_457 : vector<512x8xf32>
      %swap3A = arith.constant 4608 : index
      %swap3A_459 = arith.constant 0 : index
      %swap3A_460 = vector.load %arg24[%swap3A, %swap3A_459] : memref<10240x8xf32, #tpu.memory_space<vmem>>, vector<512x8xf32>
      tpu.vector_store %arg24[%swap3A, %swap3A_459], %add3A_458 {strides = array<i32>} : memref<10240x8xf32, #tpu.memory_space<vmem>>, vector<512x8xf32>,
      %slice3A_461 = vector.extract_strided_slice %dot_general3A_453 {offsets = [0, 22], sizes = [512, 1], strides = [1, 1]} : vector<512x24xf32> to vector<512x1xf32>
      %gt3A = arith.constant 0.000000e+00 : f32
      %gt3A_462 = vector.broadcast %gt3A : f32 to vector<512x1xf32>
      %gt3A_463 = arith.cmpf ogt, %slice3A_461, %gt3A_462 : vector<512x1xf32>
      %slice3A_464 = vector.extract_strided_slice %dot_general3A_453 {offsets = [0, 0], sizes = [512, 16], strides = [1, 1]} : vector<512x24xf32> to vector<512x16xf32>
      %jit3A = arith.constant -1.000000e+30 : f32
      %broadcast_in_dim3A_465 = vector.shape_cast %gt3A_463 : vector<512x1xi1> to vector<512x1xi1>
      %broadcast_in_dim3A_466 = vector.broadcast %broadcast_in_dim3A_465 : vector<512x1xi1> to vector<512x16xi1>
      %broadcast_in_dim3A_467 = vector.broadcast %jit3A : f32 to vector<512x16xf32>
      %select_n3A_468 = arith.select %broadcast_in_dim3A_466, %slice3A_464, %broadcast_in_dim3A_467 : vector<512x16xi1>, vector<512x16xf32>
      %get3A_469 = arith.constant 4608 : index
      %get3A_470 = arith.constant 0 : index
      %get3A_471 = vector.load %arg23[%get3A_469, %get3A_470] : memref<10240x16xf32, #tpu.memory_space<vmem>>, vector<512x16xf32>
      %max3A_472 = arith.maximumf %get3A_471, %select_n3A_468 : vector<512x16xf32>
      %swap3A_473 = arith.constant 4608 : index
      %swap3A_474 = arith.constant 0 : index
      %swap3A_475 = vector.load %arg23[%swap3A_473, %swap3A_474] : memref<10240x16xf32, #tpu.memory_space<vmem>>, vector<512x16xf32>
      tpu.vector_store %arg23[%swap3A_473, %swap3A_474], %max3A_472 {strides = array<i32>} : memref<10240x16xf32, #tpu.memory_space<vmem>>, vector<512x16xf32>,
    } else {
    }
    %ge3A_365 = arith.constant 5120 : i32
    %ge3A_366 = arith.cmpi sge, %squeeze3A_282, %ge3A_365 : i32
    %lt3A_367 = arith.constant 5632 : i32
    %lt3A_368 = arith.cmpi slt, %squeeze3A, %lt3A_367 : i32
    %and3A_369 = arith.andi %ge3A_366, %lt3A_368 : i1
    %convert_element_type3A_370 = arith.extui %and3A_369 : i1 to i32
    %cond3A_371 = arith.constant 0 : i32
    %cond3A_372 = arith.cmpi ne, %convert_element_type3A_370, %cond3A_371 : i32
    scf.if %cond3A_372 {
      %iota3A = tpu.iota {dimensions = array<i32: 0>} : vector<512x2000xi32>
      %add3A_445 = arith.constant 5120 : i32
      %add3A_446 = vector.broadcast %add3A_445 : i32 to vector<512x2000xi32>
      %add3A_447 = arith.addi %iota3A, %add3A_446 : vector<512x2000xi32>
      %eq3A_448 = vector.broadcast %squeeze3A_287 : vector<1x2000xi32> to vector<512x2000xi32>
      %eq3A_449 = arith.cmpi eq, %add3A_447, %eq3A_448 : vector<512x2000xi32>
      %convert_element_type3A_450 = arith.extui %eq3A_449 : vector<512x2000xi1> to vector<512x2000xi32>
      %convert_element_type3A_451 = arith.sitofp %convert_element_type3A_450 : vector<512x2000xi32> to vector<512x2000xf32>
      %dot_general3A_452 = arith.constant dense<0.000000e+00> : vector<512x24xf32>
      %dot_general3A_453 = tpu.matmul %convert_element_type3A_451, %concatenate3A_279, %dot_general3A_452 {dimension_numbers = #tpu.dot_dimension_numbers<[1], [0], [0], [1], [0, 0, 1, 1], [], []>, transpose_lhs_hint = false} : vector<512x2000xf32>, vector<2000x24xf32>, vector<512x24xf32> -> vector<512x24xf32>
      %get3A_454 = arith.constant 5120 : index
      %get3A_455 = arith.constant 0 : index
      %get3A_456 = vector.load %arg24[%get3A_454, %get3A_455] : memref<10240x8xf32, #tpu.memory_space<vmem>>, vector<512x8xf32>
      %slice3A_457 = vector.extract_strided_slice %dot_general3A_453 {offsets = [0, 16], sizes = [512, 8], strides = [1, 1]} : vector<512x24xf32> to vector<512x8xf32>
      %add3A_458 = arith.addf %get3A_456, %slice3A_457 : vector<512x8xf32>
      %swap3A = arith.constant 5120 : index
      %swap3A_459 = arith.constant 0 : index
      %swap3A_460 = vector.load %arg24[%swap3A, %swap3A_459] : memref<10240x8xf32, #tpu.memory_space<vmem>>, vector<512x8xf32>
      tpu.vector_store %arg24[%swap3A, %swap3A_459], %add3A_458 {strides = array<i32>} : memref<10240x8xf32, #tpu.memory_space<vmem>>, vector<512x8xf32>,
      %slice3A_461 = vector.extract_strided_slice %dot_general3A_453 {offsets = [0, 22], sizes = [512, 1], strides = [1, 1]} : vector<512x24xf32> to vector<512x1xf32>
      %gt3A = arith.constant 0.000000e+00 : f32
      %gt3A_462 = vector.broadcast %gt3A : f32 to vector<512x1xf32>
      %gt3A_463 = arith.cmpf ogt, %slice3A_461, %gt3A_462 : vector<512x1xf32>
      %slice3A_464 = vector.extract_strided_slice %dot_general3A_453 {offsets = [0, 0], sizes = [512, 16], strides = [1, 1]} : vector<512x24xf32> to vector<512x16xf32>
      %jit3A = arith.constant -1.000000e+30 : f32
      %broadcast_in_dim3A_465 = vector.shape_cast %gt3A_463 : vector<512x1xi1> to vector<512x1xi1>
      %broadcast_in_dim3A_466 = vector.broadcast %broadcast_in_dim3A_465 : vector<512x1xi1> to vector<512x16xi1>
      %broadcast_in_dim3A_467 = vector.broadcast %jit3A : f32 to vector<512x16xf32>
      %select_n3A_468 = arith.select %broadcast_in_dim3A_466, %slice3A_464, %broadcast_in_dim3A_467 : vector<512x16xi1>, vector<512x16xf32>
      %get3A_469 = arith.constant 5120 : index
      %get3A_470 = arith.constant 0 : index
      %get3A_471 = vector.load %arg23[%get3A_469, %get3A_470] : memref<10240x16xf32, #tpu.memory_space<vmem>>, vector<512x16xf32>
      %max3A_472 = arith.maximumf %get3A_471, %select_n3A_468 : vector<512x16xf32>
      %swap3A_473 = arith.constant 5120 : index
      %swap3A_474 = arith.constant 0 : index
      %swap3A_475 = vector.load %arg23[%swap3A_473, %swap3A_474] : memref<10240x16xf32, #tpu.memory_space<vmem>>, vector<512x16xf32>
      tpu.vector_store %arg23[%swap3A_473, %swap3A_474], %max3A_472 {strides = array<i32>} : memref<10240x16xf32, #tpu.memory_space<vmem>>, vector<512x16xf32>,
    } else {
    }
    %ge3A_373 = arith.constant 5632 : i32
    %ge3A_374 = arith.cmpi sge, %squeeze3A_282, %ge3A_373 : i32
    %lt3A_375 = arith.constant 6144 : i32
    %lt3A_376 = arith.cmpi slt, %squeeze3A, %lt3A_375 : i32
    %and3A_377 = arith.andi %ge3A_374, %lt3A_376 : i1
    %convert_element_type3A_378 = arith.extui %and3A_377 : i1 to i32
    %cond3A_379 = arith.constant 0 : i32
    %cond3A_380 = arith.cmpi ne, %convert_element_type3A_378, %cond3A_379 : i32
    scf.if %cond3A_380 {
      %iota3A = tpu.iota {dimensions = array<i32: 0>} : vector<512x2000xi32>
      %add3A_445 = arith.constant 5632 : i32
      %add3A_446 = vector.broadcast %add3A_445 : i32 to vector<512x2000xi32>
      %add3A_447 = arith.addi %iota3A, %add3A_446 : vector<512x2000xi32>
      %eq3A_448 = vector.broadcast %squeeze3A_287 : vector<1x2000xi32> to vector<512x2000xi32>
      %eq3A_449 = arith.cmpi eq, %add3A_447, %eq3A_448 : vector<512x2000xi32>
      %convert_element_type3A_450 = arith.extui %eq3A_449 : vector<512x2000xi1> to vector<512x2000xi32>
      %convert_element_type3A_451 = arith.sitofp %convert_element_type3A_450 : vector<512x2000xi32> to vector<512x2000xf32>
      %dot_general3A_452 = arith.constant dense<0.000000e+00> : vector<512x24xf32>
      %dot_general3A_453 = tpu.matmul %convert_element_type3A_451, %concatenate3A_279, %dot_general3A_452 {dimension_numbers = #tpu.dot_dimension_numbers<[1], [0], [0], [1], [0, 0, 1, 1], [], []>, transpose_lhs_hint = false} : vector<512x2000xf32>, vector<2000x24xf32>, vector<512x24xf32> -> vector<512x24xf32>
      %get3A_454 = arith.constant 5632 : index
      %get3A_455 = arith.constant 0 : index
      %get3A_456 = vector.load %arg24[%get3A_454, %get3A_455] : memref<10240x8xf32, #tpu.memory_space<vmem>>, vector<512x8xf32>
      %slice3A_457 = vector.extract_strided_slice %dot_general3A_453 {offsets = [0, 16], sizes = [512, 8], strides = [1, 1]} : vector<512x24xf32> to vector<512x8xf32>
      %add3A_458 = arith.addf %get3A_456, %slice3A_457 : vector<512x8xf32>
      %swap3A = arith.constant 5632 : index
      %swap3A_459 = arith.constant 0 : index
      %swap3A_460 = vector.load %arg24[%swap3A, %swap3A_459] : memref<10240x8xf32, #tpu.memory_space<vmem>>, vector<512x8xf32>
      tpu.vector_store %arg24[%swap3A, %swap3A_459], %add3A_458 {strides = array<i32>} : memref<10240x8xf32, #tpu.memory_space<vmem>>, vector<512x8xf32>,
      %slice3A_461 = vector.extract_strided_slice %dot_general3A_453 {offsets = [0, 22], sizes = [512, 1], strides = [1, 1]} : vector<512x24xf32> to vector<512x1xf32>
      %gt3A = arith.constant 0.000000e+00 : f32
      %gt3A_462 = vector.broadcast %gt3A : f32 to vector<512x1xf32>
      %gt3A_463 = arith.cmpf ogt, %slice3A_461, %gt3A_462 : vector<512x1xf32>
      %slice3A_464 = vector.extract_strided_slice %dot_general3A_453 {offsets = [0, 0], sizes = [512, 16], strides = [1, 1]} : vector<512x24xf32> to vector<512x16xf32>
      %jit3A = arith.constant -1.000000e+30 : f32
      %broadcast_in_dim3A_465 = vector.shape_cast %gt3A_463 : vector<512x1xi1> to vector<512x1xi1>
      %broadcast_in_dim3A_466 = vector.broadcast %broadcast_in_dim3A_465 : vector<512x1xi1> to vector<512x16xi1>
      %broadcast_in_dim3A_467 = vector.broadcast %jit3A : f32 to vector<512x16xf32>
      %select_n3A_468 = arith.select %broadcast_in_dim3A_466, %slice3A_464, %broadcast_in_dim3A_467 : vector<512x16xi1>, vector<512x16xf32>
      %get3A_469 = arith.constant 5632 : index
      %get3A_470 = arith.constant 0 : index
      %get3A_471 = vector.load %arg23[%get3A_469, %get3A_470] : memref<10240x16xf32, #tpu.memory_space<vmem>>, vector<512x16xf32>
      %max3A_472 = arith.maximumf %get3A_471, %select_n3A_468 : vector<512x16xf32>
      %swap3A_473 = arith.constant 5632 : index
      %swap3A_474 = arith.constant 0 : index
      %swap3A_475 = vector.load %arg23[%swap3A_473, %swap3A_474] : memref<10240x16xf32, #tpu.memory_space<vmem>>, vector<512x16xf32>
      tpu.vector_store %arg23[%swap3A_473, %swap3A_474], %max3A_472 {strides = array<i32>} : memref<10240x16xf32, #tpu.memory_space<vmem>>, vector<512x16xf32>,
    } else {
    }
    %ge3A_381 = arith.constant 6144 : i32
    %ge3A_382 = arith.cmpi sge, %squeeze3A_282, %ge3A_381 : i32
    %lt3A_383 = arith.constant 6656 : i32
    %lt3A_384 = arith.cmpi slt, %squeeze3A, %lt3A_383 : i32
    %and3A_385 = arith.andi %ge3A_382, %lt3A_384 : i1
    %convert_element_type3A_386 = arith.extui %and3A_385 : i1 to i32
    %cond3A_387 = arith.constant 0 : i32
    %cond3A_388 = arith.cmpi ne, %convert_element_type3A_386, %cond3A_387 : i32
    scf.if %cond3A_388 {
      %iota3A = tpu.iota {dimensions = array<i32: 0>} : vector<512x2000xi32>
      %add3A_445 = arith.constant 6144 : i32
      %add3A_446 = vector.broadcast %add3A_445 : i32 to vector<512x2000xi32>
      %add3A_447 = arith.addi %iota3A, %add3A_446 : vector<512x2000xi32>
      %eq3A_448 = vector.broadcast %squeeze3A_287 : vector<1x2000xi32> to vector<512x2000xi32>
      %eq3A_449 = arith.cmpi eq, %add3A_447, %eq3A_448 : vector<512x2000xi32>
      %convert_element_type3A_450 = arith.extui %eq3A_449 : vector<512x2000xi1> to vector<512x2000xi32>
      %convert_element_type3A_451 = arith.sitofp %convert_element_type3A_450 : vector<512x2000xi32> to vector<512x2000xf32>
      %dot_general3A_452 = arith.constant dense<0.000000e+00> : vector<512x24xf32>
      %dot_general3A_453 = tpu.matmul %convert_element_type3A_451, %concatenate3A_279, %dot_general3A_452 {dimension_numbers = #tpu.dot_dimension_numbers<[1], [0], [0], [1], [0, 0, 1, 1], [], []>, transpose_lhs_hint = false} : vector<512x2000xf32>, vector<2000x24xf32>, vector<512x24xf32> -> vector<512x24xf32>
      %get3A_454 = arith.constant 6144 : index
      %get3A_455 = arith.constant 0 : index
      %get3A_456 = vector.load %arg24[%get3A_454, %get3A_455] : memref<10240x8xf32, #tpu.memory_space<vmem>>, vector<512x8xf32>
      %slice3A_457 = vector.extract_strided_slice %dot_general3A_453 {offsets = [0, 16], sizes = [512, 8], strides = [1, 1]} : vector<512x24xf32> to vector<512x8xf32>
      %add3A_458 = arith.addf %get3A_456, %slice3A_457 : vector<512x8xf32>
      %swap3A = arith.constant 6144 : index
      %swap3A_459 = arith.constant 0 : index
      %swap3A_460 = vector.load %arg24[%swap3A, %swap3A_459] : memref<10240x8xf32, #tpu.memory_space<vmem>>, vector<512x8xf32>
      tpu.vector_store %arg24[%swap3A, %swap3A_459], %add3A_458 {strides = array<i32>} : memref<10240x8xf32, #tpu.memory_space<vmem>>, vector<512x8xf32>,
      %slice3A_461 = vector.extract_strided_slice %dot_general3A_453 {offsets = [0, 22], sizes = [512, 1], strides = [1, 1]} : vector<512x24xf32> to vector<512x1xf32>
      %gt3A = arith.constant 0.000000e+00 : f32
      %gt3A_462 = vector.broadcast %gt3A : f32 to vector<512x1xf32>
      %gt3A_463 = arith.cmpf ogt, %slice3A_461, %gt3A_462 : vector<512x1xf32>
      %slice3A_464 = vector.extract_strided_slice %dot_general3A_453 {offsets = [0, 0], sizes = [512, 16], strides = [1, 1]} : vector<512x24xf32> to vector<512x16xf32>
      %jit3A = arith.constant -1.000000e+30 : f32
      %broadcast_in_dim3A_465 = vector.shape_cast %gt3A_463 : vector<512x1xi1> to vector<512x1xi1>
      %broadcast_in_dim3A_466 = vector.broadcast %broadcast_in_dim3A_465 : vector<512x1xi1> to vector<512x16xi1>
      %broadcast_in_dim3A_467 = vector.broadcast %jit3A : f32 to vector<512x16xf32>
      %select_n3A_468 = arith.select %broadcast_in_dim3A_466, %slice3A_464, %broadcast_in_dim3A_467 : vector<512x16xi1>, vector<512x16xf32>
      %get3A_469 = arith.constant 6144 : index
      %get3A_470 = arith.constant 0 : index
      %get3A_471 = vector.load %arg23[%get3A_469, %get3A_470] : memref<10240x16xf32, #tpu.memory_space<vmem>>, vector<512x16xf32>
      %max3A_472 = arith.maximumf %get3A_471, %select_n3A_468 : vector<512x16xf32>
      %swap3A_473 = arith.constant 6144 : index
      %swap3A_474 = arith.constant 0 : index
      %swap3A_475 = vector.load %arg23[%swap3A_473, %swap3A_474] : memref<10240x16xf32, #tpu.memory_space<vmem>>, vector<512x16xf32>
      tpu.vector_store %arg23[%swap3A_473, %swap3A_474], %max3A_472 {strides = array<i32>} : memref<10240x16xf32, #tpu.memory_space<vmem>>, vector<512x16xf32>,
    } else {
    }
    %ge3A_389 = arith.constant 6656 : i32
    %ge3A_390 = arith.cmpi sge, %squeeze3A_282, %ge3A_389 : i32
    %lt3A_391 = arith.constant 7168 : i32
    %lt3A_392 = arith.cmpi slt, %squeeze3A, %lt3A_391 : i32
    %and3A_393 = arith.andi %ge3A_390, %lt3A_392 : i1
    %convert_element_type3A_394 = arith.extui %and3A_393 : i1 to i32
    %cond3A_395 = arith.constant 0 : i32
    %cond3A_396 = arith.cmpi ne, %convert_element_type3A_394, %cond3A_395 : i32
    scf.if %cond3A_396 {
      %iota3A = tpu.iota {dimensions = array<i32: 0>} : vector<512x2000xi32>
      %add3A_445 = arith.constant 6656 : i32
      %add3A_446 = vector.broadcast %add3A_445 : i32 to vector<512x2000xi32>
      %add3A_447 = arith.addi %iota3A, %add3A_446 : vector<512x2000xi32>
      %eq3A_448 = vector.broadcast %squeeze3A_287 : vector<1x2000xi32> to vector<512x2000xi32>
      %eq3A_449 = arith.cmpi eq, %add3A_447, %eq3A_448 : vector<512x2000xi32>
      %convert_element_type3A_450 = arith.extui %eq3A_449 : vector<512x2000xi1> to vector<512x2000xi32>
      %convert_element_type3A_451 = arith.sitofp %convert_element_type3A_450 : vector<512x2000xi32> to vector<512x2000xf32>
      %dot_general3A_452 = arith.constant dense<0.000000e+00> : vector<512x24xf32>
      %dot_general3A_453 = tpu.matmul %convert_element_type3A_451, %concatenate3A_279, %dot_general3A_452 {dimension_numbers = #tpu.dot_dimension_numbers<[1], [0], [0], [1], [0, 0, 1, 1], [], []>, transpose_lhs_hint = false} : vector<512x2000xf32>, vector<2000x24xf32>, vector<512x24xf32> -> vector<512x24xf32>
      %get3A_454 = arith.constant 6656 : index
      %get3A_455 = arith.constant 0 : index
      %get3A_456 = vector.load %arg24[%get3A_454, %get3A_455] : memref<10240x8xf32, #tpu.memory_space<vmem>>, vector<512x8xf32>
      %slice3A_457 = vector.extract_strided_slice %dot_general3A_453 {offsets = [0, 16], sizes = [512, 8], strides = [1, 1]} : vector<512x24xf32> to vector<512x8xf32>
      %add3A_458 = arith.addf %get3A_456, %slice3A_457 : vector<512x8xf32>
      %swap3A = arith.constant 6656 : index
      %swap3A_459 = arith.constant 0 : index
      %swap3A_460 = vector.load %arg24[%swap3A, %swap3A_459] : memref<10240x8xf32, #tpu.memory_space<vmem>>, vector<512x8xf32>
      tpu.vector_store %arg24[%swap3A, %swap3A_459], %add3A_458 {strides = array<i32>} : memref<10240x8xf32, #tpu.memory_space<vmem>>, vector<512x8xf32>,
      %slice3A_461 = vector.extract_strided_slice %dot_general3A_453 {offsets = [0, 22], sizes = [512, 1], strides = [1, 1]} : vector<512x24xf32> to vector<512x1xf32>
      %gt3A = arith.constant 0.000000e+00 : f32
      %gt3A_462 = vector.broadcast %gt3A : f32 to vector<512x1xf32>
      %gt3A_463 = arith.cmpf ogt, %slice3A_461, %gt3A_462 : vector<512x1xf32>
      %slice3A_464 = vector.extract_strided_slice %dot_general3A_453 {offsets = [0, 0], sizes = [512, 16], strides = [1, 1]} : vector<512x24xf32> to vector<512x16xf32>
      %jit3A = arith.constant -1.000000e+30 : f32
      %broadcast_in_dim3A_465 = vector.shape_cast %gt3A_463 : vector<512x1xi1> to vector<512x1xi1>
      %broadcast_in_dim3A_466 = vector.broadcast %broadcast_in_dim3A_465 : vector<512x1xi1> to vector<512x16xi1>
      %broadcast_in_dim3A_467 = vector.broadcast %jit3A : f32 to vector<512x16xf32>
      %select_n3A_468 = arith.select %broadcast_in_dim3A_466, %slice3A_464, %broadcast_in_dim3A_467 : vector<512x16xi1>, vector<512x16xf32>
      %get3A_469 = arith.constant 6656 : index
      %get3A_470 = arith.constant 0 : index
      %get3A_471 = vector.load %arg23[%get3A_469, %get3A_470] : memref<10240x16xf32, #tpu.memory_space<vmem>>, vector<512x16xf32>
      %max3A_472 = arith.maximumf %get3A_471, %select_n3A_468 : vector<512x16xf32>
      %swap3A_473 = arith.constant 6656 : index
      %swap3A_474 = arith.constant 0 : index
      %swap3A_475 = vector.load %arg23[%swap3A_473, %swap3A_474] : memref<10240x16xf32, #tpu.memory_space<vmem>>, vector<512x16xf32>
      tpu.vector_store %arg23[%swap3A_473, %swap3A_474], %max3A_472 {strides = array<i32>} : memref<10240x16xf32, #tpu.memory_space<vmem>>, vector<512x16xf32>,
    } else {
    }
    %ge3A_397 = arith.constant 7168 : i32
    %ge3A_398 = arith.cmpi sge, %squeeze3A_282, %ge3A_397 : i32
    %lt3A_399 = arith.constant 7680 : i32
    %lt3A_400 = arith.cmpi slt, %squeeze3A, %lt3A_399 : i32
    %and3A_401 = arith.andi %ge3A_398, %lt3A_400 : i1
    %convert_element_type3A_402 = arith.extui %and3A_401 : i1 to i32
    %cond3A_403 = arith.constant 0 : i32
    %cond3A_404 = arith.cmpi ne, %convert_element_type3A_402, %cond3A_403 : i32
    scf.if %cond3A_404 {
      %iota3A = tpu.iota {dimensions = array<i32: 0>} : vector<512x2000xi32>
      %add3A_445 = arith.constant 7168 : i32
      %add3A_446 = vector.broadcast %add3A_445 : i32 to vector<512x2000xi32>
      %add3A_447 = arith.addi %iota3A, %add3A_446 : vector<512x2000xi32>
      %eq3A_448 = vector.broadcast %squeeze3A_287 : vector<1x2000xi32> to vector<512x2000xi32>
      %eq3A_449 = arith.cmpi eq, %add3A_447, %eq3A_448 : vector<512x2000xi32>
      %convert_element_type3A_450 = arith.extui %eq3A_449 : vector<512x2000xi1> to vector<512x2000xi32>
      %convert_element_type3A_451 = arith.sitofp %convert_element_type3A_450 : vector<512x2000xi32> to vector<512x2000xf32>
      %dot_general3A_452 = arith.constant dense<0.000000e+00> : vector<512x24xf32>
      %dot_general3A_453 = tpu.matmul %convert_element_type3A_451, %concatenate3A_279, %dot_general3A_452 {dimension_numbers = #tpu.dot_dimension_numbers<[1], [0], [0], [1], [0, 0, 1, 1], [], []>, transpose_lhs_hint = false} : vector<512x2000xf32>, vector<2000x24xf32>, vector<512x24xf32> -> vector<512x24xf32>
      %get3A_454 = arith.constant 7168 : index
      %get3A_455 = arith.constant 0 : index
      %get3A_456 = vector.load %arg24[%get3A_454, %get3A_455] : memref<10240x8xf32, #tpu.memory_space<vmem>>, vector<512x8xf32>
      %slice3A_457 = vector.extract_strided_slice %dot_general3A_453 {offsets = [0, 16], sizes = [512, 8], strides = [1, 1]} : vector<512x24xf32> to vector<512x8xf32>
      %add3A_458 = arith.addf %get3A_456, %slice3A_457 : vector<512x8xf32>
      %swap3A = arith.constant 7168 : index
      %swap3A_459 = arith.constant 0 : index
      %swap3A_460 = vector.load %arg24[%swap3A, %swap3A_459] : memref<10240x8xf32, #tpu.memory_space<vmem>>, vector<512x8xf32>
      tpu.vector_store %arg24[%swap3A, %swap3A_459], %add3A_458 {strides = array<i32>} : memref<10240x8xf32, #tpu.memory_space<vmem>>, vector<512x8xf32>,
      %slice3A_461 = vector.extract_strided_slice %dot_general3A_453 {offsets = [0, 22], sizes = [512, 1], strides = [1, 1]} : vector<512x24xf32> to vector<512x1xf32>
      %gt3A = arith.constant 0.000000e+00 : f32
      %gt3A_462 = vector.broadcast %gt3A : f32 to vector<512x1xf32>
      %gt3A_463 = arith.cmpf ogt, %slice3A_461, %gt3A_462 : vector<512x1xf32>
      %slice3A_464 = vector.extract_strided_slice %dot_general3A_453 {offsets = [0, 0], sizes = [512, 16], strides = [1, 1]} : vector<512x24xf32> to vector<512x16xf32>
      %jit3A = arith.constant -1.000000e+30 : f32
      %broadcast_in_dim3A_465 = vector.shape_cast %gt3A_463 : vector<512x1xi1> to vector<512x1xi1>
      %broadcast_in_dim3A_466 = vector.broadcast %broadcast_in_dim3A_465 : vector<512x1xi1> to vector<512x16xi1>
      %broadcast_in_dim3A_467 = vector.broadcast %jit3A : f32 to vector<512x16xf32>
      %select_n3A_468 = arith.select %broadcast_in_dim3A_466, %slice3A_464, %broadcast_in_dim3A_467 : vector<512x16xi1>, vector<512x16xf32>
      %get3A_469 = arith.constant 7168 : index
      %get3A_470 = arith.constant 0 : index
      %get3A_471 = vector.load %arg23[%get3A_469, %get3A_470] : memref<10240x16xf32, #tpu.memory_space<vmem>>, vector<512x16xf32>
      %max3A_472 = arith.maximumf %get3A_471, %select_n3A_468 : vector<512x16xf32>
      %swap3A_473 = arith.constant 7168 : index
      %swap3A_474 = arith.constant 0 : index
      %swap3A_475 = vector.load %arg23[%swap3A_473, %swap3A_474] : memref<10240x16xf32, #tpu.memory_space<vmem>>, vector<512x16xf32>
      tpu.vector_store %arg23[%swap3A_473, %swap3A_474], %max3A_472 {strides = array<i32>} : memref<10240x16xf32, #tpu.memory_space<vmem>>, vector<512x16xf32>,
    } else {
    }
    %ge3A_405 = arith.constant 7680 : i32
    %ge3A_406 = arith.cmpi sge, %squeeze3A_282, %ge3A_405 : i32
    %lt3A_407 = arith.constant 8192 : i32
    %lt3A_408 = arith.cmpi slt, %squeeze3A, %lt3A_407 : i32
    %and3A_409 = arith.andi %ge3A_406, %lt3A_408 : i1
    %convert_element_type3A_410 = arith.extui %and3A_409 : i1 to i32
    %cond3A_411 = arith.constant 0 : i32
    %cond3A_412 = arith.cmpi ne, %convert_element_type3A_410, %cond3A_411 : i32
    scf.if %cond3A_412 {
      %iota3A = tpu.iota {dimensions = array<i32: 0>} : vector<512x2000xi32>
      %add3A_445 = arith.constant 7680 : i32
      %add3A_446 = vector.broadcast %add3A_445 : i32 to vector<512x2000xi32>
      %add3A_447 = arith.addi %iota3A, %add3A_446 : vector<512x2000xi32>
      %eq3A_448 = vector.broadcast %squeeze3A_287 : vector<1x2000xi32> to vector<512x2000xi32>
      %eq3A_449 = arith.cmpi eq, %add3A_447, %eq3A_448 : vector<512x2000xi32>
      %convert_element_type3A_450 = arith.extui %eq3A_449 : vector<512x2000xi1> to vector<512x2000xi32>
      %convert_element_type3A_451 = arith.sitofp %convert_element_type3A_450 : vector<512x2000xi32> to vector<512x2000xf32>
      %dot_general3A_452 = arith.constant dense<0.000000e+00> : vector<512x24xf32>
      %dot_general3A_453 = tpu.matmul %convert_element_type3A_451, %concatenate3A_279, %dot_general3A_452 {dimension_numbers = #tpu.dot_dimension_numbers<[1], [0], [0], [1], [0, 0, 1, 1], [], []>, transpose_lhs_hint = false} : vector<512x2000xf32>, vector<2000x24xf32>, vector<512x24xf32> -> vector<512x24xf32>
      %get3A_454 = arith.constant 7680 : index
      %get3A_455 = arith.constant 0 : index
      %get3A_456 = vector.load %arg24[%get3A_454, %get3A_455] : memref<10240x8xf32, #tpu.memory_space<vmem>>, vector<512x8xf32>
      %slice3A_457 = vector.extract_strided_slice %dot_general3A_453 {offsets = [0, 16], sizes = [512, 8], strides = [1, 1]} : vector<512x24xf32> to vector<512x8xf32>
      %add3A_458 = arith.addf %get3A_456, %slice3A_457 : vector<512x8xf32>
      %swap3A = arith.constant 7680 : index
      %swap3A_459 = arith.constant 0 : index
      %swap3A_460 = vector.load %arg24[%swap3A, %swap3A_459] : memref<10240x8xf32, #tpu.memory_space<vmem>>, vector<512x8xf32>
      tpu.vector_store %arg24[%swap3A, %swap3A_459], %add3A_458 {strides = array<i32>} : memref<10240x8xf32, #tpu.memory_space<vmem>>, vector<512x8xf32>,
      %slice3A_461 = vector.extract_strided_slice %dot_general3A_453 {offsets = [0, 22], sizes = [512, 1], strides = [1, 1]} : vector<512x24xf32> to vector<512x1xf32>
      %gt3A = arith.constant 0.000000e+00 : f32
      %gt3A_462 = vector.broadcast %gt3A : f32 to vector<512x1xf32>
      %gt3A_463 = arith.cmpf ogt, %slice3A_461, %gt3A_462 : vector<512x1xf32>
      %slice3A_464 = vector.extract_strided_slice %dot_general3A_453 {offsets = [0, 0], sizes = [512, 16], strides = [1, 1]} : vector<512x24xf32> to vector<512x16xf32>
      %jit3A = arith.constant -1.000000e+30 : f32
      %broadcast_in_dim3A_465 = vector.shape_cast %gt3A_463 : vector<512x1xi1> to vector<512x1xi1>
      %broadcast_in_dim3A_466 = vector.broadcast %broadcast_in_dim3A_465 : vector<512x1xi1> to vector<512x16xi1>
      %broadcast_in_dim3A_467 = vector.broadcast %jit3A : f32 to vector<512x16xf32>
      %select_n3A_468 = arith.select %broadcast_in_dim3A_466, %slice3A_464, %broadcast_in_dim3A_467 : vector<512x16xi1>, vector<512x16xf32>
      %get3A_469 = arith.constant 7680 : index
      %get3A_470 = arith.constant 0 : index
      %get3A_471 = vector.load %arg23[%get3A_469, %get3A_470] : memref<10240x16xf32, #tpu.memory_space<vmem>>, vector<512x16xf32>
      %max3A_472 = arith.maximumf %get3A_471, %select_n3A_468 : vector<512x16xf32>
      %swap3A_473 = arith.constant 7680 : index
      %swap3A_474 = arith.constant 0 : index
      %swap3A_475 = vector.load %arg23[%swap3A_473, %swap3A_474] : memref<10240x16xf32, #tpu.memory_space<vmem>>, vector<512x16xf32>
      tpu.vector_store %arg23[%swap3A_473, %swap3A_474], %max3A_472 {strides = array<i32>} : memref<10240x16xf32, #tpu.memory_space<vmem>>, vector<512x16xf32>,
    } else {
    }
    %ge3A_413 = arith.constant 8192 : i32
    %ge3A_414 = arith.cmpi sge, %squeeze3A_282, %ge3A_413 : i32
    %lt3A_415 = arith.constant 8704 : i32
    %lt3A_416 = arith.cmpi slt, %squeeze3A, %lt3A_415 : i32
    %and3A_417 = arith.andi %ge3A_414, %lt3A_416 : i1
    %convert_element_type3A_418 = arith.extui %and3A_417 : i1 to i32
    %cond3A_419 = arith.constant 0 : i32
    %cond3A_420 = arith.cmpi ne, %convert_element_type3A_418, %cond3A_419 : i32
    scf.if %cond3A_420 {
      %iota3A = tpu.iota {dimensions = array<i32: 0>} : vector<512x2000xi32>
      %add3A_445 = arith.constant 8192 : i32
      %add3A_446 = vector.broadcast %add3A_445 : i32 to vector<512x2000xi32>
      %add3A_447 = arith.addi %iota3A, %add3A_446 : vector<512x2000xi32>
      %eq3A_448 = vector.broadcast %squeeze3A_287 : vector<1x2000xi32> to vector<512x2000xi32>
      %eq3A_449 = arith.cmpi eq, %add3A_447, %eq3A_448 : vector<512x2000xi32>
      %convert_element_type3A_450 = arith.extui %eq3A_449 : vector<512x2000xi1> to vector<512x2000xi32>
      %convert_element_type3A_451 = arith.sitofp %convert_element_type3A_450 : vector<512x2000xi32> to vector<512x2000xf32>
      %dot_general3A_452 = arith.constant dense<0.000000e+00> : vector<512x24xf32>
      %dot_general3A_453 = tpu.matmul %convert_element_type3A_451, %concatenate3A_279, %dot_general3A_452 {dimension_numbers = #tpu.dot_dimension_numbers<[1], [0], [0], [1], [0, 0, 1, 1], [], []>, transpose_lhs_hint = false} : vector<512x2000xf32>, vector<2000x24xf32>, vector<512x24xf32> -> vector<512x24xf32>
      %get3A_454 = arith.constant 8192 : index
      %get3A_455 = arith.constant 0 : index
      %get3A_456 = vector.load %arg24[%get3A_454, %get3A_455] : memref<10240x8xf32, #tpu.memory_space<vmem>>, vector<512x8xf32>
      %slice3A_457 = vector.extract_strided_slice %dot_general3A_453 {offsets = [0, 16], sizes = [512, 8], strides = [1, 1]} : vector<512x24xf32> to vector<512x8xf32>
      %add3A_458 = arith.addf %get3A_456, %slice3A_457 : vector<512x8xf32>
      %swap3A = arith.constant 8192 : index
      %swap3A_459 = arith.constant 0 : index
      %swap3A_460 = vector.load %arg24[%swap3A, %swap3A_459] : memref<10240x8xf32, #tpu.memory_space<vmem>>, vector<512x8xf32>
      tpu.vector_store %arg24[%swap3A, %swap3A_459], %add3A_458 {strides = array<i32>} : memref<10240x8xf32, #tpu.memory_space<vmem>>, vector<512x8xf32>,
      %slice3A_461 = vector.extract_strided_slice %dot_general3A_453 {offsets = [0, 22], sizes = [512, 1], strides = [1, 1]} : vector<512x24xf32> to vector<512x1xf32>
      %gt3A = arith.constant 0.000000e+00 : f32
      %gt3A_462 = vector.broadcast %gt3A : f32 to vector<512x1xf32>
      %gt3A_463 = arith.cmpf ogt, %slice3A_461, %gt3A_462 : vector<512x1xf32>
      %slice3A_464 = vector.extract_strided_slice %dot_general3A_453 {offsets = [0, 0], sizes = [512, 16], strides = [1, 1]} : vector<512x24xf32> to vector<512x16xf32>
      %jit3A = arith.constant -1.000000e+30 : f32
      %broadcast_in_dim3A_465 = vector.shape_cast %gt3A_463 : vector<512x1xi1> to vector<512x1xi1>
      %broadcast_in_dim3A_466 = vector.broadcast %broadcast_in_dim3A_465 : vector<512x1xi1> to vector<512x16xi1>
      %broadcast_in_dim3A_467 = vector.broadcast %jit3A : f32 to vector<512x16xf32>
      %select_n3A_468 = arith.select %broadcast_in_dim3A_466, %slice3A_464, %broadcast_in_dim3A_467 : vector<512x16xi1>, vector<512x16xf32>
      %get3A_469 = arith.constant 8192 : index
      %get3A_470 = arith.constant 0 : index
      %get3A_471 = vector.load %arg23[%get3A_469, %get3A_470] : memref<10240x16xf32, #tpu.memory_space<vmem>>, vector<512x16xf32>
      %max3A_472 = arith.maximumf %get3A_471, %select_n3A_468 : vector<512x16xf32>
      %swap3A_473 = arith.constant 8192 : index
      %swap3A_474 = arith.constant 0 : index
      %swap3A_475 = vector.load %arg23[%swap3A_473, %swap3A_474] : memref<10240x16xf32, #tpu.memory_space<vmem>>, vector<512x16xf32>
      tpu.vector_store %arg23[%swap3A_473, %swap3A_474], %max3A_472 {strides = array<i32>} : memref<10240x16xf32, #tpu.memory_space<vmem>>, vector<512x16xf32>,
    } else {
    }
    %ge3A_421 = arith.constant 8704 : i32
    %ge3A_422 = arith.cmpi sge, %squeeze3A_282, %ge3A_421 : i32
    %lt3A_423 = arith.constant 9216 : i32
    %lt3A_424 = arith.cmpi slt, %squeeze3A, %lt3A_423 : i32
    %and3A_425 = arith.andi %ge3A_422, %lt3A_424 : i1
    %convert_element_type3A_426 = arith.extui %and3A_425 : i1 to i32
    %cond3A_427 = arith.constant 0 : i32
    %cond3A_428 = arith.cmpi ne, %convert_element_type3A_426, %cond3A_427 : i32
    scf.if %cond3A_428 {
      %iota3A = tpu.iota {dimensions = array<i32: 0>} : vector<512x2000xi32>
      %add3A_445 = arith.constant 8704 : i32
      %add3A_446 = vector.broadcast %add3A_445 : i32 to vector<512x2000xi32>
      %add3A_447 = arith.addi %iota3A, %add3A_446 : vector<512x2000xi32>
      %eq3A_448 = vector.broadcast %squeeze3A_287 : vector<1x2000xi32> to vector<512x2000xi32>
      %eq3A_449 = arith.cmpi eq, %add3A_447, %eq3A_448 : vector<512x2000xi32>
      %convert_element_type3A_450 = arith.extui %eq3A_449 : vector<512x2000xi1> to vector<512x2000xi32>
      %convert_element_type3A_451 = arith.sitofp %convert_element_type3A_450 : vector<512x2000xi32> to vector<512x2000xf32>
      %dot_general3A_452 = arith.constant dense<0.000000e+00> : vector<512x24xf32>
      %dot_general3A_453 = tpu.matmul %convert_element_type3A_451, %concatenate3A_279, %dot_general3A_452 {dimension_numbers = #tpu.dot_dimension_numbers<[1], [0], [0], [1], [0, 0, 1, 1], [], []>, transpose_lhs_hint = false} : vector<512x2000xf32>, vector<2000x24xf32>, vector<512x24xf32> -> vector<512x24xf32>
      %get3A_454 = arith.constant 8704 : index
      %get3A_455 = arith.constant 0 : index
      %get3A_456 = vector.load %arg24[%get3A_454, %get3A_455] : memref<10240x8xf32, #tpu.memory_space<vmem>>, vector<512x8xf32>
      %slice3A_457 = vector.extract_strided_slice %dot_general3A_453 {offsets = [0, 16], sizes = [512, 8], strides = [1, 1]} : vector<512x24xf32> to vector<512x8xf32>
      %add3A_458 = arith.addf %get3A_456, %slice3A_457 : vector<512x8xf32>
      %swap3A = arith.constant 8704 : index
      %swap3A_459 = arith.constant 0 : index
      %swap3A_460 = vector.load %arg24[%swap3A, %swap3A_459] : memref<10240x8xf32, #tpu.memory_space<vmem>>, vector<512x8xf32>
      tpu.vector_store %arg24[%swap3A, %swap3A_459], %add3A_458 {strides = array<i32>} : memref<10240x8xf32, #tpu.memory_space<vmem>>, vector<512x8xf32>,
      %slice3A_461 = vector.extract_strided_slice %dot_general3A_453 {offsets = [0, 22], sizes = [512, 1], strides = [1, 1]} : vector<512x24xf32> to vector<512x1xf32>
      %gt3A = arith.constant 0.000000e+00 : f32
      %gt3A_462 = vector.broadcast %gt3A : f32 to vector<512x1xf32>
      %gt3A_463 = arith.cmpf ogt, %slice3A_461, %gt3A_462 : vector<512x1xf32>
      %slice3A_464 = vector.extract_strided_slice %dot_general3A_453 {offsets = [0, 0], sizes = [512, 16], strides = [1, 1]} : vector<512x24xf32> to vector<512x16xf32>
      %jit3A = arith.constant -1.000000e+30 : f32
      %broadcast_in_dim3A_465 = vector.shape_cast %gt3A_463 : vector<512x1xi1> to vector<512x1xi1>
      %broadcast_in_dim3A_466 = vector.broadcast %broadcast_in_dim3A_465 : vector<512x1xi1> to vector<512x16xi1>
      %broadcast_in_dim3A_467 = vector.broadcast %jit3A : f32 to vector<512x16xf32>
      %select_n3A_468 = arith.select %broadcast_in_dim3A_466, %slice3A_464, %broadcast_in_dim3A_467 : vector<512x16xi1>, vector<512x16xf32>
      %get3A_469 = arith.constant 8704 : index
      %get3A_470 = arith.constant 0 : index
      %get3A_471 = vector.load %arg23[%get3A_469, %get3A_470] : memref<10240x16xf32, #tpu.memory_space<vmem>>, vector<512x16xf32>
      %max3A_472 = arith.maximumf %get3A_471, %select_n3A_468 : vector<512x16xf32>
      %swap3A_473 = arith.constant 8704 : index
      %swap3A_474 = arith.constant 0 : index
      %swap3A_475 = vector.load %arg23[%swap3A_473, %swap3A_474] : memref<10240x16xf32, #tpu.memory_space<vmem>>, vector<512x16xf32>
      tpu.vector_store %arg23[%swap3A_473, %swap3A_474], %max3A_472 {strides = array<i32>} : memref<10240x16xf32, #tpu.memory_space<vmem>>, vector<512x16xf32>,
    } else {
    }
    %ge3A_429 = arith.constant 9216 : i32
    %ge3A_430 = arith.cmpi sge, %squeeze3A_282, %ge3A_429 : i32
    %lt3A_431 = arith.constant 9728 : i32
    %lt3A_432 = arith.cmpi slt, %squeeze3A, %lt3A_431 : i32
    %and3A_433 = arith.andi %ge3A_430, %lt3A_432 : i1
    %convert_element_type3A_434 = arith.extui %and3A_433 : i1 to i32
    %cond3A_435 = arith.constant 0 : i32
    %cond3A_436 = arith.cmpi ne, %convert_element_type3A_434, %cond3A_435 : i32
    scf.if %cond3A_436 {
      %iota3A = tpu.iota {dimensions = array<i32: 0>} : vector<512x2000xi32>
      %add3A_445 = arith.constant 9216 : i32
      %add3A_446 = vector.broadcast %add3A_445 : i32 to vector<512x2000xi32>
      %add3A_447 = arith.addi %iota3A, %add3A_446 : vector<512x2000xi32>
      %eq3A_448 = vector.broadcast %squeeze3A_287 : vector<1x2000xi32> to vector<512x2000xi32>
      %eq3A_449 = arith.cmpi eq, %add3A_447, %eq3A_448 : vector<512x2000xi32>
      %convert_element_type3A_450 = arith.extui %eq3A_449 : vector<512x2000xi1> to vector<512x2000xi32>
      %convert_element_type3A_451 = arith.sitofp %convert_element_type3A_450 : vector<512x2000xi32> to vector<512x2000xf32>
      %dot_general3A_452 = arith.constant dense<0.000000e+00> : vector<512x24xf32>
      %dot_general3A_453 = tpu.matmul %convert_element_type3A_451, %concatenate3A_279, %dot_general3A_452 {dimension_numbers = #tpu.dot_dimension_numbers<[1], [0], [0], [1], [0, 0, 1, 1], [], []>, transpose_lhs_hint = false} : vector<512x2000xf32>, vector<2000x24xf32>, vector<512x24xf32> -> vector<512x24xf32>
      %get3A_454 = arith.constant 9216 : index
      %get3A_455 = arith.constant 0 : index
      %get3A_456 = vector.load %arg24[%get3A_454, %get3A_455] : memref<10240x8xf32, #tpu.memory_space<vmem>>, vector<512x8xf32>
      %slice3A_457 = vector.extract_strided_slice %dot_general3A_453 {offsets = [0, 16], sizes = [512, 8], strides = [1, 1]} : vector<512x24xf32> to vector<512x8xf32>
      %add3A_458 = arith.addf %get3A_456, %slice3A_457 : vector<512x8xf32>
      %swap3A = arith.constant 9216 : index
      %swap3A_459 = arith.constant 0 : index
      %swap3A_460 = vector.load %arg24[%swap3A, %swap3A_459] : memref<10240x8xf32, #tpu.memory_space<vmem>>, vector<512x8xf32>
      tpu.vector_store %arg24[%swap3A, %swap3A_459], %add3A_458 {strides = array<i32>} : memref<10240x8xf32, #tpu.memory_space<vmem>>, vector<512x8xf32>,
      %slice3A_461 = vector.extract_strided_slice %dot_general3A_453 {offsets = [0, 22], sizes = [512, 1], strides = [1, 1]} : vector<512x24xf32> to vector<512x1xf32>
      %gt3A = arith.constant 0.000000e+00 : f32
      %gt3A_462 = vector.broadcast %gt3A : f32 to vector<512x1xf32>
      %gt3A_463 = arith.cmpf ogt, %slice3A_461, %gt3A_462 : vector<512x1xf32>
      %slice3A_464 = vector.extract_strided_slice %dot_general3A_453 {offsets = [0, 0], sizes = [512, 16], strides = [1, 1]} : vector<512x24xf32> to vector<512x16xf32>
      %jit3A = arith.constant -1.000000e+30 : f32
      %broadcast_in_dim3A_465 = vector.shape_cast %gt3A_463 : vector<512x1xi1> to vector<512x1xi1>
      %broadcast_in_dim3A_466 = vector.broadcast %broadcast_in_dim3A_465 : vector<512x1xi1> to vector<512x16xi1>
      %broadcast_in_dim3A_467 = vector.broadcast %jit3A : f32 to vector<512x16xf32>
      %select_n3A_468 = arith.select %broadcast_in_dim3A_466, %slice3A_464, %broadcast_in_dim3A_467 : vector<512x16xi1>, vector<512x16xf32>
      %get3A_469 = arith.constant 9216 : index
      %get3A_470 = arith.constant 0 : index
      %get3A_471 = vector.load %arg23[%get3A_469, %get3A_470] : memref<10240x16xf32, #tpu.memory_space<vmem>>, vector<512x16xf32>
      %max3A_472 = arith.maximumf %get3A_471, %select_n3A_468 : vector<512x16xf32>
      %swap3A_473 = arith.constant 9216 : index
      %swap3A_474 = arith.constant 0 : index
      %swap3A_475 = vector.load %arg23[%swap3A_473, %swap3A_474] : memref<10240x16xf32, #tpu.memory_space<vmem>>, vector<512x16xf32>
      tpu.vector_store %arg23[%swap3A_473, %swap3A_474], %max3A_472 {strides = array<i32>} : memref<10240x16xf32, #tpu.memory_space<vmem>>, vector<512x16xf32>,
    } else {
    }
    %ge3A_437 = arith.constant 9728 : i32
    %ge3A_438 = arith.cmpi sge, %squeeze3A_282, %ge3A_437 : i32
    %lt3A_439 = arith.constant 10240 : i32
    %lt3A_440 = arith.cmpi slt, %squeeze3A, %lt3A_439 : i32
    %and3A_441 = arith.andi %ge3A_438, %lt3A_440 : i1
    %convert_element_type3A_442 = arith.extui %and3A_441 : i1 to i32
    %cond3A_443 = arith.constant 0 : i32
    %cond3A_444 = arith.cmpi ne, %convert_element_type3A_442, %cond3A_443 : i32
    scf.if %cond3A_444 {
      %iota3A = tpu.iota {dimensions = array<i32: 0>} : vector<512x2000xi32>
      %add3A_445 = arith.constant 9728 : i32
      %add3A_446 = vector.broadcast %add3A_445 : i32 to vector<512x2000xi32>
      %add3A_447 = arith.addi %iota3A, %add3A_446 : vector<512x2000xi32>
      %eq3A_448 = vector.broadcast %squeeze3A_287 : vector<1x2000xi32> to vector<512x2000xi32>
      %eq3A_449 = arith.cmpi eq, %add3A_447, %eq3A_448 : vector<512x2000xi32>
      %convert_element_type3A_450 = arith.extui %eq3A_449 : vector<512x2000xi1> to vector<512x2000xi32>
      %convert_element_type3A_451 = arith.sitofp %convert_element_type3A_450 : vector<512x2000xi32> to vector<512x2000xf32>
      %dot_general3A_452 = arith.constant dense<0.000000e+00> : vector<512x24xf32>
      %dot_general3A_453 = tpu.matmul %convert_element_type3A_451, %concatenate3A_279, %dot_general3A_452 {dimension_numbers = #tpu.dot_dimension_numbers<[1], [0], [0], [1], [0, 0, 1, 1], [], []>, transpose_lhs_hint = false} : vector<512x2000xf32>, vector<2000x24xf32>, vector<512x24xf32> -> vector<512x24xf32>
      %get3A_454 = arith.constant 9728 : index
      %get3A_455 = arith.constant 0 : index
      %get3A_456 = vector.load %arg24[%get3A_454, %get3A_455] : memref<10240x8xf32, #tpu.memory_space<vmem>>, vector<512x8xf32>
      %slice3A_457 = vector.extract_strided_slice %dot_general3A_453 {offsets = [0, 16], sizes = [512, 8], strides = [1, 1]} : vector<512x24xf32> to vector<512x8xf32>
      %add3A_458 = arith.addf %get3A_456, %slice3A_457 : vector<512x8xf32>
      %swap3A = arith.constant 9728 : index
      %swap3A_459 = arith.constant 0 : index
      %swap3A_460 = vector.load %arg24[%swap3A, %swap3A_459] : memref<10240x8xf32, #tpu.memory_space<vmem>>, vector<512x8xf32>
      tpu.vector_store %arg24[%swap3A, %swap3A_459], %add3A_458 {strides = array<i32>} : memref<10240x8xf32, #tpu.memory_space<vmem>>, vector<512x8xf32>,
      %slice3A_461 = vector.extract_strided_slice %dot_general3A_453 {offsets = [0, 22], sizes = [512, 1], strides = [1, 1]} : vector<512x24xf32> to vector<512x1xf32>
      %gt3A = arith.constant 0.000000e+00 : f32
      %gt3A_462 = vector.broadcast %gt3A : f32 to vector<512x1xf32>
      %gt3A_463 = arith.cmpf ogt, %slice3A_461, %gt3A_462 : vector<512x1xf32>
      %slice3A_464 = vector.extract_strided_slice %dot_general3A_453 {offsets = [0, 0], sizes = [512, 16], strides = [1, 1]} : vector<512x24xf32> to vector<512x16xf32>
      %jit3A = arith.constant -1.000000e+30 : f32
      %broadcast_in_dim3A_465 = vector.shape_cast %gt3A_463 : vector<512x1xi1> to vector<512x1xi1>
      %broadcast_in_dim3A_466 = vector.broadcast %broadcast_in_dim3A_465 : vector<512x1xi1> to vector<512x16xi1>
      %broadcast_in_dim3A_467 = vector.broadcast %jit3A : f32 to vector<512x16xf32>
      %select_n3A_468 = arith.select %broadcast_in_dim3A_466, %slice3A_464, %broadcast_in_dim3A_467 : vector<512x16xi1>, vector<512x16xf32>
      %get3A_469 = arith.constant 9728 : index
      %get3A_470 = arith.constant 0 : index
      %get3A_471 = vector.load %arg23[%get3A_469, %get3A_470] : memref<10240x16xf32, #tpu.memory_space<vmem>>, vector<512x16xf32>
      %max3A_472 = arith.maximumf %get3A_471, %select_n3A_468 : vector<512x16xf32>
      %swap3A_473 = arith.constant 9728 : index
      %swap3A_474 = arith.constant 0 : index
      %swap3A_475 = vector.load %arg23[%swap3A_473, %swap3A_474] : memref<10240x16xf32, #tpu.memory_space<vmem>>, vector<512x16xf32>
      tpu.vector_store %arg23[%swap3A_473, %swap3A_474], %max3A_472 {strides = array<i32>} : memref<10240x16xf32, #tpu.memory_space<vmem>>, vector<512x16xf32>,
    } else {
    }
    return
  }
  func.func @transform_0(%arg0: i32) -> (i32, i32) {
    %c0_i32 = arith.constant 0 : i32
    %c0_i32_0 = arith.constant 0 : i32
    return %arg0, %c0_i32 : i32, i32
  }
  func.func @transform_1(%arg0: i32) -> (i32, i32) {
    %c0_i32 = arith.constant 0 : i32
    %c0_i32_0 = arith.constant 0 : i32
    return %arg0, %c0_i32 : i32, i32
  }
  func.func @transform_2(%arg0: i32) -> (i32, i32) {
    %c0_i32 = arith.constant 0 : i32
    %c0_i32_0 = arith.constant 0 : i32
    return %arg0, %c0_i32 : i32, i32
  }
  func.func @transform_3(%arg0: i32) -> (i32, i32) {
    %c0_i32 = arith.constant 0 : i32
    %c0_i32_0 = arith.constant 0 : i32
    return %arg0, %c0_i32 : i32, i32
  }
  func.func @transform_4(%arg0: i32) -> (i32, i32, i32) {
    %c0_i32 = arith.constant 0 : i32
    %c0_i32_0 = arith.constant 0 : i32
    %c0_i32_1 = arith.constant 0 : i32
    return %arg0, %c0_i32, %c0_i32_0 : i32, i32, i32
  }
  func.func @transform_5(%arg0: i32) -> (i32, i32) {
    %c0_i32 = arith.constant 0 : i32
    %c0_i32_0 = arith.constant 0 : i32
    %c0_i32_1 = arith.constant 0 : i32
    return %c0_i32, %c0_i32_0 : i32, i32
  }
  func.func @transform_6(%arg0: i32) -> (i32, i32) {
    %c0_i32 = arith.constant 0 : i32
    %c0_i32_0 = arith.constant 0 : i32
    %c0_i32_1 = arith.constant 0 : i32
    return %c0_i32, %c0_i32_0 : i32, i32
  }
  func.func @transform_7(%arg0: i32) -> (i32, i32) {
    %c0_i32 = arith.constant 0 : i32
    %c0_i32_0 = arith.constant 0 : i32
    %c0_i32_1 = arith.constant 0 : i32
    return %c0_i32, %c0_i32_0 : i32, i32
  }
  func.func @transform_8(%arg0: i32) -> (i32, i32) {
    %c0_i32 = arith.constant 0 : i32
    %c0_i32_0 = arith.constant 0 : i32
    %c0_i32_1 = arith.constant 0 : i32
    return %c0_i32, %c0_i32_0 : i32, i32
  }
  func.func @transform_9(%arg0: i32) -> (i32, i32) {
    %c0_i32 = arith.constant 0 : i32
    %c0_i32_0 = arith.constant 0 : i32
    %c0_i32_1 = arith.constant 0 : i32
    return %c0_i32, %c0_i32_0 : i32, i32
  }
  func.func @transform_10(%arg0: i32) -> (i32, i32) {
    %c0_i32 = arith.constant 0 : i32
    %c0_i32_0 = arith.constant 0 : i32
    %c0_i32_1 = arith.constant 0 : i32
    return %c0_i32, %c0_i32_0 : i32, i32
  }
  func.func @transform_11(%arg0: i32) -> (i32, i32) {
    %c0_i32 = arith.constant 0 : i32
    %c0_i32_0 = arith.constant 0 : i32
    %c0_i32_1 = arith.constant 0 : i32
    return %c0_i32, %c0_i32_0 : i32, i32
  }
  func.func @transform_12(%arg0: i32) -> (i32, i32) {
    %c0_i32 = arith.constant 0 : i32
    %c0_i32_0 = arith.constant 0 : i32
    %c0_i32_1 = arith.constant 0 : i32
    return %c0_i32, %c0_i32_0 : i32, i32
  }
  func.func @transform_13(%arg0: i32) -> (i32, i32) {
    %c0_i32 = arith.constant 0 : i32
    %c0_i32_0 = arith.constant 0 : i32
    %c0_i32_1 = arith.constant 0 : i32
    return %c0_i32, %c0_i32_0 : i32, i32
  }
  func.func @transform_14(%arg0: i32) -> (i32, i32) {
    %c0_i32 = arith.constant 0 : i32
    %c0_i32_0 = arith.constant 0 : i32
    %c0_i32_1 = arith.constant 0 : i32
    return %c0_i32, %c0_i32_0 : i32, i32
  }
  func.func @transform_15(%arg0: i32) -> (i32, i32) {
    %c0_i32 = arith.constant 0 : i32
    %c0_i32_0 = arith.constant 0 : i32
    %c0_i32_1 = arith.constant 0 : i32
    return %c0_i32, %c0_i32_0 : i32, i32
  }
  func.func @transform_16(%arg0: i32) -> (i32, i32) {
    %c0_i32 = arith.constant 0 : i32
    %c0_i32_0 = arith.constant 0 : i32
    %c0_i32_1 = arith.constant 0 : i32
    return %c0_i32, %c0_i32_0 : i32, i32
  }
  func.func @transform_17(%arg0: i32) -> (i32, i32) {
    %c0_i32 = arith.constant 0 : i32
    %c0_i32_0 = arith.constant 0 : i32
    %c0_i32_1 = arith.constant 0 : i32
    return %c0_i32, %c0_i32_0 : i32, i32
  }
  func.func @transform_18(%arg0: i32) -> (i32, i32) {
    %c0_i32 = arith.constant 0 : i32
    %c0_i32_0 = arith.constant 0 : i32
    %c0_i32_1 = arith.constant 0 : i32
    return %c0_i32, %c0_i32_0 : i32, i32
  }
  func.func @transform_19(%arg0: i32) -> (i32, i32) {
    %c0_i32 = arith.constant 0 : i32
    %c0_i32_0 = arith.constant 0 : i32
    %c0_i32_1 = arith.constant 0 : i32
    return %c0_i32, %c0_i32_0 : i32, i32
  }
  func.func @transform_20(%arg0: i32) -> (i32, i32) {
    %c0_i32 = arith.constant 0 : i32
    %c0_i32_0 = arith.constant 0 : i32
    %c0_i32_1 = arith.constant 0 : i32
    return %c0_i32, %c0_i32_0 : i32, i32
  }
  func.func @transform_21(%arg0: i32) -> (i32, i32) {
    %c0_i32 = arith.constant 0 : i32
    %c0_i32_0 = arith.constant 0 : i32
    %c0_i32_1 = arith.constant 0 : i32
    return %c0_i32, %c0_i32_0 : i32, i32
  }
  func.func @transform_22(%arg0: i32) -> (i32, i32) {
    %c0_i32 = arith.constant 0 : i32
    %c0_i32_0 = arith.constant 0 : i32
    %c0_i32_1 = arith.constant 0 : i32
    return %c0_i32, %c0_i32_0 : i32, i32
  }
  func.func @transform_23(%arg0: i32) -> (i32, i32) {
    %c0_i32 = arith.constant 0 : i32
    %c0_i32_0 = arith.constant 0 : i32
    %c0_i32_1 = arith.constant 0 : i32
    return %c0_i32, %c0_i32_0 : i32, i32
  }
}

</mosaic_0001>

<sc_bundles>
// kernel: _impl.6.cloned.1.call-start
scs
__scs_entry_jumppad:
0x0: {  	(pc) =	sbr.rel $0x88, $3  }
0x1: {  	(tag) =	ssettag $0x0;
	lr =	simm.s32 $0x1  }
0x2: {  	[smem:$0x3F81] =	sst lr;
	_ =	strace $0xD0000000  }
0x3: {  	_ = 	snop  }
0x4: {  	_ = 	snop  }
0x5: {  	_ = 	snop  }
0x6: {  	_ = 	snop  }
0x7: {  	_ = 	snop  }
__scs_overlays_trampoline_lowered:
0x8: {  	[smem:$0x3F90] =	sst s0  }
0x9: {  	[smem:$0x3F91] =	sst s1  }
0xa: {  	[smem:$0x3F92] =	sst s2  }
0xb: {  	[smem:$0x3F93] =	sst s3  }
0xc: {  	[smem:$0x3F94] =	sst s4  }
0xd: {  	[smem:$0x3F95] =	sst s5  }
0xe: {  	[smem:$0x3F96] =	sst s6  }
0xf: {  	[smem:$0x3F97] =	sst s7  }
0x10: {  	[smem:$0x3F98] =	sst s8  }
0x11: {  	[smem:$0x3F99] =	sst s9;
	s0 =	simm.s32 @!p0 $0x0  }
0x12: {  	s1 =	sld [smem:$0x3F7F];
	s0 =	simm.s32 @p0 $0x1  }
0x13: {  	[smem:$0x3F9A] =	sst s0;
	s0 =	simm.s32 @!p1 $0x0  }
0x14: {  	s2 =	sld [smem:$0x3F7E];
	s0 =	simm.s32 @p1 $0x1  }
0x15: {  	[smem:$0x3F9B] =	sst s0;
	s0 =	simm.s32 @!p2 $0x0  }
0x16: {  	s3 =	sld [smem:$0x3FDB];
	s0 =	simm.s32 @p2 $0x1  }
0x17: {  	s4 =	simm.s32 $0x1BF5;
	[smem:$0x3F9D] =	sst s0  }
0x18: {  	s0 =	sld [smem:$0x3F80];
	_ =	swait.ge [sflag:s4], $0x0  }
0x19: {  	s7 =	sld [smem:$0x3F81]  }
0x1a: {  	s8 =	sadd.s32 $0xFFFFE003, lr  }
0x1b: {  	s9 =	sadd.s32 $0xFFFFFEF7, lr;
	s5 =	simm.s32 $0xFFFFFFFF;
	p2 =	slt.u32 s8, $0xFFFFF086  }
0x1c: {  	p1 =	slt.u32 s9, $0xF7A;
	s5 =	simm.s32 @!p2 $0x0  }
0x1d: {  	s5 =	simm.s32 @p1 $0x1;
	p0 =	seq.s32 s7, s2  }
0x1e: {  	s7 =	smul.u32 @!p0 $0xF7A, s2;
	p2 =	seq.s32 @!p0 s5, $0x0  }
0x1f: {  	s9 =	smul.u32 $0xF7A, s1;
	s8 =	simm.s32 @!p0 $0x1BF5;
	p2 =	por !p2, p0  }
0x20: {  	[sflag:s8] =	ssyncset.s32 @!p0 $0xFFFFF086;
	s6 =	sadd.s32 @!p0 s3, s7;
	s7 =	simm.s32 @!p0 $0x108  }
0x21: {  	s3 =	sadd.s32 s3, s9;
	s6 =	sadd.s32 @!p0 $0x88, s6;
	s7 =	simm.s32 @p2 $0x1082  }
0x22: {  	[simem:s7], [sflag:s8] =	dma.local @!p0 [hbm:s6], $0xF7A  }
0x23: {  	s9 =	sor.u32 $0xD0000000, s2;
	s6 =	simm.s32 $0x108;
	_ =	swait.ge @!p0 [sflag:s8], $0x0  }
0x24: {  	s3 =	sadd.s32 $0x88, s3;
	s6 =	simm.s32 @!p1 $0x1082;
	[sflag:s4] =	ssyncset.s32 $0xFFFFF086  }
0x25: {  	[simem:s6], [sflag:s4] =	dma.local [hbm:s3], $0xF7A  }
0x26: {  	[smem:$0x3F81] =	sst s1;
	(tag) =	ssettag s2;
	_ =	strace s9  }
0x27: {  	s1 =	sld [smem:$0x3F91]  }
0x28: {  	s2 =	sld [smem:$0x3F92]  }
0x29: {  	s4 =	sld [smem:$0x3F94]  }
0x2a: {  	p0 =	seq.s32 s5, $0x0;
	s5 =	sld [smem:$0x3F95]  }
0x2b: {  	s6 =	sld [smem:$0x3F96]  }
0x2c: {  	s7 =	sld [smem:$0x3F97]  }
0x2d: {  	s3 =	simm.s32 $0x108;
	s8 =	sld [smem:$0x3F98]  }
0x2e: {  	s3 =	simm.s32 @!p0 $0x1082;
	s9 =	sld [smem:$0x3F99]  }
0x2f: {  	lr =	sadd.s32 s0, s3;
	s0 =	sld [smem:$0x3F90]  }
0x30: {  	s3 =	sld [smem:$0x3F93]  }
0x31: {  	[smem:$0x3F9C] =	sst s10  }
0x32: {  	s10 =	sld [smem:$0x3F9A];
	_ =	sdelay $0x3  }
0x33: {  	p0 =	seq.s32 s10, $0x1;
	s10 =	sld [smem:$0x3F9C];
	_ =	sdelay $0x3  }
0x34: {  	[smem:$0x3F9C] =	sst s10  }
0x35: {  	s10 =	sld [smem:$0x3F9B];
	_ =	sdelay $0x3  }
0x36: {  	p1 =	seq.s32 s10, $0x1;
	s10 =	sld [smem:$0x3F9C];
	_ =	sdelay $0x3  }
0x37: {  	[smem:$0x3F9C] =	sst s10  }
0x38: {  	s10 =	sld [smem:$0x3F9D]  }
0x39: {  	_ = 	snop;
	(pc) =	sbr.ind lr, $3  }
0x3a: {  	_ = 	snop  }
0x3b: {  	_ = 	snop  }
0x3c: {  	p2 =	seq.s32 s10, $0x1;
	s10 =	sld [smem:$0x3F9C]  }
0x3d: {  	_ =	shalt  }
0x3e: {  	_ =	shalt  }
0x3f: {  	_ =	shalt  }
0x40: {  	_ =	shalt  }
0x41: {  	_ =	shalt  }
0x42: {  	_ =	shalt  }
0x43: {  	_ =	shalt  }
0x44: {  	_ =	shalt  }
0x45: {  	_ =	shalt  }
0x46: {  	_ =	shalt  }
0x47: {  	_ =	shalt  }
0x48: {  	_ =	shalt  }
0x49: {  	_ =	shalt  }
0x4a: {  	_ =	shalt  }
0x4b: {  	_ =	shalt  }
0x4c: {  	_ =	shalt  }
0x4d: {  	_ =	shalt  }
0x4e: {  	_ =	shalt  }
0x4f: {  	_ =	shalt  }
0x50: {  	_ =	shalt  }
0x51: {  	_ =	shalt  }
0x52: {  	_ =	shalt  }
0x53: {  	_ =	shalt  }
0x54: {  	_ =	shalt  }
0x55: {  	_ =	shalt  }
0x56: {  	_ =	shalt  }
0x57: {  	_ =	shalt  }
0x58: {  	_ =	shalt  }
0x59: {  	_ =	shalt  }
0x5a: {  	_ =	shalt  }
0x5b: {  	_ =	shalt  }
0x5c: {  	_ =	shalt  }
0x5d: {  	_ =	shalt  }
0x5e: {  	_ =	shalt  }
0x5f: {  	_ =	shalt  }
0x60: {  	_ =	shalt  }
0x61: {  	_ =	shalt  }
0x62: {  	_ =	shalt  }
0x63: {  	_ =	shalt  }
0x64: {  	_ =	shalt  }
0x65: {  	_ =	shalt  }
0x66: {  	_ =	shalt  }
0x67: {  	_ =	shalt  }
0x68: {  	_ =	shalt  }
0x69: {  	_ =	shalt  }
0x6a: {  	_ =	shalt  }
0x6b: {  	_ =	shalt  }
0x6c: {  	_ =	shalt  }
0x6d: {  	_ =	shalt  }
0x6e: {  	_ =	shalt  }
0x6f: {  	_ =	shalt  }
0x70: {  	_ =	shalt  }
0x71: {  	_ =	shalt  }
0x72: {  	_ =	shalt  }
0x73: {  	_ =	shalt  }
0x74: {  	_ =	shalt  }
0x75: {  	_ =	shalt  }
0x76: {  	_ =	shalt  }
0x77: {  	_ =	shalt  }
0x78: {  	_ =	shalt  }
0x79: {  	_ =	shalt  }
0x7a: {  	_ =	shalt  }
0x7b: {  	_ =	shalt  }
0x7c: {  	_ =	shalt  }
0x7d: {  	_ =	shalt  }
0x7e: {  	_ =	shalt  }
0x7f: {  	_ =	shalt  }
0x80: {  	_ =	shalt  }
0x81: {  	_ =	shalt  }
0x82: {  	_ =	shalt  }
0x83: {  	_ =	shalt  }
0x84: {  	_ =	shalt  }
0x85: {  	_ =	shalt  }
0x86: {  	_ =	shalt  }
0x87: {  	_ =	shalt  }
.Lfunc_end0:
.L_simem_size_0:
called_computation.3_lowered:
.L_overlay_start_0:
0x88: {  	s2 =	sld [smem:$0x3FD9]  }
0x89: {  	s3 =	sld [smem:$0x3FFE];
	_ =	sdelay $0x1  }
0x8a: {  	s1 =	srdreg.scid  }
0x8b: {  	s0 =	sand.u32 $0x1, s1  }
0x8c: {  	s17 =	sshll.u32 s0, $0xA;
	s2 =	sadd.s32 s3, s2  }
0x8d: {  	s2 =	sadd.s32 s2, s17  }
0x8e: {  	[smem:$0x3FA8] =	sst s2  }
0x8f: {  	_ = 	snop  }
0x90: {  	(tm) =	ssettm $0x1  }
0x91: {  	s18 =	sld [smem:$0x3FFB];
	_ =	sdelay $0x3  }
0x92: {  	_ =	strace s18  }
0x93: {  	s2 =	sld [smem:$0x3FFC];
	_ =	sdelay $0x3  }
0x94: {  	_ =	strace s2  }
0x95: {  	s2 =	sld [smem:$0x3FFD];
	_ =	sdelay $0x3  }
0x96: {  	_ =	strace s2  }
0x97: {  	_ =	strace $0x8FFFFFFF  }
0x98: {  	s19 =	sld [smem:$0x3FDB];
	_ =	sdelay $0x1  }
0x99: {  	s20 =	simm.s32 $_scs_section_size  }
0x9a: {  	s4 =	simm.s32 $_size__tile_overlayer_lowered;
	s5 =	simm.s32 $_tile_overlayer_lowered  }
0x9b: {  	s6 =	simm.s32 $0x1BFF;
	s21 =	sshll.u32 s5, $0x1;
	s3 =	sadd.s32 s20, s19  }
0x9c: {  	s22 =	simm.s32 $0x0;
	s4 =	sshll.u32 s4, $0x1;
	s5 =	sadd.s32 s21, s3  }
0x9d: {  	[timem:s22], [sflag:s6] =	dma.local [hbm:s5], s4  }
0x9e: {  	_ =	swait.ge [sflag:s6], s4  }
0x9f: {  	s4 =	ssub.s32 $0x0, s4;
	[sflag:s6] =	ssyncset.done $0x0  }
0xa0: {  	[sflag:s6] =	ssyncadd.s32 s4;
	_ =	sdelay $0x1  }
0xa1: {  	s23 =	simm.s32 $0x1B8B  }
0xa2: {  	_ =	swait.ge [sflag:s23], $0x1  }
0xa3: {  	[sflag:s23] =	ssyncset.done $0x0  }
0xa4: {  	[sflag:s23] =	ssyncadd.s32 $0xFFFFFFFF  }
0xa5: {  	s4 =	sld [smem:$0x0]  }
0xa6: {  	s5 =	sand.u32 $0xFFFFFFFE, s1  }
0xa7: {  	p0 =	sne.s32 s1, s5  }
0xa8: {  	s5 =	sshll.u32 @p0 s5, $0xE  }
0xa9: {  	s5 =	sadd.s32 @p0 $0x11B8D, s5;
	s6 =	sshll.u32 @p0 s4, $0x11  }
0xaa: {  	s5 =	sor.u32 @p0 s6, s5  }
0xab: {  	[sflag:s5] =	ssyncadd.remote.s32 @p0 $0x1;
	_ =	sdelay $0x1  }
0xac: {  	s5 =	simm.s32 @p0 $0x1B8D  }
0xad: {  	_ =	swait.eq @p0 [sflag:s5], $0x1  }
0xae: {  	[sflag:s5] =	ssyncadd.s32 @p0 $0xFFFFFFFF  }
0xaf: {  	s6 =	sshll.u32 @!p0 s1, $0xE  }
0xb0: {  	s6 =	sor.u32 @!p0 $0x4000, s6;
	s5 =	simm.s32 @!p0 $0x1B8D  }
0xb1: {  	s4 =	sshll.u32 @!p0 s4, $0x11;
	s6 =	sadd.s32 @!p0 $0x11B8D, s6;
	_ =	swait.eq @!p0 [sflag:s5], $0x1  }
0xb2: {  	s4 =	sor.u32 @!p0 s4, s6;
	[sflag:s5] =	ssyncadd.s32 @!p0 $0xFFFFFFFF  }
0xb3: {  	s25 =	simm.s32 $0x1B8E;
	s24 =	sld [smem:$0x3FFE];
	[sflag:s4] =	ssyncadd.remote.s32 @!p0 $0x1  }
0xb4: {  	s26 =	simm.s32 $execute0_lowered;
	[smem:$0x3FD2] =	sst s25  }
0xb5: {  	s5 =	sshll.u32 s26, $0x1;
	_ =	strace $0x80000052;
	[dreg:$0x1] =	wrdreg $0xFFFFFFFF  }
0xb6: {  	s28 =	simm.s32 $_size_execute0_lowered;
	s3 =	sadd.s32 s3, s5;
	[dreg:$0x0] =	wrdreg $0x0  }
0xb7: {  	s5 =	sshll.u32 s28, $0x1;
	[dreg:$0x2] =	wrdreg s3  }
0xb8: {  	[dreg:$0x3] =	wrdreg s5  }
0xb9: {  	[dreg:$0x4] =	wrdreg $0xC0  }
0xba: {  	_ =	task [dreg:s22], $0x5FFFF  }
0xbb: {  	[dreg:$0x1] =	wrdreg $0xFFFFFFFF  }
0xbc: {  	[dreg:$0x0] =	wrdreg $0x60  }
0xbd: {  	[dreg:$0x2] =	wrdreg s24  }
0xbe: {  	[dreg:$0x3] =	wrdreg $0xA  }
0xbf: {  	_ =	task.clear_ibuf [dreg:s22], $0x4FFFF;
	_ =	strace $0x90000052  }
0xc0: {  	s29 =	simm.s32 $0xA;
	_ =	strace $0x80000054  }
0xc1: {  	_ =	swait.ge [sflag:s29], $0x1  }
0xc2: {  	[sflag:s29] =	ssyncadd.s32 $0xFFFFFFFF  }
0xc3: {  	_ =	strace $0x90000054  }
0xc4: {  	_ =	sfence  }
0xc5: {  	s30 =	sld [smem:$0x0];
	_ =	sdelay $0x2  }
0xc6: {  	s31 =	sshll.u32 s1, $0xD;
	s1 =	sshrl.u32 s1, $0x2  }
0xc7: {  	s4 =	sand.u32 $0x4000, s31;
	s1 =	sadd.s32 s1, s30  }
0xc8: {  	s0 =	sor.u32 s4, s0;
	s1 =	sshll.u32 s1, $0x11  }
0xc9: {  	s0 =	sor.u32 s1, s0  }
0xca: {  	s0 =	sadd.s32 $0x8F2B, s0  }
0xcb: {  	[sflag:s0] =	ssyncadd.remote.s32 $0x1  }
0xcc: {  	_ =	sfence.sel $0xFFFF  }
0xcd: {  	[dreg:$0x0] =	wrdreg $0xFFFFFFFF;
	(pc) =	sbr.abs _section_cstart, $3  }
0xce: {  	[dreg:$0x1] =	wrdreg $0xFFFFFFFF  }
0xcf: {  	_ =	task.clear_ibuf [dreg:s22], $0x2FFFF;
	_ =	strace $0x9FFFFFFF  }
0xd0: {  	(tm) =	ssettm $0x7FFFFFFF  }
0xd1: {  	_ =	shalt  }
tec
execute0_lowered:
.L_overlay_start_1:
0x0: {  	(tag) =	ssettag $0x1  }
0x1: {  	s1 =	srdreg.scid;
	s0 =	stileid.u32  }
0x2: {  	s28 =	sand.u32 $0x1, s1;
	s30 =	sshll.u32 s0, $0x1  }
0x3: {  	s9 =	sor.u32 s28, s30  }
0x4: {  	s10 =	rddreg [dreg:$0x0];
	s29 =	smul.u32 $0x2710, s9  }
0x5: {  	s2 =	simm.s32 $0x0;
	s1 =	rddreg [dreg:$0x1]  }
0x6: {  	[smem:$0x7FF] =	sst s2;
	s26 =	sadd.s32 $0x2BC00, s10;
	s3 =	sshrl.u32 s29, $0x3  }
0x7: {  	_ =	strace $0x80000053;
	s4 =	sadd.s32 s26, s3;
	s3 =	simm.s32 $0x2  }
0x8: {  	[tilespmem:s2], [sflag:$0x2] =	stream.linear.gather [hbm4b:s4+s2], $0x3E8, $0x38;
	[tilespmem:$0x1F800] =	vst v63  }
0x9: {  	_ =	swait.ge [sflag:s3], $0x3E8  }
0xa: {  	s6 =	simm.s32 $0x3E8;
	s7 =	simm.s32 $0x400;
	[sflag:s3] =	ssyncset.done $0x0  }
0xb: {  	s8 =	simm.s32 $0x1;
	s5 =	sadd.s32 $0x5CC00, s10;
	[sflag:s3] =	ssyncadd.s32 $0xFFFFFC18  }
0xc: {  	[tilespmem:s7], [sflag:$0x1] =	stream.indirect.gather [hbm4b:s5+s6], $0x80, s2, s6, $0xb8;
	[tilespmem:$0x1F800] =	vst v63  }
0xd: {  	s9 =	smul.u32 $0x27100, s9;
	_ =	swait.ge [sflag:s8], $0x1F400  }
0xe: {  	s30 =	sadd.s32 $0x566C00, s10;
	[sflag:s8] =	ssyncset.done $0x0  }
0xf: {  	s9 =	sadd.s32 s30, s9;
	[sflag:s8] =	ssyncadd.s32 $0xFFFE0C00  }
0x10: {  	[hbm4b:s9+s2] =	stream.linear.scatter [tilespmem:s7], [sflag:$0x2], $0x1F400, $0x38;
	[tilespmem:$0x1F800] =	vst v63  }
0x11: {  	s11 =	sadd.s32 $0x3E8, s29;
	_ =	swait.ge [sflag:s3], $0x1F400  }
0x12: {  	s31 =	sshrl.u32 s11, $0x3;
	[sflag:s3] =	ssyncset.done $0x0  }
0x13: {  	s10 =	sadd.s32 s26, s31;
	[sflag:s3] =	ssyncadd.s32 $0xFFFE0C00  }
0x14: {  	[tilespmem:s2], [sflag:$0x2] =	stream.linear.gather [hbm4b:s10+s2], $0x3E8, $0x38;
	[tilespmem:$0x1F800] =	vst v63  }
0x15: {  	_ =	swait.ge [sflag:s3], $0x3E8  }
0x16: {  	[sflag:s3] =	ssyncset.done $0x0  }
0x17: {  	[sflag:s3] =	ssyncadd.s32 $0xFFFFFC18  }
0x18: {  	[tilespmem:s7], [sflag:$0x1] =	stream.indirect.gather [hbm4b:s5+s6], $0x80, s2, s6, $0xb8;
	[tilespmem:$0x1F800] =	vst v63  }
0x19: {  	_ =	swait.ge [sflag:s8], $0x1F400  }
0x1a: {  	s11 =	sshll.u32 s11, $0x4;
	[sflag:s8] =	ssyncset.done $0x0  }
0x1b: {  	s11 =	sadd.s32 s30, s11;
	[sflag:s8] =	ssyncadd.s32 $0xFFFE0C00  }
0x1c: {  	[hbm4b:s11+s2] =	stream.linear.scatter [tilespmem:s7], [sflag:$0x2], $0x1F400, $0x38;
	[tilespmem:$0x1F800] =	vst v63  }
0x1d: {  	s13 =	sadd.s32 $0x7D0, s29;
	_ =	swait.ge [sflag:s3], $0x1F400  }
0x1e: {  	s12 =	sshrl.u32 s13, $0x3;
	[sflag:s3] =	ssyncset.done $0x0  }
0x1f: {  	s12 =	sadd.s32 s26, s12;
	[sflag:s3] =	ssyncadd.s32 $0xFFFE0C00  }
0x20: {  	[tilespmem:s2], [sflag:$0x2] =	stream.linear.gather [hbm4b:s12+s2], $0x3E8, $0x38;
	[tilespmem:$0x1F800] =	vst v63  }
0x21: {  	_ =	swait.ge [sflag:s3], $0x3E8  }
0x22: {  	[sflag:s3] =	ssyncset.done $0x0  }
0x23: {  	[sflag:s3] =	ssyncadd.s32 $0xFFFFFC18  }
0x24: {  	[tilespmem:s7], [sflag:$0x1] =	stream.indirect.gather [hbm4b:s5+s6], $0x80, s2, s6, $0xb8;
	[tilespmem:$0x1F800] =	vst v63  }
0x25: {  	_ =	swait.ge [sflag:s8], $0x1F400  }
0x26: {  	s13 =	sshll.u32 s13, $0x4;
	[sflag:s8] =	ssyncset.done $0x0  }
0x27: {  	s13 =	sadd.s32 s30, s13;
	[sflag:s8] =	ssyncadd.s32 $0xFFFE0C00  }
0x28: {  	[hbm4b:s13+s2] =	stream.linear.scatter [tilespmem:s7], [sflag:$0x2], $0x1F400, $0x38;
	[tilespmem:$0x1F800] =	vst v63  }
0x29: {  	s15 =	sadd.s32 $0xBB8, s29;
	_ =	swait.ge [sflag:s3], $0x1F400  }
0x2a: {  	s14 =	sshrl.u32 s15, $0x3;
	[sflag:s3] =	ssyncset.done $0x0  }
0x2b: {  	s14 =	sadd.s32 s26, s14;
	[sflag:s3] =	ssyncadd.s32 $0xFFFE0C00  }
0x2c: {  	[tilespmem:s2], [sflag:$0x2] =	stream.linear.gather [hbm4b:s14+s2], $0x3E8, $0x38;
	[tilespmem:$0x1F800] =	vst v63  }
0x2d: {  	_ =	swait.ge [sflag:s3], $0x3E8  }
0x2e: {  	[sflag:s3] =	ssyncset.done $0x0  }
0x2f: {  	[sflag:s3] =	ssyncadd.s32 $0xFFFFFC18  }
0x30: {  	[tilespmem:s7], [sflag:$0x1] =	stream.indirect.gather [hbm4b:s5+s6], $0x80, s2, s6, $0xb8;
	[tilespmem:$0x1F800] =	vst v63  }
0x31: {  	_ =	swait.ge [sflag:s8], $0x1F400  }
0x32: {  	s15 =	sshll.u32 s15, $0x4;
	[sflag:s8] =	ssyncset.done $0x0  }
0x33: {  	s15 =	sadd.s32 s30, s15;
	[sflag:s8] =	ssyncadd.s32 $0xFFFE0C00  }
0x34: {  	[hbm4b:s15+s2] =	stream.linear.scatter [tilespmem:s7], [sflag:$0x2], $0x1F400, $0x38;
	[tilespmem:$0x1F800] =	vst v63  }
0x35: {  	s17 =	sadd.s32 $0xFA0, s29;
	_ =	swait.ge [sflag:s3], $0x1F400  }
0x36: {  	s16 =	sshrl.u32 s17, $0x3;
	[sflag:s3] =	ssyncset.done $0x0  }
0x37: {  	s16 =	sadd.s32 s26, s16;
	[sflag:s3] =	ssyncadd.s32 $0xFFFE0C00  }
0x38: {  	[tilespmem:s2], [sflag:$0x2] =	stream.linear.gather [hbm4b:s16+s2], $0x3E8, $0x38;
	[tilespmem:$0x1F800] =	vst v63  }
0x39: {  	_ =	swait.ge [sflag:s3], $0x3E8  }
0x3a: {  	[sflag:s3] =	ssyncset.done $0x0  }
0x3b: {  	[sflag:s3] =	ssyncadd.s32 $0xFFFFFC18  }
0x3c: {  	[tilespmem:s7], [sflag:$0x1] =	stream.indirect.gather [hbm4b:s5+s6], $0x80, s2, s6, $0xb8;
	[tilespmem:$0x1F800] =	vst v63  }
0x3d: {  	_ =	swait.ge [sflag:s8], $0x1F400  }
0x3e: {  	s17 =	sshll.u32 s17, $0x4;
	[sflag:s8] =	ssyncset.done $0x0  }
0x3f: {  	s17 =	sadd.s32 s30, s17;
	[sflag:s8] =	ssyncadd.s32 $0xFFFE0C00  }
0x40: {  	[hbm4b:s17+s2] =	stream.linear.scatter [tilespmem:s7], [sflag:$0x2], $0x1F400, $0x38;
	[tilespmem:$0x1F800] =	vst v63  }
0x41: {  	s19 =	sadd.s32 $0x1388, s29;
	_ =	swait.ge [sflag:s3], $0x1F400  }
0x42: {  	s18 =	sshrl.u32 s19, $0x3;
	[sflag:s3] =	ssyncset.done $0x0  }
0x43: {  	s18 =	sadd.s32 s26, s18;
	[sflag:s3] =	ssyncadd.s32 $0xFFFE0C00  }
0x44: {  	[tilespmem:s2], [sflag:$0x2] =	stream.linear.gather [hbm4b:s18+s2], $0x3E8, $0x38;
	[tilespmem:$0x1F800] =	vst v63  }
0x45: {  	_ =	swait.ge [sflag:s3], $0x3E8  }
0x46: {  	[sflag:s3] =	ssyncset.done $0x0  }
0x47: {  	[sflag:s3] =	ssyncadd.s32 $0xFFFFFC18  }
0x48: {  	[tilespmem:s7], [sflag:$0x1] =	stream.indirect.gather [hbm4b:s5+s6], $0x80, s2, s6, $0xb8;
	[tilespmem:$0x1F800] =	vst v63  }
0x49: {  	_ =	swait.ge [sflag:s8], $0x1F400  }
0x4a: {  	s19 =	sshll.u32 s19, $0x4;
	[sflag:s8] =	ssyncset.done $0x0  }
0x4b: {  	s19 =	sadd.s32 s30, s19;
	[sflag:s8] =	ssyncadd.s32 $0xFFFE0C00  }
0x4c: {  	[hbm4b:s19+s2] =	stream.linear.scatter [tilespmem:s7], [sflag:$0x2], $0x1F400, $0x38;
	[tilespmem:$0x1F800] =	vst v63  }
0x4d: {  	s21 =	sadd.s32 $0x1770, s29;
	_ =	swait.ge [sflag:s3], $0x1F400  }
0x4e: {  	s20 =	sshrl.u32 s21, $0x3;
	[sflag:s3] =	ssyncset.done $0x0  }
0x4f: {  	s20 =	sadd.s32 s26, s20;
	[sflag:s3] =	ssyncadd.s32 $0xFFFE0C00  }
0x50: {  	[tilespmem:s2], [sflag:$0x2] =	stream.linear.gather [hbm4b:s20+s2], $0x3E8, $0x38;
	[tilespmem:$0x1F800] =	vst v63  }
0x51: {  	_ =	swait.ge [sflag:s3], $0x3E8  }
0x52: {  	[sflag:s3] =	ssyncset.done $0x0  }
0x53: {  	[sflag:s3] =	ssyncadd.s32 $0xFFFFFC18  }
0x54: {  	[tilespmem:s7], [sflag:$0x1] =	stream.indirect.gather [hbm4b:s5+s6], $0x80, s2, s6, $0xb8;
	[tilespmem:$0x1F800] =	vst v63  }
0x55: {  	_ =	swait.ge [sflag:s8], $0x1F400  }
0x56: {  	s21 =	sshll.u32 s21, $0x4;
	[sflag:s8] =	ssyncset.done $0x0  }
0x57: {  	s21 =	sadd.s32 s30, s21;
	[sflag:s8] =	ssyncadd.s32 $0xFFFE0C00  }
0x58: {  	[hbm4b:s21+s2] =	stream.linear.scatter [tilespmem:s7], [sflag:$0x2], $0x1F400, $0x38;
	[tilespmem:$0x1F800] =	vst v63  }
0x59: {  	s23 =	sadd.s32 $0x1B58, s29;
	_ =	swait.ge [sflag:s3], $0x1F400  }
0x5a: {  	s22 =	sshrl.u32 s23, $0x3;
	[sflag:s3] =	ssyncset.done $0x0  }
0x5b: {  	s22 =	sadd.s32 s26, s22;
	[sflag:s3] =	ssyncadd.s32 $0xFFFE0C00  }
0x5c: {  	[tilespmem:s2], [sflag:$0x2] =	stream.linear.gather [hbm4b:s22+s2], $0x3E8, $0x38;
	[tilespmem:$0x1F800] =	vst v63  }
0x5d: {  	_ =	swait.ge [sflag:s3], $0x3E8  }
0x5e: {  	[sflag:s3] =	ssyncset.done $0x0  }
0x5f: {  	[sflag:s3] =	ssyncadd.s32 $0xFFFFFC18  }
0x60: {  	[tilespmem:s7], [sflag:$0x1] =	stream.indirect.gather [hbm4b:s5+s6], $0x80, s2, s6, $0xb8;
	[tilespmem:$0x1F800] =	vst v63  }
0x61: {  	_ =	swait.ge [sflag:s8], $0x1F400  }
0x62: {  	s23 =	sshll.u32 s23, $0x4;
	[sflag:s8] =	ssyncset.done $0x0  }
0x63: {  	s23 =	sadd.s32 s30, s23;
	[sflag:s8] =	ssyncadd.s32 $0xFFFE0C00  }
0x64: {  	[hbm4b:s23+s2] =	stream.linear.scatter [tilespmem:s7], [sflag:$0x2], $0x1F400, $0x38;
	[tilespmem:$0x1F800] =	vst v63  }
0x65: {  	s25 =	sadd.s32 $0x1F40, s29;
	_ =	swait.ge [sflag:s3], $0x1F400  }
0x66: {  	s24 =	sshrl.u32 s25, $0x3;
	[sflag:s3] =	ssyncset.done $0x0  }
0x67: {  	s24 =	sadd.s32 s26, s24;
	[sflag:s3] =	ssyncadd.s32 $0xFFFE0C00  }
0x68: {  	[tilespmem:s2], [sflag:$0x2] =	stream.linear.gather [hbm4b:s24+s2], $0x3E8, $0x38;
	[tilespmem:$0x1F800] =	vst v63  }
0x69: {  	_ =	swait.ge [sflag:s3], $0x3E8  }
0x6a: {  	[sflag:s3] =	ssyncset.done $0x0  }
0x6b: {  	[sflag:s3] =	ssyncadd.s32 $0xFFFFFC18  }
0x6c: {  	[tilespmem:s7], [sflag:$0x1] =	stream.indirect.gather [hbm4b:s5+s6], $0x80, s2, s6, $0xb8;
	[tilespmem:$0x1F800] =	vst v63  }
0x6d: {  	_ =	swait.ge [sflag:s8], $0x1F400  }
0x6e: {  	s25 =	sshll.u32 s25, $0x4;
	[sflag:s8] =	ssyncset.done $0x0  }
0x6f: {  	s25 =	sadd.s32 s30, s25;
	[sflag:s8] =	ssyncadd.s32 $0xFFFE0C00  }
0x70: {  	[hbm4b:s25+s2] =	stream.linear.scatter [tilespmem:s7], [sflag:$0x2], $0x1F400, $0x38;
	[tilespmem:$0x1F800] =	vst v63  }
0x71: {  	s29 =	sadd.s32 $0x2328, s29;
	_ =	swait.ge [sflag:s3], $0x1F400  }
0x72: {  	s31 =	sshrl.u32 s29, $0x3;
	[sflag:s3] =	ssyncset.done $0x0  }
0x73: {  	s28 =	ssub.s32 $0x2, s28;
	s26 =	sadd.s32 s26, s31;
	[sflag:s3] =	ssyncadd.s32 $0xFFFE0C00  }
0x74: {  	[tilespmem:s2], [sflag:$0x2] =	stream.linear.gather [hbm4b:s26+s2], $0x3E8, $0x38;
	[tilespmem:$0x1F800] =	vst v63  }
0x75: {  	s31 =	sshrl.u32 s28, $0x1;
	_ =	swait.ge [sflag:s3], $0x3E8  }
0x76: {  	s31 =	ssub.s32 s28, s31;
	[sflag:s3] =	ssyncset.done $0x0  }
0x77: {  	s28 =	sshll.u32 s29, $0x4;
	s29 =	smax.u32 s31, $0x1;
	[sflag:s3] =	ssyncadd.s32 $0xFFFFFC18  }
0x78: {  	[tilespmem:s7], [sflag:$0x1] =	stream.indirect.gather [hbm4b:s5+s6], $0x80, s2, s6, $0xb8;
	[tilespmem:$0x1F800] =	vst v63  }
0x79: {  	p0 =	sne.s32 s29, $0x1;
	_ =	swait.ge [sflag:s8], $0x1F400  }
.Ltmp0:
0x7a: {  	[sflag:s8] =	ssyncset.done $0x0;
	(pc) =	sbr.rel @!p0 .LBB2_2-.Ltmp0, $4  }
0x7b: {  	s28 =	sadd.s32 s30, s28;
	[sflag:s8] =	ssyncadd.s32 $0xFFFE0C00  }
0x7c: {  	[hbm4b:s28+s2] =	stream.linear.scatter [tilespmem:s7], [sflag:$0x2], $0x1F400, $0x38;
	[tilespmem:$0x1F800] =	vst v63  }
0x7d: {  	_ =	swait.ge [sflag:s3], $0x1F400  }
0x7e: {  	s29 =	sadd.s32 $0xFFFFFFFF, s29;
	[sflag:s3] =	ssyncset.done $0x0  }
.LBB2_1:
0x7f: {  	p0 =	sne.s32 s29, $0x1;
	s29 =	sadd.s32 $0xFFFFFFFF, s29;
	[sflag:s3] =	ssyncadd.s32 $0xFFFE0C00  }
0x80: {  	[tilespmem:s2], [sflag:$0x2] =	stream.linear.gather [hbm4b:s4+s2], $0x3E8, $0x38;
	[tilespmem:$0x1F800] =	vst v63  }
0x81: {  	_ =	swait.ge [sflag:s3], $0x3E8  }
0x82: {  	[sflag:s3] =	ssyncset.done $0x0  }
0x83: {  	[sflag:s3] =	ssyncadd.s32 $0xFFFFFC18  }
0x84: {  	[tilespmem:s7], [sflag:$0x1] =	stream.indirect.gather [hbm4b:s5+s6], $0x80, s2, s6, $0xb8;
	[tilespmem:$0x1F800] =	vst v63  }
0x85: {  	_ =	swait.ge [sflag:s8], $0x1F400  }
0x86: {  	[sflag:s8] =	ssyncset.done $0x0  }
0x87: {  	[sflag:s8] =	ssyncadd.s32 $0xFFFE0C00  }
0x88: {  	[hbm4b:s9+s2] =	stream.linear.scatter [tilespmem:s7], [sflag:$0x2], $0x1F400, $0x38;
	[tilespmem:$0x1F800] =	vst v63  }
0x89: {  	_ =	swait.ge [sflag:s3], $0x1F400  }
0x8a: {  	[sflag:s3] =	ssyncset.done $0x0  }
0x8b: {  	[sflag:s3] =	ssyncadd.s32 $0xFFFE0C00  }
0x8c: {  	[tilespmem:s2], [sflag:$0x2] =	stream.linear.gather [hbm4b:s10+s2], $0x3E8, $0x38;
	[tilespmem:$0x1F800] =	vst v63  }
0x8d: {  	_ =	swait.ge [sflag:s3], $0x3E8  }
0x8e: {  	[sflag:s3] =	ssyncset.done $0x0  }
0x8f: {  	[sflag:s3] =	ssyncadd.s32 $0xFFFFFC18  }
0x90: {  	[tilespmem:s7], [sflag:$0x1] =	stream.indirect.gather [hbm4b:s5+s6], $0x80, s2, s6, $0xb8;
	[tilespmem:$0x1F800] =	vst v63  }
0x91: {  	_ =	swait.ge [sflag:s8], $0x1F400  }
0x92: {  	[sflag:s8] =	ssyncset.done $0x0  }
0x93: {  	[sflag:s8] =	ssyncadd.s32 $0xFFFE0C00  }
0x94: {  	[hbm4b:s11+s2] =	stream.linear.scatter [tilespmem:s7], [sflag:$0x2], $0x1F400, $0x38;
	[tilespmem:$0x1F800] =	vst v63  }
0x95: {  	_ =	swait.ge [sflag:s3], $0x1F400  }
0x96: {  	[sflag:s3] =	ssyncset.done $0x0  }
0x97: {  	[sflag:s3] =	ssyncadd.s32 $0xFFFE0C00  }
0x98: {  	[tilespmem:s2], [sflag:$0x2] =	stream.linear.gather [hbm4b:s12+s2], $0x3E8, $0x38;
	[tilespmem:$0x1F800] =	vst v63  }
0x99: {  	_ =	swait.ge [sflag:s3], $0x3E8  }
0x9a: {  	[sflag:s3] =	ssyncset.done $0x0  }
0x9b: {  	[sflag:s3] =	ssyncadd.s32 $0xFFFFFC18  }
0x9c: {  	[tilespmem:s7], [sflag:$0x1] =	stream.indirect.gather [hbm4b:s5+s6], $0x80, s2, s6, $0xb8;
	[tilespmem:$0x1F800] =	vst v63  }
0x9d: {  	_ =	swait.ge [sflag:s8], $0x1F400  }
0x9e: {  	[sflag:s8] =	ssyncset.done $0x0  }
0x9f: {  	[sflag:s8] =	ssyncadd.s32 $0xFFFE0C00  }
0xa0: {  	[hbm4b:s13+s2] =	stream.linear.scatter [tilespmem:s7], [sflag:$0x2], $0x1F400, $0x38;
	[tilespmem:$0x1F800] =	vst v63  }
0xa1: {  	_ =	swait.ge [sflag:s3], $0x1F400  }
0xa2: {  	[sflag:s3] =	ssyncset.done $0x0  }
0xa3: {  	[sflag:s3] =	ssyncadd.s32 $0xFFFE0C00  }
0xa4: {  	[tilespmem:s2], [sflag:$0x2] =	stream.linear.gather [hbm4b:s14+s2], $0x3E8, $0x38;
	[tilespmem:$0x1F800] =	vst v63  }
0xa5: {  	_ =	swait.ge [sflag:s3], $0x3E8  }
0xa6: {  	[sflag:s3] =	ssyncset.done $0x0  }
0xa7: {  	[sflag:s3] =	ssyncadd.s32 $0xFFFFFC18  }
0xa8: {  	[tilespmem:s7], [sflag:$0x1] =	stream.indirect.gather [hbm4b:s5+s6], $0x80, s2, s6, $0xb8;
	[tilespmem:$0x1F800] =	vst v63  }
0xa9: {  	_ =	swait.ge [sflag:s8], $0x1F400  }
0xaa: {  	[sflag:s8] =	ssyncset.done $0x0  }
0xab: {  	[sflag:s8] =	ssyncadd.s32 $0xFFFE0C00  }
0xac: {  	[hbm4b:s15+s2] =	stream.linear.scatter [tilespmem:s7], [sflag:$0x2], $0x1F400, $0x38;
	[tilespmem:$0x1F800] =	vst v63  }
0xad: {  	_ =	swait.ge [sflag:s3], $0x1F400  }
0xae: {  	[sflag:s3] =	ssyncset.done $0x0  }
0xaf: {  	[sflag:s3] =	ssyncadd.s32 $0xFFFE0C00  }
0xb0: {  	[tilespmem:s2], [sflag:$0x2] =	stream.linear.gather [hbm4b:s16+s2], $0x3E8, $0x38;
	[tilespmem:$0x1F800] =	vst v63  }
0xb1: {  	_ =	swait.ge [sflag:s3], $0x3E8  }
0xb2: {  	[sflag:s3] =	ssyncset.done $0x0  }
0xb3: {  	[sflag:s3] =	ssyncadd.s32 $0xFFFFFC18  }
0xb4: {  	[tilespmem:s7], [sflag:$0x1] =	stream.indirect.gather [hbm4b:s5+s6], $0x80, s2, s6, $0xb8;
	[tilespmem:$0x1F800] =	vst v63  }
0xb5: {  	_ =	swait.ge [sflag:s8], $0x1F400  }
0xb6: {  	[sflag:s8] =	ssyncset.done $0x0  }
0xb7: {  	[sflag:s8] =	ssyncadd.s32 $0xFFFE0C00  }
0xb8: {  	[hbm4b:s17+s2] =	stream.linear.scatter [tilespmem:s7], [sflag:$0x2], $0x1F400, $0x38;
	[tilespmem:$0x1F800] =	vst v63  }
0xb9: {  	_ =	swait.ge [sflag:s3], $0x1F400  }
0xba: {  	[sflag:s3] =	ssyncset.done $0x0  }
0xbb: {  	[sflag:s3] =	ssyncadd.s32 $0xFFFE0C00  }
0xbc: {  	[tilespmem:s2], [sflag:$0x2] =	stream.linear.gather [hbm4b:s18+s2], $0x3E8, $0x38;
	[tilespmem:$0x1F800] =	vst v63  }
0xbd: {  	_ =	swait.ge [sflag:s3], $0x3E8  }
0xbe: {  	[sflag:s3] =	ssyncset.done $0x0  }
0xbf: {  	[sflag:s3] =	ssyncadd.s32 $0xFFFFFC18  }
0xc0: {  	[tilespmem:s7], [sflag:$0x1] =	stream.indirect.gather [hbm4b:s5+s6], $0x80, s2, s6, $0xb8;
	[tilespmem:$0x1F800] =	vst v63  }
0xc1: {  	_ =	swait.ge [sflag:s8], $0x1F400  }
0xc2: {  	[sflag:s8] =	ssyncset.done $0x0  }
0xc3: {  	[sflag:s8] =	ssyncadd.s32 $0xFFFE0C00  }
0xc4: {  	[hbm4b:s19+s2] =	stream.linear.scatter [tilespmem:s7], [sflag:$0x2], $0x1F400, $0x38;
	[tilespmem:$0x1F800] =	vst v63  }
0xc5: {  	_ =	swait.ge [sflag:s3], $0x1F400  }
0xc6: {  	[sflag:s3] =	ssyncset.done $0x0  }
0xc7: {  	[sflag:s3] =	ssyncadd.s32 $0xFFFE0C00  }
0xc8: {  	[tilespmem:s2], [sflag:$0x2] =	stream.linear.gather [hbm4b:s20+s2], $0x3E8, $0x38;
	[tilespmem:$0x1F800] =	vst v63  }
0xc9: {  	_ =	swait.ge [sflag:s3], $0x3E8  }
0xca: {  	[sflag:s3] =	ssyncset.done $0x0  }
0xcb: {  	[sflag:s3] =	ssyncadd.s32 $0xFFFFFC18  }
0xcc: {  	[tilespmem:s7], [sflag:$0x1] =	stream.indirect.gather [hbm4b:s5+s6], $0x80, s2, s6, $0xb8;
	[tilespmem:$0x1F800] =	vst v63  }
0xcd: {  	_ =	swait.ge [sflag:s8], $0x1F400  }
0xce: {  	[sflag:s8] =	ssyncset.done $0x0  }
0xcf: {  	[sflag:s8] =	ssyncadd.s32 $0xFFFE0C00  }
0xd0: {  	[hbm4b:s21+s2] =	stream.linear.scatter [tilespmem:s7], [sflag:$0x2], $0x1F400, $0x38;
	[tilespmem:$0x1F800] =	vst v63  }
0xd1: {  	_ =	swait.ge [sflag:s3], $0x1F400  }
0xd2: {  	[sflag:s3] =	ssyncset.done $0x0  }
0xd3: {  	[sflag:s3] =	ssyncadd.s32 $0xFFFE0C00  }
0xd4: {  	[tilespmem:s2], [sflag:$0x2] =	stream.linear.gather [hbm4b:s22+s2], $0x3E8, $0x38;
	[tilespmem:$0x1F800] =	vst v63  }
0xd5: {  	_ =	swait.ge [sflag:s3], $0x3E8  }
0xd6: {  	[sflag:s3] =	ssyncset.done $0x0  }
0xd7: {  	[sflag:s3] =	ssyncadd.s32 $0xFFFFFC18  }
0xd8: {  	[tilespmem:s7], [sflag:$0x1] =	stream.indirect.gather [hbm4b:s5+s6], $0x80, s2, s6, $0xb8;
	[tilespmem:$0x1F800] =	vst v63  }
0xd9: {  	_ =	swait.ge [sflag:s8], $0x1F400  }
0xda: {  	[sflag:s8] =	ssyncset.done $0x0  }
0xdb: {  	[sflag:s8] =	ssyncadd.s32 $0xFFFE0C00  }
0xdc: {  	[hbm4b:s23+s2] =	stream.linear.scatter [tilespmem:s7], [sflag:$0x2], $0x1F400, $0x38;
	[tilespmem:$0x1F800] =	vst v63  }
0xdd: {  	_ =	swait.ge [sflag:s3], $0x1F400  }
0xde: {  	[sflag:s3] =	ssyncset.done $0x0  }
0xdf: {  	[sflag:s3] =	ssyncadd.s32 $0xFFFE0C00  }
0xe0: {  	[tilespmem:s2], [sflag:$0x2] =	stream.linear.gather [hbm4b:s24+s2], $0x3E8, $0x38;
	[tilespmem:$0x1F800] =	vst v63  }
0xe1: {  	_ =	swait.ge [sflag:s3], $0x3E8  }
0xe2: {  	[sflag:s3] =	ssyncset.done $0x0  }
0xe3: {  	[sflag:s3] =	ssyncadd.s32 $0xFFFFFC18  }
0xe4: {  	[tilespmem:s7], [sflag:$0x1] =	stream.indirect.gather [hbm4b:s5+s6], $0x80, s2, s6, $0xb8;
	[tilespmem:$0x1F800] =	vst v63  }
0xe5: {  	_ =	swait.ge [sflag:s8], $0x1F400  }
0xe6: {  	[sflag:s8] =	ssyncset.done $0x0  }
0xe7: {  	[sflag:s8] =	ssyncadd.s32 $0xFFFE0C00  }
0xe8: {  	[hbm4b:s25+s2] =	stream.linear.scatter [tilespmem:s7], [sflag:$0x2], $0x1F400, $0x38;
	[tilespmem:$0x1F800] =	vst v63  }
0xe9: {  	_ =	swait.ge [sflag:s3], $0x1F400  }
0xea: {  	[sflag:s3] =	ssyncset.done $0x0  }
0xeb: {  	[sflag:s3] =	ssyncadd.s32 $0xFFFE0C00  }
0xec: {  	[tilespmem:s2], [sflag:$0x2] =	stream.linear.gather [hbm4b:s26+s2], $0x3E8, $0x38;
	[tilespmem:$0x1F800] =	vst v63  }
0xed: {  	_ =	swait.ge [sflag:s3], $0x3E8  }
0xee: {  	[sflag:s3] =	ssyncset.done $0x0  }
0xef: {  	[sflag:s3] =	ssyncadd.s32 $0xFFFFFC18  }
0xf0: {  	[tilespmem:s7], [sflag:$0x1] =	stream.indirect.gather [hbm4b:s5+s6], $0x80, s2, s6, $0xb8;
	[tilespmem:$0x1F800] =	vst v63  }
0xf1: {  	_ =	swait.ge [sflag:s8], $0x1F400  }
.Ltmp1:
0xf2: {  	[sflag:s8] =	ssyncset.done $0x0;
	(pc) =	sbr.rel @p0 .LBB2_1-.Ltmp1, $4  }
0xf3: {  	[sflag:s8] =	ssyncadd.s32 $0xFFFE0C00  }
0xf4: {  	[hbm4b:s28+s2] =	stream.linear.scatter [tilespmem:s7], [sflag:$0x2], $0x1F400, $0x38;
	[tilespmem:$0x1F800] =	vst v63  }
0xf5: {  	_ =	swait.ge [sflag:s3], $0x1F400  }
0xf6: {  	[sflag:s3] =	ssyncset.done $0x0  }
.LBB2_2:
0xf7: {  	[sflag:s3] =	ssyncadd.s32 $0xFFFE0C00  }
0xf8: {  	_ =	sfence.sel $0x180000  }
0xf9: {  	[bflag:$0x0] =	sbarrier.arrive $0xFFFF  }
0xfa: {  	p0 =	sne.s32 s0, $0x0;
	_ =	strace $0x90000053  }
0xfb: {  	s0 =	sadd.s32 @!p0 $0x100000, s1;
	[bflag:$0x2] =	sbarrier.arrive $0xFFFF  }
0xfc: {  	[sflag:s0] =	ssyncadd.tile.s32 @!p0 $0x1;
	_ =	shalt  }
.Lfunc_end2:
_tile_overlayer_lowered:
.L_overlay_start_2:
0xfd: {  	(tag) =	ssettag $0x2  }
0xfe: {  	s0 =	rddreg [dreg:$0x0];
	s2 =	stileid.u32  }
0xff: {  	s1 =	rddreg [dreg:$0x1];
	p0 =	sne.s32 s2, $0x0  }
0x100: {  	s3 =	rddreg [dreg:$0x2];
	[bflag:$0x3] =	sbarrier.arrive $0xFFFF;
	s2 =	simm.s32 @!p0 $0x1C02  }
0x101: {  	[timem:s3], [sflag:s2] =	dma.local @!p0 [hbm:s0], s1  }
0x102: {  	s0 =	simm.s32 @!p0 $0x2  }
0x103: {  	_ =	swait.ge @!p0 [sflag:s0], s1  }
0x104: {  	s1 =	ssub.s32 @!p0 $0x0, s1;
	[sflag:s0] =	ssyncset.done @!p0 $0x0  }
0x105: {  	[sflag:s0] =	ssyncadd.s32 @!p0 s1  }
0x106: {  	[bflag:$0x3] =	sbarrier.arrive $0xFFFF  }
0x107: {  	_ =	shalt  }

// kernel: _impl.9.cloned.1.call-start
scs
__scs_entry_jumppad:
0x0: {  	(pc) =	sbr.rel $0x88, $3  }
0x1: {  	(tag) =	ssettag $0x0;
	lr =	simm.s32 $0x1  }
0x2: {  	[smem:$0x3F81] =	sst lr;
	_ =	strace $0xD0000000  }
0x3: {  	_ = 	snop  }
0x4: {  	_ = 	snop  }
0x5: {  	_ = 	snop  }
0x6: {  	_ = 	snop  }
0x7: {  	_ = 	snop  }
__scs_overlays_trampoline_lowered:
0x8: {  	[smem:$0x3F90] =	sst s0  }
0x9: {  	[smem:$0x3F91] =	sst s1  }
0xa: {  	[smem:$0x3F92] =	sst s2  }
0xb: {  	[smem:$0x3F93] =	sst s3  }
0xc: {  	[smem:$0x3F94] =	sst s4  }
0xd: {  	[smem:$0x3F95] =	sst s5  }
0xe: {  	[smem:$0x3F96] =	sst s6  }
0xf: {  	[smem:$0x3F97] =	sst s7  }
0x10: {  	[smem:$0x3F98] =	sst s8  }
0x11: {  	[smem:$0x3F99] =	sst s9;
	s0 =	simm.s32 @!p0 $0x0  }
0x12: {  	s1 =	sld [smem:$0x3F7F];
	s0 =	simm.s32 @p0 $0x1  }
0x13: {  	[smem:$0x3F9A] =	sst s0;
	s0 =	simm.s32 @!p1 $0x0  }
0x14: {  	s2 =	sld [smem:$0x3F7E];
	s0 =	simm.s32 @p1 $0x1  }
0x15: {  	[smem:$0x3F9B] =	sst s0;
	s0 =	simm.s32 @!p2 $0x0  }
0x16: {  	s3 =	sld [smem:$0x3FDB];
	s0 =	simm.s32 @p2 $0x1  }
0x17: {  	s4 =	simm.s32 $0x1BF5;
	[smem:$0x3F9D] =	sst s0  }
0x18: {  	s0 =	sld [smem:$0x3F80];
	_ =	swait.ge [sflag:s4], $0x0  }
0x19: {  	s7 =	sld [smem:$0x3F81]  }
0x1a: {  	s8 =	sadd.s32 $0xFFFFE003, lr  }
0x1b: {  	s9 =	sadd.s32 $0xFFFFFEF7, lr;
	s5 =	simm.s32 $0xFFFFFFFF;
	p2 =	slt.u32 s8, $0xFFFFF086  }
0x1c: {  	p1 =	slt.u32 s9, $0xF7A;
	s5 =	simm.s32 @!p2 $0x0  }
0x1d: {  	s5 =	simm.s32 @p1 $0x1;
	p0 =	seq.s32 s7, s2  }
0x1e: {  	s7 =	smul.u32 @!p0 $0xF7A, s2;
	p2 =	seq.s32 @!p0 s5, $0x0  }
0x1f: {  	s9 =	smul.u32 $0xF7A, s1;
	s8 =	simm.s32 @!p0 $0x1BF5;
	p2 =	por !p2, p0  }
0x20: {  	[sflag:s8] =	ssyncset.s32 @!p0 $0xFFFFF086;
	s6 =	sadd.s32 @!p0 s3, s7;
	s7 =	simm.s32 @!p0 $0x108  }
0x21: {  	s3 =	sadd.s32 s3, s9;
	s6 =	sadd.s32 @!p0 $0x88, s6;
	s7 =	simm.s32 @p2 $0x1082  }
0x22: {  	[simem:s7], [sflag:s8] =	dma.local @!p0 [hbm:s6], $0xF7A  }
0x23: {  	s9 =	sor.u32 $0xD0000000, s2;
	s6 =	simm.s32 $0x108;
	_ =	swait.ge @!p0 [sflag:s8], $0x0  }
0x24: {  	s3 =	sadd.s32 $0x88, s3;
	s6 =	simm.s32 @!p1 $0x1082;
	[sflag:s4] =	ssyncset.s32 $0xFFFFF086  }
0x25: {  	[simem:s6], [sflag:s4] =	dma.local [hbm:s3], $0xF7A  }
0x26: {  	[smem:$0x3F81] =	sst s1;
	(tag) =	ssettag s2;
	_ =	strace s9  }
0x27: {  	s1 =	sld [smem:$0x3F91]  }
0x28: {  	s2 =	sld [smem:$0x3F92]  }
0x29: {  	s4 =	sld [smem:$0x3F94]  }
0x2a: {  	p0 =	seq.s32 s5, $0x0;
	s5 =	sld [smem:$0x3F95]  }
0x2b: {  	s6 =	sld [smem:$0x3F96]  }
0x2c: {  	s7 =	sld [smem:$0x3F97]  }
0x2d: {  	s3 =	simm.s32 $0x108;
	s8 =	sld [smem:$0x3F98]  }
0x2e: {  	s3 =	simm.s32 @!p0 $0x1082;
	s9 =	sld [smem:$0x3F99]  }
0x2f: {  	lr =	sadd.s32 s0, s3;
	s0 =	sld [smem:$0x3F90]  }
0x30: {  	s3 =	sld [smem:$0x3F93]  }
0x31: {  	[smem:$0x3F9C] =	sst s10  }
0x32: {  	s10 =	sld [smem:$0x3F9A];
	_ =	sdelay $0x3  }
0x33: {  	p0 =	seq.s32 s10, $0x1;
	s10 =	sld [smem:$0x3F9C];
	_ =	sdelay $0x3  }
0x34: {  	[smem:$0x3F9C] =	sst s10  }
0x35: {  	s10 =	sld [smem:$0x3F9B];
	_ =	sdelay $0x3  }
0x36: {  	p1 =	seq.s32 s10, $0x1;
	s10 =	sld [smem:$0x3F9C];
	_ =	sdelay $0x3  }
0x37: {  	[smem:$0x3F9C] =	sst s10  }
0x38: {  	s10 =	sld [smem:$0x3F9D]  }
0x39: {  	_ = 	snop;
	(pc) =	sbr.ind lr, $3  }
0x3a: {  	_ = 	snop  }
0x3b: {  	_ = 	snop  }
0x3c: {  	p2 =	seq.s32 s10, $0x1;
	s10 =	sld [smem:$0x3F9C]  }
0x3d: {  	_ =	shalt  }
0x3e: {  	_ =	shalt  }
0x3f: {  	_ =	shalt  }
0x40: {  	_ =	shalt  }
0x41: {  	_ =	shalt  }
0x42: {  	_ =	shalt  }
0x43: {  	_ =	shalt  }
0x44: {  	_ =	shalt  }
0x45: {  	_ =	shalt  }
0x46: {  	_ =	shalt  }
0x47: {  	_ =	shalt  }
0x48: {  	_ =	shalt  }
0x49: {  	_ =	shalt  }
0x4a: {  	_ =	shalt  }
0x4b: {  	_ =	shalt  }
0x4c: {  	_ =	shalt  }
0x4d: {  	_ =	shalt  }
0x4e: {  	_ =	shalt  }
0x4f: {  	_ =	shalt  }
0x50: {  	_ =	shalt  }
0x51: {  	_ =	shalt  }
0x52: {  	_ =	shalt  }
0x53: {  	_ =	shalt  }
0x54: {  	_ =	shalt  }
0x55: {  	_ =	shalt  }
0x56: {  	_ =	shalt  }
0x57: {  	_ =	shalt  }
0x58: {  	_ =	shalt  }
0x59: {  	_ =	shalt  }
0x5a: {  	_ =	shalt  }
0x5b: {  	_ =	shalt  }
0x5c: {  	_ =	shalt  }
0x5d: {  	_ =	shalt  }
0x5e: {  	_ =	shalt  }
0x5f: {  	_ =	shalt  }
0x60: {  	_ =	shalt  }
0x61: {  	_ =	shalt  }
0x62: {  	_ =	shalt  }
0x63: {  	_ =	shalt  }
0x64: {  	_ =	shalt  }
0x65: {  	_ =	shalt  }
0x66: {  	_ =	shalt  }
0x67: {  	_ =	shalt  }
0x68: {  	_ =	shalt  }
0x69: {  	_ =	shalt  }
0x6a: {  	_ =	shalt  }
0x6b: {  	_ =	shalt  }
0x6c: {  	_ =	shalt  }
0x6d: {  	_ =	shalt  }
0x6e: {  	_ =	shalt  }
0x6f: {  	_ =	shalt  }
0x70: {  	_ =	shalt  }
0x71: {  	_ =	shalt  }
0x72: {  	_ =	shalt  }
0x73: {  	_ =	shalt  }
0x74: {  	_ =	shalt  }
0x75: {  	_ =	shalt  }
0x76: {  	_ =	shalt  }
0x77: {  	_ =	shalt  }
0x78: {  	_ =	shalt  }
0x79: {  	_ =	shalt  }
0x7a: {  	_ =	shalt  }
0x7b: {  	_ =	shalt  }
0x7c: {  	_ =	shalt  }
0x7d: {  	_ =	shalt  }
0x7e: {  	_ =	shalt  }
0x7f: {  	_ =	shalt  }
0x80: {  	_ =	shalt  }
0x81: {  	_ =	shalt  }
0x82: {  	_ =	shalt  }
0x83: {  	_ =	shalt  }
0x84: {  	_ =	shalt  }
0x85: {  	_ =	shalt  }
0x86: {  	_ =	shalt  }
0x87: {  	_ =	shalt  }
.Lfunc_end0:
.L_simem_size_0:
called_computation.4_lowered:
.L_overlay_start_0:
0x88: {  	s2 =	sld [smem:$0x3FD9]  }
0x89: {  	s3 =	sld [smem:$0x3FFE];
	_ =	sdelay $0x1  }
0x8a: {  	s1 =	srdreg.scid  }
0x8b: {  	s0 =	sand.u32 $0x1, s1  }
0x8c: {  	s17 =	sshll.u32 s0, $0xA;
	s2 =	sadd.s32 s3, s2  }
0x8d: {  	s2 =	sadd.s32 s2, s17  }
0x8e: {  	[smem:$0x3FA8] =	sst s2  }
0x8f: {  	_ = 	snop  }
0x90: {  	(tm) =	ssettm $0x1  }
0x91: {  	s18 =	sld [smem:$0x3FFB];
	_ =	sdelay $0x3  }
0x92: {  	_ =	strace s18  }
0x93: {  	s2 =	sld [smem:$0x3FFC];
	_ =	sdelay $0x3  }
0x94: {  	_ =	strace s2  }
0x95: {  	s2 =	sld [smem:$0x3FFD];
	_ =	sdelay $0x3  }
0x96: {  	_ =	strace s2  }
0x97: {  	_ =	strace $0x8FFFFFFF  }
0x98: {  	s19 =	sld [smem:$0x3FDB];
	_ =	sdelay $0x1  }
0x99: {  	s20 =	simm.s32 $_scs_section_size  }
0x9a: {  	s4 =	simm.s32 $_size__tile_overlayer_lowered;
	s5 =	simm.s32 $_tile_overlayer_lowered  }
0x9b: {  	s6 =	simm.s32 $0x1BFF;
	s21 =	sshll.u32 s5, $0x1;
	s3 =	sadd.s32 s20, s19  }
0x9c: {  	s22 =	simm.s32 $0x0;
	s4 =	sshll.u32 s4, $0x1;
	s5 =	sadd.s32 s21, s3  }
0x9d: {  	[timem:s22], [sflag:s6] =	dma.local [hbm:s5], s4  }
0x9e: {  	_ =	swait.ge [sflag:s6], s4  }
0x9f: {  	s4 =	ssub.s32 $0x0, s4;
	[sflag:s6] =	ssyncset.done $0x0  }
0xa0: {  	[sflag:s6] =	ssyncadd.s32 s4;
	_ =	sdelay $0x1  }
0xa1: {  	s23 =	simm.s32 $0x1B8B  }
0xa2: {  	_ =	swait.ge [sflag:s23], $0x1  }
0xa3: {  	[sflag:s23] =	ssyncset.done $0x0  }
0xa4: {  	[sflag:s23] =	ssyncadd.s32 $0xFFFFFFFF  }
0xa5: {  	s4 =	sld [smem:$0x0]  }
0xa6: {  	s5 =	sand.u32 $0xFFFFFFFE, s1  }
0xa7: {  	p0 =	sne.s32 s1, s5  }
0xa8: {  	s5 =	sshll.u32 @p0 s5, $0xE  }
0xa9: {  	s5 =	sadd.s32 @p0 $0x11B8D, s5;
	s6 =	sshll.u32 @p0 s4, $0x11  }
0xaa: {  	s5 =	sor.u32 @p0 s6, s5  }
0xab: {  	[sflag:s5] =	ssyncadd.remote.s32 @p0 $0x1;
	_ =	sdelay $0x1  }
0xac: {  	s5 =	simm.s32 @p0 $0x1B8D  }
0xad: {  	_ =	swait.eq @p0 [sflag:s5], $0x1  }
0xae: {  	[sflag:s5] =	ssyncadd.s32 @p0 $0xFFFFFFFF  }
0xaf: {  	s6 =	sshll.u32 @!p0 s1, $0xE  }
0xb0: {  	s6 =	sor.u32 @!p0 $0x4000, s6;
	s5 =	simm.s32 @!p0 $0x1B8D  }
0xb1: {  	s4 =	sshll.u32 @!p0 s4, $0x11;
	s6 =	sadd.s32 @!p0 $0x11B8D, s6;
	_ =	swait.eq @!p0 [sflag:s5], $0x1  }
0xb2: {  	s4 =	sor.u32 @!p0 s4, s6;
	[sflag:s5] =	ssyncadd.s32 @!p0 $0xFFFFFFFF  }
0xb3: {  	s25 =	simm.s32 $0x1B8E;
	s24 =	sld [smem:$0x3FFE];
	[sflag:s4] =	ssyncadd.remote.s32 @!p0 $0x1  }
0xb4: {  	s26 =	simm.s32 $execute0_lowered;
	[smem:$0x3FD2] =	sst s25  }
0xb5: {  	s5 =	sshll.u32 s26, $0x1;
	_ =	strace $0x8000004F;
	[dreg:$0x1] =	wrdreg $0xFFFFFFFF  }
0xb6: {  	s28 =	simm.s32 $_size_execute0_lowered;
	s3 =	sadd.s32 s3, s5;
	[dreg:$0x0] =	wrdreg $0x0  }
0xb7: {  	s5 =	sshll.u32 s28, $0x1;
	[dreg:$0x2] =	wrdreg s3  }
0xb8: {  	[dreg:$0x3] =	wrdreg s5  }
0xb9: {  	[dreg:$0x4] =	wrdreg $0xC0  }
0xba: {  	_ =	task [dreg:s22], $0x5FFFF  }
0xbb: {  	[dreg:$0x1] =	wrdreg $0xFFFFFFFF  }
0xbc: {  	[dreg:$0x0] =	wrdreg $0x60  }
0xbd: {  	[dreg:$0x2] =	wrdreg s24  }
0xbe: {  	[dreg:$0x3] =	wrdreg $0xB  }
0xbf: {  	_ =	task.clear_ibuf [dreg:s22], $0x4FFFF;
	_ =	strace $0x9000004F  }
0xc0: {  	s29 =	simm.s32 $0xB;
	_ =	strace $0x80000051  }
0xc1: {  	_ =	swait.ge [sflag:s29], $0x1  }
0xc2: {  	[sflag:s29] =	ssyncadd.s32 $0xFFFFFFFF  }
0xc3: {  	_ =	strace $0x90000051  }
0xc4: {  	_ =	sfence  }
0xc5: {  	s30 =	sld [smem:$0x0];
	_ =	sdelay $0x2  }
0xc6: {  	s31 =	sshll.u32 s1, $0xD;
	s1 =	sshrl.u32 s1, $0x2  }
0xc7: {  	s4 =	sand.u32 $0x4000, s31;
	s1 =	sadd.s32 s1, s30  }
0xc8: {  	s0 =	sor.u32 s4, s0;
	s1 =	sshll.u32 s1, $0x11  }
0xc9: {  	s0 =	sor.u32 s1, s0  }
0xca: {  	s0 =	sadd.s32 $0x8F2B, s0  }
0xcb: {  	[sflag:s0] =	ssyncadd.remote.s32 $0x1  }
0xcc: {  	_ =	sfence.sel $0xFFFF  }
0xcd: {  	[dreg:$0x0] =	wrdreg $0xFFFFFFFF;
	(pc) =	sbr.abs _section_cstart, $3  }
0xce: {  	[dreg:$0x1] =	wrdreg $0xFFFFFFFF  }
0xcf: {  	_ =	task.clear_ibuf [dreg:s22], $0x2FFFF;
	_ =	strace $0x9FFFFFFF  }
0xd0: {  	(tm) =	ssettm $0x7FFFFFFF  }
0xd1: {  	_ =	shalt  }
tec
execute0_lowered:
.L_overlay_start_1:
0x0: {  	(tag) =	ssettag $0x1  }
0x1: {  	s1 =	srdreg.scid;
	s0 =	stileid.u32  }
0x2: {  	s28 =	sand.u32 $0x1, s1;
	s30 =	sshll.u32 s0, $0x1  }
0x3: {  	s9 =	sor.u32 s28, s30  }
0x4: {  	s10 =	rddreg [dreg:$0x0];
	s29 =	smul.u32 $0x2710, s9  }
0x5: {  	s2 =	simm.s32 $0x0;
	s1 =	rddreg [dreg:$0x1]  }
0x6: {  	[smem:$0x7FF] =	sst s2;
	s26 =	sadd.s32 $0x21E00, s10;
	s3 =	sshrl.u32 s29, $0x3  }
0x7: {  	_ =	strace $0x80000050;
	s4 =	sadd.s32 s26, s3;
	s3 =	simm.s32 $0x2  }
0x8: {  	[tilespmem:s2], [sflag:$0x2] =	stream.linear.gather [hbm4b:s4+s2], $0x3E8, $0x38;
	[tilespmem:$0x1F800] =	vst v63  }
0x9: {  	_ =	swait.ge [sflag:s3], $0x3E8  }
0xa: {  	s6 =	simm.s32 $0x3E8;
	s7 =	simm.s32 $0x400;
	[sflag:s3] =	ssyncset.done $0x0  }
0xb: {  	s8 =	simm.s32 $0x1;
	s5 =	sadd.s32 $0x5CC00, s10;
	[sflag:s3] =	ssyncadd.s32 $0xFFFFFC18  }
0xc: {  	[tilespmem:s7], [sflag:$0x1] =	stream.indirect.gather [hbm4b:s5+s6], $0x80, s2, s6, $0xb8;
	[tilespmem:$0x1F800] =	vst v63  }
0xd: {  	s9 =	smul.u32 $0x27100, s9;
	_ =	swait.ge [sflag:s8], $0x1F400  }
0xe: {  	s30 =	sadd.s32 $0x84C00, s10;
	[sflag:s8] =	ssyncset.done $0x0  }
0xf: {  	s9 =	sadd.s32 s30, s9;
	[sflag:s8] =	ssyncadd.s32 $0xFFFE0C00  }
0x10: {  	[hbm4b:s9+s2] =	stream.linear.scatter [tilespmem:s7], [sflag:$0x2], $0x1F400, $0x38;
	[tilespmem:$0x1F800] =	vst v63  }
0x11: {  	s11 =	sadd.s32 $0x3E8, s29;
	_ =	swait.ge [sflag:s3], $0x1F400  }
0x12: {  	s31 =	sshrl.u32 s11, $0x3;
	[sflag:s3] =	ssyncset.done $0x0  }
0x13: {  	s10 =	sadd.s32 s26, s31;
	[sflag:s3] =	ssyncadd.s32 $0xFFFE0C00  }
0x14: {  	[tilespmem:s2], [sflag:$0x2] =	stream.linear.gather [hbm4b:s10+s2], $0x3E8, $0x38;
	[tilespmem:$0x1F800] =	vst v63  }
0x15: {  	_ =	swait.ge [sflag:s3], $0x3E8  }
0x16: {  	[sflag:s3] =	ssyncset.done $0x0  }
0x17: {  	[sflag:s3] =	ssyncadd.s32 $0xFFFFFC18  }
0x18: {  	[tilespmem:s7], [sflag:$0x1] =	stream.indirect.gather [hbm4b:s5+s6], $0x80, s2, s6, $0xb8;
	[tilespmem:$0x1F800] =	vst v63  }
0x19: {  	_ =	swait.ge [sflag:s8], $0x1F400  }
0x1a: {  	s11 =	sshll.u32 s11, $0x4;
	[sflag:s8] =	ssyncset.done $0x0  }
0x1b: {  	s11 =	sadd.s32 s30, s11;
	[sflag:s8] =	ssyncadd.s32 $0xFFFE0C00  }
0x1c: {  	[hbm4b:s11+s2] =	stream.linear.scatter [tilespmem:s7], [sflag:$0x2], $0x1F400, $0x38;
	[tilespmem:$0x1F800] =	vst v63  }
0x1d: {  	s13 =	sadd.s32 $0x7D0, s29;
	_ =	swait.ge [sflag:s3], $0x1F400  }
0x1e: {  	s12 =	sshrl.u32 s13, $0x3;
	[sflag:s3] =	ssyncset.done $0x0  }
0x1f: {  	s12 =	sadd.s32 s26, s12;
	[sflag:s3] =	ssyncadd.s32 $0xFFFE0C00  }
0x20: {  	[tilespmem:s2], [sflag:$0x2] =	stream.linear.gather [hbm4b:s12+s2], $0x3E8, $0x38;
	[tilespmem:$0x1F800] =	vst v63  }
0x21: {  	_ =	swait.ge [sflag:s3], $0x3E8  }
0x22: {  	[sflag:s3] =	ssyncset.done $0x0  }
0x23: {  	[sflag:s3] =	ssyncadd.s32 $0xFFFFFC18  }
0x24: {  	[tilespmem:s7], [sflag:$0x1] =	stream.indirect.gather [hbm4b:s5+s6], $0x80, s2, s6, $0xb8;
	[tilespmem:$0x1F800] =	vst v63  }
0x25: {  	_ =	swait.ge [sflag:s8], $0x1F400  }
0x26: {  	s13 =	sshll.u32 s13, $0x4;
	[sflag:s8] =	ssyncset.done $0x0  }
0x27: {  	s13 =	sadd.s32 s30, s13;
	[sflag:s8] =	ssyncadd.s32 $0xFFFE0C00  }
0x28: {  	[hbm4b:s13+s2] =	stream.linear.scatter [tilespmem:s7], [sflag:$0x2], $0x1F400, $0x38;
	[tilespmem:$0x1F800] =	vst v63  }
0x29: {  	s15 =	sadd.s32 $0xBB8, s29;
	_ =	swait.ge [sflag:s3], $0x1F400  }
0x2a: {  	s14 =	sshrl.u32 s15, $0x3;
	[sflag:s3] =	ssyncset.done $0x0  }
0x2b: {  	s14 =	sadd.s32 s26, s14;
	[sflag:s3] =	ssyncadd.s32 $0xFFFE0C00  }
0x2c: {  	[tilespmem:s2], [sflag:$0x2] =	stream.linear.gather [hbm4b:s14+s2], $0x3E8, $0x38;
	[tilespmem:$0x1F800] =	vst v63  }
0x2d: {  	_ =	swait.ge [sflag:s3], $0x3E8  }
0x2e: {  	[sflag:s3] =	ssyncset.done $0x0  }
0x2f: {  	[sflag:s3] =	ssyncadd.s32 $0xFFFFFC18  }
0x30: {  	[tilespmem:s7], [sflag:$0x1] =	stream.indirect.gather [hbm4b:s5+s6], $0x80, s2, s6, $0xb8;
	[tilespmem:$0x1F800] =	vst v63  }
0x31: {  	_ =	swait.ge [sflag:s8], $0x1F400  }
0x32: {  	s15 =	sshll.u32 s15, $0x4;
	[sflag:s8] =	ssyncset.done $0x0  }
0x33: {  	s15 =	sadd.s32 s30, s15;
	[sflag:s8] =	ssyncadd.s32 $0xFFFE0C00  }
0x34: {  	[hbm4b:s15+s2] =	stream.linear.scatter [tilespmem:s7], [sflag:$0x2], $0x1F400, $0x38;
	[tilespmem:$0x1F800] =	vst v63  }
0x35: {  	s17 =	sadd.s32 $0xFA0, s29;
	_ =	swait.ge [sflag:s3], $0x1F400  }
0x36: {  	s16 =	sshrl.u32 s17, $0x3;
	[sflag:s3] =	ssyncset.done $0x0  }
0x37: {  	s16 =	sadd.s32 s26, s16;
	[sflag:s3] =	ssyncadd.s32 $0xFFFE0C00  }
0x38: {  	[tilespmem:s2], [sflag:$0x2] =	stream.linear.gather [hbm4b:s16+s2], $0x3E8, $0x38;
	[tilespmem:$0x1F800] =	vst v63  }
0x39: {  	_ =	swait.ge [sflag:s3], $0x3E8  }
0x3a: {  	[sflag:s3] =	ssyncset.done $0x0  }
0x3b: {  	[sflag:s3] =	ssyncadd.s32 $0xFFFFFC18  }
0x3c: {  	[tilespmem:s7], [sflag:$0x1] =	stream.indirect.gather [hbm4b:s5+s6], $0x80, s2, s6, $0xb8;
	[tilespmem:$0x1F800] =	vst v63  }
0x3d: {  	_ =	swait.ge [sflag:s8], $0x1F400  }
0x3e: {  	s17 =	sshll.u32 s17, $0x4;
	[sflag:s8] =	ssyncset.done $0x0  }
0x3f: {  	s17 =	sadd.s32 s30, s17;
	[sflag:s8] =	ssyncadd.s32 $0xFFFE0C00  }
0x40: {  	[hbm4b:s17+s2] =	stream.linear.scatter [tilespmem:s7], [sflag:$0x2], $0x1F400, $0x38;
	[tilespmem:$0x1F800] =	vst v63  }
0x41: {  	s19 =	sadd.s32 $0x1388, s29;
	_ =	swait.ge [sflag:s3], $0x1F400  }
0x42: {  	s18 =	sshrl.u32 s19, $0x3;
	[sflag:s3] =	ssyncset.done $0x0  }
0x43: {  	s18 =	sadd.s32 s26, s18;
	[sflag:s3] =	ssyncadd.s32 $0xFFFE0C00  }
0x44: {  	[tilespmem:s2], [sflag:$0x2] =	stream.linear.gather [hbm4b:s18+s2], $0x3E8, $0x38;
	[tilespmem:$0x1F800] =	vst v63  }
0x45: {  	_ =	swait.ge [sflag:s3], $0x3E8  }
0x46: {  	[sflag:s3] =	ssyncset.done $0x0  }
0x47: {  	[sflag:s3] =	ssyncadd.s32 $0xFFFFFC18  }
0x48: {  	[tilespmem:s7], [sflag:$0x1] =	stream.indirect.gather [hbm4b:s5+s6], $0x80, s2, s6, $0xb8;
	[tilespmem:$0x1F800] =	vst v63  }
0x49: {  	_ =	swait.ge [sflag:s8], $0x1F400  }
0x4a: {  	s19 =	sshll.u32 s19, $0x4;
	[sflag:s8] =	ssyncset.done $0x0  }
0x4b: {  	s19 =	sadd.s32 s30, s19;
	[sflag:s8] =	ssyncadd.s32 $0xFFFE0C00  }
0x4c: {  	[hbm4b:s19+s2] =	stream.linear.scatter [tilespmem:s7], [sflag:$0x2], $0x1F400, $0x38;
	[tilespmem:$0x1F800] =	vst v63  }
0x4d: {  	s21 =	sadd.s32 $0x1770, s29;
	_ =	swait.ge [sflag:s3], $0x1F400  }
0x4e: {  	s20 =	sshrl.u32 s21, $0x3;
	[sflag:s3] =	ssyncset.done $0x0  }
0x4f: {  	s20 =	sadd.s32 s26, s20;
	[sflag:s3] =	ssyncadd.s32 $0xFFFE0C00  }
0x50: {  	[tilespmem:s2], [sflag:$0x2] =	stream.linear.gather [hbm4b:s20+s2], $0x3E8, $0x38;
	[tilespmem:$0x1F800] =	vst v63  }
0x51: {  	_ =	swait.ge [sflag:s3], $0x3E8  }
0x52: {  	[sflag:s3] =	ssyncset.done $0x0  }
0x53: {  	[sflag:s3] =	ssyncadd.s32 $0xFFFFFC18  }
0x54: {  	[tilespmem:s7], [sflag:$0x1] =	stream.indirect.gather [hbm4b:s5+s6], $0x80, s2, s6, $0xb8;
	[tilespmem:$0x1F800] =	vst v63  }
0x55: {  	_ =	swait.ge [sflag:s8], $0x1F400  }
0x56: {  	s21 =	sshll.u32 s21, $0x4;
	[sflag:s8] =	ssyncset.done $0x0  }
0x57: {  	s21 =	sadd.s32 s30, s21;
	[sflag:s8] =	ssyncadd.s32 $0xFFFE0C00  }
0x58: {  	[hbm4b:s21+s2] =	stream.linear.scatter [tilespmem:s7], [sflag:$0x2], $0x1F400, $0x38;
	[tilespmem:$0x1F800] =	vst v63  }
0x59: {  	s23 =	sadd.s32 $0x1B58, s29;
	_ =	swait.ge [sflag:s3], $0x1F400  }
0x5a: {  	s22 =	sshrl.u32 s23, $0x3;
	[sflag:s3] =	ssyncset.done $0x0  }
0x5b: {  	s22 =	sadd.s32 s26, s22;
	[sflag:s3] =	ssyncadd.s32 $0xFFFE0C00  }
0x5c: {  	[tilespmem:s2], [sflag:$0x2] =	stream.linear.gather [hbm4b:s22+s2], $0x3E8, $0x38;
	[tilespmem:$0x1F800] =	vst v63  }
0x5d: {  	_ =	swait.ge [sflag:s3], $0x3E8  }
0x5e: {  	[sflag:s3] =	ssyncset.done $0x0  }
0x5f: {  	[sflag:s3] =	ssyncadd.s32 $0xFFFFFC18  }
0x60: {  	[tilespmem:s7], [sflag:$0x1] =	stream.indirect.gather [hbm4b:s5+s6], $0x80, s2, s6, $0xb8;
	[tilespmem:$0x1F800] =	vst v63  }
0x61: {  	_ =	swait.ge [sflag:s8], $0x1F400  }
0x62: {  	s23 =	sshll.u32 s23, $0x4;
	[sflag:s8] =	ssyncset.done $0x0  }
0x63: {  	s23 =	sadd.s32 s30, s23;
	[sflag:s8] =	ssyncadd.s32 $0xFFFE0C00  }
0x64: {  	[hbm4b:s23+s2] =	stream.linear.scatter [tilespmem:s7], [sflag:$0x2], $0x1F400, $0x38;
	[tilespmem:$0x1F800] =	vst v63  }
0x65: {  	s25 =	sadd.s32 $0x1F40, s29;
	_ =	swait.ge [sflag:s3], $0x1F400  }
0x66: {  	s24 =	sshrl.u32 s25, $0x3;
	[sflag:s3] =	ssyncset.done $0x0  }
0x67: {  	s24 =	sadd.s32 s26, s24;
	[sflag:s3] =	ssyncadd.s32 $0xFFFE0C00  }
0x68: {  	[tilespmem:s2], [sflag:$0x2] =	stream.linear.gather [hbm4b:s24+s2], $0x3E8, $0x38;
	[tilespmem:$0x1F800] =	vst v63  }
0x69: {  	_ =	swait.ge [sflag:s3], $0x3E8  }
0x6a: {  	[sflag:s3] =	ssyncset.done $0x0  }
0x6b: {  	[sflag:s3] =	ssyncadd.s32 $0xFFFFFC18  }
0x6c: {  	[tilespmem:s7], [sflag:$0x1] =	stream.indirect.gather [hbm4b:s5+s6], $0x80, s2, s6, $0xb8;
	[tilespmem:$0x1F800] =	vst v63  }
0x6d: {  	_ =	swait.ge [sflag:s8], $0x1F400  }
0x6e: {  	s25 =	sshll.u32 s25, $0x4;
	[sflag:s8] =	ssyncset.done $0x0  }
0x6f: {  	s25 =	sadd.s32 s30, s25;
	[sflag:s8] =	ssyncadd.s32 $0xFFFE0C00  }
0x70: {  	[hbm4b:s25+s2] =	stream.linear.scatter [tilespmem:s7], [sflag:$0x2], $0x1F400, $0x38;
	[tilespmem:$0x1F800] =	vst v63  }
0x71: {  	s29 =	sadd.s32 $0x2328, s29;
	_ =	swait.ge [sflag:s3], $0x1F400  }
0x72: {  	s31 =	sshrl.u32 s29, $0x3;
	[sflag:s3] =	ssyncset.done $0x0  }
0x73: {  	s28 =	ssub.s32 $0x2, s28;
	s26 =	sadd.s32 s26, s31;
	[sflag:s3] =	ssyncadd.s32 $0xFFFE0C00  }
0x74: {  	[tilespmem:s2], [sflag:$0x2] =	stream.linear.gather [hbm4b:s26+s2], $0x3E8, $0x38;
	[tilespmem:$0x1F800] =	vst v63  }
0x75: {  	s31 =	sshrl.u32 s28, $0x1;
	_ =	swait.ge [sflag:s3], $0x3E8  }
0x76: {  	s31 =	ssub.s32 s28, s31;
	[sflag:s3] =	ssyncset.done $0x0  }
0x77: {  	s28 =	sshll.u32 s29, $0x4;
	s29 =	smax.u32 s31, $0x1;
	[sflag:s3] =	ssyncadd.s32 $0xFFFFFC18  }
0x78: {  	[tilespmem:s7], [sflag:$0x1] =	stream.indirect.gather [hbm4b:s5+s6], $0x80, s2, s6, $0xb8;
	[tilespmem:$0x1F800] =	vst v63  }
0x79: {  	p0 =	sne.s32 s29, $0x1;
	_ =	swait.ge [sflag:s8], $0x1F400  }
.Ltmp0:
0x7a: {  	[sflag:s8] =	ssyncset.done $0x0;
	(pc) =	sbr.rel @!p0 .LBB2_2-.Ltmp0, $4  }
0x7b: {  	s28 =	sadd.s32 s30, s28;
	[sflag:s8] =	ssyncadd.s32 $0xFFFE0C00  }
0x7c: {  	[hbm4b:s28+s2] =	stream.linear.scatter [tilespmem:s7], [sflag:$0x2], $0x1F400, $0x38;
	[tilespmem:$0x1F800] =	vst v63  }
0x7d: {  	_ =	swait.ge [sflag:s3], $0x1F400  }
0x7e: {  	s29 =	sadd.s32 $0xFFFFFFFF, s29;
	[sflag:s3] =	ssyncset.done $0x0  }
.LBB2_1:
0x7f: {  	p0 =	sne.s32 s29, $0x1;
	s29 =	sadd.s32 $0xFFFFFFFF, s29;
	[sflag:s3] =	ssyncadd.s32 $0xFFFE0C00  }
0x80: {  	[tilespmem:s2], [sflag:$0x2] =	stream.linear.gather [hbm4b:s4+s2], $0x3E8, $0x38;
	[tilespmem:$0x1F800] =	vst v63  }
0x81: {  	_ =	swait.ge [sflag:s3], $0x3E8  }
0x82: {  	[sflag:s3] =	ssyncset.done $0x0  }
0x83: {  	[sflag:s3] =	ssyncadd.s32 $0xFFFFFC18  }
0x84: {  	[tilespmem:s7], [sflag:$0x1] =	stream.indirect.gather [hbm4b:s5+s6], $0x80, s2, s6, $0xb8;
	[tilespmem:$0x1F800] =	vst v63  }
0x85: {  	_ =	swait.ge [sflag:s8], $0x1F400  }
0x86: {  	[sflag:s8] =	ssyncset.done $0x0  }
0x87: {  	[sflag:s8] =	ssyncadd.s32 $0xFFFE0C00  }
0x88: {  	[hbm4b:s9+s2] =	stream.linear.scatter [tilespmem:s7], [sflag:$0x2], $0x1F400, $0x38;
	[tilespmem:$0x1F800] =	vst v63  }
0x89: {  	_ =	swait.ge [sflag:s3], $0x1F400  }
0x8a: {  	[sflag:s3] =	ssyncset.done $0x0  }
0x8b: {  	[sflag:s3] =	ssyncadd.s32 $0xFFFE0C00  }
0x8c: {  	[tilespmem:s2], [sflag:$0x2] =	stream.linear.gather [hbm4b:s10+s2], $0x3E8, $0x38;
	[tilespmem:$0x1F800] =	vst v63  }
0x8d: {  	_ =	swait.ge [sflag:s3], $0x3E8  }
0x8e: {  	[sflag:s3] =	ssyncset.done $0x0  }
0x8f: {  	[sflag:s3] =	ssyncadd.s32 $0xFFFFFC18  }
0x90: {  	[tilespmem:s7], [sflag:$0x1] =	stream.indirect.gather [hbm4b:s5+s6], $0x80, s2, s6, $0xb8;
	[tilespmem:$0x1F800] =	vst v63  }
0x91: {  	_ =	swait.ge [sflag:s8], $0x1F400  }
0x92: {  	[sflag:s8] =	ssyncset.done $0x0  }
0x93: {  	[sflag:s8] =	ssyncadd.s32 $0xFFFE0C00  }
0x94: {  	[hbm4b:s11+s2] =	stream.linear.scatter [tilespmem:s7], [sflag:$0x2], $0x1F400, $0x38;
	[tilespmem:$0x1F800] =	vst v63  }
0x95: {  	_ =	swait.ge [sflag:s3], $0x1F400  }
0x96: {  	[sflag:s3] =	ssyncset.done $0x0  }
0x97: {  	[sflag:s3] =	ssyncadd.s32 $0xFFFE0C00  }
0x98: {  	[tilespmem:s2], [sflag:$0x2] =	stream.linear.gather [hbm4b:s12+s2], $0x3E8, $0x38;
	[tilespmem:$0x1F800] =	vst v63  }
0x99: {  	_ =	swait.ge [sflag:s3], $0x3E8  }
0x9a: {  	[sflag:s3] =	ssyncset.done $0x0  }
0x9b: {  	[sflag:s3] =	ssyncadd.s32 $0xFFFFFC18  }
0x9c: {  	[tilespmem:s7], [sflag:$0x1] =	stream.indirect.gather [hbm4b:s5+s6], $0x80, s2, s6, $0xb8;
	[tilespmem:$0x1F800] =	vst v63  }
0x9d: {  	_ =	swait.ge [sflag:s8], $0x1F400  }
0x9e: {  	[sflag:s8] =	ssyncset.done $0x0  }
0x9f: {  	[sflag:s8] =	ssyncadd.s32 $0xFFFE0C00  }
0xa0: {  	[hbm4b:s13+s2] =	stream.linear.scatter [tilespmem:s7], [sflag:$0x2], $0x1F400, $0x38;
	[tilespmem:$0x1F800] =	vst v63  }
0xa1: {  	_ =	swait.ge [sflag:s3], $0x1F400  }
0xa2: {  	[sflag:s3] =	ssyncset.done $0x0  }
0xa3: {  	[sflag:s3] =	ssyncadd.s32 $0xFFFE0C00  }
0xa4: {  	[tilespmem:s2], [sflag:$0x2] =	stream.linear.gather [hbm4b:s14+s2], $0x3E8, $0x38;
	[tilespmem:$0x1F800] =	vst v63  }
0xa5: {  	_ =	swait.ge [sflag:s3], $0x3E8  }
0xa6: {  	[sflag:s3] =	ssyncset.done $0x0  }
0xa7: {  	[sflag:s3] =	ssyncadd.s32 $0xFFFFFC18  }
0xa8: {  	[tilespmem:s7], [sflag:$0x1] =	stream.indirect.gather [hbm4b:s5+s6], $0x80, s2, s6, $0xb8;
	[tilespmem:$0x1F800] =	vst v63  }
0xa9: {  	_ =	swait.ge [sflag:s8], $0x1F400  }
0xaa: {  	[sflag:s8] =	ssyncset.done $0x0  }
0xab: {  	[sflag:s8] =	ssyncadd.s32 $0xFFFE0C00  }
0xac: {  	[hbm4b:s15+s2] =	stream.linear.scatter [tilespmem:s7], [sflag:$0x2], $0x1F400, $0x38;
	[tilespmem:$0x1F800] =	vst v63  }
0xad: {  	_ =	swait.ge [sflag:s3], $0x1F400  }
0xae: {  	[sflag:s3] =	ssyncset.done $0x0  }
0xaf: {  	[sflag:s3] =	ssyncadd.s32 $0xFFFE0C00  }
0xb0: {  	[tilespmem:s2], [sflag:$0x2] =	stream.linear.gather [hbm4b:s16+s2], $0x3E8, $0x38;
	[tilespmem:$0x1F800] =	vst v63  }
0xb1: {  	_ =	swait.ge [sflag:s3], $0x3E8  }
0xb2: {  	[sflag:s3] =	ssyncset.done $0x0  }
0xb3: {  	[sflag:s3] =	ssyncadd.s32 $0xFFFFFC18  }
0xb4: {  	[tilespmem:s7], [sflag:$0x1] =	stream.indirect.gather [hbm4b:s5+s6], $0x80, s2, s6, $0xb8;
	[tilespmem:$0x1F800] =	vst v63  }
0xb5: {  	_ =	swait.ge [sflag:s8], $0x1F400  }
0xb6: {  	[sflag:s8] =	ssyncset.done $0x0  }
0xb7: {  	[sflag:s8] =	ssyncadd.s32 $0xFFFE0C00  }
0xb8: {  	[hbm4b:s17+s2] =	stream.linear.scatter [tilespmem:s7], [sflag:$0x2], $0x1F400, $0x38;
	[tilespmem:$0x1F800] =	vst v63  }
0xb9: {  	_ =	swait.ge [sflag:s3], $0x1F400  }
0xba: {  	[sflag:s3] =	ssyncset.done $0x0  }
0xbb: {  	[sflag:s3] =	ssyncadd.s32 $0xFFFE0C00  }
0xbc: {  	[tilespmem:s2], [sflag:$0x2] =	stream.linear.gather [hbm4b:s18+s2], $0x3E8, $0x38;
	[tilespmem:$0x1F800] =	vst v63  }
0xbd: {  	_ =	swait.ge [sflag:s3], $0x3E8  }
0xbe: {  	[sflag:s3] =	ssyncset.done $0x0  }
0xbf: {  	[sflag:s3] =	ssyncadd.s32 $0xFFFFFC18  }
0xc0: {  	[tilespmem:s7], [sflag:$0x1] =	stream.indirect.gather [hbm4b:s5+s6], $0x80, s2, s6, $0xb8;
	[tilespmem:$0x1F800] =	vst v63  }
0xc1: {  	_ =	swait.ge [sflag:s8], $0x1F400  }
0xc2: {  	[sflag:s8] =	ssyncset.done $0x0  }
0xc3: {  	[sflag:s8] =	ssyncadd.s32 $0xFFFE0C00  }
0xc4: {  	[hbm4b:s19+s2] =	stream.linear.scatter [tilespmem:s7], [sflag:$0x2], $0x1F400, $0x38;
	[tilespmem:$0x1F800] =	vst v63  }
0xc5: {  	_ =	swait.ge [sflag:s3], $0x1F400  }
0xc6: {  	[sflag:s3] =	ssyncset.done $0x0  }
0xc7: {  	[sflag:s3] =	ssyncadd.s32 $0xFFFE0C00  }
0xc8: {  	[tilespmem:s2], [sflag:$0x2] =	stream.linear.gather [hbm4b:s20+s2], $0x3E8, $0x38;
	[tilespmem:$0x1F800] =	vst v63  }
0xc9: {  	_ =	swait.ge [sflag:s3], $0x3E8  }
0xca: {  	[sflag:s3] =	ssyncset.done $0x0  }
0xcb: {  	[sflag:s3] =	ssyncadd.s32 $0xFFFFFC18  }
0xcc: {  	[tilespmem:s7], [sflag:$0x1] =	stream.indirect.gather [hbm4b:s5+s6], $0x80, s2, s6, $0xb8;
	[tilespmem:$0x1F800] =	vst v63  }
0xcd: {  	_ =	swait.ge [sflag:s8], $0x1F400  }
0xce: {  	[sflag:s8] =	ssyncset.done $0x0  }
0xcf: {  	[sflag:s8] =	ssyncadd.s32 $0xFFFE0C00  }
0xd0: {  	[hbm4b:s21+s2] =	stream.linear.scatter [tilespmem:s7], [sflag:$0x2], $0x1F400, $0x38;
	[tilespmem:$0x1F800] =	vst v63  }
0xd1: {  	_ =	swait.ge [sflag:s3], $0x1F400  }
0xd2: {  	[sflag:s3] =	ssyncset.done $0x0  }
0xd3: {  	[sflag:s3] =	ssyncadd.s32 $0xFFFE0C00  }
0xd4: {  	[tilespmem:s2], [sflag:$0x2] =	stream.linear.gather [hbm4b:s22+s2], $0x3E8, $0x38;
	[tilespmem:$0x1F800] =	vst v63  }
0xd5: {  	_ =	swait.ge [sflag:s3], $0x3E8  }
0xd6: {  	[sflag:s3] =	ssyncset.done $0x0  }
0xd7: {  	[sflag:s3] =	ssyncadd.s32 $0xFFFFFC18  }
0xd8: {  	[tilespmem:s7], [sflag:$0x1] =	stream.indirect.gather [hbm4b:s5+s6], $0x80, s2, s6, $0xb8;
	[tilespmem:$0x1F800] =	vst v63  }
0xd9: {  	_ =	swait.ge [sflag:s8], $0x1F400  }
0xda: {  	[sflag:s8] =	ssyncset.done $0x0  }
0xdb: {  	[sflag:s8] =	ssyncadd.s32 $0xFFFE0C00  }
0xdc: {  	[hbm4b:s23+s2] =	stream.linear.scatter [tilespmem:s7], [sflag:$0x2], $0x1F400, $0x38;
	[tilespmem:$0x1F800] =	vst v63  }
0xdd: {  	_ =	swait.ge [sflag:s3], $0x1F400  }
0xde: {  	[sflag:s3] =	ssyncset.done $0x0  }
0xdf: {  	[sflag:s3] =	ssyncadd.s32 $0xFFFE0C00  }
0xe0: {  	[tilespmem:s2], [sflag:$0x2] =	stream.linear.gather [hbm4b:s24+s2], $0x3E8, $0x38;
	[tilespmem:$0x1F800] =	vst v63  }
0xe1: {  	_ =	swait.ge [sflag:s3], $0x3E8  }
0xe2: {  	[sflag:s3] =	ssyncset.done $0x0  }
0xe3: {  	[sflag:s3] =	ssyncadd.s32 $0xFFFFFC18  }
0xe4: {  	[tilespmem:s7], [sflag:$0x1] =	stream.indirect.gather [hbm4b:s5+s6], $0x80, s2, s6, $0xb8;
	[tilespmem:$0x1F800] =	vst v63  }
0xe5: {  	_ =	swait.ge [sflag:s8], $0x1F400  }
0xe6: {  	[sflag:s8] =	ssyncset.done $0x0  }
0xe7: {  	[sflag:s8] =	ssyncadd.s32 $0xFFFE0C00  }
0xe8: {  	[hbm4b:s25+s2] =	stream.linear.scatter [tilespmem:s7], [sflag:$0x2], $0x1F400, $0x38;
	[tilespmem:$0x1F800] =	vst v63  }
0xe9: {  	_ =	swait.ge [sflag:s3], $0x1F400  }
0xea: {  	[sflag:s3] =	ssyncset.done $0x0  }
0xeb: {  	[sflag:s3] =	ssyncadd.s32 $0xFFFE0C00  }
0xec: {  	[tilespmem:s2], [sflag:$0x2] =	stream.linear.gather [hbm4b:s26+s2], $0x3E8, $0x38;
	[tilespmem:$0x1F800] =	vst v63  }
0xed: {  	_ =	swait.ge [sflag:s3], $0x3E8  }
0xee: {  	[sflag:s3] =	ssyncset.done $0x0  }
0xef: {  	[sflag:s3] =	ssyncadd.s32 $0xFFFFFC18  }
0xf0: {  	[tilespmem:s7], [sflag:$0x1] =	stream.indirect.gather [hbm4b:s5+s6], $0x80, s2, s6, $0xb8;
	[tilespmem:$0x1F800] =	vst v63  }
0xf1: {  	_ =	swait.ge [sflag:s8], $0x1F400  }
.Ltmp1:
0xf2: {  	[sflag:s8] =	ssyncset.done $0x0;
	(pc) =	sbr.rel @p0 .LBB2_1-.Ltmp1, $4  }
0xf3: {  	[sflag:s8] =	ssyncadd.s32 $0xFFFE0C00  }
0xf4: {  	[hbm4b:s28+s2] =	stream.linear.scatter [tilespmem:s7], [sflag:$0x2], $0x1F400, $0x38;
	[tilespmem:$0x1F800] =	vst v63  }
0xf5: {  	_ =	swait.ge [sflag:s3], $0x1F400  }
0xf6: {  	[sflag:s3] =	ssyncset.done $0x0  }
.LBB2_2:
0xf7: {  	[sflag:s3] =	ssyncadd.s32 $0xFFFE0C00  }
0xf8: {  	_ =	sfence.sel $0x180000  }
0xf9: {  	[bflag:$0x0] =	sbarrier.arrive $0xFFFF  }
0xfa: {  	p0 =	sne.s32 s0, $0x0;
	_ =	strace $0x90000050  }
0xfb: {  	s0 =	sadd.s32 @!p0 $0x100000, s1;
	[bflag:$0x2] =	sbarrier.arrive $0xFFFF  }
0xfc: {  	[sflag:s0] =	ssyncadd.tile.s32 @!p0 $0x1;
	_ =	shalt  }
.Lfunc_end2:
_tile_overlayer_lowered:
.L_overlay_start_2:
0xfd: {  	(tag) =	ssettag $0x2  }
0xfe: {  	s0 =	rddreg [dreg:$0x0];
	s2 =	stileid.u32  }
0xff: {  	s1 =	rddreg [dreg:$0x1];
	p0 =	sne.s32 s2, $0x0  }
0x100: {  	s3 =	rddreg [dreg:$0x2];
	[bflag:$0x3] =	sbarrier.arrive $0xFFFF;
	s2 =	simm.s32 @!p0 $0x1C02  }
0x101: {  	[timem:s3], [sflag:s2] =	dma.local @!p0 [hbm:s0], s1  }
0x102: {  	s0 =	simm.s32 @!p0 $0x2  }
0x103: {  	_ =	swait.ge @!p0 [sflag:s0], s1  }
0x104: {  	s1 =	ssub.s32 @!p0 $0x0, s1;
	[sflag:s0] =	ssyncset.done @!p0 $0x0  }
0x105: {  	[sflag:s0] =	ssyncadd.s32 @!p0 s1  }
0x106: {  	[bflag:$0x3] =	sbarrier.arrive $0xFFFF  }
0x107: {  	_ =	shalt  }

// kernel: gather_offload_async_start.1
scs
__scs_entry_jumppad:
0x0: {  	(pc) =	sbr.rel $0x88, $3  }
0x1: {  	(tag) =	ssettag $0x0;
	lr =	simm.s32 $0x1  }
0x2: {  	[smem:$0x3F81] =	sst lr;
	_ =	strace $0xD0000000  }
0x3: {  	_ = 	snop  }
0x4: {  	_ = 	snop  }
0x5: {  	_ = 	snop  }
0x6: {  	_ = 	snop  }
0x7: {  	_ = 	snop  }
__scs_overlays_trampoline_lowered:
0x8: {  	[smem:$0x3F90] =	sst s0  }
0x9: {  	[smem:$0x3F91] =	sst s1  }
0xa: {  	[smem:$0x3F92] =	sst s2  }
0xb: {  	[smem:$0x3F93] =	sst s3  }
0xc: {  	[smem:$0x3F94] =	sst s4  }
0xd: {  	[smem:$0x3F95] =	sst s5  }
0xe: {  	[smem:$0x3F96] =	sst s6  }
0xf: {  	[smem:$0x3F97] =	sst s7  }
0x10: {  	[smem:$0x3F98] =	sst s8  }
0x11: {  	[smem:$0x3F99] =	sst s9;
	s0 =	simm.s32 @!p0 $0x0  }
0x12: {  	s1 =	sld [smem:$0x3F7F];
	s0 =	simm.s32 @p0 $0x1  }
0x13: {  	[smem:$0x3F9A] =	sst s0;
	s0 =	simm.s32 @!p1 $0x0  }
0x14: {  	s2 =	sld [smem:$0x3F7E];
	s0 =	simm.s32 @p1 $0x1  }
0x15: {  	[smem:$0x3F9B] =	sst s0;
	s0 =	simm.s32 @!p2 $0x0  }
0x16: {  	s3 =	sld [smem:$0x3FDB];
	s0 =	simm.s32 @p2 $0x1  }
0x17: {  	s4 =	simm.s32 $0x1BF5;
	[smem:$0x3F9D] =	sst s0  }
0x18: {  	s0 =	sld [smem:$0x3F80];
	_ =	swait.ge [sflag:s4], $0x0  }
0x19: {  	s7 =	sld [smem:$0x3F81]  }
0x1a: {  	s8 =	sadd.s32 $0xFFFFE003, lr  }
0x1b: {  	s9 =	sadd.s32 $0xFFFFFEF7, lr;
	s5 =	simm.s32 $0xFFFFFFFF;
	p2 =	slt.u32 s8, $0xFFFFF086  }
0x1c: {  	p1 =	slt.u32 s9, $0xF7A;
	s5 =	simm.s32 @!p2 $0x0  }
0x1d: {  	s5 =	simm.s32 @p1 $0x1;
	p0 =	seq.s32 s7, s2  }
0x1e: {  	s7 =	smul.u32 @!p0 $0xF7A, s2;
	p2 =	seq.s32 @!p0 s5, $0x0  }
0x1f: {  	s9 =	smul.u32 $0xF7A, s1;
	s8 =	simm.s32 @!p0 $0x1BF5;
	p2 =	por !p2, p0  }
0x20: {  	[sflag:s8] =	ssyncset.s32 @!p0 $0xFFFFF086;
	s6 =	sadd.s32 @!p0 s3, s7;
	s7 =	simm.s32 @!p0 $0x108  }
0x21: {  	s3 =	sadd.s32 s3, s9;
	s6 =	sadd.s32 @!p0 $0x88, s6;
	s7 =	simm.s32 @p2 $0x1082  }
0x22: {  	[simem:s7], [sflag:s8] =	dma.local @!p0 [hbm:s6], $0xF7A  }
0x23: {  	s9 =	sor.u32 $0xD0000000, s2;
	s6 =	simm.s32 $0x108;
	_ =	swait.ge @!p0 [sflag:s8], $0x0  }
0x24: {  	s3 =	sadd.s32 $0x88, s3;
	s6 =	simm.s32 @!p1 $0x1082;
	[sflag:s4] =	ssyncset.s32 $0xFFFFF086  }
0x25: {  	[simem:s6], [sflag:s4] =	dma.local [hbm:s3], $0xF7A  }
0x26: {  	[smem:$0x3F81] =	sst s1;
	(tag) =	ssettag s2;
	_ =	strace s9  }
0x27: {  	s1 =	sld [smem:$0x3F91]  }
0x28: {  	s2 =	sld [smem:$0x3F92]  }
0x29: {  	s4 =	sld [smem:$0x3F94]  }
0x2a: {  	p0 =	seq.s32 s5, $0x0;
	s5 =	sld [smem:$0x3F95]  }
0x2b: {  	s6 =	sld [smem:$0x3F96]  }
0x2c: {  	s7 =	sld [smem:$0x3F97]  }
0x2d: {  	s3 =	simm.s32 $0x108;
	s8 =	sld [smem:$0x3F98]  }
0x2e: {  	s3 =	simm.s32 @!p0 $0x1082;
	s9 =	sld [smem:$0x3F99]  }
0x2f: {  	lr =	sadd.s32 s0, s3;
	s0 =	sld [smem:$0x3F90]  }
0x30: {  	s3 =	sld [smem:$0x3F93]  }
0x31: {  	[smem:$0x3F9C] =	sst s10  }
0x32: {  	s10 =	sld [smem:$0x3F9A];
	_ =	sdelay $0x3  }
0x33: {  	p0 =	seq.s32 s10, $0x1;
	s10 =	sld [smem:$0x3F9C];
	_ =	sdelay $0x3  }
0x34: {  	[smem:$0x3F9C] =	sst s10  }
0x35: {  	s10 =	sld [smem:$0x3F9B];
	_ =	sdelay $0x3  }
0x36: {  	p1 =	seq.s32 s10, $0x1;
	s10 =	sld [smem:$0x3F9C];
	_ =	sdelay $0x3  }
0x37: {  	[smem:$0x3F9C] =	sst s10  }
0x38: {  	s10 =	sld [smem:$0x3F9D]  }
0x39: {  	_ = 	snop;
	(pc) =	sbr.ind lr, $3  }
0x3a: {  	_ = 	snop  }
0x3b: {  	_ = 	snop  }
0x3c: {  	p2 =	seq.s32 s10, $0x1;
	s10 =	sld [smem:$0x3F9C]  }
0x3d: {  	_ =	shalt  }
0x3e: {  	_ =	shalt  }
0x3f: {  	_ =	shalt  }
0x40: {  	_ =	shalt  }
0x41: {  	_ =	shalt  }
0x42: {  	_ =	shalt  }
0x43: {  	_ =	shalt  }
0x44: {  	_ =	shalt  }
0x45: {  	_ =	shalt  }
0x46: {  	_ =	shalt  }
0x47: {  	_ =	shalt  }
0x48: {  	_ =	shalt  }
0x49: {  	_ =	shalt  }
0x4a: {  	_ =	shalt  }
0x4b: {  	_ =	shalt  }
0x4c: {  	_ =	shalt  }
0x4d: {  	_ =	shalt  }
0x4e: {  	_ =	shalt  }
0x4f: {  	_ =	shalt  }
0x50: {  	_ =	shalt  }
0x51: {  	_ =	shalt  }
0x52: {  	_ =	shalt  }
0x53: {  	_ =	shalt  }
0x54: {  	_ =	shalt  }
0x55: {  	_ =	shalt  }
0x56: {  	_ =	shalt  }
0x57: {  	_ =	shalt  }
0x58: {  	_ =	shalt  }
0x59: {  	_ =	shalt  }
0x5a: {  	_ =	shalt  }
0x5b: {  	_ =	shalt  }
0x5c: {  	_ =	shalt  }
0x5d: {  	_ =	shalt  }
0x5e: {  	_ =	shalt  }
0x5f: {  	_ =	shalt  }
0x60: {  	_ =	shalt  }
0x61: {  	_ =	shalt  }
0x62: {  	_ =	shalt  }
0x63: {  	_ =	shalt  }
0x64: {  	_ =	shalt  }
0x65: {  	_ =	shalt  }
0x66: {  	_ =	shalt  }
0x67: {  	_ =	shalt  }
0x68: {  	_ =	shalt  }
0x69: {  	_ =	shalt  }
0x6a: {  	_ =	shalt  }
0x6b: {  	_ =	shalt  }
0x6c: {  	_ =	shalt  }
0x6d: {  	_ =	shalt  }
0x6e: {  	_ =	shalt  }
0x6f: {  	_ =	shalt  }
0x70: {  	_ =	shalt  }
0x71: {  	_ =	shalt  }
0x72: {  	_ =	shalt  }
0x73: {  	_ =	shalt  }
0x74: {  	_ =	shalt  }
0x75: {  	_ =	shalt  }
0x76: {  	_ =	shalt  }
0x77: {  	_ =	shalt  }
0x78: {  	_ =	shalt  }
0x79: {  	_ =	shalt  }
0x7a: {  	_ =	shalt  }
0x7b: {  	_ =	shalt  }
0x7c: {  	_ =	shalt  }
0x7d: {  	_ =	shalt  }
0x7e: {  	_ =	shalt  }
0x7f: {  	_ =	shalt  }
0x80: {  	_ =	shalt  }
0x81: {  	_ =	shalt  }
0x82: {  	_ =	shalt  }
0x83: {  	_ =	shalt  }
0x84: {  	_ =	shalt  }
0x85: {  	_ =	shalt  }
0x86: {  	_ =	shalt  }
0x87: {  	_ =	shalt  }
.Lfunc_end0:
.L_simem_size_0:
called_computation.1_lowered:
.L_overlay_start_0:
0x88: {  	s2 =	sld [smem:$0x3FD9]  }
0x89: {  	s3 =	sld [smem:$0x3FFE];
	_ =	sdelay $0x1  }
0x8a: {  	s1 =	srdreg.scid  }
0x8b: {  	s0 =	sand.u32 $0x1, s1  }
0x8c: {  	s16 =	sshll.u32 s0, $0xA;
	s2 =	sadd.s32 s3, s2  }
0x8d: {  	s2 =	sadd.s32 s2, s16  }
0x8e: {  	[smem:$0x3FA8] =	sst s2  }
0x8f: {  	_ = 	snop  }
0x90: {  	(tm) =	ssettm $0x1  }
0x91: {  	s17 =	sld [smem:$0x3FFB];
	_ =	sdelay $0x3  }
0x92: {  	_ =	strace s17  }
0x93: {  	s2 =	sld [smem:$0x3FFC];
	_ =	sdelay $0x3  }
0x94: {  	_ =	strace s2  }
0x95: {  	s2 =	sld [smem:$0x3FFD];
	_ =	sdelay $0x3  }
0x96: {  	_ =	strace s2  }
0x97: {  	_ =	strace $0x8FFFFFFF  }
0x98: {  	s18 =	sld [smem:$0x3FDB];
	_ =	sdelay $0x1  }
0x99: {  	s19 =	simm.s32 $_scs_section_size  }
0x9a: {  	s4 =	simm.s32 $_size__tile_overlayer_lowered;
	s5 =	simm.s32 $_tile_overlayer_lowered  }
0x9b: {  	s22 =	simm.s32 $0x1BFF;
	s21 =	sshll.u32 s5, $0x1;
	s2 =	sadd.s32 s19, s18  }
0x9c: {  	s6 =	simm.s32 $0x0;
	s20 =	sshll.u32 s4, $0x1;
	s4 =	sadd.s32 s21, s2  }
0x9d: {  	[timem:s6], [sflag:s22] =	dma.local [hbm:s4], s20  }
0x9e: {  	_ =	swait.ge [sflag:s22], s20  }
0x9f: {  	s3 =	ssub.s32 $0x0, s20;
	[sflag:s22] =	ssyncset.done $0x0  }
0xa0: {  	[sflag:s22] =	ssyncadd.s32 s3;
	_ =	sdelay $0x1  }
0xa1: {  	s23 =	simm.s32 $0x1B8B  }
0xa2: {  	_ =	swait.ge [sflag:s23], $0x1  }
0xa3: {  	[sflag:s23] =	ssyncset.done $0x0  }
0xa4: {  	s25 =	simm.s32 $0x1B8E;
	s24 =	sld [smem:$0x3FFE];
	[sflag:s23] =	ssyncadd.s32 $0xFFFFFFFF  }
0xa5: {  	s26 =	simm.s32 $execute0_lowered;
	[smem:$0x3FD2] =	sst s25  }
0xa6: {  	s4 =	sshll.u32 s26, $0x1;
	_ =	strace $0x80000046;
	[dreg:$0x1] =	wrdreg $0xFFFFFFFF  }
0xa7: {  	s28 =	simm.s32 $_size_execute0_lowered;
	s2 =	sadd.s32 s2, s4;
	[dreg:$0x0] =	wrdreg $0x0  }
0xa8: {  	s4 =	sshll.u32 s28, $0x1;
	[dreg:$0x2] =	wrdreg s2  }
0xa9: {  	[dreg:$0x3] =	wrdreg s4  }
0xaa: {  	[dreg:$0x4] =	wrdreg $0xC0  }
0xab: {  	_ =	task [dreg:s6], $0x5FFFF  }
0xac: {  	[dreg:$0x1] =	wrdreg $0xFFFFFFFF  }
0xad: {  	[dreg:$0x0] =	wrdreg $0x60  }
0xae: {  	[dreg:$0x2] =	wrdreg s24  }
0xaf: {  	[dreg:$0x3] =	wrdreg $0xB  }
0xb0: {  	_ =	task.clear_ibuf [dreg:s6], $0x4FFFF;
	_ =	strace $0x90000046  }
0xb1: {  	s29 =	simm.s32 $0xB;
	_ =	strace $0x80000048  }
0xb2: {  	_ =	swait.ge [sflag:s29], $0x1  }
0xb3: {  	[sflag:s29] =	ssyncadd.s32 $0xFFFFFFFF  }
0xb4: {  	_ =	strace $0x90000048  }
0xb5: {  	_ =	sfence  }
0xb6: {  	s30 =	sld [smem:$0x0];
	_ =	sdelay $0x2  }
0xb7: {  	s31 =	sshll.u32 s1, $0xD;
	s1 =	sshrl.u32 s1, $0x2  }
0xb8: {  	s3 =	sand.u32 $0x4000, s31;
	s1 =	sadd.s32 s1, s30  }
0xb9: {  	s0 =	sor.u32 s3, s0;
	s1 =	sshll.u32 s1, $0x11  }
0xba: {  	s0 =	sor.u32 s1, s0  }
0xbb: {  	s0 =	sadd.s32 $0x8F2B, s0  }
0xbc: {  	[sflag:s0] =	ssyncadd.remote.s32 $0x1  }
0xbd: {  	_ =	sfence.sel $0xFFFF  }
0xbe: {  	[dreg:$0x0] =	wrdreg $0xFFFFFFFF;
	(pc) =	sbr.abs _section_cstart, $3  }
0xbf: {  	[dreg:$0x1] =	wrdreg $0xFFFFFFFF  }
0xc0: {  	_ =	task.clear_ibuf [dreg:s6], $0x2FFFF;
	_ =	strace $0x9FFFFFFF  }
0xc1: {  	(tm) =	ssettm $0x7FFFFFFF  }
tec
execute0_lowered:
.L_overlay_start_1:
0x0: {  	(tag) =	ssettag $0x1  }
0x1: {  	s8 =	rddreg [dreg:$0x0]  }
0x2: {  	s0 =	rddreg [dreg:$0x1];
	_ =	strace $0x80000047;
	s1 =	stileid.u32  }
0x3: {  	s3 =	srdreg.scid;
	s4 =	simm.s32 $0x1;
	s7 =	simm.s32 $0x1  }
0x4: {  	s9 =	simm.s32 $0x1;
	s10 =	simm.s32 $0x3;
	s13 =	simm.s32 $0x0  }
0x5: {  	s12 =	simm.s32 $0x0;
	s5 =	sand.u32 $0x1, s3;
	s6 =	sshll.u32 s1, $0x1  }
0x6: {  	s2 =	sadd.s32 $0xE200, s8;
	s3 =	sadd.s32 $0x18000, s8;
	s5 =	sor.u32 s6, s5  }
.Ltmp0:
0x7: {  	[sflag:s4] =	ssyncpa.u1 $0x0;
	p0 =	slt.u32 s5, $0x9;
	(pc) =	sbr.rel .LBB2_1-.Ltmp0, $4  }
0x8: {  	s6 =	simm.s32 $0x2;
	s7 =	simm.s32 @!p0 $0x0;
	p0 =	sne.s32 s5, $0x8  }
0x9: {  	[sflag:s6] =	ssyncpa.u1 $0x0;
	s5 =	smul.u32 $0x1F40, s5;
	s9 =	simm.s32 @!p0 $0x0  }
0xa: {  	s8 =	sadd.s32 $0x21E00, s8;
	[sflag:s10] =	ssyncpa.u1 $0x0;
	s7 =	sadd.s32 s9, s7  }
0xb: {  	vm0 =	vmmov $0xffff;
	s10 =	simm.s32 $0x0;
	s11 =	smov.u32 s5;
	s9 =	sadd.s32 $0x1, s7  }
.LBB2_4:
0xc: {  	v2 =	vnsel vm1, $0x0, v2  }
0xd: {  	vm1 =	vgt.s32 v0, $0x0;
	v2 =	vmin.u32 v2, $0x4E1FF  }
0xe: {  	v0 =	vnsel vm1, $0x0, v0  }
0xf: {  	v0 =	vmin.u32 v0, $0x4E1FF  }
0x10: {  	[tilespmem:s18], [sflag:$0x1] =	stream.indirect_vreg.gather [hbm4b:s2+s10], $0x1, v1, vm0, $0x4038;
	[tilespmem:$0x7D00] =	vst v63  }
0x11: {  	(ifvalue) =	ssetifvalue $0x7FFFFFFF  }
0x12: {  	[tilespmem:s15], [sflag:$0x1] =	stream.indirect_vreg.gather [hbm4b:s2+s10], $0x1, v2, vm0, $0x4038;
	[tilespmem:$0x7D00] =	vst v63  }
0x13: {  	s29 =	sadd.s32 $0x10, s15;
	(ifvalue) =	ssetifvalue $0x7FFFFFFF  }
0x14: {  	[tilespmem:s29], [sflag:$0x1] =	stream.indirect_vreg.gather [hbm4b:s2+s10], $0x1, v0, vm0, $0x4038;
	[tilespmem:$0x7D00] =	vst v63  }
0x15: {  	_ =	swait.ge [sflag:s4], $0x1F40  }
0x16: {  	s30 =	sshrl.u32 s13, $0x3;
	[sflag:s4] =	ssyncset.done $0x0  }
0x17: {  	s31 =	sand.u32 $0x7, s13;
	s15 =	sadd.s32 s8, s30;
	[sflag:s4] =	ssyncadd.s32 $0xFFFFE0C0  }
0x18: {  	[hbm4b:s15+s31] =	stream.linear.scatter [tilespmem:s14], [sflag:$0x3], $0x1F40, $0x38;
	[tilespmem:$0x7D00] =	vst v63  }
.LBB2_5:
0x19: {  	s15 =	sadd.s32 $0x3E800, s11  }
0x1a: {  	p1 =	sgt.s32 s15, $0x4E1FF  }
0x1b: {  	s15 =	smov.u32 @p1 s5;
	p1 =	sne.s32 s12, s9  }
.Ltmp1:
0x1c: {  	p0 =	slt.u32 s12, $0x2;
	(pc) =	sbr.rel @!p1 .LBB2_6-.Ltmp1, $4  }
0x1d: {  	s14 =	simm.s32 @!p0 $0x3  }
0x1e: {  	_ =	swait.ge @!p0 [sflag:s14], $0x1F40  }
0x1f: {  	s16 =	sadd.s32 $0x1, s12;
	s13 =	smov.u32 s11;
	[sflag:s14] =	ssyncset.done @!p0 $0x0  }
0x20: {  	s12 =	smov.u32 s16;
	s11 =	smov.u32 s15;
	[sflag:s14] =	ssyncadd.s32 @!p0 $0xFFFFE0C0  }
.LBB2_1:
0x21: {  	p0 =	sge.u32 s12, s7  }
0x22: {  	s14 =	sxor.u32 @!p0 $0x1, s12  }
0x23: {  	s14 =	smul.u32 @!p0 $0x7D00, s14  }
0x24: {  	s31 =	sadd.s32 $0xFFFFFFFF, s12;
	s15 =	sshrl.u32 @!p0 s11, $0x3  }
0x25: {  	s16 =	sand.u32 @!p0 $0x7, s11;
	s15 =	sadd.s32 @!p0 s3, s15;
	s14 =	sshra.s32 @!p0 s14, $0x2  }
0x26: {  	[tilespmem:s14], [sflag:$0x2] =	stream.linear.gather @!p0 [hbm4b:s15+s16], $0x1F40, $0x38;
	[tilespmem:$0x7D00] =	vst v63  }
0x27: {  	p0 =	sge.u32 s31, s7  }
.Ltmp2:
0x28: {  	_ = 	snop;
	(pc) =	sbr.rel @p0 .LBB2_5-.Ltmp2, $1  }
0x29: {  	_ =	sdelay $0x3  }
0x2a: {  	s14 =	sand.u32 $0x1, s12  }
0x2b: {  	_ =	swait.ge [sflag:s6], $0x1F40;
	p0 =	seq.s32 s14, $0x1;
	s14 =	simm.s32 $0x1F40  }
0x2c: {  	[sflag:s6] =	ssyncset.done $0x0;
	s14 =	simm.s32 @!p0 $0x0  }
0x2d: {  	[sflag:s6] =	ssyncadd.s32 $0xFFFFE0C0;
	(ifvalue) =	ssetifvalue $0x7FFFFFFF;
	v0 =	vld.msk [tilespmem:s14+$0x0 ss:$0x1], $0xffff;
	_ =	sdelay $0x4  }
0x2e: {  	s15 =	sadd.s32 $0x10, s14;
	vm1 =	vgt.s32 v0, $0x0  }
0x2f: {  	v2 =	vld.msk [tilespmem:s15+$0x0 ss:$0x1], $0xffff;
	v1 =	vnsel vm1, $0x0, v0  }
0x30: {  	v1 =	vmin.u32 v1, $0x4E1FF;
	_ =	sdelay $0x2  }
0x31: {  	s17 =	simm.s32 $0x20;
	s14 =	sadd.s32 $0x3E80, s14;
	s16 =	sadd.s32 $0x10, s15  }
0x32: {  	s15 =	sadd.s32 $0x10, s14;
	s18 =	smov.u32 s14;
	v0 =	vld.msk [tilespmem:s16+$0x0 ss:$0x1], $0xffff;
	vm1 =	vgt.s32 v2, $0x0;
	(ifvalue) =	ssetifvalue $0x7FFFFFFF  }
.LBB2_3:
0x33: {  	[tilespmem:s18], [sflag:$0x1] =	stream.indirect_vreg.gather [hbm4b:s2+s10], $0x1, v1, vm0, $0x4038;
	[tilespmem:$0x7D00] =	vst v63  }
0x34: {  	s17 =	sadd.s32 $0x10, s17  }
0x35: {  	v2 =	vnsel vm1, $0x0, v2;
	p0 =	slt.u32 s17, $0x1F30  }
.Ltmp3:
0x36: {  	s18 =	smov.u32 s15;
	v1 =	vmin.u32 v2, $0x4E1FF;
	(pc) =	sbr.rel @p0 .LBB2_3-.Ltmp3, $3  }
0x37: {  	_ =	sdelay $0x1  }
0x38: {  	s16 =	sadd.s32 $0x10, s16  }
0x39: {  	vm1 =	vgt.s32 v0, $0x0;
	s15 =	sadd.s32 $0x10, s15;
	v2 =	vmov v0;
	(ifvalue) =	ssetifvalue $0x7FFFFFFF;
	v0 =	vld.msk [tilespmem:s16+$0x0 ss:$0x1], $0xffff  }
.Ltmp4:
0x3a: {  	_ = 	snop;
	(pc) =	sbr.rel .LBB2_4-.Ltmp4, $1  }
0x3b: {  	_ =	sdelay $0x3  }
.LBB2_6:
0x3c: {  	_ =	sfence.sel $0x180000  }
0x3d: {  	s2 =	simm.s32 $0x2;
	[bflag:$0x0] =	sbarrier.arrive $0xFFFF  }
0x3e: {  	s30 =	simm.s32 $0x3;
	[sflag:s2] =	ssyncpa.u1 $0x1  }
0x3f: {  	s31 =	simm.s32 $0x1;
	[sflag:s30] =	ssyncpa.u1 $0x1  }
0x40: {  	[sflag:s31] =	ssyncpa.u1 $0x1  }
0x41: {  	p0 =	sne.s32 s1, $0x0;
	_ =	strace $0x90000047  }
0x42: {  	s0 =	sadd.s32 @!p0 $0x100000, s0;
	[bflag:$0x2] =	sbarrier.arrive $0xFFFF  }
0x43: {  	[sflag:s0] =	ssyncadd.tile.s32 @!p0 $0x1;
	_ =	shalt  }
.Lfunc_end2:
_tile_overlayer_lowered:
.L_overlay_start_2:
0x44: {  	(tag) =	ssettag $0x2  }
0x45: {  	s0 =	rddreg [dreg:$0x0];
	s2 =	stileid.u32  }
0x46: {  	s1 =	rddreg [dreg:$0x1];
	p0 =	sne.s32 s2, $0x0  }
0x47: {  	s3 =	rddreg [dreg:$0x2];
	[bflag:$0x3] =	sbarrier.arrive $0xFFFF;
	s2 =	simm.s32 @!p0 $0x1C01  }
0x48: {  	[timem:s3], [sflag:s2] =	dma.local @!p0 [hbm:s0], s1  }
0x49: {  	s0 =	simm.s32 @!p0 $0x1  }
0x4a: {  	_ =	swait.ge @!p0 [sflag:s0], s1  }
0x4b: {  	s1 =	ssub.s32 @!p0 $0x0, s1;
	[sflag:s0] =	ssyncset.done @!p0 $0x0  }
0x4c: {  	[sflag:s0] =	ssyncadd.s32 @!p0 s1  }
0x4d: {  	[bflag:$0x3] =	sbarrier.arrive $0xFFFF  }
0x4e: {  	_ =	shalt  }

// kernel: gather_offload_async_start.2
scs
__scs_entry_jumppad:
0x0: {  	(pc) =	sbr.rel $0x88, $3  }
0x1: {  	(tag) =	ssettag $0x0;
	lr =	simm.s32 $0x1  }
0x2: {  	[smem:$0x3F81] =	sst lr;
	_ =	strace $0xD0000000  }
0x3: {  	_ = 	snop  }
0x4: {  	_ = 	snop  }
0x5: {  	_ = 	snop  }
0x6: {  	_ = 	snop  }
0x7: {  	_ = 	snop  }
__scs_overlays_trampoline_lowered:
0x8: {  	[smem:$0x3F90] =	sst s0  }
0x9: {  	[smem:$0x3F91] =	sst s1  }
0xa: {  	[smem:$0x3F92] =	sst s2  }
0xb: {  	[smem:$0x3F93] =	sst s3  }
0xc: {  	[smem:$0x3F94] =	sst s4  }
0xd: {  	[smem:$0x3F95] =	sst s5  }
0xe: {  	[smem:$0x3F96] =	sst s6  }
0xf: {  	[smem:$0x3F97] =	sst s7  }
0x10: {  	[smem:$0x3F98] =	sst s8  }
0x11: {  	[smem:$0x3F99] =	sst s9;
	s0 =	simm.s32 @!p0 $0x0  }
0x12: {  	s1 =	sld [smem:$0x3F7F];
	s0 =	simm.s32 @p0 $0x1  }
0x13: {  	[smem:$0x3F9A] =	sst s0;
	s0 =	simm.s32 @!p1 $0x0  }
0x14: {  	s2 =	sld [smem:$0x3F7E];
	s0 =	simm.s32 @p1 $0x1  }
0x15: {  	[smem:$0x3F9B] =	sst s0;
	s0 =	simm.s32 @!p2 $0x0  }
0x16: {  	s3 =	sld [smem:$0x3FDB];
	s0 =	simm.s32 @p2 $0x1  }
0x17: {  	s4 =	simm.s32 $0x1BF5;
	[smem:$0x3F9D] =	sst s0  }
0x18: {  	s0 =	sld [smem:$0x3F80];
	_ =	swait.ge [sflag:s4], $0x0  }
0x19: {  	s7 =	sld [smem:$0x3F81]  }
0x1a: {  	s8 =	sadd.s32 $0xFFFFE003, lr  }
0x1b: {  	s9 =	sadd.s32 $0xFFFFFEF7, lr;
	s5 =	simm.s32 $0xFFFFFFFF;
	p2 =	slt.u32 s8, $0xFFFFF086  }
0x1c: {  	p1 =	slt.u32 s9, $0xF7A;
	s5 =	simm.s32 @!p2 $0x0  }
0x1d: {  	s5 =	simm.s32 @p1 $0x1;
	p0 =	seq.s32 s7, s2  }
0x1e: {  	s7 =	smul.u32 @!p0 $0xF7A, s2;
	p2 =	seq.s32 @!p0 s5, $0x0  }
0x1f: {  	s9 =	smul.u32 $0xF7A, s1;
	s8 =	simm.s32 @!p0 $0x1BF5;
	p2 =	por !p2, p0  }
0x20: {  	[sflag:s8] =	ssyncset.s32 @!p0 $0xFFFFF086;
	s6 =	sadd.s32 @!p0 s3, s7;
	s7 =	simm.s32 @!p0 $0x108  }
0x21: {  	s3 =	sadd.s32 s3, s9;
	s6 =	sadd.s32 @!p0 $0x88, s6;
	s7 =	simm.s32 @p2 $0x1082  }
0x22: {  	[simem:s7], [sflag:s8] =	dma.local @!p0 [hbm:s6], $0xF7A  }
0x23: {  	s9 =	sor.u32 $0xD0000000, s2;
	s6 =	simm.s32 $0x108;
	_ =	swait.ge @!p0 [sflag:s8], $0x0  }
0x24: {  	s3 =	sadd.s32 $0x88, s3;
	s6 =	simm.s32 @!p1 $0x1082;
	[sflag:s4] =	ssyncset.s32 $0xFFFFF086  }
0x25: {  	[simem:s6], [sflag:s4] =	dma.local [hbm:s3], $0xF7A  }
0x26: {  	[smem:$0x3F81] =	sst s1;
	(tag) =	ssettag s2;
	_ =	strace s9  }
0x27: {  	s1 =	sld [smem:$0x3F91]  }
0x28: {  	s2 =	sld [smem:$0x3F92]  }
0x29: {  	s4 =	sld [smem:$0x3F94]  }
0x2a: {  	p0 =	seq.s32 s5, $0x0;
	s5 =	sld [smem:$0x3F95]  }
0x2b: {  	s6 =	sld [smem:$0x3F96]  }
0x2c: {  	s7 =	sld [smem:$0x3F97]  }
0x2d: {  	s3 =	simm.s32 $0x108;
	s8 =	sld [smem:$0x3F98]  }
0x2e: {  	s3 =	simm.s32 @!p0 $0x1082;
	s9 =	sld [smem:$0x3F99]  }
0x2f: {  	lr =	sadd.s32 s0, s3;
	s0 =	sld [smem:$0x3F90]  }
0x30: {  	s3 =	sld [smem:$0x3F93]  }
0x31: {  	[smem:$0x3F9C] =	sst s10  }
0x32: {  	s10 =	sld [smem:$0x3F9A];
	_ =	sdelay $0x3  }
0x33: {  	p0 =	seq.s32 s10, $0x1;
	s10 =	sld [smem:$0x3F9C];
	_ =	sdelay $0x3  }
0x34: {  	[smem:$0x3F9C] =	sst s10  }
0x35: {  	s10 =	sld [smem:$0x3F9B];
	_ =	sdelay $0x3  }
0x36: {  	p1 =	seq.s32 s10, $0x1;
	s10 =	sld [smem:$0x3F9C];
	_ =	sdelay $0x3  }
0x37: {  	[smem:$0x3F9C] =	sst s10  }
0x38: {  	s10 =	sld [smem:$0x3F9D]  }
0x39: {  	_ = 	snop;
	(pc) =	sbr.ind lr, $3  }
0x3a: {  	_ = 	snop  }
0x3b: {  	_ = 	snop  }
0x3c: {  	p2 =	seq.s32 s10, $0x1;
	s10 =	sld [smem:$0x3F9C]  }
0x3d: {  	_ =	shalt  }
0x3e: {  	_ =	shalt  }
0x3f: {  	_ =	shalt  }
0x40: {  	_ =	shalt  }
0x41: {  	_ =	shalt  }
0x42: {  	_ =	shalt  }
0x43: {  	_ =	shalt  }
0x44: {  	_ =	shalt  }
0x45: {  	_ =	shalt  }
0x46: {  	_ =	shalt  }
0x47: {  	_ =	shalt  }
0x48: {  	_ =	shalt  }
0x49: {  	_ =	shalt  }
0x4a: {  	_ =	shalt  }
0x4b: {  	_ =	shalt  }
0x4c: {  	_ =	shalt  }
0x4d: {  	_ =	shalt  }
0x4e: {  	_ =	shalt  }
0x4f: {  	_ =	shalt  }
0x50: {  	_ =	shalt  }
0x51: {  	_ =	shalt  }
0x52: {  	_ =	shalt  }
0x53: {  	_ =	shalt  }
0x54: {  	_ =	shalt  }
0x55: {  	_ =	shalt  }
0x56: {  	_ =	shalt  }
0x57: {  	_ =	shalt  }
0x58: {  	_ =	shalt  }
0x59: {  	_ =	shalt  }
0x5a: {  	_ =	shalt  }
0x5b: {  	_ =	shalt  }
0x5c: {  	_ =	shalt  }
0x5d: {  	_ =	shalt  }
0x5e: {  	_ =	shalt  }
0x5f: {  	_ =	shalt  }
0x60: {  	_ =	shalt  }
0x61: {  	_ =	shalt  }
0x62: {  	_ =	shalt  }
0x63: {  	_ =	shalt  }
0x64: {  	_ =	shalt  }
0x65: {  	_ =	shalt  }
0x66: {  	_ =	shalt  }
0x67: {  	_ =	shalt  }
0x68: {  	_ =	shalt  }
0x69: {  	_ =	shalt  }
0x6a: {  	_ =	shalt  }
0x6b: {  	_ =	shalt  }
0x6c: {  	_ =	shalt  }
0x6d: {  	_ =	shalt  }
0x6e: {  	_ =	shalt  }
0x6f: {  	_ =	shalt  }
0x70: {  	_ =	shalt  }
0x71: {  	_ =	shalt  }
0x72: {  	_ =	shalt  }
0x73: {  	_ =	shalt  }
0x74: {  	_ =	shalt  }
0x75: {  	_ =	shalt  }
0x76: {  	_ =	shalt  }
0x77: {  	_ =	shalt  }
0x78: {  	_ =	shalt  }
0x79: {  	_ =	shalt  }
0x7a: {  	_ =	shalt  }
0x7b: {  	_ =	shalt  }
0x7c: {  	_ =	shalt  }
0x7d: {  	_ =	shalt  }
0x7e: {  	_ =	shalt  }
0x7f: {  	_ =	shalt  }
0x80: {  	_ =	shalt  }
0x81: {  	_ =	shalt  }
0x82: {  	_ =	shalt  }
0x83: {  	_ =	shalt  }
0x84: {  	_ =	shalt  }
0x85: {  	_ =	shalt  }
0x86: {  	_ =	shalt  }
0x87: {  	_ =	shalt  }
.Lfunc_end0:
.L_simem_size_0:
called_computation.2_lowered:
.L_overlay_start_0:
0x88: {  	s2 =	sld [smem:$0x3FD9]  }
0x89: {  	s3 =	sld [smem:$0x3FFE];
	_ =	sdelay $0x1  }
0x8a: {  	s1 =	srdreg.scid  }
0x8b: {  	s0 =	sand.u32 $0x1, s1  }
0x8c: {  	s17 =	sshll.u32 s0, $0xA;
	s2 =	sadd.s32 s3, s2  }
0x8d: {  	s2 =	sadd.s32 s2, s17  }
0x8e: {  	[smem:$0x3FA8] =	sst s2  }
0x8f: {  	_ = 	snop  }
0x90: {  	s18 =	sld [smem:$0x3FC6];
	(tm) =	ssettm $0x1  }
0x91: {  	s19 =	sld [smem:$0x3FFB];
	_ =	sdelay $0x3  }
0x92: {  	_ =	strace s19  }
0x93: {  	s2 =	sld [smem:$0x3FFC];
	_ =	sdelay $0x3  }
0x94: {  	_ =	strace s2  }
0x95: {  	s2 =	sld [smem:$0x3FFD];
	_ =	sdelay $0x3  }
0x96: {  	_ =	strace s2  }
0x97: {  	_ =	strace $0x8FFFFFFF  }
0x98: {  	s20 =	sld [smem:$0x3FDB];
	_ =	sdelay $0x1  }
0x99: {  	s4 =	simm.s32 $_scs_section_size  }
0x9a: {  	s5 =	simm.s32 $_size__tile_overlayer_lowered;
	s6 =	simm.s32 $_tile_overlayer_lowered  }
0x9b: {  	s7 =	simm.s32 $0x1BFF;
	s21 =	sshll.u32 s6, $0x1;
	s4 =	sadd.s32 s4, s20  }
0x9c: {  	s22 =	simm.s32 $0x0;
	s5 =	sshll.u32 s5, $0x1;
	s6 =	sadd.s32 s21, s4  }
0x9d: {  	[timem:s22], [sflag:s7] =	dma.local [hbm:s6], s5  }
0x9e: {  	_ =	swait.ge [sflag:s7], s5  }
0x9f: {  	s5 =	ssub.s32 $0x0, s5;
	[sflag:s7] =	ssyncset.done $0x0  }
0xa0: {  	[sflag:s7] =	ssyncadd.s32 s5;
	_ =	sdelay $0x1  }
0xa1: {  	s23 =	simm.s32 $0x1B8B  }
0xa2: {  	_ =	swait.ge [sflag:s23], $0x1  }
0xa3: {  	[sflag:s23] =	ssyncset.done $0x0  }
0xa4: {  	[sflag:s23] =	ssyncadd.s32 $0xFFFFFFFF  }
0xa5: {  	s5 =	sld [smem:$0x0]  }
0xa6: {  	s6 =	sand.u32 $0xFFFFFFFE, s1  }
0xa7: {  	p0 =	sne.s32 s1, s6  }
0xa8: {  	s6 =	sshll.u32 @p0 s6, $0xE  }
0xa9: {  	s6 =	sadd.s32 @p0 $0x11B8D, s6;
	s7 =	sshll.u32 @p0 s5, $0x11  }
0xaa: {  	s6 =	sor.u32 @p0 s7, s6  }
0xab: {  	[sflag:s6] =	ssyncadd.remote.s32 @p0 $0x1;
	_ =	sdelay $0x1  }
0xac: {  	s6 =	simm.s32 @p0 $0x1B8D  }
0xad: {  	_ =	swait.eq @p0 [sflag:s6], $0x1  }
0xae: {  	[sflag:s6] =	ssyncadd.s32 @p0 $0xFFFFFFFF  }
0xaf: {  	s7 =	sshll.u32 @!p0 s1, $0xE  }
0xb0: {  	s7 =	sor.u32 @!p0 $0x4000, s7;
	s6 =	simm.s32 @!p0 $0x1B8D  }
0xb1: {  	s5 =	sshll.u32 @!p0 s5, $0x11;
	s7 =	sadd.s32 @!p0 $0x11B8D, s7;
	_ =	swait.eq @!p0 [sflag:s6], $0x1  }
0xb2: {  	s5 =	sor.u32 @!p0 s5, s7;
	[sflag:s6] =	ssyncadd.s32 @!p0 $0xFFFFFFFF  }
0xb3: {  	s25 =	simm.s32 $0x1B8E;
	s24 =	sld [smem:$0x3FFE];
	[sflag:s5] =	ssyncadd.remote.s32 @!p0 $0x1  }
0xb4: {  	s26 =	simm.s32 $execute0_lowered;
	[smem:$0x3FD2] =	sst s25  }
0xb5: {  	s6 =	sshll.u32 s26, $0x1;
	_ =	strace $0x8000004C;
	[dreg:$0x1] =	wrdreg $0xFFFFFFFF  }
0xb6: {  	s28 =	simm.s32 $_size_execute0_lowered;
	s4 =	sadd.s32 s4, s6;
	[dreg:$0x0] =	wrdreg $0x0  }
0xb7: {  	s6 =	sshll.u32 s28, $0x1;
	[dreg:$0x2] =	wrdreg s4  }
0xb8: {  	[dreg:$0x3] =	wrdreg s6  }
0xb9: {  	[dreg:$0x4] =	wrdreg $0xC0  }
0xba: {  	_ =	task [dreg:s22], $0x5FFFF  }
0xbb: {  	[dreg:$0x1] =	wrdreg $0xFFFFFFFF  }
0xbc: {  	[dreg:$0x0] =	wrdreg $0x60  }
0xbd: {  	[dreg:$0x2] =	wrdreg s18  }
0xbe: {  	[dreg:$0x3] =	wrdreg s24  }
0xbf: {  	[dreg:$0x4] =	wrdreg $0x9  }
0xc0: {  	_ =	task.clear_ibuf [dreg:s22], $0x5FFFF;
	_ =	strace $0x9000004C  }
0xc1: {  	s29 =	simm.s32 $0x9;
	_ =	strace $0x8000004E  }
0xc2: {  	_ =	swait.ge [sflag:s29], $0x1  }
0xc3: {  	[sflag:s29] =	ssyncadd.s32 $0xFFFFFFFF  }
0xc4: {  	_ =	strace $0x9000004E  }
0xc5: {  	_ =	sfence  }
0xc6: {  	s30 =	sld [smem:$0x0];
	_ =	sdelay $0x2  }
0xc7: {  	s31 =	sshll.u32 s1, $0xD;
	s1 =	sshrl.u32 s1, $0x2  }
0xc8: {  	s4 =	sand.u32 $0x4000, s31;
	s1 =	sadd.s32 s1, s30  }
0xc9: {  	s0 =	sor.u32 s4, s0;
	s1 =	sshll.u32 s1, $0x11  }
0xca: {  	s0 =	sor.u32 s1, s0  }
0xcb: {  	s0 =	sadd.s32 $0x8F2B, s0  }
0xcc: {  	[sflag:s0] =	ssyncadd.remote.s32 $0x1  }
0xcd: {  	_ =	sfence.sel $0xFFFF  }
0xce: {  	[dreg:$0x0] =	wrdreg $0xFFFFFFFF;
	(pc) =	sbr.abs _section_cstart, $3  }
0xcf: {  	[dreg:$0x1] =	wrdreg $0xFFFFFFFF  }
0xd0: {  	_ =	task.clear_ibuf [dreg:s22], $0x2FFFF;
	_ =	strace $0x9FFFFFFF  }
0xd1: {  	(tm) =	ssettm $0x7FFFFFFF  }
tec
execute0_lowered:
.L_overlay_start_1:
0x0: {  	(tag) =	ssettag $0x1  }
0x1: {  	s2 =	rddreg [dreg:$0x0]  }
0x2: {  	s8 =	rddreg [dreg:$0x1]  }
0x3: {  	s0 =	rddreg [dreg:$0x2];
	s1 =	stileid.u32  }
0x4: {  	s3 =	srdreg.scid;
	_ =	strace $0x8000004D;
	s4 =	simm.s32 $0x1  }
0x5: {  	s7 =	simm.s32 $0x1;
	s9 =	simm.s32 $0x1;
	s10 =	simm.s32 $0x3  }
0x6: {  	s13 =	simm.s32 $0x0;
	s5 =	sand.u32 $0x1, s3;
	s6 =	sshll.u32 s1, $0x1  }
0x7: {  	s12 =	simm.s32 $0x0;
	s3 =	sadd.s32 $0x18000, s8;
	s5 =	sor.u32 s6, s5  }
.Ltmp0:
0x8: {  	[sflag:s4] =	ssyncpa.u1 $0x0;
	p0 =	slt.u32 s5, $0x13;
	(pc) =	sbr.rel .LBB2_1-.Ltmp0, $4  }
0x9: {  	s6 =	simm.s32 $0x2;
	s7 =	simm.s32 @!p0 $0x0;
	p0 =	sne.s32 s5, $0x12  }
0xa: {  	[sflag:s6] =	ssyncpa.u1 $0x0;
	s5 =	smul.u32 $0x1900, s5;
	s9 =	simm.s32 @!p0 $0x0  }
0xb: {  	s8 =	sadd.s32 $0x35A00, s8;
	[sflag:s10] =	ssyncpa.u1 $0x0;
	s7 =	sadd.s32 s9, s7  }
0xc: {  	vm0 =	vmmov $0xffff;
	v0 =	vlaneseq.u32;
	s10 =	simm.s32 $0x0;
	s11 =	smov.u32 s5;
	s9 =	sadd.s32 $0x1, s7  }
.LBB2_4:
0xd: {  	_ =	sdelay $0x3  }
0xe: {  	[tilespmem:s22], [sflag:$0x1] =	stream.indirect_vreg.gather [hbm4b:s2+s10], $0x1, v1, vm0, $0x4038;
	[tilespmem:$0xFA00] =	vst v63  }
0xf: {  	s15 =	sadd.s32 s19, s15  }
0x10: {  	v1 =	vld.msk [tilespmem:s15+$0x0 ss:$0x1], $0xffff;
	_ =	sdelay $0x4  }
0x11: {  	vm1 =	vgt.s32 v1, $0x0  }
0x12: {  	p0 =	sgt.s32 s18, $0x0;
	v1 =	vnsel vm1, $0x0, v1  }
0x13: {  	s18 =	simm.s32 @!p0 $0x0;
	v1 =	vmin.u32 v1, $0x4E1FF  }
0x14: {  	s25 =	smin.u32 s18, $0x10;
	v2 =	vshll.u32 v1, $0x2  }
0x15: {  	v3 =	vmov s25;
	v1 =	vand.u32 $0x7F, v1;
	v2 =	vand.u32 $0x1FFE00, v2  }
0x16: {  	vm1 =	vgt.u32 v3, v0;
	v1 =	vor.u32 v1, v2  }
0x17: {  	v2 =	vnsel vm1, $0x7FFFFFFF, v1;
	_ =	sdelay $0x1  }
0x18: {  	s26 =	sand.u32 $0x7E00, s16;
	v3 =	vor.u32 $0x80, v1  }
0x19: {  	s28 =	sand.u32 $0x70, s17;
	(ifvalue) =	ssetifvalue $0x7FFFFFFF;
	s15 =	sadd.s32 s26, s14;
	v3 =	vnsel vm1, $0x7FFFFFFF, v3  }
0x1a: {  	s15 =	sadd.s32 s28, s15;
	(ifvalue) =	ssetifvalue $0x7FFFFFFF  }
0x1b: {  	v4 =	vor.u32 $0x100, v1;
	[tilespmem:s15], [sflag:$0x1] =	stream.indirect_vreg.gather [hbm4b:s2+s10], $0x1, v2, vm0, $0x4038;
	[tilespmem:$0xFA00] =	vst v63  }
0x1c: {  	(ifvalue) =	ssetifvalue $0x7FFFFFFF;
	v2 =	vnsel vm1, $0x7FFFFFFF, v4  }
0x1d: {  	s16 =	sadd.s32 $0x80, s15;
	(ifvalue) =	ssetifvalue $0x7FFFFFFF  }
0x1e: {  	v1 =	vor.u32 $0x180, v1;
	[tilespmem:s16], [sflag:$0x1] =	stream.indirect_vreg.gather [hbm4b:s2+s10], $0x1, v3, vm0, $0x4038;
	[tilespmem:$0xFA00] =	vst v63  }
0x1f: {  	v1 =	vnsel vm1, $0x7FFFFFFF, v1;
	(ifvalue) =	ssetifvalue $0x7FFFFFFF  }
0x20: {  	s29 =	sadd.s32 $0x100, s15;
	(ifvalue) =	ssetifvalue $0x7FFFFFFF  }
0x21: {  	[tilespmem:s29], [sflag:$0x1] =	stream.indirect_vreg.gather [hbm4b:s2+s10], $0x1, v2, vm0, $0x4038;
	[tilespmem:$0xFA00] =	vst v63  }
0x22: {  	(ifvalue) =	ssetifvalue $0x7FFFFFFF  }
0x23: {  	s30 =	sshll.u32 s13, $0x2;
	s15 =	sadd.s32 $0x180, s15;
	(ifvalue) =	ssetifvalue $0x7FFFFFFF  }
0x24: {  	[tilespmem:s15], [sflag:$0x1] =	stream.indirect_vreg.gather [hbm4b:s2+s10], $0x1, v1, vm0, $0x4038;
	[tilespmem:$0xFA00] =	vst v63  }
0x25: {  	s31 =	sand.u32 $0x78, s13;
	s15 =	sand.u32 $0xFFFFFE00, s30  }
0x26: {  	_ =	swait.ge [sflag:s4], $0x6400;
	s13 =	sor.u32 s31, s15  }
0x27: {  	[sflag:s4] =	ssyncset.done $0x0;
	s13 =	sshrl.u32 s13, $0x3  }
0x28: {  	[sflag:s4] =	ssyncadd.s32 $0xFFFF9C00;
	s13 =	sadd.s32 s8, s13  }
0x29: {  	[hbm:s13] =	stream.linear.scatter [tilespmem:s14], [sflag:$0x3], $0x6400, $0x38;
	[tilespmem:$0xFA00] =	vst v63  }
.LBB2_5:
0x2a: {  	s15 =	sadd.s32 $0x32000, s11  }
0x2b: {  	p1 =	sgt.s32 s15, $0x4E1FF  }
0x2c: {  	s15 =	smov.u32 @p1 s5;
	p1 =	sne.s32 s12, s9  }
.Ltmp1:
0x2d: {  	p0 =	slt.u32 s12, $0x2;
	(pc) =	sbr.rel @!p1 .LBB2_6-.Ltmp1, $4  }
0x2e: {  	s14 =	simm.s32 @!p0 $0x3  }
0x2f: {  	_ =	swait.ge @!p0 [sflag:s14], $0x6400  }
0x30: {  	s16 =	sadd.s32 $0x1, s12;
	s13 =	smov.u32 s11;
	[sflag:s14] =	ssyncset.done @!p0 $0x0  }
0x31: {  	s12 =	smov.u32 s16;
	s11 =	smov.u32 s15;
	[sflag:s14] =	ssyncadd.s32 @!p0 $0xFFFF9C00  }
.LBB2_1:
0x32: {  	p0 =	sge.u32 s12, s7  }
0x33: {  	s14 =	sxor.u32 @!p0 $0x1, s12  }
0x34: {  	s14 =	smul.u32 @!p0 $0x6400, s14  }
0x35: {  	s31 =	sadd.s32 $0xFFFFFFFF, s12;
	s15 =	sshrl.u32 @!p0 s11, $0x3  }
0x36: {  	s16 =	sand.u32 @!p0 $0x7, s11;
	s15 =	sadd.s32 @!p0 s3, s15;
	s14 =	sshra.s32 @!p0 s14, $0x2  }
0x37: {  	[tilespmem:s14], [sflag:$0x2] =	stream.linear.gather @!p0 [hbm4b:s15+s16], $0x1900, $0x38;
	[tilespmem:$0xFA00] =	vst v63  }
0x38: {  	p0 =	sge.u32 s31, s7  }
.Ltmp2:
0x39: {  	_ = 	snop;
	(pc) =	sbr.rel @p0 .LBB2_5-.Ltmp2, $1  }
0x3a: {  	_ =	sdelay $0x3  }
0x3b: {  	s14 =	sand.u32 $0x1, s12  }
0x3c: {  	p0 =	seq.s32 s14, $0x1;
	s14 =	simm.s32 $0x6400  }
0x3d: {  	_ =	swait.ge [sflag:s6], $0x1900;
	s14 =	simm.s32 @!p0 $0x0  }
0x3e: {  	[sflag:s6] =	ssyncset.done $0x0;
	s15 =	sshrl.u32 s14, $0x2  }
0x3f: {  	[sflag:s6] =	ssyncadd.s32 $0xFFFFE700;
	s16 =	sadd.s32 $0x0, s15  }
0x40: {  	v1 =	vld.msk [tilespmem:s16+$0x0 ss:$0x1], $0xffff;
	_ =	sdelay $0x2  }
0x41: {  	s17 =	ssub.s32 $0x4E200, s13  }
0x42: {  	p0 =	slt.s32 s17, $0x1900  }
0x43: {  	s17 =	simm.s32 @!p0 $0x1900;
	vm1 =	vgt.s32 v1, $0x0  }
0x44: {  	p0 =	sgt.s32 s17, $0x0;
	s16 =	smov.u32 s17;
	v1 =	vnsel vm1, $0x0, v1  }
0x45: {  	s16 =	simm.s32 @!p0 $0x0;
	v1 =	vmin.u32 v1, $0x4E1FF  }
0x46: {  	s16 =	smin.u32 s16, $0x10;
	v2 =	vshll.u32 v1, $0x2  }
0x47: {  	v3 =	vmov s16;
	v1 =	vand.u32 $0x7F, v1;
	v2 =	vand.u32 $0x1FFE00, v2  }
0x48: {  	vm1 =	vgt.u32 v3, v0;
	v1 =	vor.u32 v1, v2  }
0x49: {  	v2 =	vnsel vm1, $0x7FFFFFFF, v1  }
0x4a: {  	s31 =	simm.s32 $0x0  }
0x4b: {  	s18 =	sand.u32 $0x7E00, s31;
	s14 =	sadd.s32 $0x3200, s14;
	v3 =	vor.u32 $0x80, v1  }
0x4c: {  	s18 =	sadd.s32 s18, s14;
	(ifvalue) =	ssetifvalue $0x7FFFFFFF;
	s16 =	sand.u32 $0x70, s31;
	v3 =	vnsel vm1, $0x7FFFFFFF, v3  }
0x4d: {  	(ifvalue) =	ssetifvalue $0x7FFFFFFF;
	s20 =	sadd.s32 s16, s18  }
0x4e: {  	v4 =	vor.u32 $0x100, v1;
	[tilespmem:s20], [sflag:$0x1] =	stream.indirect_vreg.gather [hbm4b:s2+s10], $0x1, v2, vm0, $0x4038;
	[tilespmem:$0xFA00] =	vst v63  }
0x4f: {  	(ifvalue) =	ssetifvalue $0x7FFFFFFF;
	v2 =	vnsel vm1, $0x7FFFFFFF, v4  }
0x50: {  	s16 =	sadd.s32 $0x80, s20;
	(ifvalue) =	ssetifvalue $0x7FFFFFFF  }
0x51: {  	v1 =	vor.u32 $0x180, v1;
	[tilespmem:s16], [sflag:$0x1] =	stream.indirect_vreg.gather [hbm4b:s2+s10], $0x1, v3, vm0, $0x4038;
	[tilespmem:$0xFA00] =	vst v63  }
0x52: {  	s19 =	simm.s32 $0x10;
	v1 =	vnsel vm1, $0x7FFFFFFF, v1;
	(ifvalue) =	ssetifvalue $0x7FFFFFFF  }
0x53: {  	s21 =	simm.s32 $0x80;
	s18 =	sadd.s32 $0x100, s20;
	(ifvalue) =	ssetifvalue $0x7FFFFFFF  }
0x54: {  	[tilespmem:s18], [sflag:$0x1] =	stream.indirect_vreg.gather [hbm4b:s2+s10], $0x1, v2, vm0, $0x4038;
	[tilespmem:$0xFA00] =	vst v63  }
0x55: {  	s22 =	sadd.s32 $0x180, s20;
	s16 =	simm.s32 $0x40;
	(ifvalue) =	ssetifvalue $0x7FFFFFFF  }
0x56: {  	s18 =	sadd.s32 $0xFFFFFFF0, s17;
	s17 =	simm.s32 $0x10;
	(ifvalue) =	ssetifvalue $0x7FFFFFFF  }
.LBB2_3:
0x57: {  	[tilespmem:s22], [sflag:$0x1] =	stream.indirect_vreg.gather [hbm4b:s2+s10], $0x1, v1, vm0, $0x4038;
	[tilespmem:$0xFA00] =	vst v63  }
0x58: {  	s22 =	smov.u32 s21  }
0x59: {  	s20 =	sadd.s32 $0x40, s21;
	s23 =	sadd.s32 s19, s15;
	s19 =	sshra.s32 s22, $0x2  }
0x5a: {  	p0 =	sne.s32 s21, $0x63C0;
	v1 =	vld.msk [tilespmem:s23+$0x0 ss:$0x1], $0xffff  }
0x5b: {  	(ifvalue) =	ssetifvalue $0x7FFFFFFF;
	_ =	sdelay $0x4  }
0x5c: {  	vm1 =	vgt.s32 v1, $0x0  }
0x5d: {  	p1 =	sgt.s32 s18, $0x0;
	s21 =	smov.u32 s18;
	v1 =	vnsel vm1, $0x0, v1  }
0x5e: {  	s21 =	simm.s32 @!p1 $0x0;
	v1 =	vmin.u32 v1, $0x4E1FF  }
0x5f: {  	s21 =	smin.u32 s21, $0x10;
	v2 =	vshll.u32 v1, $0x2  }
0x60: {  	v3 =	vmov s21;
	v1 =	vand.u32 $0x7F, v1;
	v2 =	vand.u32 $0x1FFE00, v2  }
0x61: {  	vm1 =	vgt.u32 v3, v0;
	v1 =	vor.u32 v1, v2  }
0x62: {  	v2 =	vnsel vm1, $0x7FFFFFFF, v1;
	v3 =	vor.u32 $0x80, v1;
	v4 =	vor.u32 $0x100, v1  }
0x63: {  	v1 =	vor.u32 $0x180, v1  }
0x64: {  	s21 =	sand.u32 $0x7E00, s16;
	s16 =	smov.u32 s22  }
0x65: {  	s22 =	sand.u32 $0x70, s17;
	s21 =	sadd.s32 s21, s14;
	v3 =	vnsel vm1, $0x7FFFFFFF, v3  }
0x66: {  	s21 =	sadd.s32 s22, s21;
	(ifvalue) =	ssetifvalue $0x7FFFFFFF  }
0x67: {  	[tilespmem:s21], [sflag:$0x1] =	stream.indirect_vreg.gather [hbm4b:s2+s10], $0x1, v2, vm0, $0x4038;
	[tilespmem:$0xFA00] =	vst v63  }
0x68: {  	v2 =	vnsel vm1, $0x7FFFFFFF, v4;
	(ifvalue) =	ssetifvalue $0x7FFFFFFF  }
0x69: {  	s22 =	sadd.s32 $0x80, s21;
	(ifvalue) =	ssetifvalue $0x7FFFFFFF  }
0x6a: {  	[tilespmem:s22], [sflag:$0x1] =	stream.indirect_vreg.gather [hbm4b:s2+s10], $0x1, v3, vm0, $0x4038;
	[tilespmem:$0xFA00] =	vst v63  }
.Ltmp3:
0x6b: {  	v1 =	vnsel vm1, $0x7FFFFFFF, v1;
	(ifvalue) =	ssetifvalue $0x7FFFFFFF;
	(pc) =	sbr.rel @p0 .LBB2_3-.Ltmp3, $4  }
0x6c: {  	s22 =	sadd.s32 $0x100, s21;
	(ifvalue) =	ssetifvalue $0x7FFFFFFF  }
0x6d: {  	[tilespmem:s22], [sflag:$0x1] =	stream.indirect_vreg.gather [hbm4b:s2+s10], $0x1, v2, vm0, $0x4038;
	[tilespmem:$0xFA00] =	vst v63  }
0x6e: {  	s18 =	sadd.s32 $0xFFFFFFF0, s18;
	s17 =	sadd.s32 $0x10, s17;
	(ifvalue) =	ssetifvalue $0x7FFFFFFF  }
0x6f: {  	s22 =	sadd.s32 $0x180, s21;
	s21 =	smov.u32 s20;
	(ifvalue) =	ssetifvalue $0x7FFFFFFF  }
.Ltmp4:
0x70: {  	_ = 	snop;
	(pc) =	sbr.rel .LBB2_4-.Ltmp4, $1  }
0x71: {  	_ =	sdelay $0x3  }
.LBB2_6:
0x72: {  	_ =	sfence.sel $0x180000  }
0x73: {  	s2 =	simm.s32 $0x2;
	[bflag:$0x0] =	sbarrier.arrive $0xFFFF  }
0x74: {  	s30 =	simm.s32 $0x3;
	[sflag:s2] =	ssyncpa.u1 $0x1  }
0x75: {  	s31 =	simm.s32 $0x1;
	[sflag:s30] =	ssyncpa.u1 $0x1  }
0x76: {  	[sflag:s31] =	ssyncpa.u1 $0x1  }
0x77: {  	p0 =	sne.s32 s1, $0x0;
	_ =	strace $0x9000004D  }
0x78: {  	s0 =	sadd.s32 @!p0 $0x100000, s0;
	[bflag:$0x2] =	sbarrier.arrive $0xFFFF  }
0x79: {  	[sflag:s0] =	ssyncadd.tile.s32 @!p0 $0x1;
	_ =	shalt  }
.Lfunc_end2:
_tile_overlayer_lowered:
.L_overlay_start_2:
0x7a: {  	(tag) =	ssettag $0x2  }
0x7b: {  	s0 =	rddreg [dreg:$0x0];
	s2 =	stileid.u32  }
0x7c: {  	s1 =	rddreg [dreg:$0x1];
	p0 =	sne.s32 s2, $0x0  }
0x7d: {  	s3 =	rddreg [dreg:$0x2];
	[bflag:$0x3] =	sbarrier.arrive $0xFFFF;
	s2 =	simm.s32 @!p0 $0x1C01  }
0x7e: {  	[timem:s3], [sflag:s2] =	dma.local @!p0 [hbm:s0], s1  }
0x7f: {  	s0 =	simm.s32 @!p0 $0x1  }
0x80: {  	_ =	swait.ge @!p0 [sflag:s0], s1  }
0x81: {  	s1 =	ssub.s32 @!p0 $0x0, s1;
	[sflag:s0] =	ssyncset.done @!p0 $0x0  }
0x82: {  	[sflag:s0] =	ssyncadd.s32 @!p0 s1  }
0x83: {  	[bflag:$0x3] =	sbarrier.arrive $0xFFFF  }
0x84: {  	_ =	shalt  }

// kernel: gather_offload_async_start
scs
__scs_entry_jumppad:
0x0: {  	(pc) =	sbr.rel $0x88, $3  }
0x1: {  	(tag) =	ssettag $0x0;
	lr =	simm.s32 $0x1  }
0x2: {  	[smem:$0x3F81] =	sst lr;
	_ =	strace $0xD0000000  }
0x3: {  	_ = 	snop  }
0x4: {  	_ = 	snop  }
0x5: {  	_ = 	snop  }
0x6: {  	_ = 	snop  }
0x7: {  	_ = 	snop  }
__scs_overlays_trampoline_lowered:
0x8: {  	[smem:$0x3F90] =	sst s0  }
0x9: {  	[smem:$0x3F91] =	sst s1  }
0xa: {  	[smem:$0x3F92] =	sst s2  }
0xb: {  	[smem:$0x3F93] =	sst s3  }
0xc: {  	[smem:$0x3F94] =	sst s4  }
0xd: {  	[smem:$0x3F95] =	sst s5  }
0xe: {  	[smem:$0x3F96] =	sst s6  }
0xf: {  	[smem:$0x3F97] =	sst s7  }
0x10: {  	[smem:$0x3F98] =	sst s8  }
0x11: {  	[smem:$0x3F99] =	sst s9;
	s0 =	simm.s32 @!p0 $0x0  }
0x12: {  	s1 =	sld [smem:$0x3F7F];
	s0 =	simm.s32 @p0 $0x1  }
0x13: {  	[smem:$0x3F9A] =	sst s0;
	s0 =	simm.s32 @!p1 $0x0  }
0x14: {  	s2 =	sld [smem:$0x3F7E];
	s0 =	simm.s32 @p1 $0x1  }
0x15: {  	[smem:$0x3F9B] =	sst s0;
	s0 =	simm.s32 @!p2 $0x0  }
0x16: {  	s3 =	sld [smem:$0x3FDB];
	s0 =	simm.s32 @p2 $0x1  }
0x17: {  	s4 =	simm.s32 $0x1BF5;
	[smem:$0x3F9D] =	sst s0  }
0x18: {  	s0 =	sld [smem:$0x3F80];
	_ =	swait.ge [sflag:s4], $0x0  }
0x19: {  	s7 =	sld [smem:$0x3F81]  }
0x1a: {  	s8 =	sadd.s32 $0xFFFFE003, lr  }
0x1b: {  	s9 =	sadd.s32 $0xFFFFFEF7, lr;
	s5 =	simm.s32 $0xFFFFFFFF;
	p2 =	slt.u32 s8, $0xFFFFF086  }
0x1c: {  	p1 =	slt.u32 s9, $0xF7A;
	s5 =	simm.s32 @!p2 $0x0  }
0x1d: {  	s5 =	simm.s32 @p1 $0x1;
	p0 =	seq.s32 s7, s2  }
0x1e: {  	s7 =	smul.u32 @!p0 $0xF7A, s2;
	p2 =	seq.s32 @!p0 s5, $0x0  }
0x1f: {  	s9 =	smul.u32 $0xF7A, s1;
	s8 =	simm.s32 @!p0 $0x1BF5;
	p2 =	por !p2, p0  }
0x20: {  	[sflag:s8] =	ssyncset.s32 @!p0 $0xFFFFF086;
	s6 =	sadd.s32 @!p0 s3, s7;
	s7 =	simm.s32 @!p0 $0x108  }
0x21: {  	s3 =	sadd.s32 s3, s9;
	s6 =	sadd.s32 @!p0 $0x88, s6;
	s7 =	simm.s32 @p2 $0x1082  }
0x22: {  	[simem:s7], [sflag:s8] =	dma.local @!p0 [hbm:s6], $0xF7A  }
0x23: {  	s9 =	sor.u32 $0xD0000000, s2;
	s6 =	simm.s32 $0x108;
	_ =	swait.ge @!p0 [sflag:s8], $0x0  }
0x24: {  	s3 =	sadd.s32 $0x88, s3;
	s6 =	simm.s32 @!p1 $0x1082;
	[sflag:s4] =	ssyncset.s32 $0xFFFFF086  }
0x25: {  	[simem:s6], [sflag:s4] =	dma.local [hbm:s3], $0xF7A  }
0x26: {  	[smem:$0x3F81] =	sst s1;
	(tag) =	ssettag s2;
	_ =	strace s9  }
0x27: {  	s1 =	sld [smem:$0x3F91]  }
0x28: {  	s2 =	sld [smem:$0x3F92]  }
0x29: {  	s4 =	sld [smem:$0x3F94]  }
0x2a: {  	p0 =	seq.s32 s5, $0x0;
	s5 =	sld [smem:$0x3F95]  }
0x2b: {  	s6 =	sld [smem:$0x3F96]  }
0x2c: {  	s7 =	sld [smem:$0x3F97]  }
0x2d: {  	s3 =	simm.s32 $0x108;
	s8 =	sld [smem:$0x3F98]  }
0x2e: {  	s3 =	simm.s32 @!p0 $0x1082;
	s9 =	sld [smem:$0x3F99]  }
0x2f: {  	lr =	sadd.s32 s0, s3;
	s0 =	sld [smem:$0x3F90]  }
0x30: {  	s3 =	sld [smem:$0x3F93]  }
0x31: {  	[smem:$0x3F9C] =	sst s10  }
0x32: {  	s10 =	sld [smem:$0x3F9A];
	_ =	sdelay $0x3  }
0x33: {  	p0 =	seq.s32 s10, $0x1;
	s10 =	sld [smem:$0x3F9C];
	_ =	sdelay $0x3  }
0x34: {  	[smem:$0x3F9C] =	sst s10  }
0x35: {  	s10 =	sld [smem:$0x3F9B];
	_ =	sdelay $0x3  }
0x36: {  	p1 =	seq.s32 s10, $0x1;
	s10 =	sld [smem:$0x3F9C];
	_ =	sdelay $0x3  }
0x37: {  	[smem:$0x3F9C] =	sst s10  }
0x38: {  	s10 =	sld [smem:$0x3F9D]  }
0x39: {  	_ = 	snop;
	(pc) =	sbr.ind lr, $3  }
0x3a: {  	_ = 	snop  }
0x3b: {  	_ = 	snop  }
0x3c: {  	p2 =	seq.s32 s10, $0x1;
	s10 =	sld [smem:$0x3F9C]  }
0x3d: {  	_ =	shalt  }
0x3e: {  	_ =	shalt  }
0x3f: {  	_ =	shalt  }
0x40: {  	_ =	shalt  }
0x41: {  	_ =	shalt  }
0x42: {  	_ =	shalt  }
0x43: {  	_ =	shalt  }
0x44: {  	_ =	shalt  }
0x45: {  	_ =	shalt  }
0x46: {  	_ =	shalt  }
0x47: {  	_ =	shalt  }
0x48: {  	_ =	shalt  }
0x49: {  	_ =	shalt  }
0x4a: {  	_ =	shalt  }
0x4b: {  	_ =	shalt  }
0x4c: {  	_ =	shalt  }
0x4d: {  	_ =	shalt  }
0x4e: {  	_ =	shalt  }
0x4f: {  	_ =	shalt  }
0x50: {  	_ =	shalt  }
0x51: {  	_ =	shalt  }
0x52: {  	_ =	shalt  }
0x53: {  	_ =	shalt  }
0x54: {  	_ =	shalt  }
0x55: {  	_ =	shalt  }
0x56: {  	_ =	shalt  }
0x57: {  	_ =	shalt  }
0x58: {  	_ =	shalt  }
0x59: {  	_ =	shalt  }
0x5a: {  	_ =	shalt  }
0x5b: {  	_ =	shalt  }
0x5c: {  	_ =	shalt  }
0x5d: {  	_ =	shalt  }
0x5e: {  	_ =	shalt  }
0x5f: {  	_ =	shalt  }
0x60: {  	_ =	shalt  }
0x61: {  	_ =	shalt  }
0x62: {  	_ =	shalt  }
0x63: {  	_ =	shalt  }
0x64: {  	_ =	shalt  }
0x65: {  	_ =	shalt  }
0x66: {  	_ =	shalt  }
0x67: {  	_ =	shalt  }
0x68: {  	_ =	shalt  }
0x69: {  	_ =	shalt  }
0x6a: {  	_ =	shalt  }
0x6b: {  	_ =	shalt  }
0x6c: {  	_ =	shalt  }
0x6d: {  	_ =	shalt  }
0x6e: {  	_ =	shalt  }
0x6f: {  	_ =	shalt  }
0x70: {  	_ =	shalt  }
0x71: {  	_ =	shalt  }
0x72: {  	_ =	shalt  }
0x73: {  	_ =	shalt  }
0x74: {  	_ =	shalt  }
0x75: {  	_ =	shalt  }
0x76: {  	_ =	shalt  }
0x77: {  	_ =	shalt  }
0x78: {  	_ =	shalt  }
0x79: {  	_ =	shalt  }
0x7a: {  	_ =	shalt  }
0x7b: {  	_ =	shalt  }
0x7c: {  	_ =	shalt  }
0x7d: {  	_ =	shalt  }
0x7e: {  	_ =	shalt  }
0x7f: {  	_ =	shalt  }
0x80: {  	_ =	shalt  }
0x81: {  	_ =	shalt  }
0x82: {  	_ =	shalt  }
0x83: {  	_ =	shalt  }
0x84: {  	_ =	shalt  }
0x85: {  	_ =	shalt  }
0x86: {  	_ =	shalt  }
0x87: {  	_ =	shalt  }
.Lfunc_end0:
.L_simem_size_0:
called_computation_lowered:
.L_overlay_start_0:
0x88: {  	s2 =	sld [smem:$0x3FD9]  }
0x89: {  	s3 =	sld [smem:$0x3FFE];
	_ =	sdelay $0x1  }
0x8a: {  	s1 =	srdreg.scid  }
0x8b: {  	s0 =	sand.u32 $0x1, s1  }
0x8c: {  	s17 =	sshll.u32 s0, $0xA;
	s2 =	sadd.s32 s3, s2  }
0x8d: {  	s2 =	sadd.s32 s2, s17  }
0x8e: {  	[smem:$0x3FA8] =	sst s2  }
0x8f: {  	_ = 	snop  }
0x90: {  	(tm) =	ssettm $0x1  }
0x91: {  	s18 =	sld [smem:$0x3FFB];
	_ =	sdelay $0x3  }
0x92: {  	_ =	strace s18  }
0x93: {  	s2 =	sld [smem:$0x3FFC];
	_ =	sdelay $0x3  }
0x94: {  	_ =	strace s2  }
0x95: {  	s2 =	sld [smem:$0x3FFD];
	_ =	sdelay $0x3  }
0x96: {  	_ =	strace s2  }
0x97: {  	_ =	strace $0x8FFFFFFF  }
0x98: {  	s19 =	sld [smem:$0x3FDB];
	_ =	sdelay $0x1  }
0x99: {  	s20 =	simm.s32 $_scs_section_size  }
0x9a: {  	s4 =	simm.s32 $_size__tile_overlayer_lowered;
	s5 =	simm.s32 $_tile_overlayer_lowered  }
0x9b: {  	s6 =	simm.s32 $0x1BFF;
	s21 =	sshll.u32 s5, $0x1;
	s3 =	sadd.s32 s20, s19  }
0x9c: {  	s22 =	simm.s32 $0x0;
	s4 =	sshll.u32 s4, $0x1;
	s5 =	sadd.s32 s21, s3  }
0x9d: {  	[timem:s22], [sflag:s6] =	dma.local [hbm:s5], s4  }
0x9e: {  	_ =	swait.ge [sflag:s6], s4  }
0x9f: {  	s4 =	ssub.s32 $0x0, s4;
	[sflag:s6] =	ssyncset.done $0x0  }
0xa0: {  	[sflag:s6] =	ssyncadd.s32 s4;
	_ =	sdelay $0x1  }
0xa1: {  	s23 =	simm.s32 $0x1B8B  }
0xa2: {  	_ =	swait.ge [sflag:s23], $0x1  }
0xa3: {  	[sflag:s23] =	ssyncset.done $0x0  }
0xa4: {  	[sflag:s23] =	ssyncadd.s32 $0xFFFFFFFF  }
0xa5: {  	s4 =	sld [smem:$0x0]  }
0xa6: {  	s5 =	sand.u32 $0xFFFFFFFE, s1  }
0xa7: {  	p0 =	sne.s32 s1, s5  }
0xa8: {  	s5 =	sshll.u32 @p0 s5, $0xE  }
0xa9: {  	s5 =	sadd.s32 @p0 $0x11B8D, s5;
	s6 =	sshll.u32 @p0 s4, $0x11  }
0xaa: {  	s5 =	sor.u32 @p0 s6, s5  }
0xab: {  	[sflag:s5] =	ssyncadd.remote.s32 @p0 $0x1;
	_ =	sdelay $0x1  }
0xac: {  	s5 =	simm.s32 @p0 $0x1B8D  }
0xad: {  	_ =	swait.eq @p0 [sflag:s5], $0x1  }
0xae: {  	[sflag:s5] =	ssyncadd.s32 @p0 $0xFFFFFFFF  }
0xaf: {  	s6 =	sshll.u32 @!p0 s1, $0xE  }
0xb0: {  	s6 =	sor.u32 @!p0 $0x4000, s6;
	s5 =	simm.s32 @!p0 $0x1B8D  }
0xb1: {  	s4 =	sshll.u32 @!p0 s4, $0x11;
	s6 =	sadd.s32 @!p0 $0x11B8D, s6;
	_ =	swait.eq @!p0 [sflag:s5], $0x1  }
0xb2: {  	s4 =	sor.u32 @!p0 s4, s6;
	[sflag:s5] =	ssyncadd.s32 @!p0 $0xFFFFFFFF  }
0xb3: {  	s25 =	simm.s32 $0x1B8E;
	s24 =	sld [smem:$0x3FFE];
	[sflag:s4] =	ssyncadd.remote.s32 @!p0 $0x1  }
0xb4: {  	s26 =	simm.s32 $execute0_lowered;
	[smem:$0x3FD2] =	sst s25  }
0xb5: {  	s5 =	sshll.u32 s26, $0x1;
	_ =	strace $0x80000049;
	[dreg:$0x1] =	wrdreg $0xFFFFFFFF  }
0xb6: {  	s28 =	simm.s32 $_size_execute0_lowered;
	s3 =	sadd.s32 s3, s5;
	[dreg:$0x0] =	wrdreg $0x0  }
0xb7: {  	s5 =	sshll.u32 s28, $0x1;
	[dreg:$0x2] =	wrdreg s3  }
0xb8: {  	[dreg:$0x3] =	wrdreg s5  }
0xb9: {  	[dreg:$0x4] =	wrdreg $0xC0  }
0xba: {  	_ =	task [dreg:s22], $0x5FFFF  }
0xbb: {  	[dreg:$0x1] =	wrdreg $0xFFFFFFFF  }
0xbc: {  	[dreg:$0x0] =	wrdreg $0x60  }
0xbd: {  	[dreg:$0x2] =	wrdreg s24  }
0xbe: {  	[dreg:$0x3] =	wrdreg $0xA  }
0xbf: {  	_ =	task.clear_ibuf [dreg:s22], $0x4FFFF;
	_ =	strace $0x90000049  }
0xc0: {  	s29 =	simm.s32 $0xA;
	_ =	strace $0x8000004B  }
0xc1: {  	_ =	swait.ge [sflag:s29], $0x1  }
0xc2: {  	[sflag:s29] =	ssyncadd.s32 $0xFFFFFFFF  }
0xc3: {  	_ =	strace $0x9000004B  }
0xc4: {  	_ =	sfence  }
0xc5: {  	s30 =	sld [smem:$0x0];
	_ =	sdelay $0x2  }
0xc6: {  	s31 =	sshll.u32 s1, $0xD;
	s1 =	sshrl.u32 s1, $0x2  }
0xc7: {  	s4 =	sand.u32 $0x4000, s31;
	s1 =	sadd.s32 s1, s30  }
0xc8: {  	s0 =	sor.u32 s4, s0;
	s1 =	sshll.u32 s1, $0x11  }
0xc9: {  	s0 =	sor.u32 s1, s0  }
0xca: {  	s0 =	sadd.s32 $0x8F2B, s0  }
0xcb: {  	[sflag:s0] =	ssyncadd.remote.s32 $0x1  }
0xcc: {  	_ =	sfence.sel $0xFFFF  }
0xcd: {  	[dreg:$0x0] =	wrdreg $0xFFFFFFFF;
	(pc) =	sbr.abs _section_cstart, $3  }
0xce: {  	[dreg:$0x1] =	wrdreg $0xFFFFFFFF  }
0xcf: {  	_ =	task.clear_ibuf [dreg:s22], $0x2FFFF;
	_ =	strace $0x9FFFFFFF  }
0xd0: {  	(tm) =	ssettm $0x7FFFFFFF  }
0xd1: {  	_ =	shalt  }
tec
execute0_lowered:
.L_overlay_start_1:
0x0: {  	(tag) =	ssettag $0x1  }
0x1: {  	s8 =	rddreg [dreg:$0x0]  }
0x2: {  	s0 =	rddreg [dreg:$0x1];
	_ =	strace $0x8000004A;
	s1 =	stileid.u32  }
0x3: {  	s3 =	srdreg.scid;
	s4 =	simm.s32 $0x1;
	s7 =	simm.s32 $0x1  }
0x4: {  	s9 =	simm.s32 $0x1;
	s10 =	simm.s32 $0x3;
	s13 =	simm.s32 $0x0  }
0x5: {  	s12 =	simm.s32 $0x0;
	s5 =	sand.u32 $0x1, s3;
	s6 =	sshll.u32 s1, $0x1  }
0x6: {  	s2 =	sadd.s32 $0x4400, s8;
	s3 =	sadd.s32 $0x18000, s8;
	s5 =	sor.u32 s6, s5  }
.Ltmp0:
0x7: {  	[sflag:s4] =	ssyncpa.u1 $0x0;
	p0 =	slt.u32 s5, $0x9;
	(pc) =	sbr.rel .LBB2_1-.Ltmp0, $4  }
0x8: {  	s6 =	simm.s32 $0x2;
	s7 =	simm.s32 @!p0 $0x0;
	p0 =	sne.s32 s5, $0x8  }
0x9: {  	[sflag:s6] =	ssyncpa.u1 $0x0;
	s5 =	smul.u32 $0x1F40, s5;
	s9 =	simm.s32 @!p0 $0x0  }
0xa: {  	s8 =	sadd.s32 $0x2BC00, s8;
	[sflag:s10] =	ssyncpa.u1 $0x0;
	s7 =	sadd.s32 s9, s7  }
0xb: {  	vm0 =	vmmov $0xffff;
	s10 =	simm.s32 $0x0;
	s11 =	smov.u32 s5;
	s9 =	sadd.s32 $0x1, s7  }
.LBB2_4:
0xc: {  	v2 =	vnsel vm1, $0x0, v2  }
0xd: {  	vm1 =	vgt.s32 v0, $0x0;
	v2 =	vmin.u32 v2, $0x4E1FF  }
0xe: {  	v0 =	vnsel vm1, $0x0, v0  }
0xf: {  	v0 =	vmin.u32 v0, $0x4E1FF  }
0x10: {  	[tilespmem:s18], [sflag:$0x1] =	stream.indirect_vreg.gather [hbm4b:s2+s10], $0x1, v1, vm0, $0x4038;
	[tilespmem:$0x7D00] =	vst v63  }
0x11: {  	(ifvalue) =	ssetifvalue $0x7FFFFFFF  }
0x12: {  	[tilespmem:s15], [sflag:$0x1] =	stream.indirect_vreg.gather [hbm4b:s2+s10], $0x1, v2, vm0, $0x4038;
	[tilespmem:$0x7D00] =	vst v63  }
0x13: {  	s29 =	sadd.s32 $0x10, s15;
	(ifvalue) =	ssetifvalue $0x7FFFFFFF  }
0x14: {  	[tilespmem:s29], [sflag:$0x1] =	stream.indirect_vreg.gather [hbm4b:s2+s10], $0x1, v0, vm0, $0x4038;
	[tilespmem:$0x7D00] =	vst v63  }
0x15: {  	_ =	swait.ge [sflag:s4], $0x1F40  }
0x16: {  	s30 =	sshrl.u32 s13, $0x3;
	[sflag:s4] =	ssyncset.done $0x0  }
0x17: {  	s31 =	sand.u32 $0x7, s13;
	s15 =	sadd.s32 s8, s30;
	[sflag:s4] =	ssyncadd.s32 $0xFFFFE0C0  }
0x18: {  	[hbm4b:s15+s31] =	stream.linear.scatter [tilespmem:s14], [sflag:$0x3], $0x1F40, $0x38;
	[tilespmem:$0x7D00] =	vst v63  }
.LBB2_5:
0x19: {  	s15 =	sadd.s32 $0x3E800, s11  }
0x1a: {  	p1 =	sgt.s32 s15, $0x4E1FF  }
0x1b: {  	s15 =	smov.u32 @p1 s5;
	p1 =	sne.s32 s12, s9  }
.Ltmp1:
0x1c: {  	p0 =	slt.u32 s12, $0x2;
	(pc) =	sbr.rel @!p1 .LBB2_6-.Ltmp1, $4  }
0x1d: {  	s14 =	simm.s32 @!p0 $0x3  }
0x1e: {  	_ =	swait.ge @!p0 [sflag:s14], $0x1F40  }
0x1f: {  	s16 =	sadd.s32 $0x1, s12;
	s13 =	smov.u32 s11;
	[sflag:s14] =	ssyncset.done @!p0 $0x0  }
0x20: {  	s12 =	smov.u32 s16;
	s11 =	smov.u32 s15;
	[sflag:s14] =	ssyncadd.s32 @!p0 $0xFFFFE0C0  }
.LBB2_1:
0x21: {  	p0 =	sge.u32 s12, s7  }
0x22: {  	s14 =	sxor.u32 @!p0 $0x1, s12  }
0x23: {  	s14 =	smul.u32 @!p0 $0x7D00, s14  }
0x24: {  	s31 =	sadd.s32 $0xFFFFFFFF, s12;
	s15 =	sshrl.u32 @!p0 s11, $0x3  }
0x25: {  	s16 =	sand.u32 @!p0 $0x7, s11;
	s15 =	sadd.s32 @!p0 s3, s15;
	s14 =	sshra.s32 @!p0 s14, $0x2  }
0x26: {  	[tilespmem:s14], [sflag:$0x2] =	stream.linear.gather @!p0 [hbm4b:s15+s16], $0x1F40, $0x38;
	[tilespmem:$0x7D00] =	vst v63  }
0x27: {  	p0 =	sge.u32 s31, s7  }
.Ltmp2:
0x28: {  	_ = 	snop;
	(pc) =	sbr.rel @p0 .LBB2_5-.Ltmp2, $1  }
0x29: {  	_ =	sdelay $0x3  }
0x2a: {  	s14 =	sand.u32 $0x1, s12  }
0x2b: {  	_ =	swait.ge [sflag:s6], $0x1F40;
	p0 =	seq.s32 s14, $0x1;
	s14 =	simm.s32 $0x1F40  }
0x2c: {  	[sflag:s6] =	ssyncset.done $0x0;
	s14 =	simm.s32 @!p0 $0x0  }
0x2d: {  	[sflag:s6] =	ssyncadd.s32 $0xFFFFE0C0;
	(ifvalue) =	ssetifvalue $0x7FFFFFFF;
	v0 =	vld.msk [tilespmem:s14+$0x0 ss:$0x1], $0xffff;
	_ =	sdelay $0x4  }
0x2e: {  	s15 =	sadd.s32 $0x10, s14;
	vm1 =	vgt.s32 v0, $0x0  }
0x2f: {  	v2 =	vld.msk [tilespmem:s15+$0x0 ss:$0x1], $0xffff;
	v1 =	vnsel vm1, $0x0, v0  }
0x30: {  	v1 =	vmin.u32 v1, $0x4E1FF;
	_ =	sdelay $0x2  }
0x31: {  	s17 =	simm.s32 $0x20;
	s14 =	sadd.s32 $0x3E80, s14;
	s16 =	sadd.s32 $0x10, s15  }
0x32: {  	s15 =	sadd.s32 $0x10, s14;
	s18 =	smov.u32 s14;
	v0 =	vld.msk [tilespmem:s16+$0x0 ss:$0x1], $0xffff;
	vm1 =	vgt.s32 v2, $0x0;
	(ifvalue) =	ssetifvalue $0x7FFFFFFF  }
.LBB2_3:
0x33: {  	[tilespmem:s18], [sflag:$0x1] =	stream.indirect_vreg.gather [hbm4b:s2+s10], $0x1, v1, vm0, $0x4038;
	[tilespmem:$0x7D00] =	vst v63  }
0x34: {  	s17 =	sadd.s32 $0x10, s17  }
0x35: {  	v2 =	vnsel vm1, $0x0, v2;
	p0 =	slt.u32 s17, $0x1F30  }
.Ltmp3:
0x36: {  	s18 =	smov.u32 s15;
	v1 =	vmin.u32 v2, $0x4E1FF;
	(pc) =	sbr.rel @p0 .LBB2_3-.Ltmp3, $3  }
0x37: {  	_ =	sdelay $0x1  }
0x38: {  	s16 =	sadd.s32 $0x10, s16  }
0x39: {  	vm1 =	vgt.s32 v0, $0x0;
	s15 =	sadd.s32 $0x10, s15;
	v2 =	vmov v0;
	(ifvalue) =	ssetifvalue $0x7FFFFFFF;
	v0 =	vld.msk [tilespmem:s16+$0x0 ss:$0x1], $0xffff  }
.Ltmp4:
0x3a: {  	_ = 	snop;
	(pc) =	sbr.rel .LBB2_4-.Ltmp4, $1  }
0x3b: {  	_ =	sdelay $0x3  }
.LBB2_6:
0x3c: {  	_ =	sfence.sel $0x180000  }
0x3d: {  	s2 =	simm.s32 $0x2;
	[bflag:$0x0] =	sbarrier.arrive $0xFFFF  }
0x3e: {  	s30 =	simm.s32 $0x3;
	[sflag:s2] =	ssyncpa.u1 $0x1  }
0x3f: {  	s31 =	simm.s32 $0x1;
	[sflag:s30] =	ssyncpa.u1 $0x1  }
0x40: {  	[sflag:s31] =	ssyncpa.u1 $0x1  }
0x41: {  	p0 =	sne.s32 s1, $0x0;
	_ =	strace $0x9000004A  }
0x42: {  	s0 =	sadd.s32 @!p0 $0x100000, s0;
	[bflag:$0x2] =	sbarrier.arrive $0xFFFF  }
0x43: {  	[sflag:s0] =	ssyncadd.tile.s32 @!p0 $0x1;
	_ =	shalt  }
.Lfunc_end2:
_tile_overlayer_lowered:
.L_overlay_start_2:
0x44: {  	(tag) =	ssettag $0x2  }
0x45: {  	s0 =	rddreg [dreg:$0x0];
	s2 =	stileid.u32  }
0x46: {  	s1 =	rddreg [dreg:$0x1];
	p0 =	sne.s32 s2, $0x0  }
0x47: {  	s3 =	rddreg [dreg:$0x2];
	[bflag:$0x3] =	sbarrier.arrive $0xFFFF;
	s2 =	simm.s32 @!p0 $0x1C01  }
0x48: {  	[timem:s3], [sflag:s2] =	dma.local @!p0 [hbm:s0], s1  }
0x49: {  	s0 =	simm.s32 @!p0 $0x1  }
0x4a: {  	_ =	swait.ge @!p0 [sflag:s0], s1  }
0x4b: {  	s1 =	ssub.s32 @!p0 $0x0, s1;
	[sflag:s0] =	ssyncset.done @!p0 $0x0  }
0x4c: {  	[sflag:s0] =	ssyncadd.s32 @!p0 s1  }
0x4d: {  	[bflag:$0x3] =	sbarrier.arrive $0xFFFF  }
0x4e: {  	_ =	shalt  }

</sc_bundles>
